<compile_context>
chip_gen: v7x
topology: tpu7x:2x2x1
jax: 0.10.2.dev20260603
libtpu: 0.0.44.dev20260713+nightly
codegen_flags: <defaults>
</compile_context>

<pallas_src>
import jax
import jax.numpy as jnp
from jax import lax
from jax.experimental import pallas as pl
from jax.experimental.pallas import tpu as pltpu
from jax.experimental.pallas import tpu_sc as plsc

N_ROWS = 1_000_000
NC, NS, L = 2, 16, 16
NW = NC * NS
B_ROWS = 768
N_FULL = N_ROWS // B_ROWS
TAIL_BASE = N_FULL * B_ROWS
TRIPS = (N_FULL + NW - 1) // NW
DEPTH = 2
TRIPSD = (TRIPS + DEPTH - 1) // DEPTH


def _fill_tiles(ecv, tabv, out3):

    def row_body(w, inner):
        r0 = w * L
        ivs = []
        for f in range(4):
            scl = jnp.float32(64.0 if f == 3 else 32.0)
            e = ecv[pl.ds(f * B_ROWS + r0, L)]
            y = e * scl
            t = y.astype(jnp.int32)
            idx = jnp.where(y > t.astype(jnp.float32), t, t - 1)
            ivs.append(jnp.maximum(idx, 0))
        for feat in range(64):
            f = feat // 16
            lcol = feat % 16
            tbase = lcol * 96 + (32 if f == 3 else 0)
            tlen = 64 if f == 3 else 32
            val = plsc.load_gather(tabv.at[pl.ds(tbase, tlen)], [ivs[f]])
            out3[feat, pl.ds(r0, L)] = val
        return inner

    lax.fori_loop(0, B_ROWS // L, row_body, 0, unroll=2)


def _in_copies(cols, i, ecv, sem):
    base = pl.multiple_of(i * B_ROWS, B_ROWS)
    return [
        pltpu.make_async_copy(
            cols[f].at[pl.ds(base, B_ROWS)],
            ecv.at[pl.ds(f * B_ROWS, B_ROWS)],
            sem,
        )
        for f in range(4)
    ]


def _out_copies(out_hbm, i, out3, sem):
    base = pl.multiple_of(i * B_ROWS, B_ROWS)
    return [
        pltpu.make_async_copy(
            out3,
            out_hbm.at[:, pl.ds(base, B_ROWS)],
            sem,
        )
    ]


def _body(
    e0, e1, e2, e3, tab_hbm, out_hbm,
    ecvA, ecvB, tabv, out3A, out3B,
    insemA, insemB, outsemA, outsemB,
):
    c = lax.axis_index("c")
    s = lax.axis_index("s")
    wid = s * NC + c
    cols = (e1, e2, e3, e0)

    pltpu.sync_copy(tab_hbm, tabv)

    bufs = (
        (ecvA, out3A, insemA, outsemA),
        (ecvB, out3B, insemB, outsemB),
    )

    for cp in _in_copies(cols, wid, ecvA, insemA):
        cp.start()

    def do_chunk(i, m, p):
        ecv, out3, insem, outsem = bufs[p]
        nxt_i = i + NW

        @pl.when(nxt_i < N_FULL)
        def _prefetch():
            ecv2, _, insem2, _ = bufs[(p + 1) % DEPTH]
            for cp in _in_copies(cols, nxt_i, ecv2, insem2):
                cp.start()

        for cp in _in_copies(cols, i, ecv, insem):
            cp.wait()

        @pl.when(m >= 1)
        def _drain_prev():
            for cp in _out_copies(out_hbm, i - DEPTH * NW, out3, outsem):
                cp.wait()

        _fill_tiles(ecv, tabv, out3)
        for cp in _out_copies(out_hbm, i, out3, outsem):
            cp.start()

    def iter_body(m, carry):
        for p in range(DEPTH):
            i_p = wid + (DEPTH * m + p) * NW

            @pl.when(i_p < N_FULL)
            def _c(i_p=i_p, p=p):
                do_chunk(i_p, m, p)

        return carry

    lax.fori_loop(0, TRIPSD, iter_body, 0)

    kmax = (N_FULL - 1 - wid) // NW
    for p in range(DEPTH):
        k_p = kmax - ((kmax - p) % DEPTH)
        i_p = wid + k_p * NW
        _, out3, _, outsem = bufs[p]
        for cp in _out_copies(out_hbm, i_p, out3, outsem):
            cp.wait()


@jax.jit
def _sc_call(e0, e1, e2, e3, tab_t_flat):
    mesh = plsc.VectorSubcoreMesh(
        core_axis_name="c", subcore_axis_name="s", num_cores=NC, num_subcores=NS
    )
    return pl.kernel(
        _body,
        out_type=jax.ShapeDtypeStruct((64, N_ROWS), jnp.float32),
        mesh=mesh,
        compiler_params=pltpu.CompilerParams(
            needs_layout_passes=False, use_tc_tiling_on_sc=True
        ),
        scratch_types=[
            pltpu.VMEM((4 * B_ROWS,), jnp.float32),
            pltpu.VMEM((4 * B_ROWS,), jnp.float32),
            pltpu.VMEM((16 * 96,), jnp.float32),
            pltpu.VMEM((64, B_ROWS), jnp.float32),
            pltpu.VMEM((64, B_ROWS), jnp.float32),
            pltpu.SemaphoreType.DMA,
            pltpu.SemaphoreType.DMA,
            pltpu.SemaphoreType.DMA,
            pltpu.SemaphoreType.DMA,
        ],
    )(e0, e1, e2, e3, tab_t_flat)


def _bucket(x, nb):
    y = x * jnp.float32(nb)
    t = y.astype(jnp.int32)
    idx = jnp.where(y > t.astype(jnp.float32), t, t - 1)
    return jnp.clip(idx, 0, nb - 1)


def kernel(embeddings, W_dist, b_dist, W_angle, b_angle):
    table = jnp.concatenate(
        [W_angle + b_angle[None, :], W_dist + b_dist[None, :]], axis=0
    )
    out_t = _sc_call(
        embeddings[:, 0],
        embeddings[:, 1],
        embeddings[:, 2],
        embeddings[:, 3],
        table.T.reshape(-1),
    )
    out = out_t.T
    te = embeddings[TAIL_BASE:]
    tvals = jnp.concatenate(
        [
            table[_bucket(te[:, 1], 32)],
            table[_bucket(te[:, 2], 32)],
            table[_bucket(te[:, 3], 32)],
            table[32 + _bucket(te[:, 0], 64)],
        ],
        axis=1,
    )
    return lax.dynamic_update_slice(out, tvals, (TAIL_BASE, 0))

# --- scband reference (transcript-rebuilt; emitter-appended) ---
"""Pipeline reference for scband-one-hot-and-scale-86930138071313 (READ-ONLY COPY).

The authoritative reference and input builder live on the scoring server;
editing this copy changes nothing except your own understanding.
"""

import jax, jax.numpy as jnp
import numpy as np

N = 1000000
NUM_DIST_CLASSES = 64  # 63 boundaries + 1
NUM_ANGLE_CLASSES = 32  # 31 boundaries + 1


def setup_inputs(seed: int = 0) -> dict:
    key = jax.random.key(seed)
    k1, k2, k3 = jax.random.split(key, 3)
    embeddings = jax.random.uniform(k1, (N, 4), dtype=jnp.float32)
    W_dist = jax.random.normal(k2, (NUM_DIST_CLASSES, 16), dtype=jnp.float32) * 0.02
    b_dist = jnp.zeros((16,), dtype=jnp.float32)
    W_angle = jax.random.normal(k3, (NUM_ANGLE_CLASSES, 16), dtype=jnp.float32) * 0.02
    b_angle = jnp.zeros((16,), dtype=jnp.float32)
    return {"embeddings": embeddings, "W_dist": W_dist, "b_dist": b_dist,
            "W_angle": W_angle, "b_angle": b_angle}


def reference(embeddings, W_dist, b_dist, W_angle, b_angle):
    # config boundaries (constants)
    distance_bounds = jnp.arange(1, 64, dtype=jnp.float32) / 64.0  # 63 boundaries
    angle_bounds = jnp.arange(1, 32, dtype=jnp.float32) / 32.0     # 31 boundaries
    # transform_one_hot featurizer
    # torch.bucketize(x, bounds, right=False) == jnp.searchsorted(bounds, x, side='left')
    d_idx = jnp.searchsorted(distance_bounds, embeddings[:, 0], side='left')
    distance_one_hot = jax.nn.one_hot(d_idx, NUM_DIST_CLASSES, dtype=jnp.float32)  # [N, 64]
    a_idx = jnp.searchsorted(angle_bounds, embeddings[:, 1:], side='left')
    angle_one_hot = jax.nn.one_hot(a_idx, NUM_ANGLE_CLASSES, dtype=jnp.float32)  # [N, 3, 32]
    # dist_embed_model / angle_embed_model: Linear layers
    out_dist = distance_one_hot @ W_dist + b_dist          # [N, 16]
    out_angle = angle_one_hot @ W_angle + b_angle          # [N, 3, 16]
    out_angle = out_angle.reshape(embeddings.shape[0], -1)  # [N, 48]
    return jnp.concatenate([out_angle, out_dist], axis=1)   # [N, 64]

if __name__ == "__main__":
    import jax
    _d = setup_inputs()
    print(jax.jit(kernel)(*tuple(_d.values())))

</pallas_src>

<mosaic_0001>
#map = affine_map<(d0, d1) -> (0)>
#map1 = affine_map<(d0, d1) -> (0, 0)>
module attributes {stable_mosaic.version = 14 : i64} {
  func.func @_body(%arg0: i32, %arg1: i32, %arg2: memref<1000000xf32, #tpu.memory_space<hbm>>, %arg3: memref<1000000xf32, #tpu.memory_space<hbm>>, %arg4: memref<1000000xf32, #tpu.memory_space<hbm>>, %arg5: memref<1000000xf32, #tpu.memory_space<hbm>>, %arg6: memref<1536xf32, #tpu.memory_space<hbm>>, %arg7: memref<64x1000000xf32, #tpu.memory_space<hbm>>, %arg8: memref<3072xf32, #tpu.memory_space<vmem>>, %arg9: memref<3072xf32, #tpu.memory_space<vmem>>, %arg10: memref<1536xf32, #tpu.memory_space<vmem>>, %arg11: memref<64x768xf32, #tpu.memory_space<vmem>>, %arg12: memref<64x768xf32, #tpu.memory_space<vmem>>, %arg13: memref<!tpu.dma_semaphore, #tpu.memory_space<semaphore_mem>>, %arg14: memref<!tpu.dma_semaphore, #tpu.memory_space<semaphore_mem>>, %arg15: memref<!tpu.dma_semaphore, #tpu.memory_space<semaphore_mem>>, %arg16: memref<!tpu.dma_semaphore, #tpu.memory_space<semaphore_mem>>) attributes {dimension_semantics = [#tpu.dimension_semantics<core_parallel>, #tpu.dimension_semantics<subcore_parallel>], iteration_bounds = array<i64: 2, 16>, scalar_prefetch = 0 : i64, scratch_operands = 9 : i64, tpu.core_type = #tpu.core_type<sc_vector_subcore>, window_params = [{transform_indices = #map}, {transform_indices = #map}, {transform_indices = #map}, {transform_indices = #map}, {transform_indices = #map}, {transform_indices = #map1}]} {
    %mul3A = arith.constant 2 : i32
    %mul3A_0 = arith.muli %arg1, %mul3A : i32
    %add3A = arith.addi %mul3A_0, %arg0 : i32
    "tpu.region"() ({
      %run_scoped3A = tpu.sem_alloc : memref<!tpu.dma_semaphore, #tpu.memory_space<semaphore_mem>>
      tpu.enqueue_dma source(%arg6 : memref<1536xf32, #tpu.memory_space<hbm>>) target(%arg10 : memref<1536xf32, #tpu.memory_space<vmem>>) target_semaphore(%run_scoped3A : memref<!tpu.dma_semaphore, #tpu.memory_space<semaphore_mem>>)
      tpu.wait_dma2 semaphore(%run_scoped3A : memref<!tpu.dma_semaphore, #tpu.memory_space<semaphore_mem>>) src(%arg6 : memref<1536xf32, #tpu.memory_space<hbm>>) dst(%arg10 : memref<1536xf32, #tpu.memory_space<vmem>>)
      tpu.yield
    }) : () -> ()
    %mul3A_1 = arith.constant 768 : i32
    %mul3A_2 = arith.muli %add3A, %mul3A_1 : i32
    %multiple_of3A = tpu.assume_multiple %mul3A_2, 768 : i32
    %dma_start3A = arith.constant 0 : i32
    %dma_start3A_3 = tpu.memref_slice %arg8[%dma_start3A] : memref<3072xf32, #tpu.memory_space<vmem>> -> memref<768xf32, #tpu.memory_space<vmem>>
    %dma_start3A_4 = tpu.memref_slice %arg3[%multiple_of3A] : memref<1000000xf32, #tpu.memory_space<hbm>> -> memref<768xf32, #tpu.memory_space<hbm>>
    %dma_start3A_5 = arith.constant 0 : i32
    %dma_start3A_6 = tpu.memref_slice %arg8[%dma_start3A_5] : memref<3072xf32, #tpu.memory_space<vmem>> -> memref<768xf32, #tpu.memory_space<vmem>>
    %dma_start3A_7 = tpu.memref_slice %arg3[%multiple_of3A] : memref<1000000xf32, #tpu.memory_space<hbm>> -> memref<768xf32, #tpu.memory_space<hbm>>
    tpu.enqueue_dma source(%dma_start3A_7 : memref<768xf32, #tpu.memory_space<hbm>>) target(%dma_start3A_6 : memref<768xf32, #tpu.memory_space<vmem>>) target_semaphore(%arg13 : memref<!tpu.dma_semaphore, #tpu.memory_space<semaphore_mem>>)
    %dma_start3A_8 = arith.constant 768 : i32
    %dma_start3A_9 = tpu.memref_slice %arg8[%dma_start3A_8] : memref<3072xf32, #tpu.memory_space<vmem>> -> memref<768xf32, #tpu.memory_space<vmem>>
    %dma_start3A_10 = tpu.memref_slice %arg4[%multiple_of3A] : memref<1000000xf32, #tpu.memory_space<hbm>> -> memref<768xf32, #tpu.memory_space<hbm>>
    %dma_start3A_11 = arith.constant 768 : i32
    %dma_start3A_12 = tpu.memref_slice %arg8[%dma_start3A_11] : memref<3072xf32, #tpu.memory_space<vmem>> -> memref<768xf32, #tpu.memory_space<vmem>>
    %dma_start3A_13 = tpu.memref_slice %arg4[%multiple_of3A] : memref<1000000xf32, #tpu.memory_space<hbm>> -> memref<768xf32, #tpu.memory_space<hbm>>
    tpu.enqueue_dma source(%dma_start3A_13 : memref<768xf32, #tpu.memory_space<hbm>>) target(%dma_start3A_12 : memref<768xf32, #tpu.memory_space<vmem>>) target_semaphore(%arg13 : memref<!tpu.dma_semaphore, #tpu.memory_space<semaphore_mem>>)
    %dma_start3A_14 = arith.constant 1536 : i32
    %dma_start3A_15 = tpu.memref_slice %arg8[%dma_start3A_14] : memref<3072xf32, #tpu.memory_space<vmem>> -> memref<768xf32, #tpu.memory_space<vmem>>
    %dma_start3A_16 = tpu.memref_slice %arg5[%multiple_of3A] : memref<1000000xf32, #tpu.memory_space<hbm>> -> memref<768xf32, #tpu.memory_space<hbm>>
    %dma_start3A_17 = arith.constant 1536 : i32
    %dma_start3A_18 = tpu.memref_slice %arg8[%dma_start3A_17] : memref<3072xf32, #tpu.memory_space<vmem>> -> memref<768xf32, #tpu.memory_space<vmem>>
    %dma_start3A_19 = tpu.memref_slice %arg5[%multiple_of3A] : memref<1000000xf32, #tpu.memory_space<hbm>> -> memref<768xf32, #tpu.memory_space<hbm>>
    tpu.enqueue_dma source(%dma_start3A_19 : memref<768xf32, #tpu.memory_space<hbm>>) target(%dma_start3A_18 : memref<768xf32, #tpu.memory_space<vmem>>) target_semaphore(%arg13 : memref<!tpu.dma_semaphore, #tpu.memory_space<semaphore_mem>>)
    %dma_start3A_20 = arith.constant 2304 : i32
    %dma_start3A_21 = tpu.memref_slice %arg8[%dma_start3A_20] : memref<3072xf32, #tpu.memory_space<vmem>> -> memref<768xf32, #tpu.memory_space<vmem>>
    %dma_start3A_22 = tpu.memref_slice %arg2[%multiple_of3A] : memref<1000000xf32, #tpu.memory_space<hbm>> -> memref<768xf32, #tpu.memory_space<hbm>>
    %dma_start3A_23 = arith.constant 2304 : i32
    %dma_start3A_24 = tpu.memref_slice %arg8[%dma_start3A_23] : memref<3072xf32, #tpu.memory_space<vmem>> -> memref<768xf32, #tpu.memory_space<vmem>>
    %dma_start3A_25 = tpu.memref_slice %arg2[%multiple_of3A] : memref<1000000xf32, #tpu.memory_space<hbm>> -> memref<768xf32, #tpu.memory_space<hbm>>
    tpu.enqueue_dma source(%dma_start3A_25 : memref<768xf32, #tpu.memory_space<hbm>>) target(%dma_start3A_24 : memref<768xf32, #tpu.memory_space<vmem>>) target_semaphore(%arg13 : memref<!tpu.dma_semaphore, #tpu.memory_space<semaphore_mem>>)
    %scan3A = arith.constant 0 : i32
    %scan3A_26 = arith.constant 0 : i32
    %scan3A_27 = arith.constant 21 : i32
    %scan3A_28 = arith.addi %scan3A_26, %scan3A_27 : i32
    %scan3A_29 = arith.constant 1 : i32
    scf.for %scan3A_104 = %scan3A_26 to %scan3A_28 step %scan3A_29  : i32 {
      %mul3A_105 = arith.constant 2 : i32
      %mul3A_106 = arith.muli %mul3A_105, %scan3A_104 : i32
      %add3A_107 = arith.constant 0 : i32
      %add3A_108 = arith.addi %mul3A_106, %add3A_107 : i32
      %mul3A_109 = arith.constant 32 : i32
      %mul3A_110 = arith.muli %add3A_108, %mul3A_109 : i32
      %add3A_111 = arith.addi %add3A, %mul3A_110 : i32
      %lt3A_112 = arith.constant 1302 : i32
      %lt3A_113 = arith.cmpi slt, %add3A_111, %lt3A_112 : i32
      %convert_element_type3A = arith.extui %lt3A_113 : i1 to i32
      %cond3A = arith.constant 0 : i32
      %cond3A_114 = arith.cmpi ne, %convert_element_type3A, %cond3A : i32
      scf.if %cond3A_114 {
        %add3A_127 = arith.constant 32 : i32
        %add3A_128 = arith.addi %add3A_111, %add3A_127 : i32
        %lt3A_129 = arith.constant 1302 : i32
        %lt3A_130 = arith.cmpi slt, %add3A_128, %lt3A_129 : i32
        %convert_element_type3A_131 = arith.extui %lt3A_130 : i1 to i32
        %cond3A_132 = arith.constant 0 : i32
        %cond3A_133 = arith.cmpi ne, %convert_element_type3A_131, %cond3A_132 : i32
        scf.if %cond3A_133 {
          %mul3A_178 = arith.constant 768 : i32
          %mul3A_179 = arith.muli %add3A_128, %mul3A_178 : i32
          %multiple_of3A_180 = tpu.assume_multiple %mul3A_179, 768 : i32
          %dma_start3A_181 = arith.constant 0 : i32
          %dma_start3A_182 = tpu.memref_slice %arg9[%dma_start3A_181] : memref<3072xf32, #tpu.memory_space<vmem>> -> memref<768xf32, #tpu.memory_space<vmem>>
          %dma_start3A_183 = tpu.memref_slice %arg3[%multiple_of3A_180] : memref<1000000xf32, #tpu.memory_space<hbm>> -> memref<768xf32, #tpu.memory_space<hbm>>
          %dma_start3A_184 = arith.constant 0 : i32
          %dma_start3A_185 = tpu.memref_slice %arg9[%dma_start3A_184] : memref<3072xf32, #tpu.memory_space<vmem>> -> memref<768xf32, #tpu.memory_space<vmem>>
          %dma_start3A_186 = tpu.memref_slice %arg3[%multiple_of3A_180] : memref<1000000xf32, #tpu.memory_space<hbm>> -> memref<768xf32, #tpu.memory_space<hbm>>
          tpu.enqueue_dma source(%dma_start3A_186 : memref<768xf32, #tpu.memory_space<hbm>>) target(%dma_start3A_185 : memref<768xf32, #tpu.memory_space<vmem>>) target_semaphore(%arg14 : memref<!tpu.dma_semaphore, #tpu.memory_space<semaphore_mem>>)
          %dma_start3A_187 = arith.constant 768 : i32
          %dma_start3A_188 = tpu.memref_slice %arg9[%dma_start3A_187] : memref<3072xf32, #tpu.memory_space<vmem>> -> memref<768xf32, #tpu.memory_space<vmem>>
          %dma_start3A_189 = tpu.memref_slice %arg4[%multiple_of3A_180] : memref<1000000xf32, #tpu.memory_space<hbm>> -> memref<768xf32, #tpu.memory_space<hbm>>
          %dma_start3A_190 = arith.constant 768 : i32
          %dma_start3A_191 = tpu.memref_slice %arg9[%dma_start3A_190] : memref<3072xf32, #tpu.memory_space<vmem>> -> memref<768xf32, #tpu.memory_space<vmem>>
          %dma_start3A_192 = tpu.memref_slice %arg4[%multiple_of3A_180] : memref<1000000xf32, #tpu.memory_space<hbm>> -> memref<768xf32, #tpu.memory_space<hbm>>
          tpu.enqueue_dma source(%dma_start3A_192 : memref<768xf32, #tpu.memory_space<hbm>>) target(%dma_start3A_191 : memref<768xf32, #tpu.memory_space<vmem>>) target_semaphore(%arg14 : memref<!tpu.dma_semaphore, #tpu.memory_space<semaphore_mem>>)
          %dma_start3A_193 = arith.constant 1536 : i32
          %dma_start3A_194 = tpu.memref_slice %arg9[%dma_start3A_193] : memref<3072xf32, #tpu.memory_space<vmem>> -> memref<768xf32, #tpu.memory_space<vmem>>
          %dma_start3A_195 = tpu.memref_slice %arg5[%multiple_of3A_180] : memref<1000000xf32, #tpu.memory_space<hbm>> -> memref<768xf32, #tpu.memory_space<hbm>>
          %dma_start3A_196 = arith.constant 1536 : i32
          %dma_start3A_197 = tpu.memref_slice %arg9[%dma_start3A_196] : memref<3072xf32, #tpu.memory_space<vmem>> -> memref<768xf32, #tpu.memory_space<vmem>>
          %dma_start3A_198 = tpu.memref_slice %arg5[%multiple_of3A_180] : memref<1000000xf32, #tpu.memory_space<hbm>> -> memref<768xf32, #tpu.memory_space<hbm>>
          tpu.enqueue_dma source(%dma_start3A_198 : memref<768xf32, #tpu.memory_space<hbm>>) target(%dma_start3A_197 : memref<768xf32, #tpu.memory_space<vmem>>) target_semaphore(%arg14 : memref<!tpu.dma_semaphore, #tpu.memory_space<semaphore_mem>>)
          %dma_start3A_199 = arith.constant 2304 : i32
          %dma_start3A_200 = tpu.memref_slice %arg9[%dma_start3A_199] : memref<3072xf32, #tpu.memory_space<vmem>> -> memref<768xf32, #tpu.memory_space<vmem>>
          %dma_start3A_201 = tpu.memref_slice %arg2[%multiple_of3A_180] : memref<1000000xf32, #tpu.memory_space<hbm>> -> memref<768xf32, #tpu.memory_space<hbm>>
          %dma_start3A_202 = arith.constant 2304 : i32
          %dma_start3A_203 = tpu.memref_slice %arg9[%dma_start3A_202] : memref<3072xf32, #tpu.memory_space<vmem>> -> memref<768xf32, #tpu.memory_space<vmem>>
          %dma_start3A_204 = tpu.memref_slice %arg2[%multiple_of3A_180] : memref<1000000xf32, #tpu.memory_space<hbm>> -> memref<768xf32, #tpu.memory_space<hbm>>
          tpu.enqueue_dma source(%dma_start3A_204 : memref<768xf32, #tpu.memory_space<hbm>>) target(%dma_start3A_203 : memref<768xf32, #tpu.memory_space<vmem>>) target_semaphore(%arg14 : memref<!tpu.dma_semaphore, #tpu.memory_space<semaphore_mem>>)
        } else {
        }
        %mul3A_134 = arith.constant 768 : i32
        %mul3A_135 = arith.muli %add3A_111, %mul3A_134 : i32
        %multiple_of3A_136 = tpu.assume_multiple %mul3A_135, 768 : i32
        %dma_wait3A_137 = arith.constant 0 : i32
        %dma_wait3A_138 = tpu.memref_slice %arg8[%dma_wait3A_137] : memref<3072xf32, #tpu.memory_space<vmem>> -> memref<768xf32, #tpu.memory_space<vmem>>
        %dma_wait3A_139 = tpu.memref_slice %arg3[%multiple_of3A_136] : memref<1000000xf32, #tpu.memory_space<hbm>> -> memref<768xf32, #tpu.memory_space<hbm>>
        %dma_wait3A_140 = arith.constant 0 : i32
        %dma_wait3A_141 = tpu.memref_slice %arg8[%dma_wait3A_140] : memref<3072xf32, #tpu.memory_space<vmem>> -> memref<768xf32, #tpu.memory_space<vmem>>
        %dma_wait3A_142 = tpu.memref_slice %arg3[%multiple_of3A_136] : memref<1000000xf32, #tpu.memory_space<hbm>> -> memref<768xf32, #tpu.memory_space<hbm>>
        tpu.wait_dma2 semaphore(%arg13 : memref<!tpu.dma_semaphore, #tpu.memory_space<semaphore_mem>>) src(%dma_wait3A_142 : memref<768xf32, #tpu.memory_space<hbm>>) dst(%dma_wait3A_141 : memref<768xf32, #tpu.memory_space<vmem>>)
        %dma_wait3A_143 = arith.constant 768 : i32
        %dma_wait3A_144 = tpu.memref_slice %arg8[%dma_wait3A_143] : memref<3072xf32, #tpu.memory_space<vmem>> -> memref<768xf32, #tpu.memory_space<vmem>>
        %dma_wait3A_145 = tpu.memref_slice %arg4[%multiple_of3A_136] : memref<1000000xf32, #tpu.memory_space<hbm>> -> memref<768xf32, #tpu.memory_space<hbm>>
        %dma_wait3A_146 = arith.constant 768 : i32
        %dma_wait3A_147 = tpu.memref_slice %arg8[%dma_wait3A_146] : memref<3072xf32, #tpu.memory_space<vmem>> -> memref<768xf32, #tpu.memory_space<vmem>>
        %dma_wait3A_148 = tpu.memref_slice %arg4[%multiple_of3A_136] : memref<1000000xf32, #tpu.memory_space<hbm>> -> memref<768xf32, #tpu.memory_space<hbm>>
        tpu.wait_dma2 semaphore(%arg13 : memref<!tpu.dma_semaphore, #tpu.memory_space<semaphore_mem>>) src(%dma_wait3A_148 : memref<768xf32, #tpu.memory_space<hbm>>) dst(%dma_wait3A_147 : memref<768xf32, #tpu.memory_space<vmem>>)
        %dma_wait3A_149 = arith.constant 1536 : i32
        %dma_wait3A_150 = tpu.memref_slice %arg8[%dma_wait3A_149] : memref<3072xf32, #tpu.memory_space<vmem>> -> memref<768xf32, #tpu.memory_space<vmem>>
        %dma_wait3A_151 = tpu.memref_slice %arg5[%multiple_of3A_136] : memref<1000000xf32, #tpu.memory_space<hbm>> -> memref<768xf32, #tpu.memory_space<hbm>>
        %dma_wait3A_152 = arith.constant 1536 : i32
        %dma_wait3A_153 = tpu.memref_slice %arg8[%dma_wait3A_152] : memref<3072xf32, #tpu.memory_space<vmem>> -> memref<768xf32, #tpu.memory_space<vmem>>
        %dma_wait3A_154 = tpu.memref_slice %arg5[%multiple_of3A_136] : memref<1000000xf32, #tpu.memory_space<hbm>> -> memref<768xf32, #tpu.memory_space<hbm>>
        tpu.wait_dma2 semaphore(%arg13 : memref<!tpu.dma_semaphore, #tpu.memory_space<semaphore_mem>>) src(%dma_wait3A_154 : memref<768xf32, #tpu.memory_space<hbm>>) dst(%dma_wait3A_153 : memref<768xf32, #tpu.memory_space<vmem>>)
        %dma_wait3A_155 = arith.constant 2304 : i32
        %dma_wait3A_156 = tpu.memref_slice %arg8[%dma_wait3A_155] : memref<3072xf32, #tpu.memory_space<vmem>> -> memref<768xf32, #tpu.memory_space<vmem>>
        %dma_wait3A_157 = tpu.memref_slice %arg2[%multiple_of3A_136] : memref<1000000xf32, #tpu.memory_space<hbm>> -> memref<768xf32, #tpu.memory_space<hbm>>
        %dma_wait3A_158 = arith.constant 2304 : i32
        %dma_wait3A_159 = tpu.memref_slice %arg8[%dma_wait3A_158] : memref<3072xf32, #tpu.memory_space<vmem>> -> memref<768xf32, #tpu.memory_space<vmem>>
        %dma_wait3A_160 = tpu.memref_slice %arg2[%multiple_of3A_136] : memref<1000000xf32, #tpu.memory_space<hbm>> -> memref<768xf32, #tpu.memory_space<hbm>>
        tpu.wait_dma2 semaphore(%arg13 : memref<!tpu.dma_semaphore, #tpu.memory_space<semaphore_mem>>) src(%dma_wait3A_160 : memref<768xf32, #tpu.memory_space<hbm>>) dst(%dma_wait3A_159 : memref<768xf32, #tpu.memory_space<vmem>>)
        %ge3A = arith.constant 1 : i32
        %ge3A_161 = arith.cmpi sge, %scan3A_104, %ge3A : i32
        %convert_element_type3A_162 = arith.extui %ge3A_161 : i1 to i32
        %cond3A_163 = arith.constant 0 : i32
        %cond3A_164 = arith.cmpi ne, %convert_element_type3A_162, %cond3A_163 : i32
        scf.if %cond3A_164 {
          %sub3A_178 = arith.constant 64 : i32
          %sub3A_179 = arith.subi %add3A_111, %sub3A_178 : i32
          %mul3A_180 = arith.constant 768 : i32
          %mul3A_181 = arith.muli %sub3A_179, %mul3A_180 : i32
          %multiple_of3A_182 = tpu.assume_multiple %mul3A_181, 768 : i32
          %dma_wait3A_183 = arith.constant 0 : i32
          %dma_wait3A_184 = tpu.memref_slice %arg7[%dma_wait3A_183, %multiple_of3A_182] : memref<64x1000000xf32, #tpu.memory_space<hbm>> -> memref<64x768xf32, #tpu.memory_space<hbm>>
          %dma_wait3A_185 = arith.constant 0 : i32
          %dma_wait3A_186 = tpu.memref_slice %arg7[%dma_wait3A_185, %multiple_of3A_182] : memref<64x1000000xf32, #tpu.memory_space<hbm>> -> memref<64x768xf32, #tpu.memory_space<hbm>>
          tpu.wait_dma2 semaphore(%arg15 : memref<!tpu.dma_semaphore, #tpu.memory_space<semaphore_mem>>) src(%arg11 : memref<64x768xf32, #tpu.memory_space<vmem>>) dst(%dma_wait3A_186 : memref<64x768xf32, #tpu.memory_space<hbm>>)
        } else {
        }
        %scan3A_165 = arith.constant 0 : i32
        %scan3A_166 = arith.constant 0 : i32
        %scan3A_167 = arith.constant 48 : i32
        %scan3A_168 = arith.addi %scan3A_166, %scan3A_167 : i32
        %scan3A_169 = arith.constant 2 : i32
        scf.for %scan3A_178 = %scan3A_166 to %scan3A_168 step %scan3A_169  : i32 {
          %mul3A_179 = arith.constant 16 : i32
          %mul3A_180 = arith.muli %scan3A_178, %mul3A_179 : i32
          %add3A_181 = arith.constant 0 : i32
          %add3A_182 = arith.addi %add3A_181, %mul3A_180 : i32
          %get3A = arith.index_cast %add3A_182 : i32 to index
          %get3A_183 = tpu.vector_load %arg8[%get3A] {strides = array<i32>} : memref<3072xf32, #tpu.memory_space<vmem>>, vector<16xf32>,
          %mul3A_184 = arith.constant 3.200000e+01 : f32
          %mul3A_185 = vector.broadcast %mul3A_184 : f32 to vector<16xf32>
          %mul3A_186 = arith.mulf %get3A_183, %mul3A_185 : vector<16xf32>
          %convert_element_type3A_187 = arith.fptosi %mul3A_186 : vector<16xf32> to vector<16xi32>
          %convert_element_type3A_188 = arith.sitofp %convert_element_type3A_187 : vector<16xi32> to vector<16xf32>
          %gt3A = arith.cmpf ogt, %mul3A_186, %convert_element_type3A_188 : vector<16xf32>
          %sub3A_189 = arith.constant 1 : i32
          %sub3A_190 = vector.broadcast %sub3A_189 : i32 to vector<16xi32>
          %sub3A_191 = arith.subi %convert_element_type3A_187, %sub3A_190 : vector<16xi32>
          %select_n3A_192 = arith.select %gt3A, %convert_element_type3A_187, %sub3A_191 : vector<16xi1>, vector<16xi32>
          %max3A = arith.constant 0 : i32
          %max3A_193 = vector.broadcast %max3A : i32 to vector<16xi32>
          %max3A_194 = arith.maxsi %select_n3A_192, %max3A_193 : vector<16xi32>
          %add3A_195 = arith.constant 768 : i32
          %add3A_196 = arith.addi %add3A_195, %mul3A_180 : i32
          %get3A_197 = arith.index_cast %add3A_196 : i32 to index
          %get3A_198 = tpu.vector_load %arg8[%get3A_197] {strides = array<i32>} : memref<3072xf32, #tpu.memory_space<vmem>>, vector<16xf32>,
          %mul3A_199 = arith.constant 3.200000e+01 : f32
          %mul3A_200 = vector.broadcast %mul3A_199 : f32 to vector<16xf32>
          %mul3A_201 = arith.mulf %get3A_198, %mul3A_200 : vector<16xf32>
          %convert_element_type3A_202 = arith.fptosi %mul3A_201 : vector<16xf32> to vector<16xi32>
          %convert_element_type3A_203 = arith.sitofp %convert_element_type3A_202 : vector<16xi32> to vector<16xf32>
          %gt3A_204 = arith.cmpf ogt, %mul3A_201, %convert_element_type3A_203 : vector<16xf32>
          %sub3A_205 = arith.constant 1 : i32
          %sub3A_206 = vector.broadcast %sub3A_205 : i32 to vector<16xi32>
          %sub3A_207 = arith.subi %convert_element_type3A_202, %sub3A_206 : vector<16xi32>
          %select_n3A_208 = arith.select %gt3A_204, %convert_element_type3A_202, %sub3A_207 : vector<16xi1>, vector<16xi32>
          %max3A_209 = arith.constant 0 : i32
          %max3A_210 = vector.broadcast %max3A_209 : i32 to vector<16xi32>
          %max3A_211 = arith.maxsi %select_n3A_208, %max3A_210 : vector<16xi32>
          %add3A_212 = arith.constant 1536 : i32
          %add3A_213 = arith.addi %add3A_212, %mul3A_180 : i32
          %get3A_214 = arith.index_cast %add3A_213 : i32 to index
          %get3A_215 = tpu.vector_load %arg8[%get3A_214] {strides = array<i32>} : memref<3072xf32, #tpu.memory_space<vmem>>, vector<16xf32>,
          %mul3A_216 = arith.constant 3.200000e+01 : f32
          %mul3A_217 = vector.broadcast %mul3A_216 : f32 to vector<16xf32>
          %mul3A_218 = arith.mulf %get3A_215, %mul3A_217 : vector<16xf32>
          %convert_element_type3A_219 = arith.fptosi %mul3A_218 : vector<16xf32> to vector<16xi32>
          %convert_element_type3A_220 = arith.sitofp %convert_element_type3A_219 : vector<16xi32> to vector<16xf32>
          %gt3A_221 = arith.cmpf ogt, %mul3A_218, %convert_element_type3A_220 : vector<16xf32>
          %sub3A_222 = arith.constant 1 : i32
          %sub3A_223 = vector.broadcast %sub3A_222 : i32 to vector<16xi32>
          %sub3A_224 = arith.subi %convert_element_type3A_219, %sub3A_223 : vector<16xi32>
          %select_n3A_225 = arith.select %gt3A_221, %convert_element_type3A_219, %sub3A_224 : vector<16xi1>, vector<16xi32>
          %max3A_226 = arith.constant 0 : i32
          %max3A_227 = vector.broadcast %max3A_226 : i32 to vector<16xi32>
          %max3A_228 = arith.maxsi %select_n3A_225, %max3A_227 : vector<16xi32>
          %add3A_229 = arith.constant 2304 : i32
          %add3A_230 = arith.addi %add3A_229, %mul3A_180 : i32
          %get3A_231 = arith.index_cast %add3A_230 : i32 to index
          %get3A_232 = tpu.vector_load %arg8[%get3A_231] {strides = array<i32>} : memref<3072xf32, #tpu.memory_space<vmem>>, vector<16xf32>,
          %mul3A_233 = arith.constant 6.400000e+01 : f32
          %mul3A_234 = vector.broadcast %mul3A_233 : f32 to vector<16xf32>
          %mul3A_235 = arith.mulf %get3A_232, %mul3A_234 : vector<16xf32>
          %convert_element_type3A_236 = arith.fptosi %mul3A_235 : vector<16xf32> to vector<16xi32>
          %convert_element_type3A_237 = arith.sitofp %convert_element_type3A_236 : vector<16xi32> to vector<16xf32>
          %gt3A_238 = arith.cmpf ogt, %mul3A_235, %convert_element_type3A_237 : vector<16xf32>
          %sub3A_239 = arith.constant 1 : i32
          %sub3A_240 = vector.broadcast %sub3A_239 : i32 to vector<16xi32>
          %sub3A_241 = arith.subi %convert_element_type3A_236, %sub3A_240 : vector<16xi32>
          %select_n3A_242 = arith.select %gt3A_238, %convert_element_type3A_236, %sub3A_241 : vector<16xi1>, vector<16xi32>
          %max3A_243 = arith.constant 0 : i32
          %max3A_244 = vector.broadcast %max3A_243 : i32 to vector<16xi32>
          %max3A_245 = arith.maxsi %select_n3A_242, %max3A_244 : vector<16xi32>
          %gather3A = arith.constant 0 : i32
          %gather3A_246 = tpu.memref_slice %arg10[%gather3A] : memref<1536xf32, #tpu.memory_space<vmem>> -> memref<32xf32, #tpu.memory_space<vmem>>
          %gather3A_247 = tpu.vector_load_idx %gather3A_246[%max3A_194] : memref<32xf32, #tpu.memory_space<vmem>>[vector<16xi32>], vector<16xf32>,
          %swap3A = arith.constant 0 : i32
          %swap3A_248 = arith.index_cast %swap3A : i32 to index
          %swap3A_249 = arith.index_cast %mul3A_180 : i32 to index
          %swap3A_250 = tpu.vector_load %arg11[%swap3A_248, %swap3A_249] {strides = array<i32>} : memref<64x768xf32, #tpu.memory_space<vmem>>, vector<16xf32>,
          tpu.vector_store %arg11[%swap3A_248, %swap3A_249], %gather3A_247 {strides = array<i32>} : memref<64x768xf32, #tpu.memory_space<vmem>>, vector<16xf32>,
          %gather3A_251 = arith.constant 96 : i32
          %gather3A_252 = tpu.memref_slice %arg10[%gather3A_251] : memref<1536xf32, #tpu.memory_space<vmem>> -> memref<32xf32, #tpu.memory_space<vmem>>
          %gather3A_253 = tpu.vector_load_idx %gather3A_252[%max3A_194] : memref<32xf32, #tpu.memory_space<vmem>>[vector<16xi32>], vector<16xf32>,
          %swap3A_254 = arith.constant 1 : i32
          %swap3A_255 = arith.index_cast %swap3A_254 : i32 to index
          %swap3A_256 = arith.index_cast %mul3A_180 : i32 to index
          %swap3A_257 = tpu.vector_load %arg11[%swap3A_255, %swap3A_256] {strides = array<i32>} : memref<64x768xf32, #tpu.memory_space<vmem>>, vector<16xf32>,
          tpu.vector_store %arg11[%swap3A_255, %swap3A_256], %gather3A_253 {strides = array<i32>} : memref<64x768xf32, #tpu.memory_space<vmem>>, vector<16xf32>,
          %gather3A_258 = arith.constant 192 : i32
          %gather3A_259 = tpu.memref_slice %arg10[%gather3A_258] : memref<1536xf32, #tpu.memory_space<vmem>> -> memref<32xf32, #tpu.memory_space<vmem>>
          %gather3A_260 = tpu.vector_load_idx %gather3A_259[%max3A_194] : memref<32xf32, #tpu.memory_space<vmem>>[vector<16xi32>], vector<16xf32>,
          %swap3A_261 = arith.constant 2 : i32
          %swap3A_262 = arith.index_cast %swap3A_261 : i32 to index
          %swap3A_263 = arith.index_cast %mul3A_180 : i32 to index
          %swap3A_264 = tpu.vector_load %arg11[%swap3A_262, %swap3A_263] {strides = array<i32>} : memref<64x768xf32, #tpu.memory_space<vmem>>, vector<16xf32>,
          tpu.vector_store %arg11[%swap3A_262, %swap3A_263], %gather3A_260 {strides = array<i32>} : memref<64x768xf32, #tpu.memory_space<vmem>>, vector<16xf32>,
          %gather3A_265 = arith.constant 288 : i32
          %gather3A_266 = tpu.memref_slice %arg10[%gather3A_265] : memref<1536xf32, #tpu.memory_space<vmem>> -> memref<32xf32, #tpu.memory_space<vmem>>
          %gather3A_267 = tpu.vector_load_idx %gather3A_266[%max3A_194] : memref<32xf32, #tpu.memory_space<vmem>>[vector<16xi32>], vector<16xf32>,
          %swap3A_268 = arith.constant 3 : i32
          %swap3A_269 = arith.index_cast %swap3A_268 : i32 to index
          %swap3A_270 = arith.index_cast %mul3A_180 : i32 to index
          %swap3A_271 = tpu.vector_load %arg11[%swap3A_269, %swap3A_270] {strides = array<i32>} : memref<64x768xf32, #tpu.memory_space<vmem>>, vector<16xf32>,
          tpu.vector_store %arg11[%swap3A_269, %swap3A_270], %gather3A_267 {strides = array<i32>} : memref<64x768xf32, #tpu.memory_space<vmem>>, vector<16xf32>,
          %gather3A_272 = arith.constant 384 : i32
          %gather3A_273 = tpu.memref_slice %arg10[%gather3A_272] : memref<1536xf32, #tpu.memory_space<vmem>> -> memref<32xf32, #tpu.memory_space<vmem>>
          %gather3A_274 = tpu.vector_load_idx %gather3A_273[%max3A_194] : memref<32xf32, #tpu.memory_space<vmem>>[vector<16xi32>], vector<16xf32>,
          %swap3A_275 = arith.constant 4 : i32
          %swap3A_276 = arith.index_cast %swap3A_275 : i32 to index
          %swap3A_277 = arith.index_cast %mul3A_180 : i32 to index
          %swap3A_278 = tpu.vector_load %arg11[%swap3A_276, %swap3A_277] {strides = array<i32>} : memref<64x768xf32, #tpu.memory_space<vmem>>, vector<16xf32>,
          tpu.vector_store %arg11[%swap3A_276, %swap3A_277], %gather3A_274 {strides = array<i32>} : memref<64x768xf32, #tpu.memory_space<vmem>>, vector<16xf32>,
          %gather3A_279 = arith.constant 480 : i32
          %gather3A_280 = tpu.memref_slice %arg10[%gather3A_279] : memref<1536xf32, #tpu.memory_space<vmem>> -> memref<32xf32, #tpu.memory_space<vmem>>
          %gather3A_281 = tpu.vector_load_idx %gather3A_280[%max3A_194] : memref<32xf32, #tpu.memory_space<vmem>>[vector<16xi32>], vector<16xf32>,
          %swap3A_282 = arith.constant 5 : i32
          %swap3A_283 = arith.index_cast %swap3A_282 : i32 to index
          %swap3A_284 = arith.index_cast %mul3A_180 : i32 to index
          %swap3A_285 = tpu.vector_load %arg11[%swap3A_283, %swap3A_284] {strides = array<i32>} : memref<64x768xf32, #tpu.memory_space<vmem>>, vector<16xf32>,
          tpu.vector_store %arg11[%swap3A_283, %swap3A_284], %gather3A_281 {strides = array<i32>} : memref<64x768xf32, #tpu.memory_space<vmem>>, vector<16xf32>,
          %gather3A_286 = arith.constant 576 : i32
          %gather3A_287 = tpu.memref_slice %arg10[%gather3A_286] : memref<1536xf32, #tpu.memory_space<vmem>> -> memref<32xf32, #tpu.memory_space<vmem>>
          %gather3A_288 = tpu.vector_load_idx %gather3A_287[%max3A_194] : memref<32xf32, #tpu.memory_space<vmem>>[vector<16xi32>], vector<16xf32>,
          %swap3A_289 = arith.constant 6 : i32
          %swap3A_290 = arith.index_cast %swap3A_289 : i32 to index
          %swap3A_291 = arith.index_cast %mul3A_180 : i32 to index
          %swap3A_292 = tpu.vector_load %arg11[%swap3A_290, %swap3A_291] {strides = array<i32>} : memref<64x768xf32, #tpu.memory_space<vmem>>, vector<16xf32>,
          tpu.vector_store %arg11[%swap3A_290, %swap3A_291], %gather3A_288 {strides = array<i32>} : memref<64x768xf32, #tpu.memory_space<vmem>>, vector<16xf32>,
          %gather3A_293 = arith.constant 672 : i32
          %gather3A_294 = tpu.memref_slice %arg10[%gather3A_293] : memref<1536xf32, #tpu.memory_space<vmem>> -> memref<32xf32, #tpu.memory_space<vmem>>
          %gather3A_295 = tpu.vector_load_idx %gather3A_294[%max3A_194] : memref<32xf32, #tpu.memory_space<vmem>>[vector<16xi32>], vector<16xf32>,
          %swap3A_296 = arith.constant 7 : i32
          %swap3A_297 = arith.index_cast %swap3A_296 : i32 to index
          %swap3A_298 = arith.index_cast %mul3A_180 : i32 to index
          %swap3A_299 = tpu.vector_load %arg11[%swap3A_297, %swap3A_298] {strides = array<i32>} : memref<64x768xf32, #tpu.memory_space<vmem>>, vector<16xf32>,
          tpu.vector_store %arg11[%swap3A_297, %swap3A_298], %gather3A_295 {strides = array<i32>} : memref<64x768xf32, #tpu.memory_space<vmem>>, vector<16xf32>,
          %gather3A_300 = arith.constant 768 : i32
          %gather3A_301 = tpu.memref_slice %arg10[%gather3A_300] : memref<1536xf32, #tpu.memory_space<vmem>> -> memref<32xf32, #tpu.memory_space<vmem>>
          %gather3A_302 = tpu.vector_load_idx %gather3A_301[%max3A_194] : memref<32xf32, #tpu.memory_space<vmem>>[vector<16xi32>], vector<16xf32>,
          %swap3A_303 = arith.constant 8 : i32
          %swap3A_304 = arith.index_cast %swap3A_303 : i32 to index
          %swap3A_305 = arith.index_cast %mul3A_180 : i32 to index
          %swap3A_306 = tpu.vector_load %arg11[%swap3A_304, %swap3A_305] {strides = array<i32>} : memref<64x768xf32, #tpu.memory_space<vmem>>, vector<16xf32>,
          tpu.vector_store %arg11[%swap3A_304, %swap3A_305], %gather3A_302 {strides = array<i32>} : memref<64x768xf32, #tpu.memory_space<vmem>>, vector<16xf32>,
          %gather3A_307 = arith.constant 864 : i32
          %gather3A_308 = tpu.memref_slice %arg10[%gather3A_307] : memref<1536xf32, #tpu.memory_space<vmem>> -> memref<32xf32, #tpu.memory_space<vmem>>
          %gather3A_309 = tpu.vector_load_idx %gather3A_308[%max3A_194] : memref<32xf32, #tpu.memory_space<vmem>>[vector<16xi32>], vector<16xf32>,
          %swap3A_310 = arith.constant 9 : i32
          %swap3A_311 = arith.index_cast %swap3A_310 : i32 to index
          %swap3A_312 = arith.index_cast %mul3A_180 : i32 to index
          %swap3A_313 = tpu.vector_load %arg11[%swap3A_311, %swap3A_312] {strides = array<i32>} : memref<64x768xf32, #tpu.memory_space<vmem>>, vector<16xf32>,
          tpu.vector_store %arg11[%swap3A_311, %swap3A_312], %gather3A_309 {strides = array<i32>} : memref<64x768xf32, #tpu.memory_space<vmem>>, vector<16xf32>,
          %gather3A_314 = arith.constant 960 : i32
          %gather3A_315 = tpu.memref_slice %arg10[%gather3A_314] : memref<1536xf32, #tpu.memory_space<vmem>> -> memref<32xf32, #tpu.memory_space<vmem>>
          %gather3A_316 = tpu.vector_load_idx %gather3A_315[%max3A_194] : memref<32xf32, #tpu.memory_space<vmem>>[vector<16xi32>], vector<16xf32>,
          %swap3A_317 = arith.constant 10 : i32
          %swap3A_318 = arith.index_cast %swap3A_317 : i32 to index
          %swap3A_319 = arith.index_cast %mul3A_180 : i32 to index
          %swap3A_320 = tpu.vector_load %arg11[%swap3A_318, %swap3A_319] {strides = array<i32>} : memref<64x768xf32, #tpu.memory_space<vmem>>, vector<16xf32>,
          tpu.vector_store %arg11[%swap3A_318, %swap3A_319], %gather3A_316 {strides = array<i32>} : memref<64x768xf32, #tpu.memory_space<vmem>>, vector<16xf32>,
          %gather3A_321 = arith.constant 1056 : i32
          %gather3A_322 = tpu.memref_slice %arg10[%gather3A_321] : memref<1536xf32, #tpu.memory_space<vmem>> -> memref<32xf32, #tpu.memory_space<vmem>>
          %gather3A_323 = tpu.vector_load_idx %gather3A_322[%max3A_194] : memref<32xf32, #tpu.memory_space<vmem>>[vector<16xi32>], vector<16xf32>,
          %swap3A_324 = arith.constant 11 : i32
          %swap3A_325 = arith.index_cast %swap3A_324 : i32 to index
          %swap3A_326 = arith.index_cast %mul3A_180 : i32 to index
          %swap3A_327 = tpu.vector_load %arg11[%swap3A_325, %swap3A_326] {strides = array<i32>} : memref<64x768xf32, #tpu.memory_space<vmem>>, vector<16xf32>,
          tpu.vector_store %arg11[%swap3A_325, %swap3A_326], %gather3A_323 {strides = array<i32>} : memref<64x768xf32, #tpu.memory_space<vmem>>, vector<16xf32>,
          %gather3A_328 = arith.constant 1152 : i32
          %gather3A_329 = tpu.memref_slice %arg10[%gather3A_328] : memref<1536xf32, #tpu.memory_space<vmem>> -> memref<32xf32, #tpu.memory_space<vmem>>
          %gather3A_330 = tpu.vector_load_idx %gather3A_329[%max3A_194] : memref<32xf32, #tpu.memory_space<vmem>>[vector<16xi32>], vector<16xf32>,
          %swap3A_331 = arith.constant 12 : i32
          %swap3A_332 = arith.index_cast %swap3A_331 : i32 to index
          %swap3A_333 = arith.index_cast %mul3A_180 : i32 to index
          %swap3A_334 = tpu.vector_load %arg11[%swap3A_332, %swap3A_333] {strides = array<i32>} : memref<64x768xf32, #tpu.memory_space<vmem>>, vector<16xf32>,
          tpu.vector_store %arg11[%swap3A_332, %swap3A_333], %gather3A_330 {strides = array<i32>} : memref<64x768xf32, #tpu.memory_space<vmem>>, vector<16xf32>,
          %gather3A_335 = arith.constant 1248 : i32
          %gather3A_336 = tpu.memref_slice %arg10[%gather3A_335] : memref<1536xf32, #tpu.memory_space<vmem>> -> memref<32xf32, #tpu.memory_space<vmem>>
          %gather3A_337 = tpu.vector_load_idx %gather3A_336[%max3A_194] : memref<32xf32, #tpu.memory_space<vmem>>[vector<16xi32>], vector<16xf32>,
          %swap3A_338 = arith.constant 13 : i32
          %swap3A_339 = arith.index_cast %swap3A_338 : i32 to index
          %swap3A_340 = arith.index_cast %mul3A_180 : i32 to index
          %swap3A_341 = tpu.vector_load %arg11[%swap3A_339, %swap3A_340] {strides = array<i32>} : memref<64x768xf32, #tpu.memory_space<vmem>>, vector<16xf32>,
          tpu.vector_store %arg11[%swap3A_339, %swap3A_340], %gather3A_337 {strides = array<i32>} : memref<64x768xf32, #tpu.memory_space<vmem>>, vector<16xf32>,
          %gather3A_342 = arith.constant 1344 : i32
          %gather3A_343 = tpu.memref_slice %arg10[%gather3A_342] : memref<1536xf32, #tpu.memory_space<vmem>> -> memref<32xf32, #tpu.memory_space<vmem>>
          %gather3A_344 = tpu.vector_load_idx %gather3A_343[%max3A_194] : memref<32xf32, #tpu.memory_space<vmem>>[vector<16xi32>], vector<16xf32>,
          %swap3A_345 = arith.constant 14 : i32
          %swap3A_346 = arith.index_cast %swap3A_345 : i32 to index
          %swap3A_347 = arith.index_cast %mul3A_180 : i32 to index
          %swap3A_348 = tpu.vector_load %arg11[%swap3A_346, %swap3A_347] {strides = array<i32>} : memref<64x768xf32, #tpu.memory_space<vmem>>, vector<16xf32>,
          tpu.vector_store %arg11[%swap3A_346, %swap3A_347], %gather3A_344 {strides = array<i32>} : memref<64x768xf32, #tpu.memory_space<vmem>>, vector<16xf32>,
          %gather3A_349 = arith.constant 1440 : i32
          %gather3A_350 = tpu.memref_slice %arg10[%gather3A_349] : memref<1536xf32, #tpu.memory_space<vmem>> -> memref<32xf32, #tpu.memory_space<vmem>>
          %gather3A_351 = tpu.vector_load_idx %gather3A_350[%max3A_194] : memref<32xf32, #tpu.memory_space<vmem>>[vector<16xi32>], vector<16xf32>,
          %swap3A_352 = arith.constant 15 : i32
          %swap3A_353 = arith.index_cast %swap3A_352 : i32 to index
          %swap3A_354 = arith.index_cast %mul3A_180 : i32 to index
          %swap3A_355 = tpu.vector_load %arg11[%swap3A_353, %swap3A_354] {strides = array<i32>} : memref<64x768xf32, #tpu.memory_space<vmem>>, vector<16xf32>,
          tpu.vector_store %arg11[%swap3A_353, %swap3A_354], %gather3A_351 {strides = array<i32>} : memref<64x768xf32, #tpu.memory_space<vmem>>, vector<16xf32>,
          %gather3A_356 = arith.constant 0 : i32
          %gather3A_357 = tpu.memref_slice %arg10[%gather3A_356] : memref<1536xf32, #tpu.memory_space<vmem>> -> memref<32xf32, #tpu.memory_space<vmem>>
          %gather3A_358 = tpu.vector_load_idx %gather3A_357[%max3A_211] : memref<32xf32, #tpu.memory_space<vmem>>[vector<16xi32>], vector<16xf32>,
          %swap3A_359 = arith.constant 16 : i32
          %swap3A_360 = arith.index_cast %swap3A_359 : i32 to index
          %swap3A_361 = arith.index_cast %mul3A_180 : i32 to index
          %swap3A_362 = tpu.vector_load %arg11[%swap3A_360, %swap3A_361] {strides = array<i32>} : memref<64x768xf32, #tpu.memory_space<vmem>>, vector<16xf32>,
          tpu.vector_store %arg11[%swap3A_360, %swap3A_361], %gather3A_358 {strides = array<i32>} : memref<64x768xf32, #tpu.memory_space<vmem>>, vector<16xf32>,
          %gather3A_363 = arith.constant 96 : i32
          %gather3A_364 = tpu.memref_slice %arg10[%gather3A_363] : memref<1536xf32, #tpu.memory_space<vmem>> -> memref<32xf32, #tpu.memory_space<vmem>>
          %gather3A_365 = tpu.vector_load_idx %gather3A_364[%max3A_211] : memref<32xf32, #tpu.memory_space<vmem>>[vector<16xi32>], vector<16xf32>,
          %swap3A_366 = arith.constant 17 : i32
          %swap3A_367 = arith.index_cast %swap3A_366 : i32 to index
          %swap3A_368 = arith.index_cast %mul3A_180 : i32 to index
          %swap3A_369 = tpu.vector_load %arg11[%swap3A_367, %swap3A_368] {strides = array<i32>} : memref<64x768xf32, #tpu.memory_space<vmem>>, vector<16xf32>,
          tpu.vector_store %arg11[%swap3A_367, %swap3A_368], %gather3A_365 {strides = array<i32>} : memref<64x768xf32, #tpu.memory_space<vmem>>, vector<16xf32>,
          %gather3A_370 = arith.constant 192 : i32
          %gather3A_371 = tpu.memref_slice %arg10[%gather3A_370] : memref<1536xf32, #tpu.memory_space<vmem>> -> memref<32xf32, #tpu.memory_space<vmem>>
          %gather3A_372 = tpu.vector_load_idx %gather3A_371[%max3A_211] : memref<32xf32, #tpu.memory_space<vmem>>[vector<16xi32>], vector<16xf32>,
          %swap3A_373 = arith.constant 18 : i32
          %swap3A_374 = arith.index_cast %swap3A_373 : i32 to index
          %swap3A_375 = arith.index_cast %mul3A_180 : i32 to index
          %swap3A_376 = tpu.vector_load %arg11[%swap3A_374, %swap3A_375] {strides = array<i32>} : memref<64x768xf32, #tpu.memory_space<vmem>>, vector<16xf32>,
          tpu.vector_store %arg11[%swap3A_374, %swap3A_375], %gather3A_372 {strides = array<i32>} : memref<64x768xf32, #tpu.memory_space<vmem>>, vector<16xf32>,
          %gather3A_377 = arith.constant 288 : i32
          %gather3A_378 = tpu.memref_slice %arg10[%gather3A_377] : memref<1536xf32, #tpu.memory_space<vmem>> -> memref<32xf32, #tpu.memory_space<vmem>>
          %gather3A_379 = tpu.vector_load_idx %gather3A_378[%max3A_211] : memref<32xf32, #tpu.memory_space<vmem>>[vector<16xi32>], vector<16xf32>,
          %swap3A_380 = arith.constant 19 : i32
          %swap3A_381 = arith.index_cast %swap3A_380 : i32 to index
          %swap3A_382 = arith.index_cast %mul3A_180 : i32 to index
          %swap3A_383 = tpu.vector_load %arg11[%swap3A_381, %swap3A_382] {strides = array<i32>} : memref<64x768xf32, #tpu.memory_space<vmem>>, vector<16xf32>,
          tpu.vector_store %arg11[%swap3A_381, %swap3A_382], %gather3A_379 {strides = array<i32>} : memref<64x768xf32, #tpu.memory_space<vmem>>, vector<16xf32>,
          %gather3A_384 = arith.constant 384 : i32
          %gather3A_385 = tpu.memref_slice %arg10[%gather3A_384] : memref<1536xf32, #tpu.memory_space<vmem>> -> memref<32xf32, #tpu.memory_space<vmem>>
          %gather3A_386 = tpu.vector_load_idx %gather3A_385[%max3A_211] : memref<32xf32, #tpu.memory_space<vmem>>[vector<16xi32>], vector<16xf32>,
          %swap3A_387 = arith.constant 20 : i32
          %swap3A_388 = arith.index_cast %swap3A_387 : i32 to index
          %swap3A_389 = arith.index_cast %mul3A_180 : i32 to index
          %swap3A_390 = tpu.vector_load %arg11[%swap3A_388, %swap3A_389] {strides = array<i32>} : memref<64x768xf32, #tpu.memory_space<vmem>>, vector<16xf32>,
          tpu.vector_store %arg11[%swap3A_388, %swap3A_389], %gather3A_386 {strides = array<i32>} : memref<64x768xf32, #tpu.memory_space<vmem>>, vector<16xf32>,
          %gather3A_391 = arith.constant 480 : i32
          %gather3A_392 = tpu.memref_slice %arg10[%gather3A_391] : memref<1536xf32, #tpu.memory_space<vmem>> -> memref<32xf32, #tpu.memory_space<vmem>>
          %gather3A_393 = tpu.vector_load_idx %gather3A_392[%max3A_211] : memref<32xf32, #tpu.memory_space<vmem>>[vector<16xi32>], vector<16xf32>,
          %swap3A_394 = arith.constant 21 : i32
          %swap3A_395 = arith.index_cast %swap3A_394 : i32 to index
          %swap3A_396 = arith.index_cast %mul3A_180 : i32 to index
          %swap3A_397 = tpu.vector_load %arg11[%swap3A_395, %swap3A_396] {strides = array<i32>} : memref<64x768xf32, #tpu.memory_space<vmem>>, vector<16xf32>,
          tpu.vector_store %arg11[%swap3A_395, %swap3A_396], %gather3A_393 {strides = array<i32>} : memref<64x768xf32, #tpu.memory_space<vmem>>, vector<16xf32>,
          %gather3A_398 = arith.constant 576 : i32
          %gather3A_399 = tpu.memref_slice %arg10[%gather3A_398] : memref<1536xf32, #tpu.memory_space<vmem>> -> memref<32xf32, #tpu.memory_space<vmem>>
          %gather3A_400 = tpu.vector_load_idx %gather3A_399[%max3A_211] : memref<32xf32, #tpu.memory_space<vmem>>[vector<16xi32>], vector<16xf32>,
          %swap3A_401 = arith.constant 22 : i32
          %swap3A_402 = arith.index_cast %swap3A_401 : i32 to index
          %swap3A_403 = arith.index_cast %mul3A_180 : i32 to index
          %swap3A_404 = tpu.vector_load %arg11[%swap3A_402, %swap3A_403] {strides = array<i32>} : memref<64x768xf32, #tpu.memory_space<vmem>>, vector<16xf32>,
          tpu.vector_store %arg11[%swap3A_402, %swap3A_403], %gather3A_400 {strides = array<i32>} : memref<64x768xf32, #tpu.memory_space<vmem>>, vector<16xf32>,
          %gather3A_405 = arith.constant 672 : i32
          %gather3A_406 = tpu.memref_slice %arg10[%gather3A_405] : memref<1536xf32, #tpu.memory_space<vmem>> -> memref<32xf32, #tpu.memory_space<vmem>>
          %gather3A_407 = tpu.vector_load_idx %gather3A_406[%max3A_211] : memref<32xf32, #tpu.memory_space<vmem>>[vector<16xi32>], vector<16xf32>,
          %swap3A_408 = arith.constant 23 : i32
          %swap3A_409 = arith.index_cast %swap3A_408 : i32 to index
          %swap3A_410 = arith.index_cast %mul3A_180 : i32 to index
          %swap3A_411 = tpu.vector_load %arg11[%swap3A_409, %swap3A_410] {strides = array<i32>} : memref<64x768xf32, #tpu.memory_space<vmem>>, vector<16xf32>,
          tpu.vector_store %arg11[%swap3A_409, %swap3A_410], %gather3A_407 {strides = array<i32>} : memref<64x768xf32, #tpu.memory_space<vmem>>, vector<16xf32>,
          %gather3A_412 = arith.constant 768 : i32
          %gather3A_413 = tpu.memref_slice %arg10[%gather3A_412] : memref<1536xf32, #tpu.memory_space<vmem>> -> memref<32xf32, #tpu.memory_space<vmem>>
          %gather3A_414 = tpu.vector_load_idx %gather3A_413[%max3A_211] : memref<32xf32, #tpu.memory_space<vmem>>[vector<16xi32>], vector<16xf32>,
          %swap3A_415 = arith.constant 24 : i32
          %swap3A_416 = arith.index_cast %swap3A_415 : i32 to index
          %swap3A_417 = arith.index_cast %mul3A_180 : i32 to index
          %swap3A_418 = tpu.vector_load %arg11[%swap3A_416, %swap3A_417] {strides = array<i32>} : memref<64x768xf32, #tpu.memory_space<vmem>>, vector<16xf32>,
          tpu.vector_store %arg11[%swap3A_416, %swap3A_417], %gather3A_414 {strides = array<i32>} : memref<64x768xf32, #tpu.memory_space<vmem>>, vector<16xf32>,
          %gather3A_419 = arith.constant 864 : i32
          %gather3A_420 = tpu.memref_slice %arg10[%gather3A_419] : memref<1536xf32, #tpu.memory_space<vmem>> -> memref<32xf32, #tpu.memory_space<vmem>>
          %gather3A_421 = tpu.vector_load_idx %gather3A_420[%max3A_211] : memref<32xf32, #tpu.memory_space<vmem>>[vector<16xi32>], vector<16xf32>,
          %swap3A_422 = arith.constant 25 : i32
          %swap3A_423 = arith.index_cast %swap3A_422 : i32 to index
          %swap3A_424 = arith.index_cast %mul3A_180 : i32 to index
          %swap3A_425 = tpu.vector_load %arg11[%swap3A_423, %swap3A_424] {strides = array<i32>} : memref<64x768xf32, #tpu.memory_space<vmem>>, vector<16xf32>,
          tpu.vector_store %arg11[%swap3A_423, %swap3A_424], %gather3A_421 {strides = array<i32>} : memref<64x768xf32, #tpu.memory_space<vmem>>, vector<16xf32>,
          %gather3A_426 = arith.constant 960 : i32
          %gather3A_427 = tpu.memref_slice %arg10[%gather3A_426] : memref<1536xf32, #tpu.memory_space<vmem>> -> memref<32xf32, #tpu.memory_space<vmem>>
          %gather3A_428 = tpu.vector_load_idx %gather3A_427[%max3A_211] : memref<32xf32, #tpu.memory_space<vmem>>[vector<16xi32>], vector<16xf32>,
          %swap3A_429 = arith.constant 26 : i32
          %swap3A_430 = arith.index_cast %swap3A_429 : i32 to index
          %swap3A_431 = arith.index_cast %mul3A_180 : i32 to index
          %swap3A_432 = tpu.vector_load %arg11[%swap3A_430, %swap3A_431] {strides = array<i32>} : memref<64x768xf32, #tpu.memory_space<vmem>>, vector<16xf32>,
          tpu.vector_store %arg11[%swap3A_430, %swap3A_431], %gather3A_428 {strides = array<i32>} : memref<64x768xf32, #tpu.memory_space<vmem>>, vector<16xf32>,
          %gather3A_433 = arith.constant 1056 : i32
          %gather3A_434 = tpu.memref_slice %arg10[%gather3A_433] : memref<1536xf32, #tpu.memory_space<vmem>> -> memref<32xf32, #tpu.memory_space<vmem>>
          %gather3A_435 = tpu.vector_load_idx %gather3A_434[%max3A_211] : memref<32xf32, #tpu.memory_space<vmem>>[vector<16xi32>], vector<16xf32>,
          %swap3A_436 = arith.constant 27 : i32
          %swap3A_437 = arith.index_cast %swap3A_436 : i32 to index
          %swap3A_438 = arith.index_cast %mul3A_180 : i32 to index
          %swap3A_439 = tpu.vector_load %arg11[%swap3A_437, %swap3A_438] {strides = array<i32>} : memref<64x768xf32, #tpu.memory_space<vmem>>, vector<16xf32>,
          tpu.vector_store %arg11[%swap3A_437, %swap3A_438], %gather3A_435 {strides = array<i32>} : memref<64x768xf32, #tpu.memory_space<vmem>>, vector<16xf32>,
          %gather3A_440 = arith.constant 1152 : i32
          %gather3A_441 = tpu.memref_slice %arg10[%gather3A_440] : memref<1536xf32, #tpu.memory_space<vmem>> -> memref<32xf32, #tpu.memory_space<vmem>>
          %gather3A_442 = tpu.vector_load_idx %gather3A_441[%max3A_211] : memref<32xf32, #tpu.memory_space<vmem>>[vector<16xi32>], vector<16xf32>,
          %swap3A_443 = arith.constant 28 : i32
          %swap3A_444 = arith.index_cast %swap3A_443 : i32 to index
          %swap3A_445 = arith.index_cast %mul3A_180 : i32 to index
          %swap3A_446 = tpu.vector_load %arg11[%swap3A_444, %swap3A_445] {strides = array<i32>} : memref<64x768xf32, #tpu.memory_space<vmem>>, vector<16xf32>,
          tpu.vector_store %arg11[%swap3A_444, %swap3A_445], %gather3A_442 {strides = array<i32>} : memref<64x768xf32, #tpu.memory_space<vmem>>, vector<16xf32>,
          %gather3A_447 = arith.constant 1248 : i32
          %gather3A_448 = tpu.memref_slice %arg10[%gather3A_447] : memref<1536xf32, #tpu.memory_space<vmem>> -> memref<32xf32, #tpu.memory_space<vmem>>
          %gather3A_449 = tpu.vector_load_idx %gather3A_448[%max3A_211] : memref<32xf32, #tpu.memory_space<vmem>>[vector<16xi32>], vector<16xf32>,
          %swap3A_450 = arith.constant 29 : i32
          %swap3A_451 = arith.index_cast %swap3A_450 : i32 to index
          %swap3A_452 = arith.index_cast %mul3A_180 : i32 to index
          %swap3A_453 = tpu.vector_load %arg11[%swap3A_451, %swap3A_452] {strides = array<i32>} : memref<64x768xf32, #tpu.memory_space<vmem>>, vector<16xf32>,
          tpu.vector_store %arg11[%swap3A_451, %swap3A_452], %gather3A_449 {strides = array<i32>} : memref<64x768xf32, #tpu.memory_space<vmem>>, vector<16xf32>,
          %gather3A_454 = arith.constant 1344 : i32
          %gather3A_455 = tpu.memref_slice %arg10[%gather3A_454] : memref<1536xf32, #tpu.memory_space<vmem>> -> memref<32xf32, #tpu.memory_space<vmem>>
          %gather3A_456 = tpu.vector_load_idx %gather3A_455[%max3A_211] : memref<32xf32, #tpu.memory_space<vmem>>[vector<16xi32>], vector<16xf32>,
          %swap3A_457 = arith.constant 30 : i32
          %swap3A_458 = arith.index_cast %swap3A_457 : i32 to index
          %swap3A_459 = arith.index_cast %mul3A_180 : i32 to index
          %swap3A_460 = tpu.vector_load %arg11[%swap3A_458, %swap3A_459] {strides = array<i32>} : memref<64x768xf32, #tpu.memory_space<vmem>>, vector<16xf32>,
          tpu.vector_store %arg11[%swap3A_458, %swap3A_459], %gather3A_456 {strides = array<i32>} : memref<64x768xf32, #tpu.memory_space<vmem>>, vector<16xf32>,
          %gather3A_461 = arith.constant 1440 : i32
          %gather3A_462 = tpu.memref_slice %arg10[%gather3A_461] : memref<1536xf32, #tpu.memory_space<vmem>> -> memref<32xf32, #tpu.memory_space<vmem>>
          %gather3A_463 = tpu.vector_load_idx %gather3A_462[%max3A_211] : memref<32xf32, #tpu.memory_space<vmem>>[vector<16xi32>], vector<16xf32>,
          %swap3A_464 = arith.constant 31 : i32
          %swap3A_465 = arith.index_cast %swap3A_464 : i32 to index
          %swap3A_466 = arith.index_cast %mul3A_180 : i32 to index
          %swap3A_467 = tpu.vector_load %arg11[%swap3A_465, %swap3A_466] {strides = array<i32>} : memref<64x768xf32, #tpu.memory_space<vmem>>, vector<16xf32>,
          tpu.vector_store %arg11[%swap3A_465, %swap3A_466], %gather3A_463 {strides = array<i32>} : memref<64x768xf32, #tpu.memory_space<vmem>>, vector<16xf32>,
          %gather3A_468 = arith.constant 0 : i32
          %gather3A_469 = tpu.memref_slice %arg10[%gather3A_468] : memref<1536xf32, #tpu.memory_space<vmem>> -> memref<32xf32, #tpu.memory_space<vmem>>
          %gather3A_470 = tpu.vector_load_idx %gather3A_469[%max3A_228] : memref<32xf32, #tpu.memory_space<vmem>>[vector<16xi32>], vector<16xf32>,
          %swap3A_471 = arith.constant 32 : i32
          %swap3A_472 = arith.index_cast %swap3A_471 : i32 to index
          %swap3A_473 = arith.index_cast %mul3A_180 : i32 to index
          %swap3A_474 = tpu.vector_load %arg11[%swap3A_472, %swap3A_473] {strides = array<i32>} : memref<64x768xf32, #tpu.memory_space<vmem>>, vector<16xf32>,
          tpu.vector_store %arg11[%swap3A_472, %swap3A_473], %gather3A_470 {strides = array<i32>} : memref<64x768xf32, #tpu.memory_space<vmem>>, vector<16xf32>,
          %gather3A_475 = arith.constant 96 : i32
          %gather3A_476 = tpu.memref_slice %arg10[%gather3A_475] : memref<1536xf32, #tpu.memory_space<vmem>> -> memref<32xf32, #tpu.memory_space<vmem>>
          %gather3A_477 = tpu.vector_load_idx %gather3A_476[%max3A_228] : memref<32xf32, #tpu.memory_space<vmem>>[vector<16xi32>], vector<16xf32>,
          %swap3A_478 = arith.constant 33 : i32
          %swap3A_479 = arith.index_cast %swap3A_478 : i32 to index
          %swap3A_480 = arith.index_cast %mul3A_180 : i32 to index
          %swap3A_481 = tpu.vector_load %arg11[%swap3A_479, %swap3A_480] {strides = array<i32>} : memref<64x768xf32, #tpu.memory_space<vmem>>, vector<16xf32>,
          tpu.vector_store %arg11[%swap3A_479, %swap3A_480], %gather3A_477 {strides = array<i32>} : memref<64x768xf32, #tpu.memory_space<vmem>>, vector<16xf32>,
          %gather3A_482 = arith.constant 192 : i32
          %gather3A_483 = tpu.memref_slice %arg10[%gather3A_482] : memref<1536xf32, #tpu.memory_space<vmem>> -> memref<32xf32, #tpu.memory_space<vmem>>
          %gather3A_484 = tpu.vector_load_idx %gather3A_483[%max3A_228] : memref<32xf32, #tpu.memory_space<vmem>>[vector<16xi32>], vector<16xf32>,
          %swap3A_485 = arith.constant 34 : i32
          %swap3A_486 = arith.index_cast %swap3A_485 : i32 to index
          %swap3A_487 = arith.index_cast %mul3A_180 : i32 to index
          %swap3A_488 = tpu.vector_load %arg11[%swap3A_486, %swap3A_487] {strides = array<i32>} : memref<64x768xf32, #tpu.memory_space<vmem>>, vector<16xf32>,
          tpu.vector_store %arg11[%swap3A_486, %swap3A_487], %gather3A_484 {strides = array<i32>} : memref<64x768xf32, #tpu.memory_space<vmem>>, vector<16xf32>,
          %gather3A_489 = arith.constant 288 : i32
          %gather3A_490 = tpu.memref_slice %arg10[%gather3A_489] : memref<1536xf32, #tpu.memory_space<vmem>> -> memref<32xf32, #tpu.memory_space<vmem>>
          %gather3A_491 = tpu.vector_load_idx %gather3A_490[%max3A_228] : memref<32xf32, #tpu.memory_space<vmem>>[vector<16xi32>], vector<16xf32>,
          %swap3A_492 = arith.constant 35 : i32
          %swap3A_493 = arith.index_cast %swap3A_492 : i32 to index
          %swap3A_494 = arith.index_cast %mul3A_180 : i32 to index
          %swap3A_495 = tpu.vector_load %arg11[%swap3A_493, %swap3A_494] {strides = array<i32>} : memref<64x768xf32, #tpu.memory_space<vmem>>, vector<16xf32>,
          tpu.vector_store %arg11[%swap3A_493, %swap3A_494], %gather3A_491 {strides = array<i32>} : memref<64x768xf32, #tpu.memory_space<vmem>>, vector<16xf32>,
          %gather3A_496 = arith.constant 384 : i32
          %gather3A_497 = tpu.memref_slice %arg10[%gather3A_496] : memref<1536xf32, #tpu.memory_space<vmem>> -> memref<32xf32, #tpu.memory_space<vmem>>
          %gather3A_498 = tpu.vector_load_idx %gather3A_497[%max3A_228] : memref<32xf32, #tpu.memory_space<vmem>>[vector<16xi32>], vector<16xf32>,
          %swap3A_499 = arith.constant 36 : i32
          %swap3A_500 = arith.index_cast %swap3A_499 : i32 to index
          %swap3A_501 = arith.index_cast %mul3A_180 : i32 to index
          %swap3A_502 = tpu.vector_load %arg11[%swap3A_500, %swap3A_501] {strides = array<i32>} : memref<64x768xf32, #tpu.memory_space<vmem>>, vector<16xf32>,
          tpu.vector_store %arg11[%swap3A_500, %swap3A_501], %gather3A_498 {strides = array<i32>} : memref<64x768xf32, #tpu.memory_space<vmem>>, vector<16xf32>,
          %gather3A_503 = arith.constant 480 : i32
          %gather3A_504 = tpu.memref_slice %arg10[%gather3A_503] : memref<1536xf32, #tpu.memory_space<vmem>> -> memref<32xf32, #tpu.memory_space<vmem>>
          %gather3A_505 = tpu.vector_load_idx %gather3A_504[%max3A_228] : memref<32xf32, #tpu.memory_space<vmem>>[vector<16xi32>], vector<16xf32>,
          %swap3A_506 = arith.constant 37 : i32
          %swap3A_507 = arith.index_cast %swap3A_506 : i32 to index
          %swap3A_508 = arith.index_cast %mul3A_180 : i32 to index
          %swap3A_509 = tpu.vector_load %arg11[%swap3A_507, %swap3A_508] {strides = array<i32>} : memref<64x768xf32, #tpu.memory_space<vmem>>, vector<16xf32>,
          tpu.vector_store %arg11[%swap3A_507, %swap3A_508], %gather3A_505 {strides = array<i32>} : memref<64x768xf32, #tpu.memory_space<vmem>>, vector<16xf32>,
          %gather3A_510 = arith.constant 576 : i32
          %gather3A_511 = tpu.memref_slice %arg10[%gather3A_510] : memref<1536xf32, #tpu.memory_space<vmem>> -> memref<32xf32, #tpu.memory_space<vmem>>
          %gather3A_512 = tpu.vector_load_idx %gather3A_511[%max3A_228] : memref<32xf32, #tpu.memory_space<vmem>>[vector<16xi32>], vector<16xf32>,
          %swap3A_513 = arith.constant 38 : i32
          %swap3A_514 = arith.index_cast %swap3A_513 : i32 to index
          %swap3A_515 = arith.index_cast %mul3A_180 : i32 to index
          %swap3A_516 = tpu.vector_load %arg11[%swap3A_514, %swap3A_515] {strides = array<i32>} : memref<64x768xf32, #tpu.memory_space<vmem>>, vector<16xf32>,
          tpu.vector_store %arg11[%swap3A_514, %swap3A_515], %gather3A_512 {strides = array<i32>} : memref<64x768xf32, #tpu.memory_space<vmem>>, vector<16xf32>,
          %gather3A_517 = arith.constant 672 : i32
          %gather3A_518 = tpu.memref_slice %arg10[%gather3A_517] : memref<1536xf32, #tpu.memory_space<vmem>> -> memref<32xf32, #tpu.memory_space<vmem>>
          %gather3A_519 = tpu.vector_load_idx %gather3A_518[%max3A_228] : memref<32xf32, #tpu.memory_space<vmem>>[vector<16xi32>], vector<16xf32>,
          %swap3A_520 = arith.constant 39 : i32
          %swap3A_521 = arith.index_cast %swap3A_520 : i32 to index
          %swap3A_522 = arith.index_cast %mul3A_180 : i32 to index
          %swap3A_523 = tpu.vector_load %arg11[%swap3A_521, %swap3A_522] {strides = array<i32>} : memref<64x768xf32, #tpu.memory_space<vmem>>, vector<16xf32>,
          tpu.vector_store %arg11[%swap3A_521, %swap3A_522], %gather3A_519 {strides = array<i32>} : memref<64x768xf32, #tpu.memory_space<vmem>>, vector<16xf32>,
          %gather3A_524 = arith.constant 768 : i32
          %gather3A_525 = tpu.memref_slice %arg10[%gather3A_524] : memref<1536xf32, #tpu.memory_space<vmem>> -> memref<32xf32, #tpu.memory_space<vmem>>
          %gather3A_526 = tpu.vector_load_idx %gather3A_525[%max3A_228] : memref<32xf32, #tpu.memory_space<vmem>>[vector<16xi32>], vector<16xf32>,
          %swap3A_527 = arith.constant 40 : i32
          %swap3A_528 = arith.index_cast %swap3A_527 : i32 to index
          %swap3A_529 = arith.index_cast %mul3A_180 : i32 to index
          %swap3A_530 = tpu.vector_load %arg11[%swap3A_528, %swap3A_529] {strides = array<i32>} : memref<64x768xf32, #tpu.memory_space<vmem>>, vector<16xf32>,
          tpu.vector_store %arg11[%swap3A_528, %swap3A_529], %gather3A_526 {strides = array<i32>} : memref<64x768xf32, #tpu.memory_space<vmem>>, vector<16xf32>,
          %gather3A_531 = arith.constant 864 : i32
          %gather3A_532 = tpu.memref_slice %arg10[%gather3A_531] : memref<1536xf32, #tpu.memory_space<vmem>> -> memref<32xf32, #tpu.memory_space<vmem>>
          %gather3A_533 = tpu.vector_load_idx %gather3A_532[%max3A_228] : memref<32xf32, #tpu.memory_space<vmem>>[vector<16xi32>], vector<16xf32>,
          %swap3A_534 = arith.constant 41 : i32
          %swap3A_535 = arith.index_cast %swap3A_534 : i32 to index
          %swap3A_536 = arith.index_cast %mul3A_180 : i32 to index
          %swap3A_537 = tpu.vector_load %arg11[%swap3A_535, %swap3A_536] {strides = array<i32>} : memref<64x768xf32, #tpu.memory_space<vmem>>, vector<16xf32>,
          tpu.vector_store %arg11[%swap3A_535, %swap3A_536], %gather3A_533 {strides = array<i32>} : memref<64x768xf32, #tpu.memory_space<vmem>>, vector<16xf32>,
          %gather3A_538 = arith.constant 960 : i32
          %gather3A_539 = tpu.memref_slice %arg10[%gather3A_538] : memref<1536xf32, #tpu.memory_space<vmem>> -> memref<32xf32, #tpu.memory_space<vmem>>
          %gather3A_540 = tpu.vector_load_idx %gather3A_539[%max3A_228] : memref<32xf32, #tpu.memory_space<vmem>>[vector<16xi32>], vector<16xf32>,
          %swap3A_541 = arith.constant 42 : i32
          %swap3A_542 = arith.index_cast %swap3A_541 : i32 to index
          %swap3A_543 = arith.index_cast %mul3A_180 : i32 to index
          %swap3A_544 = tpu.vector_load %arg11[%swap3A_542, %swap3A_543] {strides = array<i32>} : memref<64x768xf32, #tpu.memory_space<vmem>>, vector<16xf32>,
          tpu.vector_store %arg11[%swap3A_542, %swap3A_543], %gather3A_540 {strides = array<i32>} : memref<64x768xf32, #tpu.memory_space<vmem>>, vector<16xf32>,
          %gather3A_545 = arith.constant 1056 : i32
          %gather3A_546 = tpu.memref_slice %arg10[%gather3A_545] : memref<1536xf32, #tpu.memory_space<vmem>> -> memref<32xf32, #tpu.memory_space<vmem>>
          %gather3A_547 = tpu.vector_load_idx %gather3A_546[%max3A_228] : memref<32xf32, #tpu.memory_space<vmem>>[vector<16xi32>], vector<16xf32>,
          %swap3A_548 = arith.constant 43 : i32
          %swap3A_549 = arith.index_cast %swap3A_548 : i32 to index
          %swap3A_550 = arith.index_cast %mul3A_180 : i32 to index
          %swap3A_551 = tpu.vector_load %arg11[%swap3A_549, %swap3A_550] {strides = array<i32>} : memref<64x768xf32, #tpu.memory_space<vmem>>, vector<16xf32>,
          tpu.vector_store %arg11[%swap3A_549, %swap3A_550], %gather3A_547 {strides = array<i32>} : memref<64x768xf32, #tpu.memory_space<vmem>>, vector<16xf32>,
          %gather3A_552 = arith.constant 1152 : i32
          %gather3A_553 = tpu.memref_slice %arg10[%gather3A_552] : memref<1536xf32, #tpu.memory_space<vmem>> -> memref<32xf32, #tpu.memory_space<vmem>>
          %gather3A_554 = tpu.vector_load_idx %gather3A_553[%max3A_228] : memref<32xf32, #tpu.memory_space<vmem>>[vector<16xi32>], vector<16xf32>,
          %swap3A_555 = arith.constant 44 : i32
          %swap3A_556 = arith.index_cast %swap3A_555 : i32 to index
          %swap3A_557 = arith.index_cast %mul3A_180 : i32 to index
          %swap3A_558 = tpu.vector_load %arg11[%swap3A_556, %swap3A_557] {strides = array<i32>} : memref<64x768xf32, #tpu.memory_space<vmem>>, vector<16xf32>,
          tpu.vector_store %arg11[%swap3A_556, %swap3A_557], %gather3A_554 {strides = array<i32>} : memref<64x768xf32, #tpu.memory_space<vmem>>, vector<16xf32>,
          %gather3A_559 = arith.constant 1248 : i32
          %gather3A_560 = tpu.memref_slice %arg10[%gather3A_559] : memref<1536xf32, #tpu.memory_space<vmem>> -> memref<32xf32, #tpu.memory_space<vmem>>
          %gather3A_561 = tpu.vector_load_idx %gather3A_560[%max3A_228] : memref<32xf32, #tpu.memory_space<vmem>>[vector<16xi32>], vector<16xf32>,
          %swap3A_562 = arith.constant 45 : i32
          %swap3A_563 = arith.index_cast %swap3A_562 : i32 to index
          %swap3A_564 = arith.index_cast %mul3A_180 : i32 to index
          %swap3A_565 = tpu.vector_load %arg11[%swap3A_563, %swap3A_564] {strides = array<i32>} : memref<64x768xf32, #tpu.memory_space<vmem>>, vector<16xf32>,
          tpu.vector_store %arg11[%swap3A_563, %swap3A_564], %gather3A_561 {strides = array<i32>} : memref<64x768xf32, #tpu.memory_space<vmem>>, vector<16xf32>,
          %gather3A_566 = arith.constant 1344 : i32
          %gather3A_567 = tpu.memref_slice %arg10[%gather3A_566] : memref<1536xf32, #tpu.memory_space<vmem>> -> memref<32xf32, #tpu.memory_space<vmem>>
          %gather3A_568 = tpu.vector_load_idx %gather3A_567[%max3A_228] : memref<32xf32, #tpu.memory_space<vmem>>[vector<16xi32>], vector<16xf32>,
          %swap3A_569 = arith.constant 46 : i32
          %swap3A_570 = arith.index_cast %swap3A_569 : i32 to index
          %swap3A_571 = arith.index_cast %mul3A_180 : i32 to index
          %swap3A_572 = tpu.vector_load %arg11[%swap3A_570, %swap3A_571] {strides = array<i32>} : memref<64x768xf32, #tpu.memory_space<vmem>>, vector<16xf32>,
          tpu.vector_store %arg11[%swap3A_570, %swap3A_571], %gather3A_568 {strides = array<i32>} : memref<64x768xf32, #tpu.memory_space<vmem>>, vector<16xf32>,
          %gather3A_573 = arith.constant 1440 : i32
          %gather3A_574 = tpu.memref_slice %arg10[%gather3A_573] : memref<1536xf32, #tpu.memory_space<vmem>> -> memref<32xf32, #tpu.memory_space<vmem>>
          %gather3A_575 = tpu.vector_load_idx %gather3A_574[%max3A_228] : memref<32xf32, #tpu.memory_space<vmem>>[vector<16xi32>], vector<16xf32>,
          %swap3A_576 = arith.constant 47 : i32
          %swap3A_577 = arith.index_cast %swap3A_576 : i32 to index
          %swap3A_578 = arith.index_cast %mul3A_180 : i32 to index
          %swap3A_579 = tpu.vector_load %arg11[%swap3A_577, %swap3A_578] {strides = array<i32>} : memref<64x768xf32, #tpu.memory_space<vmem>>, vector<16xf32>,
          tpu.vector_store %arg11[%swap3A_577, %swap3A_578], %gather3A_575 {strides = array<i32>} : memref<64x768xf32, #tpu.memory_space<vmem>>, vector<16xf32>,
          %gather3A_580 = arith.constant 32 : i32
          %gather3A_581 = tpu.memref_slice %arg10[%gather3A_580] : memref<1536xf32, #tpu.memory_space<vmem>> -> memref<64xf32, #tpu.memory_space<vmem>>
          %gather3A_582 = tpu.vector_load_idx %gather3A_581[%max3A_245] : memref<64xf32, #tpu.memory_space<vmem>>[vector<16xi32>], vector<16xf32>,
          %swap3A_583 = arith.constant 48 : i32
          %swap3A_584 = arith.index_cast %swap3A_583 : i32 to index
          %swap3A_585 = arith.index_cast %mul3A_180 : i32 to index
          %swap3A_586 = tpu.vector_load %arg11[%swap3A_584, %swap3A_585] {strides = array<i32>} : memref<64x768xf32, #tpu.memory_space<vmem>>, vector<16xf32>,
          tpu.vector_store %arg11[%swap3A_584, %swap3A_585], %gather3A_582 {strides = array<i32>} : memref<64x768xf32, #tpu.memory_space<vmem>>, vector<16xf32>,
          %gather3A_587 = arith.constant 128 : i32
          %gather3A_588 = tpu.memref_slice %arg10[%gather3A_587] : memref<1536xf32, #tpu.memory_space<vmem>> -> memref<64xf32, #tpu.memory_space<vmem>>
          %gather3A_589 = tpu.vector_load_idx %gather3A_588[%max3A_245] : memref<64xf32, #tpu.memory_space<vmem>>[vector<16xi32>], vector<16xf32>,
          %swap3A_590 = arith.constant 49 : i32
          %swap3A_591 = arith.index_cast %swap3A_590 : i32 to index
          %swap3A_592 = arith.index_cast %mul3A_180 : i32 to index
          %swap3A_593 = tpu.vector_load %arg11[%swap3A_591, %swap3A_592] {strides = array<i32>} : memref<64x768xf32, #tpu.memory_space<vmem>>, vector<16xf32>,
          tpu.vector_store %arg11[%swap3A_591, %swap3A_592], %gather3A_589 {strides = array<i32>} : memref<64x768xf32, #tpu.memory_space<vmem>>, vector<16xf32>,
          %gather3A_594 = arith.constant 224 : i32
          %gather3A_595 = tpu.memref_slice %arg10[%gather3A_594] : memref<1536xf32, #tpu.memory_space<vmem>> -> memref<64xf32, #tpu.memory_space<vmem>>
          %gather3A_596 = tpu.vector_load_idx %gather3A_595[%max3A_245] : memref<64xf32, #tpu.memory_space<vmem>>[vector<16xi32>], vector<16xf32>,
          %swap3A_597 = arith.constant 50 : i32
          %swap3A_598 = arith.index_cast %swap3A_597 : i32 to index
          %swap3A_599 = arith.index_cast %mul3A_180 : i32 to index
          %swap3A_600 = tpu.vector_load %arg11[%swap3A_598, %swap3A_599] {strides = array<i32>} : memref<64x768xf32, #tpu.memory_space<vmem>>, vector<16xf32>,
          tpu.vector_store %arg11[%swap3A_598, %swap3A_599], %gather3A_596 {strides = array<i32>} : memref<64x768xf32, #tpu.memory_space<vmem>>, vector<16xf32>,
          %gather3A_601 = arith.constant 320 : i32
          %gather3A_602 = tpu.memref_slice %arg10[%gather3A_601] : memref<1536xf32, #tpu.memory_space<vmem>> -> memref<64xf32, #tpu.memory_space<vmem>>
          %gather3A_603 = tpu.vector_load_idx %gather3A_602[%max3A_245] : memref<64xf32, #tpu.memory_space<vmem>>[vector<16xi32>], vector<16xf32>,
          %swap3A_604 = arith.constant 51 : i32
          %swap3A_605 = arith.index_cast %swap3A_604 : i32 to index
          %swap3A_606 = arith.index_cast %mul3A_180 : i32 to index
          %swap3A_607 = tpu.vector_load %arg11[%swap3A_605, %swap3A_606] {strides = array<i32>} : memref<64x768xf32, #tpu.memory_space<vmem>>, vector<16xf32>,
          tpu.vector_store %arg11[%swap3A_605, %swap3A_606], %gather3A_603 {strides = array<i32>} : memref<64x768xf32, #tpu.memory_space<vmem>>, vector<16xf32>,
          %gather3A_608 = arith.constant 416 : i32
          %gather3A_609 = tpu.memref_slice %arg10[%gather3A_608] : memref<1536xf32, #tpu.memory_space<vmem>> -> memref<64xf32, #tpu.memory_space<vmem>>
          %gather3A_610 = tpu.vector_load_idx %gather3A_609[%max3A_245] : memref<64xf32, #tpu.memory_space<vmem>>[vector<16xi32>], vector<16xf32>,
          %swap3A_611 = arith.constant 52 : i32
          %swap3A_612 = arith.index_cast %swap3A_611 : i32 to index
          %swap3A_613 = arith.index_cast %mul3A_180 : i32 to index
          %swap3A_614 = tpu.vector_load %arg11[%swap3A_612, %swap3A_613] {strides = array<i32>} : memref<64x768xf32, #tpu.memory_space<vmem>>, vector<16xf32>,
          tpu.vector_store %arg11[%swap3A_612, %swap3A_613], %gather3A_610 {strides = array<i32>} : memref<64x768xf32, #tpu.memory_space<vmem>>, vector<16xf32>,
          %gather3A_615 = arith.constant 512 : i32
          %gather3A_616 = tpu.memref_slice %arg10[%gather3A_615] : memref<1536xf32, #tpu.memory_space<vmem>> -> memref<64xf32, #tpu.memory_space<vmem>>
          %gather3A_617 = tpu.vector_load_idx %gather3A_616[%max3A_245] : memref<64xf32, #tpu.memory_space<vmem>>[vector<16xi32>], vector<16xf32>,
          %swap3A_618 = arith.constant 53 : i32
          %swap3A_619 = arith.index_cast %swap3A_618 : i32 to index
          %swap3A_620 = arith.index_cast %mul3A_180 : i32 to index
          %swap3A_621 = tpu.vector_load %arg11[%swap3A_619, %swap3A_620] {strides = array<i32>} : memref<64x768xf32, #tpu.memory_space<vmem>>, vector<16xf32>,
          tpu.vector_store %arg11[%swap3A_619, %swap3A_620], %gather3A_617 {strides = array<i32>} : memref<64x768xf32, #tpu.memory_space<vmem>>, vector<16xf32>,
          %gather3A_622 = arith.constant 608 : i32
          %gather3A_623 = tpu.memref_slice %arg10[%gather3A_622] : memref<1536xf32, #tpu.memory_space<vmem>> -> memref<64xf32, #tpu.memory_space<vmem>>
          %gather3A_624 = tpu.vector_load_idx %gather3A_623[%max3A_245] : memref<64xf32, #tpu.memory_space<vmem>>[vector<16xi32>], vector<16xf32>,
          %swap3A_625 = arith.constant 54 : i32
          %swap3A_626 = arith.index_cast %swap3A_625 : i32 to index
          %swap3A_627 = arith.index_cast %mul3A_180 : i32 to index
          %swap3A_628 = tpu.vector_load %arg11[%swap3A_626, %swap3A_627] {strides = array<i32>} : memref<64x768xf32, #tpu.memory_space<vmem>>, vector<16xf32>,
          tpu.vector_store %arg11[%swap3A_626, %swap3A_627], %gather3A_624 {strides = array<i32>} : memref<64x768xf32, #tpu.memory_space<vmem>>, vector<16xf32>,
          %gather3A_629 = arith.constant 704 : i32
          %gather3A_630 = tpu.memref_slice %arg10[%gather3A_629] : memref<1536xf32, #tpu.memory_space<vmem>> -> memref<64xf32, #tpu.memory_space<vmem>>
          %gather3A_631 = tpu.vector_load_idx %gather3A_630[%max3A_245] : memref<64xf32, #tpu.memory_space<vmem>>[vector<16xi32>], vector<16xf32>,
          %swap3A_632 = arith.constant 55 : i32
          %swap3A_633 = arith.index_cast %swap3A_632 : i32 to index
          %swap3A_634 = arith.index_cast %mul3A_180 : i32 to index
          %swap3A_635 = tpu.vector_load %arg11[%swap3A_633, %swap3A_634] {strides = array<i32>} : memref<64x768xf32, #tpu.memory_space<vmem>>, vector<16xf32>,
          tpu.vector_store %arg11[%swap3A_633, %swap3A_634], %gather3A_631 {strides = array<i32>} : memref<64x768xf32, #tpu.memory_space<vmem>>, vector<16xf32>,
          %gather3A_636 = arith.constant 800 : i32
          %gather3A_637 = tpu.memref_slice %arg10[%gather3A_636] : memref<1536xf32, #tpu.memory_space<vmem>> -> memref<64xf32, #tpu.memory_space<vmem>>
          %gather3A_638 = tpu.vector_load_idx %gather3A_637[%max3A_245] : memref<64xf32, #tpu.memory_space<vmem>>[vector<16xi32>], vector<16xf32>,
          %swap3A_639 = arith.constant 56 : i32
          %swap3A_640 = arith.index_cast %swap3A_639 : i32 to index
          %swap3A_641 = arith.index_cast %mul3A_180 : i32 to index
          %swap3A_642 = tpu.vector_load %arg11[%swap3A_640, %swap3A_641] {strides = array<i32>} : memref<64x768xf32, #tpu.memory_space<vmem>>, vector<16xf32>,
          tpu.vector_store %arg11[%swap3A_640, %swap3A_641], %gather3A_638 {strides = array<i32>} : memref<64x768xf32, #tpu.memory_space<vmem>>, vector<16xf32>,
          %gather3A_643 = arith.constant 896 : i32
          %gather3A_644 = tpu.memref_slice %arg10[%gather3A_643] : memref<1536xf32, #tpu.memory_space<vmem>> -> memref<64xf32, #tpu.memory_space<vmem>>
          %gather3A_645 = tpu.vector_load_idx %gather3A_644[%max3A_245] : memref<64xf32, #tpu.memory_space<vmem>>[vector<16xi32>], vector<16xf32>,
          %swap3A_646 = arith.constant 57 : i32
          %swap3A_647 = arith.index_cast %swap3A_646 : i32 to index
          %swap3A_648 = arith.index_cast %mul3A_180 : i32 to index
          %swap3A_649 = tpu.vector_load %arg11[%swap3A_647, %swap3A_648] {strides = array<i32>} : memref<64x768xf32, #tpu.memory_space<vmem>>, vector<16xf32>,
          tpu.vector_store %arg11[%swap3A_647, %swap3A_648], %gather3A_645 {strides = array<i32>} : memref<64x768xf32, #tpu.memory_space<vmem>>, vector<16xf32>,
          %gather3A_650 = arith.constant 992 : i32
          %gather3A_651 = tpu.memref_slice %arg10[%gather3A_650] : memref<1536xf32, #tpu.memory_space<vmem>> -> memref<64xf32, #tpu.memory_space<vmem>>
          %gather3A_652 = tpu.vector_load_idx %gather3A_651[%max3A_245] : memref<64xf32, #tpu.memory_space<vmem>>[vector<16xi32>], vector<16xf32>,
          %swap3A_653 = arith.constant 58 : i32
          %swap3A_654 = arith.index_cast %swap3A_653 : i32 to index
          %swap3A_655 = arith.index_cast %mul3A_180 : i32 to index
          %swap3A_656 = tpu.vector_load %arg11[%swap3A_654, %swap3A_655] {strides = array<i32>} : memref<64x768xf32, #tpu.memory_space<vmem>>, vector<16xf32>,
          tpu.vector_store %arg11[%swap3A_654, %swap3A_655], %gather3A_652 {strides = array<i32>} : memref<64x768xf32, #tpu.memory_space<vmem>>, vector<16xf32>,
          %gather3A_657 = arith.constant 1088 : i32
          %gather3A_658 = tpu.memref_slice %arg10[%gather3A_657] : memref<1536xf32, #tpu.memory_space<vmem>> -> memref<64xf32, #tpu.memory_space<vmem>>
          %gather3A_659 = tpu.vector_load_idx %gather3A_658[%max3A_245] : memref<64xf32, #tpu.memory_space<vmem>>[vector<16xi32>], vector<16xf32>,
          %swap3A_660 = arith.constant 59 : i32
          %swap3A_661 = arith.index_cast %swap3A_660 : i32 to index
          %swap3A_662 = arith.index_cast %mul3A_180 : i32 to index
          %swap3A_663 = tpu.vector_load %arg11[%swap3A_661, %swap3A_662] {strides = array<i32>} : memref<64x768xf32, #tpu.memory_space<vmem>>, vector<16xf32>,
          tpu.vector_store %arg11[%swap3A_661, %swap3A_662], %gather3A_659 {strides = array<i32>} : memref<64x768xf32, #tpu.memory_space<vmem>>, vector<16xf32>,
          %gather3A_664 = arith.constant 1184 : i32
          %gather3A_665 = tpu.memref_slice %arg10[%gather3A_664] : memref<1536xf32, #tpu.memory_space<vmem>> -> memref<64xf32, #tpu.memory_space<vmem>>
          %gather3A_666 = tpu.vector_load_idx %gather3A_665[%max3A_245] : memref<64xf32, #tpu.memory_space<vmem>>[vector<16xi32>], vector<16xf32>,
          %swap3A_667 = arith.constant 60 : i32
          %swap3A_668 = arith.index_cast %swap3A_667 : i32 to index
          %swap3A_669 = arith.index_cast %mul3A_180 : i32 to index
          %swap3A_670 = tpu.vector_load %arg11[%swap3A_668, %swap3A_669] {strides = array<i32>} : memref<64x768xf32, #tpu.memory_space<vmem>>, vector<16xf32>,
          tpu.vector_store %arg11[%swap3A_668, %swap3A_669], %gather3A_666 {strides = array<i32>} : memref<64x768xf32, #tpu.memory_space<vmem>>, vector<16xf32>,
          %gather3A_671 = arith.constant 1280 : i32
          %gather3A_672 = tpu.memref_slice %arg10[%gather3A_671] : memref<1536xf32, #tpu.memory_space<vmem>> -> memref<64xf32, #tpu.memory_space<vmem>>
          %gather3A_673 = tpu.vector_load_idx %gather3A_672[%max3A_245] : memref<64xf32, #tpu.memory_space<vmem>>[vector<16xi32>], vector<16xf32>,
          %swap3A_674 = arith.constant 61 : i32
          %swap3A_675 = arith.index_cast %swap3A_674 : i32 to index
          %swap3A_676 = arith.index_cast %mul3A_180 : i32 to index
          %swap3A_677 = tpu.vector_load %arg11[%swap3A_675, %swap3A_676] {strides = array<i32>} : memref<64x768xf32, #tpu.memory_space<vmem>>, vector<16xf32>,
          tpu.vector_store %arg11[%swap3A_675, %swap3A_676], %gather3A_673 {strides = array<i32>} : memref<64x768xf32, #tpu.memory_space<vmem>>, vector<16xf32>,
          %gather3A_678 = arith.constant 1376 : i32
          %gather3A_679 = tpu.memref_slice %arg10[%gather3A_678] : memref<1536xf32, #tpu.memory_space<vmem>> -> memref<64xf32, #tpu.memory_space<vmem>>
          %gather3A_680 = tpu.vector_load_idx %gather3A_679[%max3A_245] : memref<64xf32, #tpu.memory_space<vmem>>[vector<16xi32>], vector<16xf32>,
          %swap3A_681 = arith.constant 62 : i32
          %swap3A_682 = arith.index_cast %swap3A_681 : i32 to index
          %swap3A_683 = arith.index_cast %mul3A_180 : i32 to index
          %swap3A_684 = tpu.vector_load %arg11[%swap3A_682, %swap3A_683] {strides = array<i32>} : memref<64x768xf32, #tpu.memory_space<vmem>>, vector<16xf32>,
          tpu.vector_store %arg11[%swap3A_682, %swap3A_683], %gather3A_680 {strides = array<i32>} : memref<64x768xf32, #tpu.memory_space<vmem>>, vector<16xf32>,
          %gather3A_685 = arith.constant 1472 : i32
          %gather3A_686 = tpu.memref_slice %arg10[%gather3A_685] : memref<1536xf32, #tpu.memory_space<vmem>> -> memref<64xf32, #tpu.memory_space<vmem>>
          %gather3A_687 = tpu.vector_load_idx %gather3A_686[%max3A_245] : memref<64xf32, #tpu.memory_space<vmem>>[vector<16xi32>], vector<16xf32>,
          %swap3A_688 = arith.constant 63 : i32
          %swap3A_689 = arith.index_cast %swap3A_688 : i32 to index
          %swap3A_690 = arith.index_cast %mul3A_180 : i32 to index
          %swap3A_691 = tpu.vector_load %arg11[%swap3A_689, %swap3A_690] {strides = array<i32>} : memref<64x768xf32, #tpu.memory_space<vmem>>, vector<16xf32>,
          tpu.vector_store %arg11[%swap3A_689, %swap3A_690], %gather3A_687 {strides = array<i32>} : memref<64x768xf32, #tpu.memory_space<vmem>>, vector<16xf32>,
          %scan3A_692 = arith.constant 1 : i32
          %scan3A_693 = arith.addi %scan3A_178, %scan3A_692 : i32
          %mul3A_694 = arith.constant 16 : i32
          %mul3A_695 = arith.muli %scan3A_693, %mul3A_694 : i32
          %add3A_696 = arith.constant 0 : i32
          %add3A_697 = arith.addi %add3A_696, %mul3A_695 : i32
          %get3A_698 = arith.index_cast %add3A_697 : i32 to index
          %get3A_699 = tpu.vector_load %arg8[%get3A_698] {strides = array<i32>} : memref<3072xf32, #tpu.memory_space<vmem>>, vector<16xf32>,
          %mul3A_700 = arith.constant 3.200000e+01 : f32
          %mul3A_701 = vector.broadcast %mul3A_700 : f32 to vector<16xf32>
          %mul3A_702 = arith.mulf %get3A_699, %mul3A_701 : vector<16xf32>
          %convert_element_type3A_703 = arith.fptosi %mul3A_702 : vector<16xf32> to vector<16xi32>
          %convert_element_type3A_704 = arith.sitofp %convert_element_type3A_703 : vector<16xi32> to vector<16xf32>
          %gt3A_705 = arith.cmpf ogt, %mul3A_702, %convert_element_type3A_704 : vector<16xf32>
          %sub3A_706 = arith.constant 1 : i32
          %sub3A_707 = vector.broadcast %sub3A_706 : i32 to vector<16xi32>
          %sub3A_708 = arith.subi %convert_element_type3A_703, %sub3A_707 : vector<16xi32>
          %select_n3A_709 = arith.select %gt3A_705, %convert_element_type3A_703, %sub3A_708 : vector<16xi1>, vector<16xi32>
          %max3A_710 = arith.constant 0 : i32
          %max3A_711 = vector.broadcast %max3A_710 : i32 to vector<16xi32>
          %max3A_712 = arith.maxsi %select_n3A_709, %max3A_711 : vector<16xi32>
          %add3A_713 = arith.constant 768 : i32
          %add3A_714 = arith.addi %add3A_713, %mul3A_695 : i32
          %get3A_715 = arith.index_cast %add3A_714 : i32 to index
          %get3A_716 = tpu.vector_load %arg8[%get3A_715] {strides = array<i32>} : memref<3072xf32, #tpu.memory_space<vmem>>, vector<16xf32>,
          %mul3A_717 = arith.constant 3.200000e+01 : f32
          %mul3A_718 = vector.broadcast %mul3A_717 : f32 to vector<16xf32>
          %mul3A_719 = arith.mulf %get3A_716, %mul3A_718 : vector<16xf32>
          %convert_element_type3A_720 = arith.fptosi %mul3A_719 : vector<16xf32> to vector<16xi32>
          %convert_element_type3A_721 = arith.sitofp %convert_element_type3A_720 : vector<16xi32> to vector<16xf32>
          %gt3A_722 = arith.cmpf ogt, %mul3A_719, %convert_element_type3A_721 : vector<16xf32>
          %sub3A_723 = arith.constant 1 : i32
          %sub3A_724 = vector.broadcast %sub3A_723 : i32 to vector<16xi32>
          %sub3A_725 = arith.subi %convert_element_type3A_720, %sub3A_724 : vector<16xi32>
          %select_n3A_726 = arith.select %gt3A_722, %convert_element_type3A_720, %sub3A_725 : vector<16xi1>, vector<16xi32>
          %max3A_727 = arith.constant 0 : i32
          %max3A_728 = vector.broadcast %max3A_727 : i32 to vector<16xi32>
          %max3A_729 = arith.maxsi %select_n3A_726, %max3A_728 : vector<16xi32>
          %add3A_730 = arith.constant 1536 : i32
          %add3A_731 = arith.addi %add3A_730, %mul3A_695 : i32
          %get3A_732 = arith.index_cast %add3A_731 : i32 to index
          %get3A_733 = tpu.vector_load %arg8[%get3A_732] {strides = array<i32>} : memref<3072xf32, #tpu.memory_space<vmem>>, vector<16xf32>,
          %mul3A_734 = arith.constant 3.200000e+01 : f32
          %mul3A_735 = vector.broadcast %mul3A_734 : f32 to vector<16xf32>
          %mul3A_736 = arith.mulf %get3A_733, %mul3A_735 : vector<16xf32>
          %convert_element_type3A_737 = arith.fptosi %mul3A_736 : vector<16xf32> to vector<16xi32>
          %convert_element_type3A_738 = arith.sitofp %convert_element_type3A_737 : vector<16xi32> to vector<16xf32>
          %gt3A_739 = arith.cmpf ogt, %mul3A_736, %convert_element_type3A_738 : vector<16xf32>
          %sub3A_740 = arith.constant 1 : i32
          %sub3A_741 = vector.broadcast %sub3A_740 : i32 to vector<16xi32>
          %sub3A_742 = arith.subi %convert_element_type3A_737, %sub3A_741 : vector<16xi32>
          %select_n3A_743 = arith.select %gt3A_739, %convert_element_type3A_737, %sub3A_742 : vector<16xi1>, vector<16xi32>
          %max3A_744 = arith.constant 0 : i32
          %max3A_745 = vector.broadcast %max3A_744 : i32 to vector<16xi32>
          %max3A_746 = arith.maxsi %select_n3A_743, %max3A_745 : vector<16xi32>
          %add3A_747 = arith.constant 2304 : i32
          %add3A_748 = arith.addi %add3A_747, %mul3A_695 : i32
          %get3A_749 = arith.index_cast %add3A_748 : i32 to index
          %get3A_750 = tpu.vector_load %arg8[%get3A_749] {strides = array<i32>} : memref<3072xf32, #tpu.memory_space<vmem>>, vector<16xf32>,
          %mul3A_751 = arith.constant 6.400000e+01 : f32
          %mul3A_752 = vector.broadcast %mul3A_751 : f32 to vector<16xf32>
          %mul3A_753 = arith.mulf %get3A_750, %mul3A_752 : vector<16xf32>
          %convert_element_type3A_754 = arith.fptosi %mul3A_753 : vector<16xf32> to vector<16xi32>
          %convert_element_type3A_755 = arith.sitofp %convert_element_type3A_754 : vector<16xi32> to vector<16xf32>
          %gt3A_756 = arith.cmpf ogt, %mul3A_753, %convert_element_type3A_755 : vector<16xf32>
          %sub3A_757 = arith.constant 1 : i32
          %sub3A_758 = vector.broadcast %sub3A_757 : i32 to vector<16xi32>
          %sub3A_759 = arith.subi %convert_element_type3A_754, %sub3A_758 : vector<16xi32>
          %select_n3A_760 = arith.select %gt3A_756, %convert_element_type3A_754, %sub3A_759 : vector<16xi1>, vector<16xi32>
          %max3A_761 = arith.constant 0 : i32
          %max3A_762 = vector.broadcast %max3A_761 : i32 to vector<16xi32>
          %max3A_763 = arith.maxsi %select_n3A_760, %max3A_762 : vector<16xi32>
          %gather3A_764 = arith.constant 0 : i32
          %gather3A_765 = tpu.memref_slice %arg10[%gather3A_764] : memref<1536xf32, #tpu.memory_space<vmem>> -> memref<32xf32, #tpu.memory_space<vmem>>
          %gather3A_766 = tpu.vector_load_idx %gather3A_765[%max3A_712] : memref<32xf32, #tpu.memory_space<vmem>>[vector<16xi32>], vector<16xf32>,
          %swap3A_767 = arith.constant 0 : i32
          %swap3A_768 = arith.index_cast %swap3A_767 : i32 to index
          %swap3A_769 = arith.index_cast %mul3A_695 : i32 to index
          %swap3A_770 = tpu.vector_load %arg11[%swap3A_768, %swap3A_769] {strides = array<i32>} : memref<64x768xf32, #tpu.memory_space<vmem>>, vector<16xf32>,
          tpu.vector_store %arg11[%swap3A_768, %swap3A_769], %gather3A_766 {strides = array<i32>} : memref<64x768xf32, #tpu.memory_space<vmem>>, vector<16xf32>,
          %gather3A_771 = arith.constant 96 : i32
          %gather3A_772 = tpu.memref_slice %arg10[%gather3A_771] : memref<1536xf32, #tpu.memory_space<vmem>> -> memref<32xf32, #tpu.memory_space<vmem>>
          %gather3A_773 = tpu.vector_load_idx %gather3A_772[%max3A_712] : memref<32xf32, #tpu.memory_space<vmem>>[vector<16xi32>], vector<16xf32>,
          %swap3A_774 = arith.constant 1 : i32
          %swap3A_775 = arith.index_cast %swap3A_774 : i32 to index
          %swap3A_776 = arith.index_cast %mul3A_695 : i32 to index
          %swap3A_777 = tpu.vector_load %arg11[%swap3A_775, %swap3A_776] {strides = array<i32>} : memref<64x768xf32, #tpu.memory_space<vmem>>, vector<16xf32>,
          tpu.vector_store %arg11[%swap3A_775, %swap3A_776], %gather3A_773 {strides = array<i32>} : memref<64x768xf32, #tpu.memory_space<vmem>>, vector<16xf32>,
          %gather3A_778 = arith.constant 192 : i32
          %gather3A_779 = tpu.memref_slice %arg10[%gather3A_778] : memref<1536xf32, #tpu.memory_space<vmem>> -> memref<32xf32, #tpu.memory_space<vmem>>
          %gather3A_780 = tpu.vector_load_idx %gather3A_779[%max3A_712] : memref<32xf32, #tpu.memory_space<vmem>>[vector<16xi32>], vector<16xf32>,
          %swap3A_781 = arith.constant 2 : i32
          %swap3A_782 = arith.index_cast %swap3A_781 : i32 to index
          %swap3A_783 = arith.index_cast %mul3A_695 : i32 to index
          %swap3A_784 = tpu.vector_load %arg11[%swap3A_782, %swap3A_783] {strides = array<i32>} : memref<64x768xf32, #tpu.memory_space<vmem>>, vector<16xf32>,
          tpu.vector_store %arg11[%swap3A_782, %swap3A_783], %gather3A_780 {strides = array<i32>} : memref<64x768xf32, #tpu.memory_space<vmem>>, vector<16xf32>,
          %gather3A_785 = arith.constant 288 : i32
          %gather3A_786 = tpu.memref_slice %arg10[%gather3A_785] : memref<1536xf32, #tpu.memory_space<vmem>> -> memref<32xf32, #tpu.memory_space<vmem>>
          %gather3A_787 = tpu.vector_load_idx %gather3A_786[%max3A_712] : memref<32xf32, #tpu.memory_space<vmem>>[vector<16xi32>], vector<16xf32>,
          %swap3A_788 = arith.constant 3 : i32
          %swap3A_789 = arith.index_cast %swap3A_788 : i32 to index
          %swap3A_790 = arith.index_cast %mul3A_695 : i32 to index
          %swap3A_791 = tpu.vector_load %arg11[%swap3A_789, %swap3A_790] {strides = array<i32>} : memref<64x768xf32, #tpu.memory_space<vmem>>, vector<16xf32>,
          tpu.vector_store %arg11[%swap3A_789, %swap3A_790], %gather3A_787 {strides = array<i32>} : memref<64x768xf32, #tpu.memory_space<vmem>>, vector<16xf32>,
          %gather3A_792 = arith.constant 384 : i32
          %gather3A_793 = tpu.memref_slice %arg10[%gather3A_792] : memref<1536xf32, #tpu.memory_space<vmem>> -> memref<32xf32, #tpu.memory_space<vmem>>
          %gather3A_794 = tpu.vector_load_idx %gather3A_793[%max3A_712] : memref<32xf32, #tpu.memory_space<vmem>>[vector<16xi32>], vector<16xf32>,
          %swap3A_795 = arith.constant 4 : i32
          %swap3A_796 = arith.index_cast %swap3A_795 : i32 to index
          %swap3A_797 = arith.index_cast %mul3A_695 : i32 to index
          %swap3A_798 = tpu.vector_load %arg11[%swap3A_796, %swap3A_797] {strides = array<i32>} : memref<64x768xf32, #tpu.memory_space<vmem>>, vector<16xf32>,
          tpu.vector_store %arg11[%swap3A_796, %swap3A_797], %gather3A_794 {strides = array<i32>} : memref<64x768xf32, #tpu.memory_space<vmem>>, vector<16xf32>,
          %gather3A_799 = arith.constant 480 : i32
          %gather3A_800 = tpu.memref_slice %arg10[%gather3A_799] : memref<1536xf32, #tpu.memory_space<vmem>> -> memref<32xf32, #tpu.memory_space<vmem>>
          %gather3A_801 = tpu.vector_load_idx %gather3A_800[%max3A_712] : memref<32xf32, #tpu.memory_space<vmem>>[vector<16xi32>], vector<16xf32>,
          %swap3A_802 = arith.constant 5 : i32
          %swap3A_803 = arith.index_cast %swap3A_802 : i32 to index
          %swap3A_804 = arith.index_cast %mul3A_695 : i32 to index
          %swap3A_805 = tpu.vector_load %arg11[%swap3A_803, %swap3A_804] {strides = array<i32>} : memref<64x768xf32, #tpu.memory_space<vmem>>, vector<16xf32>,
          tpu.vector_store %arg11[%swap3A_803, %swap3A_804], %gather3A_801 {strides = array<i32>} : memref<64x768xf32, #tpu.memory_space<vmem>>, vector<16xf32>,
          %gather3A_806 = arith.constant 576 : i32
          %gather3A_807 = tpu.memref_slice %arg10[%gather3A_806] : memref<1536xf32, #tpu.memory_space<vmem>> -> memref<32xf32, #tpu.memory_space<vmem>>
          %gather3A_808 = tpu.vector_load_idx %gather3A_807[%max3A_712] : memref<32xf32, #tpu.memory_space<vmem>>[vector<16xi32>], vector<16xf32>,
          %swap3A_809 = arith.constant 6 : i32
          %swap3A_810 = arith.index_cast %swap3A_809 : i32 to index
          %swap3A_811 = arith.index_cast %mul3A_695 : i32 to index
          %swap3A_812 = tpu.vector_load %arg11[%swap3A_810, %swap3A_811] {strides = array<i32>} : memref<64x768xf32, #tpu.memory_space<vmem>>, vector<16xf32>,
          tpu.vector_store %arg11[%swap3A_810, %swap3A_811], %gather3A_808 {strides = array<i32>} : memref<64x768xf32, #tpu.memory_space<vmem>>, vector<16xf32>,
          %gather3A_813 = arith.constant 672 : i32
          %gather3A_814 = tpu.memref_slice %arg10[%gather3A_813] : memref<1536xf32, #tpu.memory_space<vmem>> -> memref<32xf32, #tpu.memory_space<vmem>>
          %gather3A_815 = tpu.vector_load_idx %gather3A_814[%max3A_712] : memref<32xf32, #tpu.memory_space<vmem>>[vector<16xi32>], vector<16xf32>,
          %swap3A_816 = arith.constant 7 : i32
          %swap3A_817 = arith.index_cast %swap3A_816 : i32 to index
          %swap3A_818 = arith.index_cast %mul3A_695 : i32 to index
          %swap3A_819 = tpu.vector_load %arg11[%swap3A_817, %swap3A_818] {strides = array<i32>} : memref<64x768xf32, #tpu.memory_space<vmem>>, vector<16xf32>,
          tpu.vector_store %arg11[%swap3A_817, %swap3A_818], %gather3A_815 {strides = array<i32>} : memref<64x768xf32, #tpu.memory_space<vmem>>, vector<16xf32>,
          %gather3A_820 = arith.constant 768 : i32
          %gather3A_821 = tpu.memref_slice %arg10[%gather3A_820] : memref<1536xf32, #tpu.memory_space<vmem>> -> memref<32xf32, #tpu.memory_space<vmem>>
          %gather3A_822 = tpu.vector_load_idx %gather3A_821[%max3A_712] : memref<32xf32, #tpu.memory_space<vmem>>[vector<16xi32>], vector<16xf32>,
          %swap3A_823 = arith.constant 8 : i32
          %swap3A_824 = arith.index_cast %swap3A_823 : i32 to index
          %swap3A_825 = arith.index_cast %mul3A_695 : i32 to index
          %swap3A_826 = tpu.vector_load %arg11[%swap3A_824, %swap3A_825] {strides = array<i32>} : memref<64x768xf32, #tpu.memory_space<vmem>>, vector<16xf32>,
          tpu.vector_store %arg11[%swap3A_824, %swap3A_825], %gather3A_822 {strides = array<i32>} : memref<64x768xf32, #tpu.memory_space<vmem>>, vector<16xf32>,
          %gather3A_827 = arith.constant 864 : i32
          %gather3A_828 = tpu.memref_slice %arg10[%gather3A_827] : memref<1536xf32, #tpu.memory_space<vmem>> -> memref<32xf32, #tpu.memory_space<vmem>>
          %gather3A_829 = tpu.vector_load_idx %gather3A_828[%max3A_712] : memref<32xf32, #tpu.memory_space<vmem>>[vector<16xi32>], vector<16xf32>,
          %swap3A_830 = arith.constant 9 : i32
          %swap3A_831 = arith.index_cast %swap3A_830 : i32 to index
          %swap3A_832 = arith.index_cast %mul3A_695 : i32 to index
          %swap3A_833 = tpu.vector_load %arg11[%swap3A_831, %swap3A_832] {strides = array<i32>} : memref<64x768xf32, #tpu.memory_space<vmem>>, vector<16xf32>,
          tpu.vector_store %arg11[%swap3A_831, %swap3A_832], %gather3A_829 {strides = array<i32>} : memref<64x768xf32, #tpu.memory_space<vmem>>, vector<16xf32>,
          %gather3A_834 = arith.constant 960 : i32
          %gather3A_835 = tpu.memref_slice %arg10[%gather3A_834] : memref<1536xf32, #tpu.memory_space<vmem>> -> memref<32xf32, #tpu.memory_space<vmem>>
          %gather3A_836 = tpu.vector_load_idx %gather3A_835[%max3A_712] : memref<32xf32, #tpu.memory_space<vmem>>[vector<16xi32>], vector<16xf32>,
          %swap3A_837 = arith.constant 10 : i32
          %swap3A_838 = arith.index_cast %swap3A_837 : i32 to index
          %swap3A_839 = arith.index_cast %mul3A_695 : i32 to index
          %swap3A_840 = tpu.vector_load %arg11[%swap3A_838, %swap3A_839] {strides = array<i32>} : memref<64x768xf32, #tpu.memory_space<vmem>>, vector<16xf32>,
          tpu.vector_store %arg11[%swap3A_838, %swap3A_839], %gather3A_836 {strides = array<i32>} : memref<64x768xf32, #tpu.memory_space<vmem>>, vector<16xf32>,
          %gather3A_841 = arith.constant 1056 : i32
          %gather3A_842 = tpu.memref_slice %arg10[%gather3A_841] : memref<1536xf32, #tpu.memory_space<vmem>> -> memref<32xf32, #tpu.memory_space<vmem>>
          %gather3A_843 = tpu.vector_load_idx %gather3A_842[%max3A_712] : memref<32xf32, #tpu.memory_space<vmem>>[vector<16xi32>], vector<16xf32>,
          %swap3A_844 = arith.constant 11 : i32
          %swap3A_845 = arith.index_cast %swap3A_844 : i32 to index
          %swap3A_846 = arith.index_cast %mul3A_695 : i32 to index
          %swap3A_847 = tpu.vector_load %arg11[%swap3A_845, %swap3A_846] {strides = array<i32>} : memref<64x768xf32, #tpu.memory_space<vmem>>, vector<16xf32>,
          tpu.vector_store %arg11[%swap3A_845, %swap3A_846], %gather3A_843 {strides = array<i32>} : memref<64x768xf32, #tpu.memory_space<vmem>>, vector<16xf32>,
          %gather3A_848 = arith.constant 1152 : i32
          %gather3A_849 = tpu.memref_slice %arg10[%gather3A_848] : memref<1536xf32, #tpu.memory_space<vmem>> -> memref<32xf32, #tpu.memory_space<vmem>>
          %gather3A_850 = tpu.vector_load_idx %gather3A_849[%max3A_712] : memref<32xf32, #tpu.memory_space<vmem>>[vector<16xi32>], vector<16xf32>,
          %swap3A_851 = arith.constant 12 : i32
          %swap3A_852 = arith.index_cast %swap3A_851 : i32 to index
          %swap3A_853 = arith.index_cast %mul3A_695 : i32 to index
          %swap3A_854 = tpu.vector_load %arg11[%swap3A_852, %swap3A_853] {strides = array<i32>} : memref<64x768xf32, #tpu.memory_space<vmem>>, vector<16xf32>,
          tpu.vector_store %arg11[%swap3A_852, %swap3A_853], %gather3A_850 {strides = array<i32>} : memref<64x768xf32, #tpu.memory_space<vmem>>, vector<16xf32>,
          %gather3A_855 = arith.constant 1248 : i32
          %gather3A_856 = tpu.memref_slice %arg10[%gather3A_855] : memref<1536xf32, #tpu.memory_space<vmem>> -> memref<32xf32, #tpu.memory_space<vmem>>
          %gather3A_857 = tpu.vector_load_idx %gather3A_856[%max3A_712] : memref<32xf32, #tpu.memory_space<vmem>>[vector<16xi32>], vector<16xf32>,
          %swap3A_858 = arith.constant 13 : i32
          %swap3A_859 = arith.index_cast %swap3A_858 : i32 to index
          %swap3A_860 = arith.index_cast %mul3A_695 : i32 to index
          %swap3A_861 = tpu.vector_load %arg11[%swap3A_859, %swap3A_860] {strides = array<i32>} : memref<64x768xf32, #tpu.memory_space<vmem>>, vector<16xf32>,
          tpu.vector_store %arg11[%swap3A_859, %swap3A_860], %gather3A_857 {strides = array<i32>} : memref<64x768xf32, #tpu.memory_space<vmem>>, vector<16xf32>,
          %gather3A_862 = arith.constant 1344 : i32
          %gather3A_863 = tpu.memref_slice %arg10[%gather3A_862] : memref<1536xf32, #tpu.memory_space<vmem>> -> memref<32xf32, #tpu.memory_space<vmem>>
          %gather3A_864 = tpu.vector_load_idx %gather3A_863[%max3A_712] : memref<32xf32, #tpu.memory_space<vmem>>[vector<16xi32>], vector<16xf32>,
          %swap3A_865 = arith.constant 14 : i32
          %swap3A_866 = arith.index_cast %swap3A_865 : i32 to index
          %swap3A_867 = arith.index_cast %mul3A_695 : i32 to index
          %swap3A_868 = tpu.vector_load %arg11[%swap3A_866, %swap3A_867] {strides = array<i32>} : memref<64x768xf32, #tpu.memory_space<vmem>>, vector<16xf32>,
          tpu.vector_store %arg11[%swap3A_866, %swap3A_867], %gather3A_864 {strides = array<i32>} : memref<64x768xf32, #tpu.memory_space<vmem>>, vector<16xf32>,
          %gather3A_869 = arith.constant 1440 : i32
          %gather3A_870 = tpu.memref_slice %arg10[%gather3A_869] : memref<1536xf32, #tpu.memory_space<vmem>> -> memref<32xf32, #tpu.memory_space<vmem>>
          %gather3A_871 = tpu.vector_load_idx %gather3A_870[%max3A_712] : memref<32xf32, #tpu.memory_space<vmem>>[vector<16xi32>], vector<16xf32>,
          %swap3A_872 = arith.constant 15 : i32
          %swap3A_873 = arith.index_cast %swap3A_872 : i32 to index
          %swap3A_874 = arith.index_cast %mul3A_695 : i32 to index
          %swap3A_875 = tpu.vector_load %arg11[%swap3A_873, %swap3A_874] {strides = array<i32>} : memref<64x768xf32, #tpu.memory_space<vmem>>, vector<16xf32>,
          tpu.vector_store %arg11[%swap3A_873, %swap3A_874], %gather3A_871 {strides = array<i32>} : memref<64x768xf32, #tpu.memory_space<vmem>>, vector<16xf32>,
          %gather3A_876 = arith.constant 0 : i32
          %gather3A_877 = tpu.memref_slice %arg10[%gather3A_876] : memref<1536xf32, #tpu.memory_space<vmem>> -> memref<32xf32, #tpu.memory_space<vmem>>
          %gather3A_878 = tpu.vector_load_idx %gather3A_877[%max3A_729] : memref<32xf32, #tpu.memory_space<vmem>>[vector<16xi32>], vector<16xf32>,
          %swap3A_879 = arith.constant 16 : i32
          %swap3A_880 = arith.index_cast %swap3A_879 : i32 to index
          %swap3A_881 = arith.index_cast %mul3A_695 : i32 to index
          %swap3A_882 = tpu.vector_load %arg11[%swap3A_880, %swap3A_881] {strides = array<i32>} : memref<64x768xf32, #tpu.memory_space<vmem>>, vector<16xf32>,
          tpu.vector_store %arg11[%swap3A_880, %swap3A_881], %gather3A_878 {strides = array<i32>} : memref<64x768xf32, #tpu.memory_space<vmem>>, vector<16xf32>,
          %gather3A_883 = arith.constant 96 : i32
          %gather3A_884 = tpu.memref_slice %arg10[%gather3A_883] : memref<1536xf32, #tpu.memory_space<vmem>> -> memref<32xf32, #tpu.memory_space<vmem>>
          %gather3A_885 = tpu.vector_load_idx %gather3A_884[%max3A_729] : memref<32xf32, #tpu.memory_space<vmem>>[vector<16xi32>], vector<16xf32>,
          %swap3A_886 = arith.constant 17 : i32
          %swap3A_887 = arith.index_cast %swap3A_886 : i32 to index
          %swap3A_888 = arith.index_cast %mul3A_695 : i32 to index
          %swap3A_889 = tpu.vector_load %arg11[%swap3A_887, %swap3A_888] {strides = array<i32>} : memref<64x768xf32, #tpu.memory_space<vmem>>, vector<16xf32>,
          tpu.vector_store %arg11[%swap3A_887, %swap3A_888], %gather3A_885 {strides = array<i32>} : memref<64x768xf32, #tpu.memory_space<vmem>>, vector<16xf32>,
          %gather3A_890 = arith.constant 192 : i32
          %gather3A_891 = tpu.memref_slice %arg10[%gather3A_890] : memref<1536xf32, #tpu.memory_space<vmem>> -> memref<32xf32, #tpu.memory_space<vmem>>
          %gather3A_892 = tpu.vector_load_idx %gather3A_891[%max3A_729] : memref<32xf32, #tpu.memory_space<vmem>>[vector<16xi32>], vector<16xf32>,
          %swap3A_893 = arith.constant 18 : i32
          %swap3A_894 = arith.index_cast %swap3A_893 : i32 to index
          %swap3A_895 = arith.index_cast %mul3A_695 : i32 to index
          %swap3A_896 = tpu.vector_load %arg11[%swap3A_894, %swap3A_895] {strides = array<i32>} : memref<64x768xf32, #tpu.memory_space<vmem>>, vector<16xf32>,
          tpu.vector_store %arg11[%swap3A_894, %swap3A_895], %gather3A_892 {strides = array<i32>} : memref<64x768xf32, #tpu.memory_space<vmem>>, vector<16xf32>,
          %gather3A_897 = arith.constant 288 : i32
          %gather3A_898 = tpu.memref_slice %arg10[%gather3A_897] : memref<1536xf32, #tpu.memory_space<vmem>> -> memref<32xf32, #tpu.memory_space<vmem>>
          %gather3A_899 = tpu.vector_load_idx %gather3A_898[%max3A_729] : memref<32xf32, #tpu.memory_space<vmem>>[vector<16xi32>], vector<16xf32>,
          %swap3A_900 = arith.constant 19 : i32
          %swap3A_901 = arith.index_cast %swap3A_900 : i32 to index
          %swap3A_902 = arith.index_cast %mul3A_695 : i32 to index
          %swap3A_903 = tpu.vector_load %arg11[%swap3A_901, %swap3A_902] {strides = array<i32>} : memref<64x768xf32, #tpu.memory_space<vmem>>, vector<16xf32>,
          tpu.vector_store %arg11[%swap3A_901, %swap3A_902], %gather3A_899 {strides = array<i32>} : memref<64x768xf32, #tpu.memory_space<vmem>>, vector<16xf32>,
          %gather3A_904 = arith.constant 384 : i32
          %gather3A_905 = tpu.memref_slice %arg10[%gather3A_904] : memref<1536xf32, #tpu.memory_space<vmem>> -> memref<32xf32, #tpu.memory_space<vmem>>
          %gather3A_906 = tpu.vector_load_idx %gather3A_905[%max3A_729] : memref<32xf32, #tpu.memory_space<vmem>>[vector<16xi32>], vector<16xf32>,
          %swap3A_907 = arith.constant 20 : i32
          %swap3A_908 = arith.index_cast %swap3A_907 : i32 to index
          %swap3A_909 = arith.index_cast %mul3A_695 : i32 to index
          %swap3A_910 = tpu.vector_load %arg11[%swap3A_908, %swap3A_909] {strides = array<i32>} : memref<64x768xf32, #tpu.memory_space<vmem>>, vector<16xf32>,
          tpu.vector_store %arg11[%swap3A_908, %swap3A_909], %gather3A_906 {strides = array<i32>} : memref<64x768xf32, #tpu.memory_space<vmem>>, vector<16xf32>,
          %gather3A_911 = arith.constant 480 : i32
          %gather3A_912 = tpu.memref_slice %arg10[%gather3A_911] : memref<1536xf32, #tpu.memory_space<vmem>> -> memref<32xf32, #tpu.memory_space<vmem>>
          %gather3A_913 = tpu.vector_load_idx %gather3A_912[%max3A_729] : memref<32xf32, #tpu.memory_space<vmem>>[vector<16xi32>], vector<16xf32>,
          %swap3A_914 = arith.constant 21 : i32
          %swap3A_915 = arith.index_cast %swap3A_914 : i32 to index
          %swap3A_916 = arith.index_cast %mul3A_695 : i32 to index
          %swap3A_917 = tpu.vector_load %arg11[%swap3A_915, %swap3A_916] {strides = array<i32>} : memref<64x768xf32, #tpu.memory_space<vmem>>, vector<16xf32>,
          tpu.vector_store %arg11[%swap3A_915, %swap3A_916], %gather3A_913 {strides = array<i32>} : memref<64x768xf32, #tpu.memory_space<vmem>>, vector<16xf32>,
          %gather3A_918 = arith.constant 576 : i32
          %gather3A_919 = tpu.memref_slice %arg10[%gather3A_918] : memref<1536xf32, #tpu.memory_space<vmem>> -> memref<32xf32, #tpu.memory_space<vmem>>
          %gather3A_920 = tpu.vector_load_idx %gather3A_919[%max3A_729] : memref<32xf32, #tpu.memory_space<vmem>>[vector<16xi32>], vector<16xf32>,
          %swap3A_921 = arith.constant 22 : i32
          %swap3A_922 = arith.index_cast %swap3A_921 : i32 to index
          %swap3A_923 = arith.index_cast %mul3A_695 : i32 to index
          %swap3A_924 = tpu.vector_load %arg11[%swap3A_922, %swap3A_923] {strides = array<i32>} : memref<64x768xf32, #tpu.memory_space<vmem>>, vector<16xf32>,
          tpu.vector_store %arg11[%swap3A_922, %swap3A_923], %gather3A_920 {strides = array<i32>} : memref<64x768xf32, #tpu.memory_space<vmem>>, vector<16xf32>,
          %gather3A_925 = arith.constant 672 : i32
          %gather3A_926 = tpu.memref_slice %arg10[%gather3A_925] : memref<1536xf32, #tpu.memory_space<vmem>> -> memref<32xf32, #tpu.memory_space<vmem>>
          %gather3A_927 = tpu.vector_load_idx %gather3A_926[%max3A_729] : memref<32xf32, #tpu.memory_space<vmem>>[vector<16xi32>], vector<16xf32>,
          %swap3A_928 = arith.constant 23 : i32
          %swap3A_929 = arith.index_cast %swap3A_928 : i32 to index
          %swap3A_930 = arith.index_cast %mul3A_695 : i32 to index
          %swap3A_931 = tpu.vector_load %arg11[%swap3A_929, %swap3A_930] {strides = array<i32>} : memref<64x768xf32, #tpu.memory_space<vmem>>, vector<16xf32>,
          tpu.vector_store %arg11[%swap3A_929, %swap3A_930], %gather3A_927 {strides = array<i32>} : memref<64x768xf32, #tpu.memory_space<vmem>>, vector<16xf32>,
          %gather3A_932 = arith.constant 768 : i32
          %gather3A_933 = tpu.memref_slice %arg10[%gather3A_932] : memref<1536xf32, #tpu.memory_space<vmem>> -> memref<32xf32, #tpu.memory_space<vmem>>
          %gather3A_934 = tpu.vector_load_idx %gather3A_933[%max3A_729] : memref<32xf32, #tpu.memory_space<vmem>>[vector<16xi32>], vector<16xf32>,
          %swap3A_935 = arith.constant 24 : i32
          %swap3A_936 = arith.index_cast %swap3A_935 : i32 to index
          %swap3A_937 = arith.index_cast %mul3A_695 : i32 to index
          %swap3A_938 = tpu.vector_load %arg11[%swap3A_936, %swap3A_937] {strides = array<i32>} : memref<64x768xf32, #tpu.memory_space<vmem>>, vector<16xf32>,
          tpu.vector_store %arg11[%swap3A_936, %swap3A_937], %gather3A_934 {strides = array<i32>} : memref<64x768xf32, #tpu.memory_space<vmem>>, vector<16xf32>,
          %gather3A_939 = arith.constant 864 : i32
          %gather3A_940 = tpu.memref_slice %arg10[%gather3A_939] : memref<1536xf32, #tpu.memory_space<vmem>> -> memref<32xf32, #tpu.memory_space<vmem>>
          %gather3A_941 = tpu.vector_load_idx %gather3A_940[%max3A_729] : memref<32xf32, #tpu.memory_space<vmem>>[vector<16xi32>], vector<16xf32>,
          %swap3A_942 = arith.constant 25 : i32
          %swap3A_943 = arith.index_cast %swap3A_942 : i32 to index
          %swap3A_944 = arith.index_cast %mul3A_695 : i32 to index
          %swap3A_945 = tpu.vector_load %arg11[%swap3A_943, %swap3A_944] {strides = array<i32>} : memref<64x768xf32, #tpu.memory_space<vmem>>, vector<16xf32>,
          tpu.vector_store %arg11[%swap3A_943, %swap3A_944], %gather3A_941 {strides = array<i32>} : memref<64x768xf32, #tpu.memory_space<vmem>>, vector<16xf32>,
          %gather3A_946 = arith.constant 960 : i32
          %gather3A_947 = tpu.memref_slice %arg10[%gather3A_946] : memref<1536xf32, #tpu.memory_space<vmem>> -> memref<32xf32, #tpu.memory_space<vmem>>
          %gather3A_948 = tpu.vector_load_idx %gather3A_947[%max3A_729] : memref<32xf32, #tpu.memory_space<vmem>>[vector<16xi32>], vector<16xf32>,
          %swap3A_949 = arith.constant 26 : i32
          %swap3A_950 = arith.index_cast %swap3A_949 : i32 to index
          %swap3A_951 = arith.index_cast %mul3A_695 : i32 to index
          %swap3A_952 = tpu.vector_load %arg11[%swap3A_950, %swap3A_951] {strides = array<i32>} : memref<64x768xf32, #tpu.memory_space<vmem>>, vector<16xf32>,
          tpu.vector_store %arg11[%swap3A_950, %swap3A_951], %gather3A_948 {strides = array<i32>} : memref<64x768xf32, #tpu.memory_space<vmem>>, vector<16xf32>,
          %gather3A_953 = arith.constant 1056 : i32
          %gather3A_954 = tpu.memref_slice %arg10[%gather3A_953] : memref<1536xf32, #tpu.memory_space<vmem>> -> memref<32xf32, #tpu.memory_space<vmem>>
          %gather3A_955 = tpu.vector_load_idx %gather3A_954[%max3A_729] : memref<32xf32, #tpu.memory_space<vmem>>[vector<16xi32>], vector<16xf32>,
          %swap3A_956 = arith.constant 27 : i32
          %swap3A_957 = arith.index_cast %swap3A_956 : i32 to index
          %swap3A_958 = arith.index_cast %mul3A_695 : i32 to index
          %swap3A_959 = tpu.vector_load %arg11[%swap3A_957, %swap3A_958] {strides = array<i32>} : memref<64x768xf32, #tpu.memory_space<vmem>>, vector<16xf32>,
          tpu.vector_store %arg11[%swap3A_957, %swap3A_958], %gather3A_955 {strides = array<i32>} : memref<64x768xf32, #tpu.memory_space<vmem>>, vector<16xf32>,
          %gather3A_960 = arith.constant 1152 : i32
          %gather3A_961 = tpu.memref_slice %arg10[%gather3A_960] : memref<1536xf32, #tpu.memory_space<vmem>> -> memref<32xf32, #tpu.memory_space<vmem>>
          %gather3A_962 = tpu.vector_load_idx %gather3A_961[%max3A_729] : memref<32xf32, #tpu.memory_space<vmem>>[vector<16xi32>], vector<16xf32>,
          %swap3A_963 = arith.constant 28 : i32
          %swap3A_964 = arith.index_cast %swap3A_963 : i32 to index
          %swap3A_965 = arith.index_cast %mul3A_695 : i32 to index
          %swap3A_966 = tpu.vector_load %arg11[%swap3A_964, %swap3A_965] {strides = array<i32>} : memref<64x768xf32, #tpu.memory_space<vmem>>, vector<16xf32>,
          tpu.vector_store %arg11[%swap3A_964, %swap3A_965], %gather3A_962 {strides = array<i32>} : memref<64x768xf32, #tpu.memory_space<vmem>>, vector<16xf32>,
          %gather3A_967 = arith.constant 1248 : i32
          %gather3A_968 = tpu.memref_slice %arg10[%gather3A_967] : memref<1536xf32, #tpu.memory_space<vmem>> -> memref<32xf32, #tpu.memory_space<vmem>>
          %gather3A_969 = tpu.vector_load_idx %gather3A_968[%max3A_729] : memref<32xf32, #tpu.memory_space<vmem>>[vector<16xi32>], vector<16xf32>,
          %swap3A_970 = arith.constant 29 : i32
          %swap3A_971 = arith.index_cast %swap3A_970 : i32 to index
          %swap3A_972 = arith.index_cast %mul3A_695 : i32 to index
          %swap3A_973 = tpu.vector_load %arg11[%swap3A_971, %swap3A_972] {strides = array<i32>} : memref<64x768xf32, #tpu.memory_space<vmem>>, vector<16xf32>,
          tpu.vector_store %arg11[%swap3A_971, %swap3A_972], %gather3A_969 {strides = array<i32>} : memref<64x768xf32, #tpu.memory_space<vmem>>, vector<16xf32>,
          %gather3A_974 = arith.constant 1344 : i32
          %gather3A_975 = tpu.memref_slice %arg10[%gather3A_974] : memref<1536xf32, #tpu.memory_space<vmem>> -> memref<32xf32, #tpu.memory_space<vmem>>
          %gather3A_976 = tpu.vector_load_idx %gather3A_975[%max3A_729] : memref<32xf32, #tpu.memory_space<vmem>>[vector<16xi32>], vector<16xf32>,
          %swap3A_977 = arith.constant 30 : i32
          %swap3A_978 = arith.index_cast %swap3A_977 : i32 to index
          %swap3A_979 = arith.index_cast %mul3A_695 : i32 to index
          %swap3A_980 = tpu.vector_load %arg11[%swap3A_978, %swap3A_979] {strides = array<i32>} : memref<64x768xf32, #tpu.memory_space<vmem>>, vector<16xf32>,
          tpu.vector_store %arg11[%swap3A_978, %swap3A_979], %gather3A_976 {strides = array<i32>} : memref<64x768xf32, #tpu.memory_space<vmem>>, vector<16xf32>,
          %gather3A_981 = arith.constant 1440 : i32
          %gather3A_982 = tpu.memref_slice %arg10[%gather3A_981] : memref<1536xf32, #tpu.memory_space<vmem>> -> memref<32xf32, #tpu.memory_space<vmem>>
          %gather3A_983 = tpu.vector_load_idx %gather3A_982[%max3A_729] : memref<32xf32, #tpu.memory_space<vmem>>[vector<16xi32>], vector<16xf32>,
          %swap3A_984 = arith.constant 31 : i32
          %swap3A_985 = arith.index_cast %swap3A_984 : i32 to index
          %swap3A_986 = arith.index_cast %mul3A_695 : i32 to index
          %swap3A_987 = tpu.vector_load %arg11[%swap3A_985, %swap3A_986] {strides = array<i32>} : memref<64x768xf32, #tpu.memory_space<vmem>>, vector<16xf32>,
          tpu.vector_store %arg11[%swap3A_985, %swap3A_986], %gather3A_983 {strides = array<i32>} : memref<64x768xf32, #tpu.memory_space<vmem>>, vector<16xf32>,
          %gather3A_988 = arith.constant 0 : i32
          %gather3A_989 = tpu.memref_slice %arg10[%gather3A_988] : memref<1536xf32, #tpu.memory_space<vmem>> -> memref<32xf32, #tpu.memory_space<vmem>>
          %gather3A_990 = tpu.vector_load_idx %gather3A_989[%max3A_746] : memref<32xf32, #tpu.memory_space<vmem>>[vector<16xi32>], vector<16xf32>,
          %swap3A_991 = arith.constant 32 : i32
          %swap3A_992 = arith.index_cast %swap3A_991 : i32 to index
          %swap3A_993 = arith.index_cast %mul3A_695 : i32 to index
          %swap3A_994 = tpu.vector_load %arg11[%swap3A_992, %swap3A_993] {strides = array<i32>} : memref<64x768xf32, #tpu.memory_space<vmem>>, vector<16xf32>,
          tpu.vector_store %arg11[%swap3A_992, %swap3A_993], %gather3A_990 {strides = array<i32>} : memref<64x768xf32, #tpu.memory_space<vmem>>, vector<16xf32>,
          %gather3A_995 = arith.constant 96 : i32
          %gather3A_996 = tpu.memref_slice %arg10[%gather3A_995] : memref<1536xf32, #tpu.memory_space<vmem>> -> memref<32xf32, #tpu.memory_space<vmem>>
          %gather3A_997 = tpu.vector_load_idx %gather3A_996[%max3A_746] : memref<32xf32, #tpu.memory_space<vmem>>[vector<16xi32>], vector<16xf32>,
          %swap3A_998 = arith.constant 33 : i32
          %swap3A_999 = arith.index_cast %swap3A_998 : i32 to index
          %swap3A_1000 = arith.index_cast %mul3A_695 : i32 to index
          %swap3A_1001 = tpu.vector_load %arg11[%swap3A_999, %swap3A_1000] {strides = array<i32>} : memref<64x768xf32, #tpu.memory_space<vmem>>, vector<16xf32>,
          tpu.vector_store %arg11[%swap3A_999, %swap3A_1000], %gather3A_997 {strides = array<i32>} : memref<64x768xf32, #tpu.memory_space<vmem>>, vector<16xf32>,
          %gather3A_1002 = arith.constant 192 : i32
          %gather3A_1003 = tpu.memref_slice %arg10[%gather3A_1002] : memref<1536xf32, #tpu.memory_space<vmem>> -> memref<32xf32, #tpu.memory_space<vmem>>
          %gather3A_1004 = tpu.vector_load_idx %gather3A_1003[%max3A_746] : memref<32xf32, #tpu.memory_space<vmem>>[vector<16xi32>], vector<16xf32>,
          %swap3A_1005 = arith.constant 34 : i32
          %swap3A_1006 = arith.index_cast %swap3A_1005 : i32 to index
          %swap3A_1007 = arith.index_cast %mul3A_695 : i32 to index
          %swap3A_1008 = tpu.vector_load %arg11[%swap3A_1006, %swap3A_1007] {strides = array<i32>} : memref<64x768xf32, #tpu.memory_space<vmem>>, vector<16xf32>,
          tpu.vector_store %arg11[%swap3A_1006, %swap3A_1007], %gather3A_1004 {strides = array<i32>} : memref<64x768xf32, #tpu.memory_space<vmem>>, vector<16xf32>,
          %gather3A_1009 = arith.constant 288 : i32
          %gather3A_1010 = tpu.memref_slice %arg10[%gather3A_1009] : memref<1536xf32, #tpu.memory_space<vmem>> -> memref<32xf32, #tpu.memory_space<vmem>>
          %gather3A_1011 = tpu.vector_load_idx %gather3A_1010[%max3A_746] : memref<32xf32, #tpu.memory_space<vmem>>[vector<16xi32>], vector<16xf32>,
          %swap3A_1012 = arith.constant 35 : i32
          %swap3A_1013 = arith.index_cast %swap3A_1012 : i32 to index
          %swap3A_1014 = arith.index_cast %mul3A_695 : i32 to index
          %swap3A_1015 = tpu.vector_load %arg11[%swap3A_1013, %swap3A_1014] {strides = array<i32>} : memref<64x768xf32, #tpu.memory_space<vmem>>, vector<16xf32>,
          tpu.vector_store %arg11[%swap3A_1013, %swap3A_1014], %gather3A_1011 {strides = array<i32>} : memref<64x768xf32, #tpu.memory_space<vmem>>, vector<16xf32>,
          %gather3A_1016 = arith.constant 384 : i32
          %gather3A_1017 = tpu.memref_slice %arg10[%gather3A_1016] : memref<1536xf32, #tpu.memory_space<vmem>> -> memref<32xf32, #tpu.memory_space<vmem>>
          %gather3A_1018 = tpu.vector_load_idx %gather3A_1017[%max3A_746] : memref<32xf32, #tpu.memory_space<vmem>>[vector<16xi32>], vector<16xf32>,
          %swap3A_1019 = arith.constant 36 : i32
          %swap3A_1020 = arith.index_cast %swap3A_1019 : i32 to index
          %swap3A_1021 = arith.index_cast %mul3A_695 : i32 to index
          %swap3A_1022 = tpu.vector_load %arg11[%swap3A_1020, %swap3A_1021] {strides = array<i32>} : memref<64x768xf32, #tpu.memory_space<vmem>>, vector<16xf32>,
          tpu.vector_store %arg11[%swap3A_1020, %swap3A_1021], %gather3A_1018 {strides = array<i32>} : memref<64x768xf32, #tpu.memory_space<vmem>>, vector<16xf32>,
          %gather3A_1023 = arith.constant 480 : i32
          %gather3A_1024 = tpu.memref_slice %arg10[%gather3A_1023] : memref<1536xf32, #tpu.memory_space<vmem>> -> memref<32xf32, #tpu.memory_space<vmem>>
          %gather3A_1025 = tpu.vector_load_idx %gather3A_1024[%max3A_746] : memref<32xf32, #tpu.memory_space<vmem>>[vector<16xi32>], vector<16xf32>,
          %swap3A_1026 = arith.constant 37 : i32
          %swap3A_1027 = arith.index_cast %swap3A_1026 : i32 to index
          %swap3A_1028 = arith.index_cast %mul3A_695 : i32 to index
          %swap3A_1029 = tpu.vector_load %arg11[%swap3A_1027, %swap3A_1028] {strides = array<i32>} : memref<64x768xf32, #tpu.memory_space<vmem>>, vector<16xf32>,
          tpu.vector_store %arg11[%swap3A_1027, %swap3A_1028], %gather3A_1025 {strides = array<i32>} : memref<64x768xf32, #tpu.memory_space<vmem>>, vector<16xf32>,
          %gather3A_1030 = arith.constant 576 : i32
          %gather3A_1031 = tpu.memref_slice %arg10[%gather3A_1030] : memref<1536xf32, #tpu.memory_space<vmem>> -> memref<32xf32, #tpu.memory_space<vmem>>
          %gather3A_1032 = tpu.vector_load_idx %gather3A_1031[%max3A_746] : memref<32xf32, #tpu.memory_space<vmem>>[vector<16xi32>], vector<16xf32>,
          %swap3A_1033 = arith.constant 38 : i32
          %swap3A_1034 = arith.index_cast %swap3A_1033 : i32 to index
          %swap3A_1035 = arith.index_cast %mul3A_695 : i32 to index
          %swap3A_1036 = tpu.vector_load %arg11[%swap3A_1034, %swap3A_1035] {strides = array<i32>} : memref<64x768xf32, #tpu.memory_space<vmem>>, vector<16xf32>,
          tpu.vector_store %arg11[%swap3A_1034, %swap3A_1035], %gather3A_1032 {strides = array<i32>} : memref<64x768xf32, #tpu.memory_space<vmem>>, vector<16xf32>,
          %gather3A_1037 = arith.constant 672 : i32
          %gather3A_1038 = tpu.memref_slice %arg10[%gather3A_1037] : memref<1536xf32, #tpu.memory_space<vmem>> -> memref<32xf32, #tpu.memory_space<vmem>>
          %gather3A_1039 = tpu.vector_load_idx %gather3A_1038[%max3A_746] : memref<32xf32, #tpu.memory_space<vmem>>[vector<16xi32>], vector<16xf32>,
          %swap3A_1040 = arith.constant 39 : i32
          %swap3A_1041 = arith.index_cast %swap3A_1040 : i32 to index
          %swap3A_1042 = arith.index_cast %mul3A_695 : i32 to index
          %swap3A_1043 = tpu.vector_load %arg11[%swap3A_1041, %swap3A_1042] {strides = array<i32>} : memref<64x768xf32, #tpu.memory_space<vmem>>, vector<16xf32>,
          tpu.vector_store %arg11[%swap3A_1041, %swap3A_1042], %gather3A_1039 {strides = array<i32>} : memref<64x768xf32, #tpu.memory_space<vmem>>, vector<16xf32>,
          %gather3A_1044 = arith.constant 768 : i32
          %gather3A_1045 = tpu.memref_slice %arg10[%gather3A_1044] : memref<1536xf32, #tpu.memory_space<vmem>> -> memref<32xf32, #tpu.memory_space<vmem>>
          %gather3A_1046 = tpu.vector_load_idx %gather3A_1045[%max3A_746] : memref<32xf32, #tpu.memory_space<vmem>>[vector<16xi32>], vector<16xf32>,
          %swap3A_1047 = arith.constant 40 : i32
          %swap3A_1048 = arith.index_cast %swap3A_1047 : i32 to index
          %swap3A_1049 = arith.index_cast %mul3A_695 : i32 to index
          %swap3A_1050 = tpu.vector_load %arg11[%swap3A_1048, %swap3A_1049] {strides = array<i32>} : memref<64x768xf32, #tpu.memory_space<vmem>>, vector<16xf32>,
          tpu.vector_store %arg11[%swap3A_1048, %swap3A_1049], %gather3A_1046 {strides = array<i32>} : memref<64x768xf32, #tpu.memory_space<vmem>>, vector<16xf32>,
          %gather3A_1051 = arith.constant 864 : i32
          %gather3A_1052 = tpu.memref_slice %arg10[%gather3A_1051] : memref<1536xf32, #tpu.memory_space<vmem>> -> memref<32xf32, #tpu.memory_space<vmem>>
          %gather3A_1053 = tpu.vector_load_idx %gather3A_1052[%max3A_746] : memref<32xf32, #tpu.memory_space<vmem>>[vector<16xi32>], vector<16xf32>,
          %swap3A_1054 = arith.constant 41 : i32
          %swap3A_1055 = arith.index_cast %swap3A_1054 : i32 to index
          %swap3A_1056 = arith.index_cast %mul3A_695 : i32 to index
          %swap3A_1057 = tpu.vector_load %arg11[%swap3A_1055, %swap3A_1056] {strides = array<i32>} : memref<64x768xf32, #tpu.memory_space<vmem>>, vector<16xf32>,
          tpu.vector_store %arg11[%swap3A_1055, %swap3A_1056], %gather3A_1053 {strides = array<i32>} : memref<64x768xf32, #tpu.memory_space<vmem>>, vector<16xf32>,
          %gather3A_1058 = arith.constant 960 : i32
          %gather3A_1059 = tpu.memref_slice %arg10[%gather3A_1058] : memref<1536xf32, #tpu.memory_space<vmem>> -> memref<32xf32, #tpu.memory_space<vmem>>
          %gather3A_1060 = tpu.vector_load_idx %gather3A_1059[%max3A_746] : memref<32xf32, #tpu.memory_space<vmem>>[vector<16xi32>], vector<16xf32>,
          %swap3A_1061 = arith.constant 42 : i32
          %swap3A_1062 = arith.index_cast %swap3A_1061 : i32 to index
          %swap3A_1063 = arith.index_cast %mul3A_695 : i32 to index
          %swap3A_1064 = tpu.vector_load %arg11[%swap3A_1062, %swap3A_1063] {strides = array<i32>} : memref<64x768xf32, #tpu.memory_space<vmem>>, vector<16xf32>,
          tpu.vector_store %arg11[%swap3A_1062, %swap3A_1063], %gather3A_1060 {strides = array<i32>} : memref<64x768xf32, #tpu.memory_space<vmem>>, vector<16xf32>,
          %gather3A_1065 = arith.constant 1056 : i32
          %gather3A_1066 = tpu.memref_slice %arg10[%gather3A_1065] : memref<1536xf32, #tpu.memory_space<vmem>> -> memref<32xf32, #tpu.memory_space<vmem>>
          %gather3A_1067 = tpu.vector_load_idx %gather3A_1066[%max3A_746] : memref<32xf32, #tpu.memory_space<vmem>>[vector<16xi32>], vector<16xf32>,
          %swap3A_1068 = arith.constant 43 : i32
          %swap3A_1069 = arith.index_cast %swap3A_1068 : i32 to index
          %swap3A_1070 = arith.index_cast %mul3A_695 : i32 to index
          %swap3A_1071 = tpu.vector_load %arg11[%swap3A_1069, %swap3A_1070] {strides = array<i32>} : memref<64x768xf32, #tpu.memory_space<vmem>>, vector<16xf32>,
          tpu.vector_store %arg11[%swap3A_1069, %swap3A_1070], %gather3A_1067 {strides = array<i32>} : memref<64x768xf32, #tpu.memory_space<vmem>>, vector<16xf32>,
          %gather3A_1072 = arith.constant 1152 : i32
          %gather3A_1073 = tpu.memref_slice %arg10[%gather3A_1072] : memref<1536xf32, #tpu.memory_space<vmem>> -> memref<32xf32, #tpu.memory_space<vmem>>
          %gather3A_1074 = tpu.vector_load_idx %gather3A_1073[%max3A_746] : memref<32xf32, #tpu.memory_space<vmem>>[vector<16xi32>], vector<16xf32>,
          %swap3A_1075 = arith.constant 44 : i32
          %swap3A_1076 = arith.index_cast %swap3A_1075 : i32 to index
          %swap3A_1077 = arith.index_cast %mul3A_695 : i32 to index
          %swap3A_1078 = tpu.vector_load %arg11[%swap3A_1076, %swap3A_1077] {strides = array<i32>} : memref<64x768xf32, #tpu.memory_space<vmem>>, vector<16xf32>,
          tpu.vector_store %arg11[%swap3A_1076, %swap3A_1077], %gather3A_1074 {strides = array<i32>} : memref<64x768xf32, #tpu.memory_space<vmem>>, vector<16xf32>,
          %gather3A_1079 = arith.constant 1248 : i32
          %gather3A_1080 = tpu.memref_slice %arg10[%gather3A_1079] : memref<1536xf32, #tpu.memory_space<vmem>> -> memref<32xf32, #tpu.memory_space<vmem>>
          %gather3A_1081 = tpu.vector_load_idx %gather3A_1080[%max3A_746] : memref<32xf32, #tpu.memory_space<vmem>>[vector<16xi32>], vector<16xf32>,
          %swap3A_1082 = arith.constant 45 : i32
          %swap3A_1083 = arith.index_cast %swap3A_1082 : i32 to index
          %swap3A_1084 = arith.index_cast %mul3A_695 : i32 to index
          %swap3A_1085 = tpu.vector_load %arg11[%swap3A_1083, %swap3A_1084] {strides = array<i32>} : memref<64x768xf32, #tpu.memory_space<vmem>>, vector<16xf32>,
          tpu.vector_store %arg11[%swap3A_1083, %swap3A_1084], %gather3A_1081 {strides = array<i32>} : memref<64x768xf32, #tpu.memory_space<vmem>>, vector<16xf32>,
          %gather3A_1086 = arith.constant 1344 : i32
          %gather3A_1087 = tpu.memref_slice %arg10[%gather3A_1086] : memref<1536xf32, #tpu.memory_space<vmem>> -> memref<32xf32, #tpu.memory_space<vmem>>
          %gather3A_1088 = tpu.vector_load_idx %gather3A_1087[%max3A_746] : memref<32xf32, #tpu.memory_space<vmem>>[vector<16xi32>], vector<16xf32>,
          %swap3A_1089 = arith.constant 46 : i32
          %swap3A_1090 = arith.index_cast %swap3A_1089 : i32 to index
          %swap3A_1091 = arith.index_cast %mul3A_695 : i32 to index
          %swap3A_1092 = tpu.vector_load %arg11[%swap3A_1090, %swap3A_1091] {strides = array<i32>} : memref<64x768xf32, #tpu.memory_space<vmem>>, vector<16xf32>,
          tpu.vector_store %arg11[%swap3A_1090, %swap3A_1091], %gather3A_1088 {strides = array<i32>} : memref<64x768xf32, #tpu.memory_space<vmem>>, vector<16xf32>,
          %gather3A_1093 = arith.constant 1440 : i32
          %gather3A_1094 = tpu.memref_slice %arg10[%gather3A_1093] : memref<1536xf32, #tpu.memory_space<vmem>> -> memref<32xf32, #tpu.memory_space<vmem>>
          %gather3A_1095 = tpu.vector_load_idx %gather3A_1094[%max3A_746] : memref<32xf32, #tpu.memory_space<vmem>>[vector<16xi32>], vector<16xf32>,
          %swap3A_1096 = arith.constant 47 : i32
          %swap3A_1097 = arith.index_cast %swap3A_1096 : i32 to index
          %swap3A_1098 = arith.index_cast %mul3A_695 : i32 to index
          %swap3A_1099 = tpu.vector_load %arg11[%swap3A_1097, %swap3A_1098] {strides = array<i32>} : memref<64x768xf32, #tpu.memory_space<vmem>>, vector<16xf32>,
          tpu.vector_store %arg11[%swap3A_1097, %swap3A_1098], %gather3A_1095 {strides = array<i32>} : memref<64x768xf32, #tpu.memory_space<vmem>>, vector<16xf32>,
          %gather3A_1100 = arith.constant 32 : i32
          %gather3A_1101 = tpu.memref_slice %arg10[%gather3A_1100] : memref<1536xf32, #tpu.memory_space<vmem>> -> memref<64xf32, #tpu.memory_space<vmem>>
          %gather3A_1102 = tpu.vector_load_idx %gather3A_1101[%max3A_763] : memref<64xf32, #tpu.memory_space<vmem>>[vector<16xi32>], vector<16xf32>,
          %swap3A_1103 = arith.constant 48 : i32
          %swap3A_1104 = arith.index_cast %swap3A_1103 : i32 to index
          %swap3A_1105 = arith.index_cast %mul3A_695 : i32 to index
          %swap3A_1106 = tpu.vector_load %arg11[%swap3A_1104, %swap3A_1105] {strides = array<i32>} : memref<64x768xf32, #tpu.memory_space<vmem>>, vector<16xf32>,
          tpu.vector_store %arg11[%swap3A_1104, %swap3A_1105], %gather3A_1102 {strides = array<i32>} : memref<64x768xf32, #tpu.memory_space<vmem>>, vector<16xf32>,
          %gather3A_1107 = arith.constant 128 : i32
          %gather3A_1108 = tpu.memref_slice %arg10[%gather3A_1107] : memref<1536xf32, #tpu.memory_space<vmem>> -> memref<64xf32, #tpu.memory_space<vmem>>
          %gather3A_1109 = tpu.vector_load_idx %gather3A_1108[%max3A_763] : memref<64xf32, #tpu.memory_space<vmem>>[vector<16xi32>], vector<16xf32>,
          %swap3A_1110 = arith.constant 49 : i32
          %swap3A_1111 = arith.index_cast %swap3A_1110 : i32 to index
          %swap3A_1112 = arith.index_cast %mul3A_695 : i32 to index
          %swap3A_1113 = tpu.vector_load %arg11[%swap3A_1111, %swap3A_1112] {strides = array<i32>} : memref<64x768xf32, #tpu.memory_space<vmem>>, vector<16xf32>,
          tpu.vector_store %arg11[%swap3A_1111, %swap3A_1112], %gather3A_1109 {strides = array<i32>} : memref<64x768xf32, #tpu.memory_space<vmem>>, vector<16xf32>,
          %gather3A_1114 = arith.constant 224 : i32
          %gather3A_1115 = tpu.memref_slice %arg10[%gather3A_1114] : memref<1536xf32, #tpu.memory_space<vmem>> -> memref<64xf32, #tpu.memory_space<vmem>>
          %gather3A_1116 = tpu.vector_load_idx %gather3A_1115[%max3A_763] : memref<64xf32, #tpu.memory_space<vmem>>[vector<16xi32>], vector<16xf32>,
          %swap3A_1117 = arith.constant 50 : i32
          %swap3A_1118 = arith.index_cast %swap3A_1117 : i32 to index
          %swap3A_1119 = arith.index_cast %mul3A_695 : i32 to index
          %swap3A_1120 = tpu.vector_load %arg11[%swap3A_1118, %swap3A_1119] {strides = array<i32>} : memref<64x768xf32, #tpu.memory_space<vmem>>, vector<16xf32>,
          tpu.vector_store %arg11[%swap3A_1118, %swap3A_1119], %gather3A_1116 {strides = array<i32>} : memref<64x768xf32, #tpu.memory_space<vmem>>, vector<16xf32>,
          %gather3A_1121 = arith.constant 320 : i32
          %gather3A_1122 = tpu.memref_slice %arg10[%gather3A_1121] : memref<1536xf32, #tpu.memory_space<vmem>> -> memref<64xf32, #tpu.memory_space<vmem>>
          %gather3A_1123 = tpu.vector_load_idx %gather3A_1122[%max3A_763] : memref<64xf32, #tpu.memory_space<vmem>>[vector<16xi32>], vector<16xf32>,
          %swap3A_1124 = arith.constant 51 : i32
          %swap3A_1125 = arith.index_cast %swap3A_1124 : i32 to index
          %swap3A_1126 = arith.index_cast %mul3A_695 : i32 to index
          %swap3A_1127 = tpu.vector_load %arg11[%swap3A_1125, %swap3A_1126] {strides = array<i32>} : memref<64x768xf32, #tpu.memory_space<vmem>>, vector<16xf32>,
          tpu.vector_store %arg11[%swap3A_1125, %swap3A_1126], %gather3A_1123 {strides = array<i32>} : memref<64x768xf32, #tpu.memory_space<vmem>>, vector<16xf32>,
          %gather3A_1128 = arith.constant 416 : i32
          %gather3A_1129 = tpu.memref_slice %arg10[%gather3A_1128] : memref<1536xf32, #tpu.memory_space<vmem>> -> memref<64xf32, #tpu.memory_space<vmem>>
          %gather3A_1130 = tpu.vector_load_idx %gather3A_1129[%max3A_763] : memref<64xf32, #tpu.memory_space<vmem>>[vector<16xi32>], vector<16xf32>,
          %swap3A_1131 = arith.constant 52 : i32
          %swap3A_1132 = arith.index_cast %swap3A_1131 : i32 to index
          %swap3A_1133 = arith.index_cast %mul3A_695 : i32 to index
          %swap3A_1134 = tpu.vector_load %arg11[%swap3A_1132, %swap3A_1133] {strides = array<i32>} : memref<64x768xf32, #tpu.memory_space<vmem>>, vector<16xf32>,
          tpu.vector_store %arg11[%swap3A_1132, %swap3A_1133], %gather3A_1130 {strides = array<i32>} : memref<64x768xf32, #tpu.memory_space<vmem>>, vector<16xf32>,
          %gather3A_1135 = arith.constant 512 : i32
          %gather3A_1136 = tpu.memref_slice %arg10[%gather3A_1135] : memref<1536xf32, #tpu.memory_space<vmem>> -> memref<64xf32, #tpu.memory_space<vmem>>
          %gather3A_1137 = tpu.vector_load_idx %gather3A_1136[%max3A_763] : memref<64xf32, #tpu.memory_space<vmem>>[vector<16xi32>], vector<16xf32>,
          %swap3A_1138 = arith.constant 53 : i32
          %swap3A_1139 = arith.index_cast %swap3A_1138 : i32 to index
          %swap3A_1140 = arith.index_cast %mul3A_695 : i32 to index
          %swap3A_1141 = tpu.vector_load %arg11[%swap3A_1139, %swap3A_1140] {strides = array<i32>} : memref<64x768xf32, #tpu.memory_space<vmem>>, vector<16xf32>,
          tpu.vector_store %arg11[%swap3A_1139, %swap3A_1140], %gather3A_1137 {strides = array<i32>} : memref<64x768xf32, #tpu.memory_space<vmem>>, vector<16xf32>,
          %gather3A_1142 = arith.constant 608 : i32
          %gather3A_1143 = tpu.memref_slice %arg10[%gather3A_1142] : memref<1536xf32, #tpu.memory_space<vmem>> -> memref<64xf32, #tpu.memory_space<vmem>>
          %gather3A_1144 = tpu.vector_load_idx %gather3A_1143[%max3A_763] : memref<64xf32, #tpu.memory_space<vmem>>[vector<16xi32>], vector<16xf32>,
          %swap3A_1145 = arith.constant 54 : i32
          %swap3A_1146 = arith.index_cast %swap3A_1145 : i32 to index
          %swap3A_1147 = arith.index_cast %mul3A_695 : i32 to index
          %swap3A_1148 = tpu.vector_load %arg11[%swap3A_1146, %swap3A_1147] {strides = array<i32>} : memref<64x768xf32, #tpu.memory_space<vmem>>, vector<16xf32>,
          tpu.vector_store %arg11[%swap3A_1146, %swap3A_1147], %gather3A_1144 {strides = array<i32>} : memref<64x768xf32, #tpu.memory_space<vmem>>, vector<16xf32>,
          %gather3A_1149 = arith.constant 704 : i32
          %gather3A_1150 = tpu.memref_slice %arg10[%gather3A_1149] : memref<1536xf32, #tpu.memory_space<vmem>> -> memref<64xf32, #tpu.memory_space<vmem>>
          %gather3A_1151 = tpu.vector_load_idx %gather3A_1150[%max3A_763] : memref<64xf32, #tpu.memory_space<vmem>>[vector<16xi32>], vector<16xf32>,
          %swap3A_1152 = arith.constant 55 : i32
          %swap3A_1153 = arith.index_cast %swap3A_1152 : i32 to index
          %swap3A_1154 = arith.index_cast %mul3A_695 : i32 to index
          %swap3A_1155 = tpu.vector_load %arg11[%swap3A_1153, %swap3A_1154] {strides = array<i32>} : memref<64x768xf32, #tpu.memory_space<vmem>>, vector<16xf32>,
          tpu.vector_store %arg11[%swap3A_1153, %swap3A_1154], %gather3A_1151 {strides = array<i32>} : memref<64x768xf32, #tpu.memory_space<vmem>>, vector<16xf32>,
          %gather3A_1156 = arith.constant 800 : i32
          %gather3A_1157 = tpu.memref_slice %arg10[%gather3A_1156] : memref<1536xf32, #tpu.memory_space<vmem>> -> memref<64xf32, #tpu.memory_space<vmem>>
          %gather3A_1158 = tpu.vector_load_idx %gather3A_1157[%max3A_763] : memref<64xf32, #tpu.memory_space<vmem>>[vector<16xi32>], vector<16xf32>,
          %swap3A_1159 = arith.constant 56 : i32
          %swap3A_1160 = arith.index_cast %swap3A_1159 : i32 to index
          %swap3A_1161 = arith.index_cast %mul3A_695 : i32 to index
          %swap3A_1162 = tpu.vector_load %arg11[%swap3A_1160, %swap3A_1161] {strides = array<i32>} : memref<64x768xf32, #tpu.memory_space<vmem>>, vector<16xf32>,
          tpu.vector_store %arg11[%swap3A_1160, %swap3A_1161], %gather3A_1158 {strides = array<i32>} : memref<64x768xf32, #tpu.memory_space<vmem>>, vector<16xf32>,
          %gather3A_1163 = arith.constant 896 : i32
          %gather3A_1164 = tpu.memref_slice %arg10[%gather3A_1163] : memref<1536xf32, #tpu.memory_space<vmem>> -> memref<64xf32, #tpu.memory_space<vmem>>
          %gather3A_1165 = tpu.vector_load_idx %gather3A_1164[%max3A_763] : memref<64xf32, #tpu.memory_space<vmem>>[vector<16xi32>], vector<16xf32>,
          %swap3A_1166 = arith.constant 57 : i32
          %swap3A_1167 = arith.index_cast %swap3A_1166 : i32 to index
          %swap3A_1168 = arith.index_cast %mul3A_695 : i32 to index
          %swap3A_1169 = tpu.vector_load %arg11[%swap3A_1167, %swap3A_1168] {strides = array<i32>} : memref<64x768xf32, #tpu.memory_space<vmem>>, vector<16xf32>,
          tpu.vector_store %arg11[%swap3A_1167, %swap3A_1168], %gather3A_1165 {strides = array<i32>} : memref<64x768xf32, #tpu.memory_space<vmem>>, vector<16xf32>,
          %gather3A_1170 = arith.constant 992 : i32
          %gather3A_1171 = tpu.memref_slice %arg10[%gather3A_1170] : memref<1536xf32, #tpu.memory_space<vmem>> -> memref<64xf32, #tpu.memory_space<vmem>>
          %gather3A_1172 = tpu.vector_load_idx %gather3A_1171[%max3A_763] : memref<64xf32, #tpu.memory_space<vmem>>[vector<16xi32>], vector<16xf32>,
          %swap3A_1173 = arith.constant 58 : i32
          %swap3A_1174 = arith.index_cast %swap3A_1173 : i32 to index
          %swap3A_1175 = arith.index_cast %mul3A_695 : i32 to index
          %swap3A_1176 = tpu.vector_load %arg11[%swap3A_1174, %swap3A_1175] {strides = array<i32>} : memref<64x768xf32, #tpu.memory_space<vmem>>, vector<16xf32>,
          tpu.vector_store %arg11[%swap3A_1174, %swap3A_1175], %gather3A_1172 {strides = array<i32>} : memref<64x768xf32, #tpu.memory_space<vmem>>, vector<16xf32>,
          %gather3A_1177 = arith.constant 1088 : i32
          %gather3A_1178 = tpu.memref_slice %arg10[%gather3A_1177] : memref<1536xf32, #tpu.memory_space<vmem>> -> memref<64xf32, #tpu.memory_space<vmem>>
          %gather3A_1179 = tpu.vector_load_idx %gather3A_1178[%max3A_763] : memref<64xf32, #tpu.memory_space<vmem>>[vector<16xi32>], vector<16xf32>,
          %swap3A_1180 = arith.constant 59 : i32
          %swap3A_1181 = arith.index_cast %swap3A_1180 : i32 to index
          %swap3A_1182 = arith.index_cast %mul3A_695 : i32 to index
          %swap3A_1183 = tpu.vector_load %arg11[%swap3A_1181, %swap3A_1182] {strides = array<i32>} : memref<64x768xf32, #tpu.memory_space<vmem>>, vector<16xf32>,
          tpu.vector_store %arg11[%swap3A_1181, %swap3A_1182], %gather3A_1179 {strides = array<i32>} : memref<64x768xf32, #tpu.memory_space<vmem>>, vector<16xf32>,
          %gather3A_1184 = arith.constant 1184 : i32
          %gather3A_1185 = tpu.memref_slice %arg10[%gather3A_1184] : memref<1536xf32, #tpu.memory_space<vmem>> -> memref<64xf32, #tpu.memory_space<vmem>>
          %gather3A_1186 = tpu.vector_load_idx %gather3A_1185[%max3A_763] : memref<64xf32, #tpu.memory_space<vmem>>[vector<16xi32>], vector<16xf32>,
          %swap3A_1187 = arith.constant 60 : i32
          %swap3A_1188 = arith.index_cast %swap3A_1187 : i32 to index
          %swap3A_1189 = arith.index_cast %mul3A_695 : i32 to index
          %swap3A_1190 = tpu.vector_load %arg11[%swap3A_1188, %swap3A_1189] {strides = array<i32>} : memref<64x768xf32, #tpu.memory_space<vmem>>, vector<16xf32>,
          tpu.vector_store %arg11[%swap3A_1188, %swap3A_1189], %gather3A_1186 {strides = array<i32>} : memref<64x768xf32, #tpu.memory_space<vmem>>, vector<16xf32>,
          %gather3A_1191 = arith.constant 1280 : i32
          %gather3A_1192 = tpu.memref_slice %arg10[%gather3A_1191] : memref<1536xf32, #tpu.memory_space<vmem>> -> memref<64xf32, #tpu.memory_space<vmem>>
          %gather3A_1193 = tpu.vector_load_idx %gather3A_1192[%max3A_763] : memref<64xf32, #tpu.memory_space<vmem>>[vector<16xi32>], vector<16xf32>,
          %swap3A_1194 = arith.constant 61 : i32
          %swap3A_1195 = arith.index_cast %swap3A_1194 : i32 to index
          %swap3A_1196 = arith.index_cast %mul3A_695 : i32 to index
          %swap3A_1197 = tpu.vector_load %arg11[%swap3A_1195, %swap3A_1196] {strides = array<i32>} : memref<64x768xf32, #tpu.memory_space<vmem>>, vector<16xf32>,
          tpu.vector_store %arg11[%swap3A_1195, %swap3A_1196], %gather3A_1193 {strides = array<i32>} : memref<64x768xf32, #tpu.memory_space<vmem>>, vector<16xf32>,
          %gather3A_1198 = arith.constant 1376 : i32
          %gather3A_1199 = tpu.memref_slice %arg10[%gather3A_1198] : memref<1536xf32, #tpu.memory_space<vmem>> -> memref<64xf32, #tpu.memory_space<vmem>>
          %gather3A_1200 = tpu.vector_load_idx %gather3A_1199[%max3A_763] : memref<64xf32, #tpu.memory_space<vmem>>[vector<16xi32>], vector<16xf32>,
          %swap3A_1201 = arith.constant 62 : i32
          %swap3A_1202 = arith.index_cast %swap3A_1201 : i32 to index
          %swap3A_1203 = arith.index_cast %mul3A_695 : i32 to index
          %swap3A_1204 = tpu.vector_load %arg11[%swap3A_1202, %swap3A_1203] {strides = array<i32>} : memref<64x768xf32, #tpu.memory_space<vmem>>, vector<16xf32>,
          tpu.vector_store %arg11[%swap3A_1202, %swap3A_1203], %gather3A_1200 {strides = array<i32>} : memref<64x768xf32, #tpu.memory_space<vmem>>, vector<16xf32>,
          %gather3A_1205 = arith.constant 1472 : i32
          %gather3A_1206 = tpu.memref_slice %arg10[%gather3A_1205] : memref<1536xf32, #tpu.memory_space<vmem>> -> memref<64xf32, #tpu.memory_space<vmem>>
          %gather3A_1207 = tpu.vector_load_idx %gather3A_1206[%max3A_763] : memref<64xf32, #tpu.memory_space<vmem>>[vector<16xi32>], vector<16xf32>,
          %swap3A_1208 = arith.constant 63 : i32
          %swap3A_1209 = arith.index_cast %swap3A_1208 : i32 to index
          %swap3A_1210 = arith.index_cast %mul3A_695 : i32 to index
          %swap3A_1211 = tpu.vector_load %arg11[%swap3A_1209, %swap3A_1210] {strides = array<i32>} : memref<64x768xf32, #tpu.memory_space<vmem>>, vector<16xf32>,
          tpu.vector_store %arg11[%swap3A_1209, %swap3A_1210], %gather3A_1207 {strides = array<i32>} : memref<64x768xf32, #tpu.memory_space<vmem>>, vector<16xf32>,
        }
        %scan3A_170 = arith.constant 48 : i32
        %mul3A_171 = arith.constant 768 : i32
        %mul3A_172 = arith.muli %add3A_111, %mul3A_171 : i32
        %multiple_of3A_173 = tpu.assume_multiple %mul3A_172, 768 : i32
        %dma_start3A_174 = arith.constant 0 : i32
        %dma_start3A_175 = tpu.memref_slice %arg7[%dma_start3A_174, %multiple_of3A_173] : memref<64x1000000xf32, #tpu.memory_space<hbm>> -> memref<64x768xf32, #tpu.memory_space<hbm>>
        %dma_start3A_176 = arith.constant 0 : i32
        %dma_start3A_177 = tpu.memref_slice %arg7[%dma_start3A_176, %multiple_of3A_173] : memref<64x1000000xf32, #tpu.memory_space<hbm>> -> memref<64x768xf32, #tpu.memory_space<hbm>>
        tpu.enqueue_dma source(%arg11 : memref<64x768xf32, #tpu.memory_space<vmem>>) target(%dma_start3A_177 : memref<64x768xf32, #tpu.memory_space<hbm>>) target_semaphore(%arg15 : memref<!tpu.dma_semaphore, #tpu.memory_space<semaphore_mem>>)
      } else {
      }
      %mul3A_115 = arith.constant 2 : i32
      %mul3A_116 = arith.muli %mul3A_115, %scan3A_104 : i32
      %add3A_117 = arith.constant 1 : i32
      %add3A_118 = arith.addi %mul3A_116, %add3A_117 : i32
      %mul3A_119 = arith.constant 32 : i32
      %mul3A_120 = arith.muli %add3A_118, %mul3A_119 : i32
      %add3A_121 = arith.addi %add3A, %mul3A_120 : i32
      %lt3A_122 = arith.constant 1302 : i32
      %lt3A_123 = arith.cmpi slt, %add3A_121, %lt3A_122 : i32
      %convert_element_type3A_124 = arith.extui %lt3A_123 : i1 to i32
      %cond3A_125 = arith.constant 0 : i32
      %cond3A_126 = arith.cmpi ne, %convert_element_type3A_124, %cond3A_125 : i32
      scf.if %cond3A_126 {
        %add3A_127 = arith.constant 32 : i32
        %add3A_128 = arith.addi %add3A_121, %add3A_127 : i32
        %lt3A_129 = arith.constant 1302 : i32
        %lt3A_130 = arith.cmpi slt, %add3A_128, %lt3A_129 : i32
        %convert_element_type3A_131 = arith.extui %lt3A_130 : i1 to i32
        %cond3A_132 = arith.constant 0 : i32
        %cond3A_133 = arith.cmpi ne, %convert_element_type3A_131, %cond3A_132 : i32
        scf.if %cond3A_133 {
          %mul3A_178 = arith.constant 768 : i32
          %mul3A_179 = arith.muli %add3A_128, %mul3A_178 : i32
          %multiple_of3A_180 = tpu.assume_multiple %mul3A_179, 768 : i32
          %dma_start3A_181 = arith.constant 0 : i32
          %dma_start3A_182 = tpu.memref_slice %arg8[%dma_start3A_181] : memref<3072xf32, #tpu.memory_space<vmem>> -> memref<768xf32, #tpu.memory_space<vmem>>
          %dma_start3A_183 = tpu.memref_slice %arg3[%multiple_of3A_180] : memref<1000000xf32, #tpu.memory_space<hbm>> -> memref<768xf32, #tpu.memory_space<hbm>>
          %dma_start3A_184 = arith.constant 0 : i32
          %dma_start3A_185 = tpu.memref_slice %arg8[%dma_start3A_184] : memref<3072xf32, #tpu.memory_space<vmem>> -> memref<768xf32, #tpu.memory_space<vmem>>
          %dma_start3A_186 = tpu.memref_slice %arg3[%multiple_of3A_180] : memref<1000000xf32, #tpu.memory_space<hbm>> -> memref<768xf32, #tpu.memory_space<hbm>>
          tpu.enqueue_dma source(%dma_start3A_186 : memref<768xf32, #tpu.memory_space<hbm>>) target(%dma_start3A_185 : memref<768xf32, #tpu.memory_space<vmem>>) target_semaphore(%arg13 : memref<!tpu.dma_semaphore, #tpu.memory_space<semaphore_mem>>)
          %dma_start3A_187 = arith.constant 768 : i32
          %dma_start3A_188 = tpu.memref_slice %arg8[%dma_start3A_187] : memref<3072xf32, #tpu.memory_space<vmem>> -> memref<768xf32, #tpu.memory_space<vmem>>
          %dma_start3A_189 = tpu.memref_slice %arg4[%multiple_of3A_180] : memref<1000000xf32, #tpu.memory_space<hbm>> -> memref<768xf32, #tpu.memory_space<hbm>>
          %dma_start3A_190 = arith.constant 768 : i32
          %dma_start3A_191 = tpu.memref_slice %arg8[%dma_start3A_190] : memref<3072xf32, #tpu.memory_space<vmem>> -> memref<768xf32, #tpu.memory_space<vmem>>
          %dma_start3A_192 = tpu.memref_slice %arg4[%multiple_of3A_180] : memref<1000000xf32, #tpu.memory_space<hbm>> -> memref<768xf32, #tpu.memory_space<hbm>>
          tpu.enqueue_dma source(%dma_start3A_192 : memref<768xf32, #tpu.memory_space<hbm>>) target(%dma_start3A_191 : memref<768xf32, #tpu.memory_space<vmem>>) target_semaphore(%arg13 : memref<!tpu.dma_semaphore, #tpu.memory_space<semaphore_mem>>)
          %dma_start3A_193 = arith.constant 1536 : i32
          %dma_start3A_194 = tpu.memref_slice %arg8[%dma_start3A_193] : memref<3072xf32, #tpu.memory_space<vmem>> -> memref<768xf32, #tpu.memory_space<vmem>>
          %dma_start3A_195 = tpu.memref_slice %arg5[%multiple_of3A_180] : memref<1000000xf32, #tpu.memory_space<hbm>> -> memref<768xf32, #tpu.memory_space<hbm>>
          %dma_start3A_196 = arith.constant 1536 : i32
          %dma_start3A_197 = tpu.memref_slice %arg8[%dma_start3A_196] : memref<3072xf32, #tpu.memory_space<vmem>> -> memref<768xf32, #tpu.memory_space<vmem>>
          %dma_start3A_198 = tpu.memref_slice %arg5[%multiple_of3A_180] : memref<1000000xf32, #tpu.memory_space<hbm>> -> memref<768xf32, #tpu.memory_space<hbm>>
          tpu.enqueue_dma source(%dma_start3A_198 : memref<768xf32, #tpu.memory_space<hbm>>) target(%dma_start3A_197 : memref<768xf32, #tpu.memory_space<vmem>>) target_semaphore(%arg13 : memref<!tpu.dma_semaphore, #tpu.memory_space<semaphore_mem>>)
          %dma_start3A_199 = arith.constant 2304 : i32
          %dma_start3A_200 = tpu.memref_slice %arg8[%dma_start3A_199] : memref<3072xf32, #tpu.memory_space<vmem>> -> memref<768xf32, #tpu.memory_space<vmem>>
          %dma_start3A_201 = tpu.memref_slice %arg2[%multiple_of3A_180] : memref<1000000xf32, #tpu.memory_space<hbm>> -> memref<768xf32, #tpu.memory_space<hbm>>
          %dma_start3A_202 = arith.constant 2304 : i32
          %dma_start3A_203 = tpu.memref_slice %arg8[%dma_start3A_202] : memref<3072xf32, #tpu.memory_space<vmem>> -> memref<768xf32, #tpu.memory_space<vmem>>
          %dma_start3A_204 = tpu.memref_slice %arg2[%multiple_of3A_180] : memref<1000000xf32, #tpu.memory_space<hbm>> -> memref<768xf32, #tpu.memory_space<hbm>>
          tpu.enqueue_dma source(%dma_start3A_204 : memref<768xf32, #tpu.memory_space<hbm>>) target(%dma_start3A_203 : memref<768xf32, #tpu.memory_space<vmem>>) target_semaphore(%arg13 : memref<!tpu.dma_semaphore, #tpu.memory_space<semaphore_mem>>)
        } else {
        }
        %mul3A_134 = arith.constant 768 : i32
        %mul3A_135 = arith.muli %add3A_121, %mul3A_134 : i32
        %multiple_of3A_136 = tpu.assume_multiple %mul3A_135, 768 : i32
        %dma_wait3A_137 = arith.constant 0 : i32
        %dma_wait3A_138 = tpu.memref_slice %arg9[%dma_wait3A_137] : memref<3072xf32, #tpu.memory_space<vmem>> -> memref<768xf32, #tpu.memory_space<vmem>>
        %dma_wait3A_139 = tpu.memref_slice %arg3[%multiple_of3A_136] : memref<1000000xf32, #tpu.memory_space<hbm>> -> memref<768xf32, #tpu.memory_space<hbm>>
        %dma_wait3A_140 = arith.constant 0 : i32
        %dma_wait3A_141 = tpu.memref_slice %arg9[%dma_wait3A_140] : memref<3072xf32, #tpu.memory_space<vmem>> -> memref<768xf32, #tpu.memory_space<vmem>>
        %dma_wait3A_142 = tpu.memref_slice %arg3[%multiple_of3A_136] : memref<1000000xf32, #tpu.memory_space<hbm>> -> memref<768xf32, #tpu.memory_space<hbm>>
        tpu.wait_dma2 semaphore(%arg14 : memref<!tpu.dma_semaphore, #tpu.memory_space<semaphore_mem>>) src(%dma_wait3A_142 : memref<768xf32, #tpu.memory_space<hbm>>) dst(%dma_wait3A_141 : memref<768xf32, #tpu.memory_space<vmem>>)
        %dma_wait3A_143 = arith.constant 768 : i32
        %dma_wait3A_144 = tpu.memref_slice %arg9[%dma_wait3A_143] : memref<3072xf32, #tpu.memory_space<vmem>> -> memref<768xf32, #tpu.memory_space<vmem>>
        %dma_wait3A_145 = tpu.memref_slice %arg4[%multiple_of3A_136] : memref<1000000xf32, #tpu.memory_space<hbm>> -> memref<768xf32, #tpu.memory_space<hbm>>
        %dma_wait3A_146 = arith.constant 768 : i32
        %dma_wait3A_147 = tpu.memref_slice %arg9[%dma_wait3A_146] : memref<3072xf32, #tpu.memory_space<vmem>> -> memref<768xf32, #tpu.memory_space<vmem>>
        %dma_wait3A_148 = tpu.memref_slice %arg4[%multiple_of3A_136] : memref<1000000xf32, #tpu.memory_space<hbm>> -> memref<768xf32, #tpu.memory_space<hbm>>
        tpu.wait_dma2 semaphore(%arg14 : memref<!tpu.dma_semaphore, #tpu.memory_space<semaphore_mem>>) src(%dma_wait3A_148 : memref<768xf32, #tpu.memory_space<hbm>>) dst(%dma_wait3A_147 : memref<768xf32, #tpu.memory_space<vmem>>)
        %dma_wait3A_149 = arith.constant 1536 : i32
        %dma_wait3A_150 = tpu.memref_slice %arg9[%dma_wait3A_149] : memref<3072xf32, #tpu.memory_space<vmem>> -> memref<768xf32, #tpu.memory_space<vmem>>
        %dma_wait3A_151 = tpu.memref_slice %arg5[%multiple_of3A_136] : memref<1000000xf32, #tpu.memory_space<hbm>> -> memref<768xf32, #tpu.memory_space<hbm>>
        %dma_wait3A_152 = arith.constant 1536 : i32
        %dma_wait3A_153 = tpu.memref_slice %arg9[%dma_wait3A_152] : memref<3072xf32, #tpu.memory_space<vmem>> -> memref<768xf32, #tpu.memory_space<vmem>>
        %dma_wait3A_154 = tpu.memref_slice %arg5[%multiple_of3A_136] : memref<1000000xf32, #tpu.memory_space<hbm>> -> memref<768xf32, #tpu.memory_space<hbm>>
        tpu.wait_dma2 semaphore(%arg14 : memref<!tpu.dma_semaphore, #tpu.memory_space<semaphore_mem>>) src(%dma_wait3A_154 : memref<768xf32, #tpu.memory_space<hbm>>) dst(%dma_wait3A_153 : memref<768xf32, #tpu.memory_space<vmem>>)
        %dma_wait3A_155 = arith.constant 2304 : i32
        %dma_wait3A_156 = tpu.memref_slice %arg9[%dma_wait3A_155] : memref<3072xf32, #tpu.memory_space<vmem>> -> memref<768xf32, #tpu.memory_space<vmem>>
        %dma_wait3A_157 = tpu.memref_slice %arg2[%multiple_of3A_136] : memref<1000000xf32, #tpu.memory_space<hbm>> -> memref<768xf32, #tpu.memory_space<hbm>>
        %dma_wait3A_158 = arith.constant 2304 : i32
        %dma_wait3A_159 = tpu.memref_slice %arg9[%dma_wait3A_158] : memref<3072xf32, #tpu.memory_space<vmem>> -> memref<768xf32, #tpu.memory_space<vmem>>
        %dma_wait3A_160 = tpu.memref_slice %arg2[%multiple_of3A_136] : memref<1000000xf32, #tpu.memory_space<hbm>> -> memref<768xf32, #tpu.memory_space<hbm>>
        tpu.wait_dma2 semaphore(%arg14 : memref<!tpu.dma_semaphore, #tpu.memory_space<semaphore_mem>>) src(%dma_wait3A_160 : memref<768xf32, #tpu.memory_space<hbm>>) dst(%dma_wait3A_159 : memref<768xf32, #tpu.memory_space<vmem>>)
        %ge3A = arith.constant 1 : i32
        %ge3A_161 = arith.cmpi sge, %scan3A_104, %ge3A : i32
        %convert_element_type3A_162 = arith.extui %ge3A_161 : i1 to i32
        %cond3A_163 = arith.constant 0 : i32
        %cond3A_164 = arith.cmpi ne, %convert_element_type3A_162, %cond3A_163 : i32
        scf.if %cond3A_164 {
          %sub3A_178 = arith.constant 64 : i32
          %sub3A_179 = arith.subi %add3A_121, %sub3A_178 : i32
          %mul3A_180 = arith.constant 768 : i32
          %mul3A_181 = arith.muli %sub3A_179, %mul3A_180 : i32
          %multiple_of3A_182 = tpu.assume_multiple %mul3A_181, 768 : i32
          %dma_wait3A_183 = arith.constant 0 : i32
          %dma_wait3A_184 = tpu.memref_slice %arg7[%dma_wait3A_183, %multiple_of3A_182] : memref<64x1000000xf32, #tpu.memory_space<hbm>> -> memref<64x768xf32, #tpu.memory_space<hbm>>
          %dma_wait3A_185 = arith.constant 0 : i32
          %dma_wait3A_186 = tpu.memref_slice %arg7[%dma_wait3A_185, %multiple_of3A_182] : memref<64x1000000xf32, #tpu.memory_space<hbm>> -> memref<64x768xf32, #tpu.memory_space<hbm>>
          tpu.wait_dma2 semaphore(%arg16 : memref<!tpu.dma_semaphore, #tpu.memory_space<semaphore_mem>>) src(%arg12 : memref<64x768xf32, #tpu.memory_space<vmem>>) dst(%dma_wait3A_186 : memref<64x768xf32, #tpu.memory_space<hbm>>)
        } else {
        }
        %scan3A_165 = arith.constant 0 : i32
        %scan3A_166 = arith.constant 0 : i32
        %scan3A_167 = arith.constant 48 : i32
        %scan3A_168 = arith.addi %scan3A_166, %scan3A_167 : i32
        %scan3A_169 = arith.constant 2 : i32
        scf.for %scan3A_178 = %scan3A_166 to %scan3A_168 step %scan3A_169  : i32 {
          %mul3A_179 = arith.constant 16 : i32
          %mul3A_180 = arith.muli %scan3A_178, %mul3A_179 : i32
          %add3A_181 = arith.constant 0 : i32
          %add3A_182 = arith.addi %add3A_181, %mul3A_180 : i32
          %get3A = arith.index_cast %add3A_182 : i32 to index
          %get3A_183 = tpu.vector_load %arg9[%get3A] {strides = array<i32>} : memref<3072xf32, #tpu.memory_space<vmem>>, vector<16xf32>,
          %mul3A_184 = arith.constant 3.200000e+01 : f32
          %mul3A_185 = vector.broadcast %mul3A_184 : f32 to vector<16xf32>
          %mul3A_186 = arith.mulf %get3A_183, %mul3A_185 : vector<16xf32>
          %convert_element_type3A_187 = arith.fptosi %mul3A_186 : vector<16xf32> to vector<16xi32>
          %convert_element_type3A_188 = arith.sitofp %convert_element_type3A_187 : vector<16xi32> to vector<16xf32>
          %gt3A = arith.cmpf ogt, %mul3A_186, %convert_element_type3A_188 : vector<16xf32>
          %sub3A_189 = arith.constant 1 : i32
          %sub3A_190 = vector.broadcast %sub3A_189 : i32 to vector<16xi32>
          %sub3A_191 = arith.subi %convert_element_type3A_187, %sub3A_190 : vector<16xi32>
          %select_n3A_192 = arith.select %gt3A, %convert_element_type3A_187, %sub3A_191 : vector<16xi1>, vector<16xi32>
          %max3A = arith.constant 0 : i32
          %max3A_193 = vector.broadcast %max3A : i32 to vector<16xi32>
          %max3A_194 = arith.maxsi %select_n3A_192, %max3A_193 : vector<16xi32>
          %add3A_195 = arith.constant 768 : i32
          %add3A_196 = arith.addi %add3A_195, %mul3A_180 : i32
          %get3A_197 = arith.index_cast %add3A_196 : i32 to index
          %get3A_198 = tpu.vector_load %arg9[%get3A_197] {strides = array<i32>} : memref<3072xf32, #tpu.memory_space<vmem>>, vector<16xf32>,
          %mul3A_199 = arith.constant 3.200000e+01 : f32
          %mul3A_200 = vector.broadcast %mul3A_199 : f32 to vector<16xf32>
          %mul3A_201 = arith.mulf %get3A_198, %mul3A_200 : vector<16xf32>
          %convert_element_type3A_202 = arith.fptosi %mul3A_201 : vector<16xf32> to vector<16xi32>
          %convert_element_type3A_203 = arith.sitofp %convert_element_type3A_202 : vector<16xi32> to vector<16xf32>
          %gt3A_204 = arith.cmpf ogt, %mul3A_201, %convert_element_type3A_203 : vector<16xf32>
          %sub3A_205 = arith.constant 1 : i32
          %sub3A_206 = vector.broadcast %sub3A_205 : i32 to vector<16xi32>
          %sub3A_207 = arith.subi %convert_element_type3A_202, %sub3A_206 : vector<16xi32>
          %select_n3A_208 = arith.select %gt3A_204, %convert_element_type3A_202, %sub3A_207 : vector<16xi1>, vector<16xi32>
          %max3A_209 = arith.constant 0 : i32
          %max3A_210 = vector.broadcast %max3A_209 : i32 to vector<16xi32>
          %max3A_211 = arith.maxsi %select_n3A_208, %max3A_210 : vector<16xi32>
          %add3A_212 = arith.constant 1536 : i32
          %add3A_213 = arith.addi %add3A_212, %mul3A_180 : i32
          %get3A_214 = arith.index_cast %add3A_213 : i32 to index
          %get3A_215 = tpu.vector_load %arg9[%get3A_214] {strides = array<i32>} : memref<3072xf32, #tpu.memory_space<vmem>>, vector<16xf32>,
          %mul3A_216 = arith.constant 3.200000e+01 : f32
          %mul3A_217 = vector.broadcast %mul3A_216 : f32 to vector<16xf32>
          %mul3A_218 = arith.mulf %get3A_215, %mul3A_217 : vector<16xf32>
          %convert_element_type3A_219 = arith.fptosi %mul3A_218 : vector<16xf32> to vector<16xi32>
          %convert_element_type3A_220 = arith.sitofp %convert_element_type3A_219 : vector<16xi32> to vector<16xf32>
          %gt3A_221 = arith.cmpf ogt, %mul3A_218, %convert_element_type3A_220 : vector<16xf32>
          %sub3A_222 = arith.constant 1 : i32
          %sub3A_223 = vector.broadcast %sub3A_222 : i32 to vector<16xi32>
          %sub3A_224 = arith.subi %convert_element_type3A_219, %sub3A_223 : vector<16xi32>
          %select_n3A_225 = arith.select %gt3A_221, %convert_element_type3A_219, %sub3A_224 : vector<16xi1>, vector<16xi32>
          %max3A_226 = arith.constant 0 : i32
          %max3A_227 = vector.broadcast %max3A_226 : i32 to vector<16xi32>
          %max3A_228 = arith.maxsi %select_n3A_225, %max3A_227 : vector<16xi32>
          %add3A_229 = arith.constant 2304 : i32
          %add3A_230 = arith.addi %add3A_229, %mul3A_180 : i32
          %get3A_231 = arith.index_cast %add3A_230 : i32 to index
          %get3A_232 = tpu.vector_load %arg9[%get3A_231] {strides = array<i32>} : memref<3072xf32, #tpu.memory_space<vmem>>, vector<16xf32>,
          %mul3A_233 = arith.constant 6.400000e+01 : f32
          %mul3A_234 = vector.broadcast %mul3A_233 : f32 to vector<16xf32>
          %mul3A_235 = arith.mulf %get3A_232, %mul3A_234 : vector<16xf32>
          %convert_element_type3A_236 = arith.fptosi %mul3A_235 : vector<16xf32> to vector<16xi32>
          %convert_element_type3A_237 = arith.sitofp %convert_element_type3A_236 : vector<16xi32> to vector<16xf32>
          %gt3A_238 = arith.cmpf ogt, %mul3A_235, %convert_element_type3A_237 : vector<16xf32>
          %sub3A_239 = arith.constant 1 : i32
          %sub3A_240 = vector.broadcast %sub3A_239 : i32 to vector<16xi32>
          %sub3A_241 = arith.subi %convert_element_type3A_236, %sub3A_240 : vector<16xi32>
          %select_n3A_242 = arith.select %gt3A_238, %convert_element_type3A_236, %sub3A_241 : vector<16xi1>, vector<16xi32>
          %max3A_243 = arith.constant 0 : i32
          %max3A_244 = vector.broadcast %max3A_243 : i32 to vector<16xi32>
          %max3A_245 = arith.maxsi %select_n3A_242, %max3A_244 : vector<16xi32>
          %gather3A = arith.constant 0 : i32
          %gather3A_246 = tpu.memref_slice %arg10[%gather3A] : memref<1536xf32, #tpu.memory_space<vmem>> -> memref<32xf32, #tpu.memory_space<vmem>>
          %gather3A_247 = tpu.vector_load_idx %gather3A_246[%max3A_194] : memref<32xf32, #tpu.memory_space<vmem>>[vector<16xi32>], vector<16xf32>,
          %swap3A = arith.constant 0 : i32
          %swap3A_248 = arith.index_cast %swap3A : i32 to index
          %swap3A_249 = arith.index_cast %mul3A_180 : i32 to index
          %swap3A_250 = tpu.vector_load %arg12[%swap3A_248, %swap3A_249] {strides = array<i32>} : memref<64x768xf32, #tpu.memory_space<vmem>>, vector<16xf32>,
          tpu.vector_store %arg12[%swap3A_248, %swap3A_249], %gather3A_247 {strides = array<i32>} : memref<64x768xf32, #tpu.memory_space<vmem>>, vector<16xf32>,
          %gather3A_251 = arith.constant 96 : i32
          %gather3A_252 = tpu.memref_slice %arg10[%gather3A_251] : memref<1536xf32, #tpu.memory_space<vmem>> -> memref<32xf32, #tpu.memory_space<vmem>>
          %gather3A_253 = tpu.vector_load_idx %gather3A_252[%max3A_194] : memref<32xf32, #tpu.memory_space<vmem>>[vector<16xi32>], vector<16xf32>,
          %swap3A_254 = arith.constant 1 : i32
          %swap3A_255 = arith.index_cast %swap3A_254 : i32 to index
          %swap3A_256 = arith.index_cast %mul3A_180 : i32 to index
          %swap3A_257 = tpu.vector_load %arg12[%swap3A_255, %swap3A_256] {strides = array<i32>} : memref<64x768xf32, #tpu.memory_space<vmem>>, vector<16xf32>,
          tpu.vector_store %arg12[%swap3A_255, %swap3A_256], %gather3A_253 {strides = array<i32>} : memref<64x768xf32, #tpu.memory_space<vmem>>, vector<16xf32>,
          %gather3A_258 = arith.constant 192 : i32
          %gather3A_259 = tpu.memref_slice %arg10[%gather3A_258] : memref<1536xf32, #tpu.memory_space<vmem>> -> memref<32xf32, #tpu.memory_space<vmem>>
          %gather3A_260 = tpu.vector_load_idx %gather3A_259[%max3A_194] : memref<32xf32, #tpu.memory_space<vmem>>[vector<16xi32>], vector<16xf32>,
          %swap3A_261 = arith.constant 2 : i32
          %swap3A_262 = arith.index_cast %swap3A_261 : i32 to index
          %swap3A_263 = arith.index_cast %mul3A_180 : i32 to index
          %swap3A_264 = tpu.vector_load %arg12[%swap3A_262, %swap3A_263] {strides = array<i32>} : memref<64x768xf32, #tpu.memory_space<vmem>>, vector<16xf32>,
          tpu.vector_store %arg12[%swap3A_262, %swap3A_263], %gather3A_260 {strides = array<i32>} : memref<64x768xf32, #tpu.memory_space<vmem>>, vector<16xf32>,
          %gather3A_265 = arith.constant 288 : i32
          %gather3A_266 = tpu.memref_slice %arg10[%gather3A_265] : memref<1536xf32, #tpu.memory_space<vmem>> -> memref<32xf32, #tpu.memory_space<vmem>>
          %gather3A_267 = tpu.vector_load_idx %gather3A_266[%max3A_194] : memref<32xf32, #tpu.memory_space<vmem>>[vector<16xi32>], vector<16xf32>,
          %swap3A_268 = arith.constant 3 : i32
          %swap3A_269 = arith.index_cast %swap3A_268 : i32 to index
          %swap3A_270 = arith.index_cast %mul3A_180 : i32 to index
          %swap3A_271 = tpu.vector_load %arg12[%swap3A_269, %swap3A_270] {strides = array<i32>} : memref<64x768xf32, #tpu.memory_space<vmem>>, vector<16xf32>,
          tpu.vector_store %arg12[%swap3A_269, %swap3A_270], %gather3A_267 {strides = array<i32>} : memref<64x768xf32, #tpu.memory_space<vmem>>, vector<16xf32>,
          %gather3A_272 = arith.constant 384 : i32
          %gather3A_273 = tpu.memref_slice %arg10[%gather3A_272] : memref<1536xf32, #tpu.memory_space<vmem>> -> memref<32xf32, #tpu.memory_space<vmem>>
          %gather3A_274 = tpu.vector_load_idx %gather3A_273[%max3A_194] : memref<32xf32, #tpu.memory_space<vmem>>[vector<16xi32>], vector<16xf32>,
          %swap3A_275 = arith.constant 4 : i32
          %swap3A_276 = arith.index_cast %swap3A_275 : i32 to index
          %swap3A_277 = arith.index_cast %mul3A_180 : i32 to index
          %swap3A_278 = tpu.vector_load %arg12[%swap3A_276, %swap3A_277] {strides = array<i32>} : memref<64x768xf32, #tpu.memory_space<vmem>>, vector<16xf32>,
          tpu.vector_store %arg12[%swap3A_276, %swap3A_277], %gather3A_274 {strides = array<i32>} : memref<64x768xf32, #tpu.memory_space<vmem>>, vector<16xf32>,
          %gather3A_279 = arith.constant 480 : i32
          %gather3A_280 = tpu.memref_slice %arg10[%gather3A_279] : memref<1536xf32, #tpu.memory_space<vmem>> -> memref<32xf32, #tpu.memory_space<vmem>>
          %gather3A_281 = tpu.vector_load_idx %gather3A_280[%max3A_194] : memref<32xf32, #tpu.memory_space<vmem>>[vector<16xi32>], vector<16xf32>,
          %swap3A_282 = arith.constant 5 : i32
          %swap3A_283 = arith.index_cast %swap3A_282 : i32 to index
          %swap3A_284 = arith.index_cast %mul3A_180 : i32 to index
          %swap3A_285 = tpu.vector_load %arg12[%swap3A_283, %swap3A_284] {strides = array<i32>} : memref<64x768xf32, #tpu.memory_space<vmem>>, vector<16xf32>,
          tpu.vector_store %arg12[%swap3A_283, %swap3A_284], %gather3A_281 {strides = array<i32>} : memref<64x768xf32, #tpu.memory_space<vmem>>, vector<16xf32>,
          %gather3A_286 = arith.constant 576 : i32
          %gather3A_287 = tpu.memref_slice %arg10[%gather3A_286] : memref<1536xf32, #tpu.memory_space<vmem>> -> memref<32xf32, #tpu.memory_space<vmem>>
          %gather3A_288 = tpu.vector_load_idx %gather3A_287[%max3A_194] : memref<32xf32, #tpu.memory_space<vmem>>[vector<16xi32>], vector<16xf32>,
          %swap3A_289 = arith.constant 6 : i32
          %swap3A_290 = arith.index_cast %swap3A_289 : i32 to index
          %swap3A_291 = arith.index_cast %mul3A_180 : i32 to index
          %swap3A_292 = tpu.vector_load %arg12[%swap3A_290, %swap3A_291] {strides = array<i32>} : memref<64x768xf32, #tpu.memory_space<vmem>>, vector<16xf32>,
          tpu.vector_store %arg12[%swap3A_290, %swap3A_291], %gather3A_288 {strides = array<i32>} : memref<64x768xf32, #tpu.memory_space<vmem>>, vector<16xf32>,
          %gather3A_293 = arith.constant 672 : i32
          %gather3A_294 = tpu.memref_slice %arg10[%gather3A_293] : memref<1536xf32, #tpu.memory_space<vmem>> -> memref<32xf32, #tpu.memory_space<vmem>>
          %gather3A_295 = tpu.vector_load_idx %gather3A_294[%max3A_194] : memref<32xf32, #tpu.memory_space<vmem>>[vector<16xi32>], vector<16xf32>,
          %swap3A_296 = arith.constant 7 : i32
          %swap3A_297 = arith.index_cast %swap3A_296 : i32 to index
          %swap3A_298 = arith.index_cast %mul3A_180 : i32 to index
          %swap3A_299 = tpu.vector_load %arg12[%swap3A_297, %swap3A_298] {strides = array<i32>} : memref<64x768xf32, #tpu.memory_space<vmem>>, vector<16xf32>,
          tpu.vector_store %arg12[%swap3A_297, %swap3A_298], %gather3A_295 {strides = array<i32>} : memref<64x768xf32, #tpu.memory_space<vmem>>, vector<16xf32>,
          %gather3A_300 = arith.constant 768 : i32
          %gather3A_301 = tpu.memref_slice %arg10[%gather3A_300] : memref<1536xf32, #tpu.memory_space<vmem>> -> memref<32xf32, #tpu.memory_space<vmem>>
          %gather3A_302 = tpu.vector_load_idx %gather3A_301[%max3A_194] : memref<32xf32, #tpu.memory_space<vmem>>[vector<16xi32>], vector<16xf32>,
          %swap3A_303 = arith.constant 8 : i32
          %swap3A_304 = arith.index_cast %swap3A_303 : i32 to index
          %swap3A_305 = arith.index_cast %mul3A_180 : i32 to index
          %swap3A_306 = tpu.vector_load %arg12[%swap3A_304, %swap3A_305] {strides = array<i32>} : memref<64x768xf32, #tpu.memory_space<vmem>>, vector<16xf32>,
          tpu.vector_store %arg12[%swap3A_304, %swap3A_305], %gather3A_302 {strides = array<i32>} : memref<64x768xf32, #tpu.memory_space<vmem>>, vector<16xf32>,
          %gather3A_307 = arith.constant 864 : i32
          %gather3A_308 = tpu.memref_slice %arg10[%gather3A_307] : memref<1536xf32, #tpu.memory_space<vmem>> -> memref<32xf32, #tpu.memory_space<vmem>>
          %gather3A_309 = tpu.vector_load_idx %gather3A_308[%max3A_194] : memref<32xf32, #tpu.memory_space<vmem>>[vector<16xi32>], vector<16xf32>,
          %swap3A_310 = arith.constant 9 : i32
          %swap3A_311 = arith.index_cast %swap3A_310 : i32 to index
          %swap3A_312 = arith.index_cast %mul3A_180 : i32 to index
          %swap3A_313 = tpu.vector_load %arg12[%swap3A_311, %swap3A_312] {strides = array<i32>} : memref<64x768xf32, #tpu.memory_space<vmem>>, vector<16xf32>,
          tpu.vector_store %arg12[%swap3A_311, %swap3A_312], %gather3A_309 {strides = array<i32>} : memref<64x768xf32, #tpu.memory_space<vmem>>, vector<16xf32>,
          %gather3A_314 = arith.constant 960 : i32
          %gather3A_315 = tpu.memref_slice %arg10[%gather3A_314] : memref<1536xf32, #tpu.memory_space<vmem>> -> memref<32xf32, #tpu.memory_space<vmem>>
          %gather3A_316 = tpu.vector_load_idx %gather3A_315[%max3A_194] : memref<32xf32, #tpu.memory_space<vmem>>[vector<16xi32>], vector<16xf32>,
          %swap3A_317 = arith.constant 10 : i32
          %swap3A_318 = arith.index_cast %swap3A_317 : i32 to index
          %swap3A_319 = arith.index_cast %mul3A_180 : i32 to index
          %swap3A_320 = tpu.vector_load %arg12[%swap3A_318, %swap3A_319] {strides = array<i32>} : memref<64x768xf32, #tpu.memory_space<vmem>>, vector<16xf32>,
          tpu.vector_store %arg12[%swap3A_318, %swap3A_319], %gather3A_316 {strides = array<i32>} : memref<64x768xf32, #tpu.memory_space<vmem>>, vector<16xf32>,
          %gather3A_321 = arith.constant 1056 : i32
          %gather3A_322 = tpu.memref_slice %arg10[%gather3A_321] : memref<1536xf32, #tpu.memory_space<vmem>> -> memref<32xf32, #tpu.memory_space<vmem>>
          %gather3A_323 = tpu.vector_load_idx %gather3A_322[%max3A_194] : memref<32xf32, #tpu.memory_space<vmem>>[vector<16xi32>], vector<16xf32>,
          %swap3A_324 = arith.constant 11 : i32
          %swap3A_325 = arith.index_cast %swap3A_324 : i32 to index
          %swap3A_326 = arith.index_cast %mul3A_180 : i32 to index
          %swap3A_327 = tpu.vector_load %arg12[%swap3A_325, %swap3A_326] {strides = array<i32>} : memref<64x768xf32, #tpu.memory_space<vmem>>, vector<16xf32>,
          tpu.vector_store %arg12[%swap3A_325, %swap3A_326], %gather3A_323 {strides = array<i32>} : memref<64x768xf32, #tpu.memory_space<vmem>>, vector<16xf32>,
          %gather3A_328 = arith.constant 1152 : i32
          %gather3A_329 = tpu.memref_slice %arg10[%gather3A_328] : memref<1536xf32, #tpu.memory_space<vmem>> -> memref<32xf32, #tpu.memory_space<vmem>>
          %gather3A_330 = tpu.vector_load_idx %gather3A_329[%max3A_194] : memref<32xf32, #tpu.memory_space<vmem>>[vector<16xi32>], vector<16xf32>,
          %swap3A_331 = arith.constant 12 : i32
          %swap3A_332 = arith.index_cast %swap3A_331 : i32 to index
          %swap3A_333 = arith.index_cast %mul3A_180 : i32 to index
          %swap3A_334 = tpu.vector_load %arg12[%swap3A_332, %swap3A_333] {strides = array<i32>} : memref<64x768xf32, #tpu.memory_space<vmem>>, vector<16xf32>,
          tpu.vector_store %arg12[%swap3A_332, %swap3A_333], %gather3A_330 {strides = array<i32>} : memref<64x768xf32, #tpu.memory_space<vmem>>, vector<16xf32>,
          %gather3A_335 = arith.constant 1248 : i32
          %gather3A_336 = tpu.memref_slice %arg10[%gather3A_335] : memref<1536xf32, #tpu.memory_space<vmem>> -> memref<32xf32, #tpu.memory_space<vmem>>
          %gather3A_337 = tpu.vector_load_idx %gather3A_336[%max3A_194] : memref<32xf32, #tpu.memory_space<vmem>>[vector<16xi32>], vector<16xf32>,
          %swap3A_338 = arith.constant 13 : i32
          %swap3A_339 = arith.index_cast %swap3A_338 : i32 to index
          %swap3A_340 = arith.index_cast %mul3A_180 : i32 to index
          %swap3A_341 = tpu.vector_load %arg12[%swap3A_339, %swap3A_340] {strides = array<i32>} : memref<64x768xf32, #tpu.memory_space<vmem>>, vector<16xf32>,
          tpu.vector_store %arg12[%swap3A_339, %swap3A_340], %gather3A_337 {strides = array<i32>} : memref<64x768xf32, #tpu.memory_space<vmem>>, vector<16xf32>,
          %gather3A_342 = arith.constant 1344 : i32
          %gather3A_343 = tpu.memref_slice %arg10[%gather3A_342] : memref<1536xf32, #tpu.memory_space<vmem>> -> memref<32xf32, #tpu.memory_space<vmem>>
          %gather3A_344 = tpu.vector_load_idx %gather3A_343[%max3A_194] : memref<32xf32, #tpu.memory_space<vmem>>[vector<16xi32>], vector<16xf32>,
          %swap3A_345 = arith.constant 14 : i32
          %swap3A_346 = arith.index_cast %swap3A_345 : i32 to index
          %swap3A_347 = arith.index_cast %mul3A_180 : i32 to index
          %swap3A_348 = tpu.vector_load %arg12[%swap3A_346, %swap3A_347] {strides = array<i32>} : memref<64x768xf32, #tpu.memory_space<vmem>>, vector<16xf32>,
          tpu.vector_store %arg12[%swap3A_346, %swap3A_347], %gather3A_344 {strides = array<i32>} : memref<64x768xf32, #tpu.memory_space<vmem>>, vector<16xf32>,
          %gather3A_349 = arith.constant 1440 : i32
          %gather3A_350 = tpu.memref_slice %arg10[%gather3A_349] : memref<1536xf32, #tpu.memory_space<vmem>> -> memref<32xf32, #tpu.memory_space<vmem>>
          %gather3A_351 = tpu.vector_load_idx %gather3A_350[%max3A_194] : memref<32xf32, #tpu.memory_space<vmem>>[vector<16xi32>], vector<16xf32>,
          %swap3A_352 = arith.constant 15 : i32
          %swap3A_353 = arith.index_cast %swap3A_352 : i32 to index
          %swap3A_354 = arith.index_cast %mul3A_180 : i32 to index
          %swap3A_355 = tpu.vector_load %arg12[%swap3A_353, %swap3A_354] {strides = array<i32>} : memref<64x768xf32, #tpu.memory_space<vmem>>, vector<16xf32>,
          tpu.vector_store %arg12[%swap3A_353, %swap3A_354], %gather3A_351 {strides = array<i32>} : memref<64x768xf32, #tpu.memory_space<vmem>>, vector<16xf32>,
          %gather3A_356 = arith.constant 0 : i32
          %gather3A_357 = tpu.memref_slice %arg10[%gather3A_356] : memref<1536xf32, #tpu.memory_space<vmem>> -> memref<32xf32, #tpu.memory_space<vmem>>
          %gather3A_358 = tpu.vector_load_idx %gather3A_357[%max3A_211] : memref<32xf32, #tpu.memory_space<vmem>>[vector<16xi32>], vector<16xf32>,
          %swap3A_359 = arith.constant 16 : i32
          %swap3A_360 = arith.index_cast %swap3A_359 : i32 to index
          %swap3A_361 = arith.index_cast %mul3A_180 : i32 to index
          %swap3A_362 = tpu.vector_load %arg12[%swap3A_360, %swap3A_361] {strides = array<i32>} : memref<64x768xf32, #tpu.memory_space<vmem>>, vector<16xf32>,
          tpu.vector_store %arg12[%swap3A_360, %swap3A_361], %gather3A_358 {strides = array<i32>} : memref<64x768xf32, #tpu.memory_space<vmem>>, vector<16xf32>,
          %gather3A_363 = arith.constant 96 : i32
          %gather3A_364 = tpu.memref_slice %arg10[%gather3A_363] : memref<1536xf32, #tpu.memory_space<vmem>> -> memref<32xf32, #tpu.memory_space<vmem>>
          %gather3A_365 = tpu.vector_load_idx %gather3A_364[%max3A_211] : memref<32xf32, #tpu.memory_space<vmem>>[vector<16xi32>], vector<16xf32>,
          %swap3A_366 = arith.constant 17 : i32
          %swap3A_367 = arith.index_cast %swap3A_366 : i32 to index
          %swap3A_368 = arith.index_cast %mul3A_180 : i32 to index
          %swap3A_369 = tpu.vector_load %arg12[%swap3A_367, %swap3A_368] {strides = array<i32>} : memref<64x768xf32, #tpu.memory_space<vmem>>, vector<16xf32>,
          tpu.vector_store %arg12[%swap3A_367, %swap3A_368], %gather3A_365 {strides = array<i32>} : memref<64x768xf32, #tpu.memory_space<vmem>>, vector<16xf32>,
          %gather3A_370 = arith.constant 192 : i32
          %gather3A_371 = tpu.memref_slice %arg10[%gather3A_370] : memref<1536xf32, #tpu.memory_space<vmem>> -> memref<32xf32, #tpu.memory_space<vmem>>
          %gather3A_372 = tpu.vector_load_idx %gather3A_371[%max3A_211] : memref<32xf32, #tpu.memory_space<vmem>>[vector<16xi32>], vector<16xf32>,
          %swap3A_373 = arith.constant 18 : i32
          %swap3A_374 = arith.index_cast %swap3A_373 : i32 to index
          %swap3A_375 = arith.index_cast %mul3A_180 : i32 to index
          %swap3A_376 = tpu.vector_load %arg12[%swap3A_374, %swap3A_375] {strides = array<i32>} : memref<64x768xf32, #tpu.memory_space<vmem>>, vector<16xf32>,
          tpu.vector_store %arg12[%swap3A_374, %swap3A_375], %gather3A_372 {strides = array<i32>} : memref<64x768xf32, #tpu.memory_space<vmem>>, vector<16xf32>,
          %gather3A_377 = arith.constant 288 : i32
          %gather3A_378 = tpu.memref_slice %arg10[%gather3A_377] : memref<1536xf32, #tpu.memory_space<vmem>> -> memref<32xf32, #tpu.memory_space<vmem>>
          %gather3A_379 = tpu.vector_load_idx %gather3A_378[%max3A_211] : memref<32xf32, #tpu.memory_space<vmem>>[vector<16xi32>], vector<16xf32>,
          %swap3A_380 = arith.constant 19 : i32
          %swap3A_381 = arith.index_cast %swap3A_380 : i32 to index
          %swap3A_382 = arith.index_cast %mul3A_180 : i32 to index
          %swap3A_383 = tpu.vector_load %arg12[%swap3A_381, %swap3A_382] {strides = array<i32>} : memref<64x768xf32, #tpu.memory_space<vmem>>, vector<16xf32>,
          tpu.vector_store %arg12[%swap3A_381, %swap3A_382], %gather3A_379 {strides = array<i32>} : memref<64x768xf32, #tpu.memory_space<vmem>>, vector<16xf32>,
          %gather3A_384 = arith.constant 384 : i32
          %gather3A_385 = tpu.memref_slice %arg10[%gather3A_384] : memref<1536xf32, #tpu.memory_space<vmem>> -> memref<32xf32, #tpu.memory_space<vmem>>
          %gather3A_386 = tpu.vector_load_idx %gather3A_385[%max3A_211] : memref<32xf32, #tpu.memory_space<vmem>>[vector<16xi32>], vector<16xf32>,
          %swap3A_387 = arith.constant 20 : i32
          %swap3A_388 = arith.index_cast %swap3A_387 : i32 to index
          %swap3A_389 = arith.index_cast %mul3A_180 : i32 to index
          %swap3A_390 = tpu.vector_load %arg12[%swap3A_388, %swap3A_389] {strides = array<i32>} : memref<64x768xf32, #tpu.memory_space<vmem>>, vector<16xf32>,
          tpu.vector_store %arg12[%swap3A_388, %swap3A_389], %gather3A_386 {strides = array<i32>} : memref<64x768xf32, #tpu.memory_space<vmem>>, vector<16xf32>,
          %gather3A_391 = arith.constant 480 : i32
          %gather3A_392 = tpu.memref_slice %arg10[%gather3A_391] : memref<1536xf32, #tpu.memory_space<vmem>> -> memref<32xf32, #tpu.memory_space<vmem>>
          %gather3A_393 = tpu.vector_load_idx %gather3A_392[%max3A_211] : memref<32xf32, #tpu.memory_space<vmem>>[vector<16xi32>], vector<16xf32>,
          %swap3A_394 = arith.constant 21 : i32
          %swap3A_395 = arith.index_cast %swap3A_394 : i32 to index
          %swap3A_396 = arith.index_cast %mul3A_180 : i32 to index
          %swap3A_397 = tpu.vector_load %arg12[%swap3A_395, %swap3A_396] {strides = array<i32>} : memref<64x768xf32, #tpu.memory_space<vmem>>, vector<16xf32>,
          tpu.vector_store %arg12[%swap3A_395, %swap3A_396], %gather3A_393 {strides = array<i32>} : memref<64x768xf32, #tpu.memory_space<vmem>>, vector<16xf32>,
          %gather3A_398 = arith.constant 576 : i32
          %gather3A_399 = tpu.memref_slice %arg10[%gather3A_398] : memref<1536xf32, #tpu.memory_space<vmem>> -> memref<32xf32, #tpu.memory_space<vmem>>
          %gather3A_400 = tpu.vector_load_idx %gather3A_399[%max3A_211] : memref<32xf32, #tpu.memory_space<vmem>>[vector<16xi32>], vector<16xf32>,
          %swap3A_401 = arith.constant 22 : i32
          %swap3A_402 = arith.index_cast %swap3A_401 : i32 to index
          %swap3A_403 = arith.index_cast %mul3A_180 : i32 to index
          %swap3A_404 = tpu.vector_load %arg12[%swap3A_402, %swap3A_403] {strides = array<i32>} : memref<64x768xf32, #tpu.memory_space<vmem>>, vector<16xf32>,
          tpu.vector_store %arg12[%swap3A_402, %swap3A_403], %gather3A_400 {strides = array<i32>} : memref<64x768xf32, #tpu.memory_space<vmem>>, vector<16xf32>,
          %gather3A_405 = arith.constant 672 : i32
          %gather3A_406 = tpu.memref_slice %arg10[%gather3A_405] : memref<1536xf32, #tpu.memory_space<vmem>> -> memref<32xf32, #tpu.memory_space<vmem>>
          %gather3A_407 = tpu.vector_load_idx %gather3A_406[%max3A_211] : memref<32xf32, #tpu.memory_space<vmem>>[vector<16xi32>], vector<16xf32>,
          %swap3A_408 = arith.constant 23 : i32
          %swap3A_409 = arith.index_cast %swap3A_408 : i32 to index
          %swap3A_410 = arith.index_cast %mul3A_180 : i32 to index
          %swap3A_411 = tpu.vector_load %arg12[%swap3A_409, %swap3A_410] {strides = array<i32>} : memref<64x768xf32, #tpu.memory_space<vmem>>, vector<16xf32>,
          tpu.vector_store %arg12[%swap3A_409, %swap3A_410], %gather3A_407 {strides = array<i32>} : memref<64x768xf32, #tpu.memory_space<vmem>>, vector<16xf32>,
          %gather3A_412 = arith.constant 768 : i32
          %gather3A_413 = tpu.memref_slice %arg10[%gather3A_412] : memref<1536xf32, #tpu.memory_space<vmem>> -> memref<32xf32, #tpu.memory_space<vmem>>
          %gather3A_414 = tpu.vector_load_idx %gather3A_413[%max3A_211] : memref<32xf32, #tpu.memory_space<vmem>>[vector<16xi32>], vector<16xf32>,
          %swap3A_415 = arith.constant 24 : i32
          %swap3A_416 = arith.index_cast %swap3A_415 : i32 to index
          %swap3A_417 = arith.index_cast %mul3A_180 : i32 to index
          %swap3A_418 = tpu.vector_load %arg12[%swap3A_416, %swap3A_417] {strides = array<i32>} : memref<64x768xf32, #tpu.memory_space<vmem>>, vector<16xf32>,
          tpu.vector_store %arg12[%swap3A_416, %swap3A_417], %gather3A_414 {strides = array<i32>} : memref<64x768xf32, #tpu.memory_space<vmem>>, vector<16xf32>,
          %gather3A_419 = arith.constant 864 : i32
          %gather3A_420 = tpu.memref_slice %arg10[%gather3A_419] : memref<1536xf32, #tpu.memory_space<vmem>> -> memref<32xf32, #tpu.memory_space<vmem>>
          %gather3A_421 = tpu.vector_load_idx %gather3A_420[%max3A_211] : memref<32xf32, #tpu.memory_space<vmem>>[vector<16xi32>], vector<16xf32>,
          %swap3A_422 = arith.constant 25 : i32
          %swap3A_423 = arith.index_cast %swap3A_422 : i32 to index
          %swap3A_424 = arith.index_cast %mul3A_180 : i32 to index
          %swap3A_425 = tpu.vector_load %arg12[%swap3A_423, %swap3A_424] {strides = array<i32>} : memref<64x768xf32, #tpu.memory_space<vmem>>, vector<16xf32>,
          tpu.vector_store %arg12[%swap3A_423, %swap3A_424], %gather3A_421 {strides = array<i32>} : memref<64x768xf32, #tpu.memory_space<vmem>>, vector<16xf32>,
          %gather3A_426 = arith.constant 960 : i32
          %gather3A_427 = tpu.memref_slice %arg10[%gather3A_426] : memref<1536xf32, #tpu.memory_space<vmem>> -> memref<32xf32, #tpu.memory_space<vmem>>
          %gather3A_428 = tpu.vector_load_idx %gather3A_427[%max3A_211] : memref<32xf32, #tpu.memory_space<vmem>>[vector<16xi32>], vector<16xf32>,
          %swap3A_429 = arith.constant 26 : i32
          %swap3A_430 = arith.index_cast %swap3A_429 : i32 to index
          %swap3A_431 = arith.index_cast %mul3A_180 : i32 to index
          %swap3A_432 = tpu.vector_load %arg12[%swap3A_430, %swap3A_431] {strides = array<i32>} : memref<64x768xf32, #tpu.memory_space<vmem>>, vector<16xf32>,
          tpu.vector_store %arg12[%swap3A_430, %swap3A_431], %gather3A_428 {strides = array<i32>} : memref<64x768xf32, #tpu.memory_space<vmem>>, vector<16xf32>,
          %gather3A_433 = arith.constant 1056 : i32
          %gather3A_434 = tpu.memref_slice %arg10[%gather3A_433] : memref<1536xf32, #tpu.memory_space<vmem>> -> memref<32xf32, #tpu.memory_space<vmem>>
          %gather3A_435 = tpu.vector_load_idx %gather3A_434[%max3A_211] : memref<32xf32, #tpu.memory_space<vmem>>[vector<16xi32>], vector<16xf32>,
          %swap3A_436 = arith.constant 27 : i32
          %swap3A_437 = arith.index_cast %swap3A_436 : i32 to index
          %swap3A_438 = arith.index_cast %mul3A_180 : i32 to index
          %swap3A_439 = tpu.vector_load %arg12[%swap3A_437, %swap3A_438] {strides = array<i32>} : memref<64x768xf32, #tpu.memory_space<vmem>>, vector<16xf32>,
          tpu.vector_store %arg12[%swap3A_437, %swap3A_438], %gather3A_435 {strides = array<i32>} : memref<64x768xf32, #tpu.memory_space<vmem>>, vector<16xf32>,
          %gather3A_440 = arith.constant 1152 : i32
          %gather3A_441 = tpu.memref_slice %arg10[%gather3A_440] : memref<1536xf32, #tpu.memory_space<vmem>> -> memref<32xf32, #tpu.memory_space<vmem>>
          %gather3A_442 = tpu.vector_load_idx %gather3A_441[%max3A_211] : memref<32xf32, #tpu.memory_space<vmem>>[vector<16xi32>], vector<16xf32>,
          %swap3A_443 = arith.constant 28 : i32
          %swap3A_444 = arith.index_cast %swap3A_443 : i32 to index
          %swap3A_445 = arith.index_cast %mul3A_180 : i32 to index
          %swap3A_446 = tpu.vector_load %arg12[%swap3A_444, %swap3A_445] {strides = array<i32>} : memref<64x768xf32, #tpu.memory_space<vmem>>, vector<16xf32>,
          tpu.vector_store %arg12[%swap3A_444, %swap3A_445], %gather3A_442 {strides = array<i32>} : memref<64x768xf32, #tpu.memory_space<vmem>>, vector<16xf32>,
          %gather3A_447 = arith.constant 1248 : i32
          %gather3A_448 = tpu.memref_slice %arg10[%gather3A_447] : memref<1536xf32, #tpu.memory_space<vmem>> -> memref<32xf32, #tpu.memory_space<vmem>>
          %gather3A_449 = tpu.vector_load_idx %gather3A_448[%max3A_211] : memref<32xf32, #tpu.memory_space<vmem>>[vector<16xi32>], vector<16xf32>,
          %swap3A_450 = arith.constant 29 : i32
          %swap3A_451 = arith.index_cast %swap3A_450 : i32 to index
          %swap3A_452 = arith.index_cast %mul3A_180 : i32 to index
          %swap3A_453 = tpu.vector_load %arg12[%swap3A_451, %swap3A_452] {strides = array<i32>} : memref<64x768xf32, #tpu.memory_space<vmem>>, vector<16xf32>,
          tpu.vector_store %arg12[%swap3A_451, %swap3A_452], %gather3A_449 {strides = array<i32>} : memref<64x768xf32, #tpu.memory_space<vmem>>, vector<16xf32>,
          %gather3A_454 = arith.constant 1344 : i32
          %gather3A_455 = tpu.memref_slice %arg10[%gather3A_454] : memref<1536xf32, #tpu.memory_space<vmem>> -> memref<32xf32, #tpu.memory_space<vmem>>
          %gather3A_456 = tpu.vector_load_idx %gather3A_455[%max3A_211] : memref<32xf32, #tpu.memory_space<vmem>>[vector<16xi32>], vector<16xf32>,
          %swap3A_457 = arith.constant 30 : i32
          %swap3A_458 = arith.index_cast %swap3A_457 : i32 to index
          %swap3A_459 = arith.index_cast %mul3A_180 : i32 to index
          %swap3A_460 = tpu.vector_load %arg12[%swap3A_458, %swap3A_459] {strides = array<i32>} : memref<64x768xf32, #tpu.memory_space<vmem>>, vector<16xf32>,
          tpu.vector_store %arg12[%swap3A_458, %swap3A_459], %gather3A_456 {strides = array<i32>} : memref<64x768xf32, #tpu.memory_space<vmem>>, vector<16xf32>,
          %gather3A_461 = arith.constant 1440 : i32
          %gather3A_462 = tpu.memref_slice %arg10[%gather3A_461] : memref<1536xf32, #tpu.memory_space<vmem>> -> memref<32xf32, #tpu.memory_space<vmem>>
          %gather3A_463 = tpu.vector_load_idx %gather3A_462[%max3A_211] : memref<32xf32, #tpu.memory_space<vmem>>[vector<16xi32>], vector<16xf32>,
          %swap3A_464 = arith.constant 31 : i32
          %swap3A_465 = arith.index_cast %swap3A_464 : i32 to index
          %swap3A_466 = arith.index_cast %mul3A_180 : i32 to index
          %swap3A_467 = tpu.vector_load %arg12[%swap3A_465, %swap3A_466] {strides = array<i32>} : memref<64x768xf32, #tpu.memory_space<vmem>>, vector<16xf32>,
          tpu.vector_store %arg12[%swap3A_465, %swap3A_466], %gather3A_463 {strides = array<i32>} : memref<64x768xf32, #tpu.memory_space<vmem>>, vector<16xf32>,
          %gather3A_468 = arith.constant 0 : i32
          %gather3A_469 = tpu.memref_slice %arg10[%gather3A_468] : memref<1536xf32, #tpu.memory_space<vmem>> -> memref<32xf32, #tpu.memory_space<vmem>>
          %gather3A_470 = tpu.vector_load_idx %gather3A_469[%max3A_228] : memref<32xf32, #tpu.memory_space<vmem>>[vector<16xi32>], vector<16xf32>,
          %swap3A_471 = arith.constant 32 : i32
          %swap3A_472 = arith.index_cast %swap3A_471 : i32 to index
          %swap3A_473 = arith.index_cast %mul3A_180 : i32 to index
          %swap3A_474 = tpu.vector_load %arg12[%swap3A_472, %swap3A_473] {strides = array<i32>} : memref<64x768xf32, #tpu.memory_space<vmem>>, vector<16xf32>,
          tpu.vector_store %arg12[%swap3A_472, %swap3A_473], %gather3A_470 {strides = array<i32>} : memref<64x768xf32, #tpu.memory_space<vmem>>, vector<16xf32>,
          %gather3A_475 = arith.constant 96 : i32
          %gather3A_476 = tpu.memref_slice %arg10[%gather3A_475] : memref<1536xf32, #tpu.memory_space<vmem>> -> memref<32xf32, #tpu.memory_space<vmem>>
          %gather3A_477 = tpu.vector_load_idx %gather3A_476[%max3A_228] : memref<32xf32, #tpu.memory_space<vmem>>[vector<16xi32>], vector<16xf32>,
          %swap3A_478 = arith.constant 33 : i32
          %swap3A_479 = arith.index_cast %swap3A_478 : i32 to index
          %swap3A_480 = arith.index_cast %mul3A_180 : i32 to index
          %swap3A_481 = tpu.vector_load %arg12[%swap3A_479, %swap3A_480] {strides = array<i32>} : memref<64x768xf32, #tpu.memory_space<vmem>>, vector<16xf32>,
          tpu.vector_store %arg12[%swap3A_479, %swap3A_480], %gather3A_477 {strides = array<i32>} : memref<64x768xf32, #tpu.memory_space<vmem>>, vector<16xf32>,
          %gather3A_482 = arith.constant 192 : i32
          %gather3A_483 = tpu.memref_slice %arg10[%gather3A_482] : memref<1536xf32, #tpu.memory_space<vmem>> -> memref<32xf32, #tpu.memory_space<vmem>>
          %gather3A_484 = tpu.vector_load_idx %gather3A_483[%max3A_228] : memref<32xf32, #tpu.memory_space<vmem>>[vector<16xi32>], vector<16xf32>,
          %swap3A_485 = arith.constant 34 : i32
          %swap3A_486 = arith.index_cast %swap3A_485 : i32 to index
          %swap3A_487 = arith.index_cast %mul3A_180 : i32 to index
          %swap3A_488 = tpu.vector_load %arg12[%swap3A_486, %swap3A_487] {strides = array<i32>} : memref<64x768xf32, #tpu.memory_space<vmem>>, vector<16xf32>,
          tpu.vector_store %arg12[%swap3A_486, %swap3A_487], %gather3A_484 {strides = array<i32>} : memref<64x768xf32, #tpu.memory_space<vmem>>, vector<16xf32>,
          %gather3A_489 = arith.constant 288 : i32
          %gather3A_490 = tpu.memref_slice %arg10[%gather3A_489] : memref<1536xf32, #tpu.memory_space<vmem>> -> memref<32xf32, #tpu.memory_space<vmem>>
          %gather3A_491 = tpu.vector_load_idx %gather3A_490[%max3A_228] : memref<32xf32, #tpu.memory_space<vmem>>[vector<16xi32>], vector<16xf32>,
          %swap3A_492 = arith.constant 35 : i32
          %swap3A_493 = arith.index_cast %swap3A_492 : i32 to index
          %swap3A_494 = arith.index_cast %mul3A_180 : i32 to index
          %swap3A_495 = tpu.vector_load %arg12[%swap3A_493, %swap3A_494] {strides = array<i32>} : memref<64x768xf32, #tpu.memory_space<vmem>>, vector<16xf32>,
          tpu.vector_store %arg12[%swap3A_493, %swap3A_494], %gather3A_491 {strides = array<i32>} : memref<64x768xf32, #tpu.memory_space<vmem>>, vector<16xf32>,
          %gather3A_496 = arith.constant 384 : i32
          %gather3A_497 = tpu.memref_slice %arg10[%gather3A_496] : memref<1536xf32, #tpu.memory_space<vmem>> -> memref<32xf32, #tpu.memory_space<vmem>>
          %gather3A_498 = tpu.vector_load_idx %gather3A_497[%max3A_228] : memref<32xf32, #tpu.memory_space<vmem>>[vector<16xi32>], vector<16xf32>,
          %swap3A_499 = arith.constant 36 : i32
          %swap3A_500 = arith.index_cast %swap3A_499 : i32 to index
          %swap3A_501 = arith.index_cast %mul3A_180 : i32 to index
          %swap3A_502 = tpu.vector_load %arg12[%swap3A_500, %swap3A_501] {strides = array<i32>} : memref<64x768xf32, #tpu.memory_space<vmem>>, vector<16xf32>,
          tpu.vector_store %arg12[%swap3A_500, %swap3A_501], %gather3A_498 {strides = array<i32>} : memref<64x768xf32, #tpu.memory_space<vmem>>, vector<16xf32>,
          %gather3A_503 = arith.constant 480 : i32
          %gather3A_504 = tpu.memref_slice %arg10[%gather3A_503] : memref<1536xf32, #tpu.memory_space<vmem>> -> memref<32xf32, #tpu.memory_space<vmem>>
          %gather3A_505 = tpu.vector_load_idx %gather3A_504[%max3A_228] : memref<32xf32, #tpu.memory_space<vmem>>[vector<16xi32>], vector<16xf32>,
          %swap3A_506 = arith.constant 37 : i32
          %swap3A_507 = arith.index_cast %swap3A_506 : i32 to index
          %swap3A_508 = arith.index_cast %mul3A_180 : i32 to index
          %swap3A_509 = tpu.vector_load %arg12[%swap3A_507, %swap3A_508] {strides = array<i32>} : memref<64x768xf32, #tpu.memory_space<vmem>>, vector<16xf32>,
          tpu.vector_store %arg12[%swap3A_507, %swap3A_508], %gather3A_505 {strides = array<i32>} : memref<64x768xf32, #tpu.memory_space<vmem>>, vector<16xf32>,
          %gather3A_510 = arith.constant 576 : i32
          %gather3A_511 = tpu.memref_slice %arg10[%gather3A_510] : memref<1536xf32, #tpu.memory_space<vmem>> -> memref<32xf32, #tpu.memory_space<vmem>>
          %gather3A_512 = tpu.vector_load_idx %gather3A_511[%max3A_228] : memref<32xf32, #tpu.memory_space<vmem>>[vector<16xi32>], vector<16xf32>,
          %swap3A_513 = arith.constant 38 : i32
          %swap3A_514 = arith.index_cast %swap3A_513 : i32 to index
          %swap3A_515 = arith.index_cast %mul3A_180 : i32 to index
          %swap3A_516 = tpu.vector_load %arg12[%swap3A_514, %swap3A_515] {strides = array<i32>} : memref<64x768xf32, #tpu.memory_space<vmem>>, vector<16xf32>,
          tpu.vector_store %arg12[%swap3A_514, %swap3A_515], %gather3A_512 {strides = array<i32>} : memref<64x768xf32, #tpu.memory_space<vmem>>, vector<16xf32>,
          %gather3A_517 = arith.constant 672 : i32
          %gather3A_518 = tpu.memref_slice %arg10[%gather3A_517] : memref<1536xf32, #tpu.memory_space<vmem>> -> memref<32xf32, #tpu.memory_space<vmem>>
          %gather3A_519 = tpu.vector_load_idx %gather3A_518[%max3A_228] : memref<32xf32, #tpu.memory_space<vmem>>[vector<16xi32>], vector<16xf32>,
          %swap3A_520 = arith.constant 39 : i32
          %swap3A_521 = arith.index_cast %swap3A_520 : i32 to index
          %swap3A_522 = arith.index_cast %mul3A_180 : i32 to index
          %swap3A_523 = tpu.vector_load %arg12[%swap3A_521, %swap3A_522] {strides = array<i32>} : memref<64x768xf32, #tpu.memory_space<vmem>>, vector<16xf32>,
          tpu.vector_store %arg12[%swap3A_521, %swap3A_522], %gather3A_519 {strides = array<i32>} : memref<64x768xf32, #tpu.memory_space<vmem>>, vector<16xf32>,
          %gather3A_524 = arith.constant 768 : i32
          %gather3A_525 = tpu.memref_slice %arg10[%gather3A_524] : memref<1536xf32, #tpu.memory_space<vmem>> -> memref<32xf32, #tpu.memory_space<vmem>>
          %gather3A_526 = tpu.vector_load_idx %gather3A_525[%max3A_228] : memref<32xf32, #tpu.memory_space<vmem>>[vector<16xi32>], vector<16xf32>,
          %swap3A_527 = arith.constant 40 : i32
          %swap3A_528 = arith.index_cast %swap3A_527 : i32 to index
          %swap3A_529 = arith.index_cast %mul3A_180 : i32 to index
          %swap3A_530 = tpu.vector_load %arg12[%swap3A_528, %swap3A_529] {strides = array<i32>} : memref<64x768xf32, #tpu.memory_space<vmem>>, vector<16xf32>,
          tpu.vector_store %arg12[%swap3A_528, %swap3A_529], %gather3A_526 {strides = array<i32>} : memref<64x768xf32, #tpu.memory_space<vmem>>, vector<16xf32>,
          %gather3A_531 = arith.constant 864 : i32
          %gather3A_532 = tpu.memref_slice %arg10[%gather3A_531] : memref<1536xf32, #tpu.memory_space<vmem>> -> memref<32xf32, #tpu.memory_space<vmem>>
          %gather3A_533 = tpu.vector_load_idx %gather3A_532[%max3A_228] : memref<32xf32, #tpu.memory_space<vmem>>[vector<16xi32>], vector<16xf32>,
          %swap3A_534 = arith.constant 41 : i32
          %swap3A_535 = arith.index_cast %swap3A_534 : i32 to index
          %swap3A_536 = arith.index_cast %mul3A_180 : i32 to index
          %swap3A_537 = tpu.vector_load %arg12[%swap3A_535, %swap3A_536] {strides = array<i32>} : memref<64x768xf32, #tpu.memory_space<vmem>>, vector<16xf32>,
          tpu.vector_store %arg12[%swap3A_535, %swap3A_536], %gather3A_533 {strides = array<i32>} : memref<64x768xf32, #tpu.memory_space<vmem>>, vector<16xf32>,
          %gather3A_538 = arith.constant 960 : i32
          %gather3A_539 = tpu.memref_slice %arg10[%gather3A_538] : memref<1536xf32, #tpu.memory_space<vmem>> -> memref<32xf32, #tpu.memory_space<vmem>>
          %gather3A_540 = tpu.vector_load_idx %gather3A_539[%max3A_228] : memref<32xf32, #tpu.memory_space<vmem>>[vector<16xi32>], vector<16xf32>,
          %swap3A_541 = arith.constant 42 : i32
          %swap3A_542 = arith.index_cast %swap3A_541 : i32 to index
          %swap3A_543 = arith.index_cast %mul3A_180 : i32 to index
          %swap3A_544 = tpu.vector_load %arg12[%swap3A_542, %swap3A_543] {strides = array<i32>} : memref<64x768xf32, #tpu.memory_space<vmem>>, vector<16xf32>,
          tpu.vector_store %arg12[%swap3A_542, %swap3A_543], %gather3A_540 {strides = array<i32>} : memref<64x768xf32, #tpu.memory_space<vmem>>, vector<16xf32>,
          %gather3A_545 = arith.constant 1056 : i32
          %gather3A_546 = tpu.memref_slice %arg10[%gather3A_545] : memref<1536xf32, #tpu.memory_space<vmem>> -> memref<32xf32, #tpu.memory_space<vmem>>
          %gather3A_547 = tpu.vector_load_idx %gather3A_546[%max3A_228] : memref<32xf32, #tpu.memory_space<vmem>>[vector<16xi32>], vector<16xf32>,
          %swap3A_548 = arith.constant 43 : i32
          %swap3A_549 = arith.index_cast %swap3A_548 : i32 to index
          %swap3A_550 = arith.index_cast %mul3A_180 : i32 to index
          %swap3A_551 = tpu.vector_load %arg12[%swap3A_549, %swap3A_550] {strides = array<i32>} : memref<64x768xf32, #tpu.memory_space<vmem>>, vector<16xf32>,
          tpu.vector_store %arg12[%swap3A_549, %swap3A_550], %gather3A_547 {strides = array<i32>} : memref<64x768xf32, #tpu.memory_space<vmem>>, vector<16xf32>,
          %gather3A_552 = arith.constant 1152 : i32
          %gather3A_553 = tpu.memref_slice %arg10[%gather3A_552] : memref<1536xf32, #tpu.memory_space<vmem>> -> memref<32xf32, #tpu.memory_space<vmem>>
          %gather3A_554 = tpu.vector_load_idx %gather3A_553[%max3A_228] : memref<32xf32, #tpu.memory_space<vmem>>[vector<16xi32>], vector<16xf32>,
          %swap3A_555 = arith.constant 44 : i32
          %swap3A_556 = arith.index_cast %swap3A_555 : i32 to index
          %swap3A_557 = arith.index_cast %mul3A_180 : i32 to index
          %swap3A_558 = tpu.vector_load %arg12[%swap3A_556, %swap3A_557] {strides = array<i32>} : memref<64x768xf32, #tpu.memory_space<vmem>>, vector<16xf32>,
          tpu.vector_store %arg12[%swap3A_556, %swap3A_557], %gather3A_554 {strides = array<i32>} : memref<64x768xf32, #tpu.memory_space<vmem>>, vector<16xf32>,
          %gather3A_559 = arith.constant 1248 : i32
          %gather3A_560 = tpu.memref_slice %arg10[%gather3A_559] : memref<1536xf32, #tpu.memory_space<vmem>> -> memref<32xf32, #tpu.memory_space<vmem>>
          %gather3A_561 = tpu.vector_load_idx %gather3A_560[%max3A_228] : memref<32xf32, #tpu.memory_space<vmem>>[vector<16xi32>], vector<16xf32>,
          %swap3A_562 = arith.constant 45 : i32
          %swap3A_563 = arith.index_cast %swap3A_562 : i32 to index
          %swap3A_564 = arith.index_cast %mul3A_180 : i32 to index
          %swap3A_565 = tpu.vector_load %arg12[%swap3A_563, %swap3A_564] {strides = array<i32>} : memref<64x768xf32, #tpu.memory_space<vmem>>, vector<16xf32>,
          tpu.vector_store %arg12[%swap3A_563, %swap3A_564], %gather3A_561 {strides = array<i32>} : memref<64x768xf32, #tpu.memory_space<vmem>>, vector<16xf32>,
          %gather3A_566 = arith.constant 1344 : i32
          %gather3A_567 = tpu.memref_slice %arg10[%gather3A_566] : memref<1536xf32, #tpu.memory_space<vmem>> -> memref<32xf32, #tpu.memory_space<vmem>>
          %gather3A_568 = tpu.vector_load_idx %gather3A_567[%max3A_228] : memref<32xf32, #tpu.memory_space<vmem>>[vector<16xi32>], vector<16xf32>,
          %swap3A_569 = arith.constant 46 : i32
          %swap3A_570 = arith.index_cast %swap3A_569 : i32 to index
          %swap3A_571 = arith.index_cast %mul3A_180 : i32 to index
          %swap3A_572 = tpu.vector_load %arg12[%swap3A_570, %swap3A_571] {strides = array<i32>} : memref<64x768xf32, #tpu.memory_space<vmem>>, vector<16xf32>,
          tpu.vector_store %arg12[%swap3A_570, %swap3A_571], %gather3A_568 {strides = array<i32>} : memref<64x768xf32, #tpu.memory_space<vmem>>, vector<16xf32>,
          %gather3A_573 = arith.constant 1440 : i32
          %gather3A_574 = tpu.memref_slice %arg10[%gather3A_573] : memref<1536xf32, #tpu.memory_space<vmem>> -> memref<32xf32, #tpu.memory_space<vmem>>
          %gather3A_575 = tpu.vector_load_idx %gather3A_574[%max3A_228] : memref<32xf32, #tpu.memory_space<vmem>>[vector<16xi32>], vector<16xf32>,
          %swap3A_576 = arith.constant 47 : i32
          %swap3A_577 = arith.index_cast %swap3A_576 : i32 to index
          %swap3A_578 = arith.index_cast %mul3A_180 : i32 to index
          %swap3A_579 = tpu.vector_load %arg12[%swap3A_577, %swap3A_578] {strides = array<i32>} : memref<64x768xf32, #tpu.memory_space<vmem>>, vector<16xf32>,
          tpu.vector_store %arg12[%swap3A_577, %swap3A_578], %gather3A_575 {strides = array<i32>} : memref<64x768xf32, #tpu.memory_space<vmem>>, vector<16xf32>,
          %gather3A_580 = arith.constant 32 : i32
          %gather3A_581 = tpu.memref_slice %arg10[%gather3A_580] : memref<1536xf32, #tpu.memory_space<vmem>> -> memref<64xf32, #tpu.memory_space<vmem>>
          %gather3A_582 = tpu.vector_load_idx %gather3A_581[%max3A_245] : memref<64xf32, #tpu.memory_space<vmem>>[vector<16xi32>], vector<16xf32>,
          %swap3A_583 = arith.constant 48 : i32
          %swap3A_584 = arith.index_cast %swap3A_583 : i32 to index
          %swap3A_585 = arith.index_cast %mul3A_180 : i32 to index
          %swap3A_586 = tpu.vector_load %arg12[%swap3A_584, %swap3A_585] {strides = array<i32>} : memref<64x768xf32, #tpu.memory_space<vmem>>, vector<16xf32>,
          tpu.vector_store %arg12[%swap3A_584, %swap3A_585], %gather3A_582 {strides = array<i32>} : memref<64x768xf32, #tpu.memory_space<vmem>>, vector<16xf32>,
          %gather3A_587 = arith.constant 128 : i32
          %gather3A_588 = tpu.memref_slice %arg10[%gather3A_587] : memref<1536xf32, #tpu.memory_space<vmem>> -> memref<64xf32, #tpu.memory_space<vmem>>
          %gather3A_589 = tpu.vector_load_idx %gather3A_588[%max3A_245] : memref<64xf32, #tpu.memory_space<vmem>>[vector<16xi32>], vector<16xf32>,
          %swap3A_590 = arith.constant 49 : i32
          %swap3A_591 = arith.index_cast %swap3A_590 : i32 to index
          %swap3A_592 = arith.index_cast %mul3A_180 : i32 to index
          %swap3A_593 = tpu.vector_load %arg12[%swap3A_591, %swap3A_592] {strides = array<i32>} : memref<64x768xf32, #tpu.memory_space<vmem>>, vector<16xf32>,
          tpu.vector_store %arg12[%swap3A_591, %swap3A_592], %gather3A_589 {strides = array<i32>} : memref<64x768xf32, #tpu.memory_space<vmem>>, vector<16xf32>,
          %gather3A_594 = arith.constant 224 : i32
          %gather3A_595 = tpu.memref_slice %arg10[%gather3A_594] : memref<1536xf32, #tpu.memory_space<vmem>> -> memref<64xf32, #tpu.memory_space<vmem>>
          %gather3A_596 = tpu.vector_load_idx %gather3A_595[%max3A_245] : memref<64xf32, #tpu.memory_space<vmem>>[vector<16xi32>], vector<16xf32>,
          %swap3A_597 = arith.constant 50 : i32
          %swap3A_598 = arith.index_cast %swap3A_597 : i32 to index
          %swap3A_599 = arith.index_cast %mul3A_180 : i32 to index
          %swap3A_600 = tpu.vector_load %arg12[%swap3A_598, %swap3A_599] {strides = array<i32>} : memref<64x768xf32, #tpu.memory_space<vmem>>, vector<16xf32>,
          tpu.vector_store %arg12[%swap3A_598, %swap3A_599], %gather3A_596 {strides = array<i32>} : memref<64x768xf32, #tpu.memory_space<vmem>>, vector<16xf32>,
          %gather3A_601 = arith.constant 320 : i32
          %gather3A_602 = tpu.memref_slice %arg10[%gather3A_601] : memref<1536xf32, #tpu.memory_space<vmem>> -> memref<64xf32, #tpu.memory_space<vmem>>
          %gather3A_603 = tpu.vector_load_idx %gather3A_602[%max3A_245] : memref<64xf32, #tpu.memory_space<vmem>>[vector<16xi32>], vector<16xf32>,
          %swap3A_604 = arith.constant 51 : i32
          %swap3A_605 = arith.index_cast %swap3A_604 : i32 to index
          %swap3A_606 = arith.index_cast %mul3A_180 : i32 to index
          %swap3A_607 = tpu.vector_load %arg12[%swap3A_605, %swap3A_606] {strides = array<i32>} : memref<64x768xf32, #tpu.memory_space<vmem>>, vector<16xf32>,
          tpu.vector_store %arg12[%swap3A_605, %swap3A_606], %gather3A_603 {strides = array<i32>} : memref<64x768xf32, #tpu.memory_space<vmem>>, vector<16xf32>,
          %gather3A_608 = arith.constant 416 : i32
          %gather3A_609 = tpu.memref_slice %arg10[%gather3A_608] : memref<1536xf32, #tpu.memory_space<vmem>> -> memref<64xf32, #tpu.memory_space<vmem>>
          %gather3A_610 = tpu.vector_load_idx %gather3A_609[%max3A_245] : memref<64xf32, #tpu.memory_space<vmem>>[vector<16xi32>], vector<16xf32>,
          %swap3A_611 = arith.constant 52 : i32
          %swap3A_612 = arith.index_cast %swap3A_611 : i32 to index
          %swap3A_613 = arith.index_cast %mul3A_180 : i32 to index
          %swap3A_614 = tpu.vector_load %arg12[%swap3A_612, %swap3A_613] {strides = array<i32>} : memref<64x768xf32, #tpu.memory_space<vmem>>, vector<16xf32>,
          tpu.vector_store %arg12[%swap3A_612, %swap3A_613], %gather3A_610 {strides = array<i32>} : memref<64x768xf32, #tpu.memory_space<vmem>>, vector<16xf32>,
          %gather3A_615 = arith.constant 512 : i32
          %gather3A_616 = tpu.memref_slice %arg10[%gather3A_615] : memref<1536xf32, #tpu.memory_space<vmem>> -> memref<64xf32, #tpu.memory_space<vmem>>
          %gather3A_617 = tpu.vector_load_idx %gather3A_616[%max3A_245] : memref<64xf32, #tpu.memory_space<vmem>>[vector<16xi32>], vector<16xf32>,
          %swap3A_618 = arith.constant 53 : i32
          %swap3A_619 = arith.index_cast %swap3A_618 : i32 to index
          %swap3A_620 = arith.index_cast %mul3A_180 : i32 to index
          %swap3A_621 = tpu.vector_load %arg12[%swap3A_619, %swap3A_620] {strides = array<i32>} : memref<64x768xf32, #tpu.memory_space<vmem>>, vector<16xf32>,
          tpu.vector_store %arg12[%swap3A_619, %swap3A_620], %gather3A_617 {strides = array<i32>} : memref<64x768xf32, #tpu.memory_space<vmem>>, vector<16xf32>,
          %gather3A_622 = arith.constant 608 : i32
          %gather3A_623 = tpu.memref_slice %arg10[%gather3A_622] : memref<1536xf32, #tpu.memory_space<vmem>> -> memref<64xf32, #tpu.memory_space<vmem>>
          %gather3A_624 = tpu.vector_load_idx %gather3A_623[%max3A_245] : memref<64xf32, #tpu.memory_space<vmem>>[vector<16xi32>], vector<16xf32>,
          %swap3A_625 = arith.constant 54 : i32
          %swap3A_626 = arith.index_cast %swap3A_625 : i32 to index
          %swap3A_627 = arith.index_cast %mul3A_180 : i32 to index
          %swap3A_628 = tpu.vector_load %arg12[%swap3A_626, %swap3A_627] {strides = array<i32>} : memref<64x768xf32, #tpu.memory_space<vmem>>, vector<16xf32>,
          tpu.vector_store %arg12[%swap3A_626, %swap3A_627], %gather3A_624 {strides = array<i32>} : memref<64x768xf32, #tpu.memory_space<vmem>>, vector<16xf32>,
          %gather3A_629 = arith.constant 704 : i32
          %gather3A_630 = tpu.memref_slice %arg10[%gather3A_629] : memref<1536xf32, #tpu.memory_space<vmem>> -> memref<64xf32, #tpu.memory_space<vmem>>
          %gather3A_631 = tpu.vector_load_idx %gather3A_630[%max3A_245] : memref<64xf32, #tpu.memory_space<vmem>>[vector<16xi32>], vector<16xf32>,
          %swap3A_632 = arith.constant 55 : i32
          %swap3A_633 = arith.index_cast %swap3A_632 : i32 to index
          %swap3A_634 = arith.index_cast %mul3A_180 : i32 to index
          %swap3A_635 = tpu.vector_load %arg12[%swap3A_633, %swap3A_634] {strides = array<i32>} : memref<64x768xf32, #tpu.memory_space<vmem>>, vector<16xf32>,
          tpu.vector_store %arg12[%swap3A_633, %swap3A_634], %gather3A_631 {strides = array<i32>} : memref<64x768xf32, #tpu.memory_space<vmem>>, vector<16xf32>,
          %gather3A_636 = arith.constant 800 : i32
          %gather3A_637 = tpu.memref_slice %arg10[%gather3A_636] : memref<1536xf32, #tpu.memory_space<vmem>> -> memref<64xf32, #tpu.memory_space<vmem>>
          %gather3A_638 = tpu.vector_load_idx %gather3A_637[%max3A_245] : memref<64xf32, #tpu.memory_space<vmem>>[vector<16xi32>], vector<16xf32>,
          %swap3A_639 = arith.constant 56 : i32
          %swap3A_640 = arith.index_cast %swap3A_639 : i32 to index
          %swap3A_641 = arith.index_cast %mul3A_180 : i32 to index
          %swap3A_642 = tpu.vector_load %arg12[%swap3A_640, %swap3A_641] {strides = array<i32>} : memref<64x768xf32, #tpu.memory_space<vmem>>, vector<16xf32>,
          tpu.vector_store %arg12[%swap3A_640, %swap3A_641], %gather3A_638 {strides = array<i32>} : memref<64x768xf32, #tpu.memory_space<vmem>>, vector<16xf32>,
          %gather3A_643 = arith.constant 896 : i32
          %gather3A_644 = tpu.memref_slice %arg10[%gather3A_643] : memref<1536xf32, #tpu.memory_space<vmem>> -> memref<64xf32, #tpu.memory_space<vmem>>
          %gather3A_645 = tpu.vector_load_idx %gather3A_644[%max3A_245] : memref<64xf32, #tpu.memory_space<vmem>>[vector<16xi32>], vector<16xf32>,
          %swap3A_646 = arith.constant 57 : i32
          %swap3A_647 = arith.index_cast %swap3A_646 : i32 to index
          %swap3A_648 = arith.index_cast %mul3A_180 : i32 to index
          %swap3A_649 = tpu.vector_load %arg12[%swap3A_647, %swap3A_648] {strides = array<i32>} : memref<64x768xf32, #tpu.memory_space<vmem>>, vector<16xf32>,
          tpu.vector_store %arg12[%swap3A_647, %swap3A_648], %gather3A_645 {strides = array<i32>} : memref<64x768xf32, #tpu.memory_space<vmem>>, vector<16xf32>,
          %gather3A_650 = arith.constant 992 : i32
          %gather3A_651 = tpu.memref_slice %arg10[%gather3A_650] : memref<1536xf32, #tpu.memory_space<vmem>> -> memref<64xf32, #tpu.memory_space<vmem>>
          %gather3A_652 = tpu.vector_load_idx %gather3A_651[%max3A_245] : memref<64xf32, #tpu.memory_space<vmem>>[vector<16xi32>], vector<16xf32>,
          %swap3A_653 = arith.constant 58 : i32
          %swap3A_654 = arith.index_cast %swap3A_653 : i32 to index
          %swap3A_655 = arith.index_cast %mul3A_180 : i32 to index
          %swap3A_656 = tpu.vector_load %arg12[%swap3A_654, %swap3A_655] {strides = array<i32>} : memref<64x768xf32, #tpu.memory_space<vmem>>, vector<16xf32>,
          tpu.vector_store %arg12[%swap3A_654, %swap3A_655], %gather3A_652 {strides = array<i32>} : memref<64x768xf32, #tpu.memory_space<vmem>>, vector<16xf32>,
          %gather3A_657 = arith.constant 1088 : i32
          %gather3A_658 = tpu.memref_slice %arg10[%gather3A_657] : memref<1536xf32, #tpu.memory_space<vmem>> -> memref<64xf32, #tpu.memory_space<vmem>>
          %gather3A_659 = tpu.vector_load_idx %gather3A_658[%max3A_245] : memref<64xf32, #tpu.memory_space<vmem>>[vector<16xi32>], vector<16xf32>,
          %swap3A_660 = arith.constant 59 : i32
          %swap3A_661 = arith.index_cast %swap3A_660 : i32 to index
          %swap3A_662 = arith.index_cast %mul3A_180 : i32 to index
          %swap3A_663 = tpu.vector_load %arg12[%swap3A_661, %swap3A_662] {strides = array<i32>} : memref<64x768xf32, #tpu.memory_space<vmem>>, vector<16xf32>,
          tpu.vector_store %arg12[%swap3A_661, %swap3A_662], %gather3A_659 {strides = array<i32>} : memref<64x768xf32, #tpu.memory_space<vmem>>, vector<16xf32>,
          %gather3A_664 = arith.constant 1184 : i32
          %gather3A_665 = tpu.memref_slice %arg10[%gather3A_664] : memref<1536xf32, #tpu.memory_space<vmem>> -> memref<64xf32, #tpu.memory_space<vmem>>
          %gather3A_666 = tpu.vector_load_idx %gather3A_665[%max3A_245] : memref<64xf32, #tpu.memory_space<vmem>>[vector<16xi32>], vector<16xf32>,
          %swap3A_667 = arith.constant 60 : i32
          %swap3A_668 = arith.index_cast %swap3A_667 : i32 to index
          %swap3A_669 = arith.index_cast %mul3A_180 : i32 to index
          %swap3A_670 = tpu.vector_load %arg12[%swap3A_668, %swap3A_669] {strides = array<i32>} : memref<64x768xf32, #tpu.memory_space<vmem>>, vector<16xf32>,
          tpu.vector_store %arg12[%swap3A_668, %swap3A_669], %gather3A_666 {strides = array<i32>} : memref<64x768xf32, #tpu.memory_space<vmem>>, vector<16xf32>,
          %gather3A_671 = arith.constant 1280 : i32
          %gather3A_672 = tpu.memref_slice %arg10[%gather3A_671] : memref<1536xf32, #tpu.memory_space<vmem>> -> memref<64xf32, #tpu.memory_space<vmem>>
          %gather3A_673 = tpu.vector_load_idx %gather3A_672[%max3A_245] : memref<64xf32, #tpu.memory_space<vmem>>[vector<16xi32>], vector<16xf32>,
          %swap3A_674 = arith.constant 61 : i32
          %swap3A_675 = arith.index_cast %swap3A_674 : i32 to index
          %swap3A_676 = arith.index_cast %mul3A_180 : i32 to index
          %swap3A_677 = tpu.vector_load %arg12[%swap3A_675, %swap3A_676] {strides = array<i32>} : memref<64x768xf32, #tpu.memory_space<vmem>>, vector<16xf32>,
          tpu.vector_store %arg12[%swap3A_675, %swap3A_676], %gather3A_673 {strides = array<i32>} : memref<64x768xf32, #tpu.memory_space<vmem>>, vector<16xf32>,
          %gather3A_678 = arith.constant 1376 : i32
          %gather3A_679 = tpu.memref_slice %arg10[%gather3A_678] : memref<1536xf32, #tpu.memory_space<vmem>> -> memref<64xf32, #tpu.memory_space<vmem>>
          %gather3A_680 = tpu.vector_load_idx %gather3A_679[%max3A_245] : memref<64xf32, #tpu.memory_space<vmem>>[vector<16xi32>], vector<16xf32>,
          %swap3A_681 = arith.constant 62 : i32
          %swap3A_682 = arith.index_cast %swap3A_681 : i32 to index
          %swap3A_683 = arith.index_cast %mul3A_180 : i32 to index
          %swap3A_684 = tpu.vector_load %arg12[%swap3A_682, %swap3A_683] {strides = array<i32>} : memref<64x768xf32, #tpu.memory_space<vmem>>, vector<16xf32>,
          tpu.vector_store %arg12[%swap3A_682, %swap3A_683], %gather3A_680 {strides = array<i32>} : memref<64x768xf32, #tpu.memory_space<vmem>>, vector<16xf32>,
          %gather3A_685 = arith.constant 1472 : i32
          %gather3A_686 = tpu.memref_slice %arg10[%gather3A_685] : memref<1536xf32, #tpu.memory_space<vmem>> -> memref<64xf32, #tpu.memory_space<vmem>>
          %gather3A_687 = tpu.vector_load_idx %gather3A_686[%max3A_245] : memref<64xf32, #tpu.memory_space<vmem>>[vector<16xi32>], vector<16xf32>,
          %swap3A_688 = arith.constant 63 : i32
          %swap3A_689 = arith.index_cast %swap3A_688 : i32 to index
          %swap3A_690 = arith.index_cast %mul3A_180 : i32 to index
          %swap3A_691 = tpu.vector_load %arg12[%swap3A_689, %swap3A_690] {strides = array<i32>} : memref<64x768xf32, #tpu.memory_space<vmem>>, vector<16xf32>,
          tpu.vector_store %arg12[%swap3A_689, %swap3A_690], %gather3A_687 {strides = array<i32>} : memref<64x768xf32, #tpu.memory_space<vmem>>, vector<16xf32>,
          %scan3A_692 = arith.constant 1 : i32
          %scan3A_693 = arith.addi %scan3A_178, %scan3A_692 : i32
          %mul3A_694 = arith.constant 16 : i32
          %mul3A_695 = arith.muli %scan3A_693, %mul3A_694 : i32
          %add3A_696 = arith.constant 0 : i32
          %add3A_697 = arith.addi %add3A_696, %mul3A_695 : i32
          %get3A_698 = arith.index_cast %add3A_697 : i32 to index
          %get3A_699 = tpu.vector_load %arg9[%get3A_698] {strides = array<i32>} : memref<3072xf32, #tpu.memory_space<vmem>>, vector<16xf32>,
          %mul3A_700 = arith.constant 3.200000e+01 : f32
          %mul3A_701 = vector.broadcast %mul3A_700 : f32 to vector<16xf32>
          %mul3A_702 = arith.mulf %get3A_699, %mul3A_701 : vector<16xf32>
          %convert_element_type3A_703 = arith.fptosi %mul3A_702 : vector<16xf32> to vector<16xi32>
          %convert_element_type3A_704 = arith.sitofp %convert_element_type3A_703 : vector<16xi32> to vector<16xf32>
          %gt3A_705 = arith.cmpf ogt, %mul3A_702, %convert_element_type3A_704 : vector<16xf32>
          %sub3A_706 = arith.constant 1 : i32
          %sub3A_707 = vector.broadcast %sub3A_706 : i32 to vector<16xi32>
          %sub3A_708 = arith.subi %convert_element_type3A_703, %sub3A_707 : vector<16xi32>
          %select_n3A_709 = arith.select %gt3A_705, %convert_element_type3A_703, %sub3A_708 : vector<16xi1>, vector<16xi32>
          %max3A_710 = arith.constant 0 : i32
          %max3A_711 = vector.broadcast %max3A_710 : i32 to vector<16xi32>
          %max3A_712 = arith.maxsi %select_n3A_709, %max3A_711 : vector<16xi32>
          %add3A_713 = arith.constant 768 : i32
          %add3A_714 = arith.addi %add3A_713, %mul3A_695 : i32
          %get3A_715 = arith.index_cast %add3A_714 : i32 to index
          %get3A_716 = tpu.vector_load %arg9[%get3A_715] {strides = array<i32>} : memref<3072xf32, #tpu.memory_space<vmem>>, vector<16xf32>,
          %mul3A_717 = arith.constant 3.200000e+01 : f32
          %mul3A_718 = vector.broadcast %mul3A_717 : f32 to vector<16xf32>
          %mul3A_719 = arith.mulf %get3A_716, %mul3A_718 : vector<16xf32>
          %convert_element_type3A_720 = arith.fptosi %mul3A_719 : vector<16xf32> to vector<16xi32>
          %convert_element_type3A_721 = arith.sitofp %convert_element_type3A_720 : vector<16xi32> to vector<16xf32>
          %gt3A_722 = arith.cmpf ogt, %mul3A_719, %convert_element_type3A_721 : vector<16xf32>
          %sub3A_723 = arith.constant 1 : i32
          %sub3A_724 = vector.broadcast %sub3A_723 : i32 to vector<16xi32>
          %sub3A_725 = arith.subi %convert_element_type3A_720, %sub3A_724 : vector<16xi32>
          %select_n3A_726 = arith.select %gt3A_722, %convert_element_type3A_720, %sub3A_725 : vector<16xi1>, vector<16xi32>
          %max3A_727 = arith.constant 0 : i32
          %max3A_728 = vector.broadcast %max3A_727 : i32 to vector<16xi32>
          %max3A_729 = arith.maxsi %select_n3A_726, %max3A_728 : vector<16xi32>
          %add3A_730 = arith.constant 1536 : i32
          %add3A_731 = arith.addi %add3A_730, %mul3A_695 : i32
          %get3A_732 = arith.index_cast %add3A_731 : i32 to index
          %get3A_733 = tpu.vector_load %arg9[%get3A_732] {strides = array<i32>} : memref<3072xf32, #tpu.memory_space<vmem>>, vector<16xf32>,
          %mul3A_734 = arith.constant 3.200000e+01 : f32
          %mul3A_735 = vector.broadcast %mul3A_734 : f32 to vector<16xf32>
          %mul3A_736 = arith.mulf %get3A_733, %mul3A_735 : vector<16xf32>
          %convert_element_type3A_737 = arith.fptosi %mul3A_736 : vector<16xf32> to vector<16xi32>
          %convert_element_type3A_738 = arith.sitofp %convert_element_type3A_737 : vector<16xi32> to vector<16xf32>
          %gt3A_739 = arith.cmpf ogt, %mul3A_736, %convert_element_type3A_738 : vector<16xf32>
          %sub3A_740 = arith.constant 1 : i32
          %sub3A_741 = vector.broadcast %sub3A_740 : i32 to vector<16xi32>
          %sub3A_742 = arith.subi %convert_element_type3A_737, %sub3A_741 : vector<16xi32>
          %select_n3A_743 = arith.select %gt3A_739, %convert_element_type3A_737, %sub3A_742 : vector<16xi1>, vector<16xi32>
          %max3A_744 = arith.constant 0 : i32
          %max3A_745 = vector.broadcast %max3A_744 : i32 to vector<16xi32>
          %max3A_746 = arith.maxsi %select_n3A_743, %max3A_745 : vector<16xi32>
          %add3A_747 = arith.constant 2304 : i32
          %add3A_748 = arith.addi %add3A_747, %mul3A_695 : i32
          %get3A_749 = arith.index_cast %add3A_748 : i32 to index
          %get3A_750 = tpu.vector_load %arg9[%get3A_749] {strides = array<i32>} : memref<3072xf32, #tpu.memory_space<vmem>>, vector<16xf32>,
          %mul3A_751 = arith.constant 6.400000e+01 : f32
          %mul3A_752 = vector.broadcast %mul3A_751 : f32 to vector<16xf32>
          %mul3A_753 = arith.mulf %get3A_750, %mul3A_752 : vector<16xf32>
          %convert_element_type3A_754 = arith.fptosi %mul3A_753 : vector<16xf32> to vector<16xi32>
          %convert_element_type3A_755 = arith.sitofp %convert_element_type3A_754 : vector<16xi32> to vector<16xf32>
          %gt3A_756 = arith.cmpf ogt, %mul3A_753, %convert_element_type3A_755 : vector<16xf32>
          %sub3A_757 = arith.constant 1 : i32
          %sub3A_758 = vector.broadcast %sub3A_757 : i32 to vector<16xi32>
          %sub3A_759 = arith.subi %convert_element_type3A_754, %sub3A_758 : vector<16xi32>
          %select_n3A_760 = arith.select %gt3A_756, %convert_element_type3A_754, %sub3A_759 : vector<16xi1>, vector<16xi32>
          %max3A_761 = arith.constant 0 : i32
          %max3A_762 = vector.broadcast %max3A_761 : i32 to vector<16xi32>
          %max3A_763 = arith.maxsi %select_n3A_760, %max3A_762 : vector<16xi32>
          %gather3A_764 = arith.constant 0 : i32
          %gather3A_765 = tpu.memref_slice %arg10[%gather3A_764] : memref<1536xf32, #tpu.memory_space<vmem>> -> memref<32xf32, #tpu.memory_space<vmem>>
          %gather3A_766 = tpu.vector_load_idx %gather3A_765[%max3A_712] : memref<32xf32, #tpu.memory_space<vmem>>[vector<16xi32>], vector<16xf32>,
          %swap3A_767 = arith.constant 0 : i32
          %swap3A_768 = arith.index_cast %swap3A_767 : i32 to index
          %swap3A_769 = arith.index_cast %mul3A_695 : i32 to index
          %swap3A_770 = tpu.vector_load %arg12[%swap3A_768, %swap3A_769] {strides = array<i32>} : memref<64x768xf32, #tpu.memory_space<vmem>>, vector<16xf32>,
          tpu.vector_store %arg12[%swap3A_768, %swap3A_769], %gather3A_766 {strides = array<i32>} : memref<64x768xf32, #tpu.memory_space<vmem>>, vector<16xf32>,
          %gather3A_771 = arith.constant 96 : i32
          %gather3A_772 = tpu.memref_slice %arg10[%gather3A_771] : memref<1536xf32, #tpu.memory_space<vmem>> -> memref<32xf32, #tpu.memory_space<vmem>>
          %gather3A_773 = tpu.vector_load_idx %gather3A_772[%max3A_712] : memref<32xf32, #tpu.memory_space<vmem>>[vector<16xi32>], vector<16xf32>,
          %swap3A_774 = arith.constant 1 : i32
          %swap3A_775 = arith.index_cast %swap3A_774 : i32 to index
          %swap3A_776 = arith.index_cast %mul3A_695 : i32 to index
          %swap3A_777 = tpu.vector_load %arg12[%swap3A_775, %swap3A_776] {strides = array<i32>} : memref<64x768xf32, #tpu.memory_space<vmem>>, vector<16xf32>,
          tpu.vector_store %arg12[%swap3A_775, %swap3A_776], %gather3A_773 {strides = array<i32>} : memref<64x768xf32, #tpu.memory_space<vmem>>, vector<16xf32>,
          %gather3A_778 = arith.constant 192 : i32
          %gather3A_779 = tpu.memref_slice %arg10[%gather3A_778] : memref<1536xf32, #tpu.memory_space<vmem>> -> memref<32xf32, #tpu.memory_space<vmem>>
          %gather3A_780 = tpu.vector_load_idx %gather3A_779[%max3A_712] : memref<32xf32, #tpu.memory_space<vmem>>[vector<16xi32>], vector<16xf32>,
          %swap3A_781 = arith.constant 2 : i32
          %swap3A_782 = arith.index_cast %swap3A_781 : i32 to index
          %swap3A_783 = arith.index_cast %mul3A_695 : i32 to index
          %swap3A_784 = tpu.vector_load %arg12[%swap3A_782, %swap3A_783] {strides = array<i32>} : memref<64x768xf32, #tpu.memory_space<vmem>>, vector<16xf32>,
          tpu.vector_store %arg12[%swap3A_782, %swap3A_783], %gather3A_780 {strides = array<i32>} : memref<64x768xf32, #tpu.memory_space<vmem>>, vector<16xf32>,
          %gather3A_785 = arith.constant 288 : i32
          %gather3A_786 = tpu.memref_slice %arg10[%gather3A_785] : memref<1536xf32, #tpu.memory_space<vmem>> -> memref<32xf32, #tpu.memory_space<vmem>>
          %gather3A_787 = tpu.vector_load_idx %gather3A_786[%max3A_712] : memref<32xf32, #tpu.memory_space<vmem>>[vector<16xi32>], vector<16xf32>,
          %swap3A_788 = arith.constant 3 : i32
          %swap3A_789 = arith.index_cast %swap3A_788 : i32 to index
          %swap3A_790 = arith.index_cast %mul3A_695 : i32 to index
          %swap3A_791 = tpu.vector_load %arg12[%swap3A_789, %swap3A_790] {strides = array<i32>} : memref<64x768xf32, #tpu.memory_space<vmem>>, vector<16xf32>,
          tpu.vector_store %arg12[%swap3A_789, %swap3A_790], %gather3A_787 {strides = array<i32>} : memref<64x768xf32, #tpu.memory_space<vmem>>, vector<16xf32>,
          %gather3A_792 = arith.constant 384 : i32
          %gather3A_793 = tpu.memref_slice %arg10[%gather3A_792] : memref<1536xf32, #tpu.memory_space<vmem>> -> memref<32xf32, #tpu.memory_space<vmem>>
          %gather3A_794 = tpu.vector_load_idx %gather3A_793[%max3A_712] : memref<32xf32, #tpu.memory_space<vmem>>[vector<16xi32>], vector<16xf32>,
          %swap3A_795 = arith.constant 4 : i32
          %swap3A_796 = arith.index_cast %swap3A_795 : i32 to index
          %swap3A_797 = arith.index_cast %mul3A_695 : i32 to index
          %swap3A_798 = tpu.vector_load %arg12[%swap3A_796, %swap3A_797] {strides = array<i32>} : memref<64x768xf32, #tpu.memory_space<vmem>>, vector<16xf32>,
          tpu.vector_store %arg12[%swap3A_796, %swap3A_797], %gather3A_794 {strides = array<i32>} : memref<64x768xf32, #tpu.memory_space<vmem>>, vector<16xf32>,
          %gather3A_799 = arith.constant 480 : i32
          %gather3A_800 = tpu.memref_slice %arg10[%gather3A_799] : memref<1536xf32, #tpu.memory_space<vmem>> -> memref<32xf32, #tpu.memory_space<vmem>>
          %gather3A_801 = tpu.vector_load_idx %gather3A_800[%max3A_712] : memref<32xf32, #tpu.memory_space<vmem>>[vector<16xi32>], vector<16xf32>,
          %swap3A_802 = arith.constant 5 : i32
          %swap3A_803 = arith.index_cast %swap3A_802 : i32 to index
          %swap3A_804 = arith.index_cast %mul3A_695 : i32 to index
          %swap3A_805 = tpu.vector_load %arg12[%swap3A_803, %swap3A_804] {strides = array<i32>} : memref<64x768xf32, #tpu.memory_space<vmem>>, vector<16xf32>,
          tpu.vector_store %arg12[%swap3A_803, %swap3A_804], %gather3A_801 {strides = array<i32>} : memref<64x768xf32, #tpu.memory_space<vmem>>, vector<16xf32>,
          %gather3A_806 = arith.constant 576 : i32
          %gather3A_807 = tpu.memref_slice %arg10[%gather3A_806] : memref<1536xf32, #tpu.memory_space<vmem>> -> memref<32xf32, #tpu.memory_space<vmem>>
          %gather3A_808 = tpu.vector_load_idx %gather3A_807[%max3A_712] : memref<32xf32, #tpu.memory_space<vmem>>[vector<16xi32>], vector<16xf32>,
          %swap3A_809 = arith.constant 6 : i32
          %swap3A_810 = arith.index_cast %swap3A_809 : i32 to index
          %swap3A_811 = arith.index_cast %mul3A_695 : i32 to index
          %swap3A_812 = tpu.vector_load %arg12[%swap3A_810, %swap3A_811] {strides = array<i32>} : memref<64x768xf32, #tpu.memory_space<vmem>>, vector<16xf32>,
          tpu.vector_store %arg12[%swap3A_810, %swap3A_811], %gather3A_808 {strides = array<i32>} : memref<64x768xf32, #tpu.memory_space<vmem>>, vector<16xf32>,
          %gather3A_813 = arith.constant 672 : i32
          %gather3A_814 = tpu.memref_slice %arg10[%gather3A_813] : memref<1536xf32, #tpu.memory_space<vmem>> -> memref<32xf32, #tpu.memory_space<vmem>>
          %gather3A_815 = tpu.vector_load_idx %gather3A_814[%max3A_712] : memref<32xf32, #tpu.memory_space<vmem>>[vector<16xi32>], vector<16xf32>,
          %swap3A_816 = arith.constant 7 : i32
          %swap3A_817 = arith.index_cast %swap3A_816 : i32 to index
          %swap3A_818 = arith.index_cast %mul3A_695 : i32 to index
          %swap3A_819 = tpu.vector_load %arg12[%swap3A_817, %swap3A_818] {strides = array<i32>} : memref<64x768xf32, #tpu.memory_space<vmem>>, vector<16xf32>,
          tpu.vector_store %arg12[%swap3A_817, %swap3A_818], %gather3A_815 {strides = array<i32>} : memref<64x768xf32, #tpu.memory_space<vmem>>, vector<16xf32>,
          %gather3A_820 = arith.constant 768 : i32
          %gather3A_821 = tpu.memref_slice %arg10[%gather3A_820] : memref<1536xf32, #tpu.memory_space<vmem>> -> memref<32xf32, #tpu.memory_space<vmem>>
          %gather3A_822 = tpu.vector_load_idx %gather3A_821[%max3A_712] : memref<32xf32, #tpu.memory_space<vmem>>[vector<16xi32>], vector<16xf32>,
          %swap3A_823 = arith.constant 8 : i32
          %swap3A_824 = arith.index_cast %swap3A_823 : i32 to index
          %swap3A_825 = arith.index_cast %mul3A_695 : i32 to index
          %swap3A_826 = tpu.vector_load %arg12[%swap3A_824, %swap3A_825] {strides = array<i32>} : memref<64x768xf32, #tpu.memory_space<vmem>>, vector<16xf32>,
          tpu.vector_store %arg12[%swap3A_824, %swap3A_825], %gather3A_822 {strides = array<i32>} : memref<64x768xf32, #tpu.memory_space<vmem>>, vector<16xf32>,
          %gather3A_827 = arith.constant 864 : i32
          %gather3A_828 = tpu.memref_slice %arg10[%gather3A_827] : memref<1536xf32, #tpu.memory_space<vmem>> -> memref<32xf32, #tpu.memory_space<vmem>>
          %gather3A_829 = tpu.vector_load_idx %gather3A_828[%max3A_712] : memref<32xf32, #tpu.memory_space<vmem>>[vector<16xi32>], vector<16xf32>,
          %swap3A_830 = arith.constant 9 : i32
          %swap3A_831 = arith.index_cast %swap3A_830 : i32 to index
          %swap3A_832 = arith.index_cast %mul3A_695 : i32 to index
          %swap3A_833 = tpu.vector_load %arg12[%swap3A_831, %swap3A_832] {strides = array<i32>} : memref<64x768xf32, #tpu.memory_space<vmem>>, vector<16xf32>,
          tpu.vector_store %arg12[%swap3A_831, %swap3A_832], %gather3A_829 {strides = array<i32>} : memref<64x768xf32, #tpu.memory_space<vmem>>, vector<16xf32>,
          %gather3A_834 = arith.constant 960 : i32
          %gather3A_835 = tpu.memref_slice %arg10[%gather3A_834] : memref<1536xf32, #tpu.memory_space<vmem>> -> memref<32xf32, #tpu.memory_space<vmem>>
          %gather3A_836 = tpu.vector_load_idx %gather3A_835[%max3A_712] : memref<32xf32, #tpu.memory_space<vmem>>[vector<16xi32>], vector<16xf32>,
          %swap3A_837 = arith.constant 10 : i32
          %swap3A_838 = arith.index_cast %swap3A_837 : i32 to index
          %swap3A_839 = arith.index_cast %mul3A_695 : i32 to index
          %swap3A_840 = tpu.vector_load %arg12[%swap3A_838, %swap3A_839] {strides = array<i32>} : memref<64x768xf32, #tpu.memory_space<vmem>>, vector<16xf32>,
          tpu.vector_store %arg12[%swap3A_838, %swap3A_839], %gather3A_836 {strides = array<i32>} : memref<64x768xf32, #tpu.memory_space<vmem>>, vector<16xf32>,
          %gather3A_841 = arith.constant 1056 : i32
          %gather3A_842 = tpu.memref_slice %arg10[%gather3A_841] : memref<1536xf32, #tpu.memory_space<vmem>> -> memref<32xf32, #tpu.memory_space<vmem>>
          %gather3A_843 = tpu.vector_load_idx %gather3A_842[%max3A_712] : memref<32xf32, #tpu.memory_space<vmem>>[vector<16xi32>], vector<16xf32>,
          %swap3A_844 = arith.constant 11 : i32
          %swap3A_845 = arith.index_cast %swap3A_844 : i32 to index
          %swap3A_846 = arith.index_cast %mul3A_695 : i32 to index
          %swap3A_847 = tpu.vector_load %arg12[%swap3A_845, %swap3A_846] {strides = array<i32>} : memref<64x768xf32, #tpu.memory_space<vmem>>, vector<16xf32>,
          tpu.vector_store %arg12[%swap3A_845, %swap3A_846], %gather3A_843 {strides = array<i32>} : memref<64x768xf32, #tpu.memory_space<vmem>>, vector<16xf32>,
          %gather3A_848 = arith.constant 1152 : i32
          %gather3A_849 = tpu.memref_slice %arg10[%gather3A_848] : memref<1536xf32, #tpu.memory_space<vmem>> -> memref<32xf32, #tpu.memory_space<vmem>>
          %gather3A_850 = tpu.vector_load_idx %gather3A_849[%max3A_712] : memref<32xf32, #tpu.memory_space<vmem>>[vector<16xi32>], vector<16xf32>,
          %swap3A_851 = arith.constant 12 : i32
          %swap3A_852 = arith.index_cast %swap3A_851 : i32 to index
          %swap3A_853 = arith.index_cast %mul3A_695 : i32 to index
          %swap3A_854 = tpu.vector_load %arg12[%swap3A_852, %swap3A_853] {strides = array<i32>} : memref<64x768xf32, #tpu.memory_space<vmem>>, vector<16xf32>,
          tpu.vector_store %arg12[%swap3A_852, %swap3A_853], %gather3A_850 {strides = array<i32>} : memref<64x768xf32, #tpu.memory_space<vmem>>, vector<16xf32>,
          %gather3A_855 = arith.constant 1248 : i32
          %gather3A_856 = tpu.memref_slice %arg10[%gather3A_855] : memref<1536xf32, #tpu.memory_space<vmem>> -> memref<32xf32, #tpu.memory_space<vmem>>
          %gather3A_857 = tpu.vector_load_idx %gather3A_856[%max3A_712] : memref<32xf32, #tpu.memory_space<vmem>>[vector<16xi32>], vector<16xf32>,
          %swap3A_858 = arith.constant 13 : i32
          %swap3A_859 = arith.index_cast %swap3A_858 : i32 to index
          %swap3A_860 = arith.index_cast %mul3A_695 : i32 to index
          %swap3A_861 = tpu.vector_load %arg12[%swap3A_859, %swap3A_860] {strides = array<i32>} : memref<64x768xf32, #tpu.memory_space<vmem>>, vector<16xf32>,
          tpu.vector_store %arg12[%swap3A_859, %swap3A_860], %gather3A_857 {strides = array<i32>} : memref<64x768xf32, #tpu.memory_space<vmem>>, vector<16xf32>,
          %gather3A_862 = arith.constant 1344 : i32
          %gather3A_863 = tpu.memref_slice %arg10[%gather3A_862] : memref<1536xf32, #tpu.memory_space<vmem>> -> memref<32xf32, #tpu.memory_space<vmem>>
          %gather3A_864 = tpu.vector_load_idx %gather3A_863[%max3A_712] : memref<32xf32, #tpu.memory_space<vmem>>[vector<16xi32>], vector<16xf32>,
          %swap3A_865 = arith.constant 14 : i32
          %swap3A_866 = arith.index_cast %swap3A_865 : i32 to index
          %swap3A_867 = arith.index_cast %mul3A_695 : i32 to index
          %swap3A_868 = tpu.vector_load %arg12[%swap3A_866, %swap3A_867] {strides = array<i32>} : memref<64x768xf32, #tpu.memory_space<vmem>>, vector<16xf32>,
          tpu.vector_store %arg12[%swap3A_866, %swap3A_867], %gather3A_864 {strides = array<i32>} : memref<64x768xf32, #tpu.memory_space<vmem>>, vector<16xf32>,
          %gather3A_869 = arith.constant 1440 : i32
          %gather3A_870 = tpu.memref_slice %arg10[%gather3A_869] : memref<1536xf32, #tpu.memory_space<vmem>> -> memref<32xf32, #tpu.memory_space<vmem>>
          %gather3A_871 = tpu.vector_load_idx %gather3A_870[%max3A_712] : memref<32xf32, #tpu.memory_space<vmem>>[vector<16xi32>], vector<16xf32>,
          %swap3A_872 = arith.constant 15 : i32
          %swap3A_873 = arith.index_cast %swap3A_872 : i32 to index
          %swap3A_874 = arith.index_cast %mul3A_695 : i32 to index
          %swap3A_875 = tpu.vector_load %arg12[%swap3A_873, %swap3A_874] {strides = array<i32>} : memref<64x768xf32, #tpu.memory_space<vmem>>, vector<16xf32>,
          tpu.vector_store %arg12[%swap3A_873, %swap3A_874], %gather3A_871 {strides = array<i32>} : memref<64x768xf32, #tpu.memory_space<vmem>>, vector<16xf32>,
          %gather3A_876 = arith.constant 0 : i32
          %gather3A_877 = tpu.memref_slice %arg10[%gather3A_876] : memref<1536xf32, #tpu.memory_space<vmem>> -> memref<32xf32, #tpu.memory_space<vmem>>
          %gather3A_878 = tpu.vector_load_idx %gather3A_877[%max3A_729] : memref<32xf32, #tpu.memory_space<vmem>>[vector<16xi32>], vector<16xf32>,
          %swap3A_879 = arith.constant 16 : i32
          %swap3A_880 = arith.index_cast %swap3A_879 : i32 to index
          %swap3A_881 = arith.index_cast %mul3A_695 : i32 to index
          %swap3A_882 = tpu.vector_load %arg12[%swap3A_880, %swap3A_881] {strides = array<i32>} : memref<64x768xf32, #tpu.memory_space<vmem>>, vector<16xf32>,
          tpu.vector_store %arg12[%swap3A_880, %swap3A_881], %gather3A_878 {strides = array<i32>} : memref<64x768xf32, #tpu.memory_space<vmem>>, vector<16xf32>,
          %gather3A_883 = arith.constant 96 : i32
          %gather3A_884 = tpu.memref_slice %arg10[%gather3A_883] : memref<1536xf32, #tpu.memory_space<vmem>> -> memref<32xf32, #tpu.memory_space<vmem>>
          %gather3A_885 = tpu.vector_load_idx %gather3A_884[%max3A_729] : memref<32xf32, #tpu.memory_space<vmem>>[vector<16xi32>], vector<16xf32>,
          %swap3A_886 = arith.constant 17 : i32
          %swap3A_887 = arith.index_cast %swap3A_886 : i32 to index
          %swap3A_888 = arith.index_cast %mul3A_695 : i32 to index
          %swap3A_889 = tpu.vector_load %arg12[%swap3A_887, %swap3A_888] {strides = array<i32>} : memref<64x768xf32, #tpu.memory_space<vmem>>, vector<16xf32>,
          tpu.vector_store %arg12[%swap3A_887, %swap3A_888], %gather3A_885 {strides = array<i32>} : memref<64x768xf32, #tpu.memory_space<vmem>>, vector<16xf32>,
          %gather3A_890 = arith.constant 192 : i32
          %gather3A_891 = tpu.memref_slice %arg10[%gather3A_890] : memref<1536xf32, #tpu.memory_space<vmem>> -> memref<32xf32, #tpu.memory_space<vmem>>
          %gather3A_892 = tpu.vector_load_idx %gather3A_891[%max3A_729] : memref<32xf32, #tpu.memory_space<vmem>>[vector<16xi32>], vector<16xf32>,
          %swap3A_893 = arith.constant 18 : i32
          %swap3A_894 = arith.index_cast %swap3A_893 : i32 to index
          %swap3A_895 = arith.index_cast %mul3A_695 : i32 to index
          %swap3A_896 = tpu.vector_load %arg12[%swap3A_894, %swap3A_895] {strides = array<i32>} : memref<64x768xf32, #tpu.memory_space<vmem>>, vector<16xf32>,
          tpu.vector_store %arg12[%swap3A_894, %swap3A_895], %gather3A_892 {strides = array<i32>} : memref<64x768xf32, #tpu.memory_space<vmem>>, vector<16xf32>,
          %gather3A_897 = arith.constant 288 : i32
          %gather3A_898 = tpu.memref_slice %arg10[%gather3A_897] : memref<1536xf32, #tpu.memory_space<vmem>> -> memref<32xf32, #tpu.memory_space<vmem>>
          %gather3A_899 = tpu.vector_load_idx %gather3A_898[%max3A_729] : memref<32xf32, #tpu.memory_space<vmem>>[vector<16xi32>], vector<16xf32>,
          %swap3A_900 = arith.constant 19 : i32
          %swap3A_901 = arith.index_cast %swap3A_900 : i32 to index
          %swap3A_902 = arith.index_cast %mul3A_695 : i32 to index
          %swap3A_903 = tpu.vector_load %arg12[%swap3A_901, %swap3A_902] {strides = array<i32>} : memref<64x768xf32, #tpu.memory_space<vmem>>, vector<16xf32>,
          tpu.vector_store %arg12[%swap3A_901, %swap3A_902], %gather3A_899 {strides = array<i32>} : memref<64x768xf32, #tpu.memory_space<vmem>>, vector<16xf32>,
          %gather3A_904 = arith.constant 384 : i32
          %gather3A_905 = tpu.memref_slice %arg10[%gather3A_904] : memref<1536xf32, #tpu.memory_space<vmem>> -> memref<32xf32, #tpu.memory_space<vmem>>
          %gather3A_906 = tpu.vector_load_idx %gather3A_905[%max3A_729] : memref<32xf32, #tpu.memory_space<vmem>>[vector<16xi32>], vector<16xf32>,
          %swap3A_907 = arith.constant 20 : i32
          %swap3A_908 = arith.index_cast %swap3A_907 : i32 to index
          %swap3A_909 = arith.index_cast %mul3A_695 : i32 to index
          %swap3A_910 = tpu.vector_load %arg12[%swap3A_908, %swap3A_909] {strides = array<i32>} : memref<64x768xf32, #tpu.memory_space<vmem>>, vector<16xf32>,
          tpu.vector_store %arg12[%swap3A_908, %swap3A_909], %gather3A_906 {strides = array<i32>} : memref<64x768xf32, #tpu.memory_space<vmem>>, vector<16xf32>,
          %gather3A_911 = arith.constant 480 : i32
          %gather3A_912 = tpu.memref_slice %arg10[%gather3A_911] : memref<1536xf32, #tpu.memory_space<vmem>> -> memref<32xf32, #tpu.memory_space<vmem>>
          %gather3A_913 = tpu.vector_load_idx %gather3A_912[%max3A_729] : memref<32xf32, #tpu.memory_space<vmem>>[vector<16xi32>], vector<16xf32>,
          %swap3A_914 = arith.constant 21 : i32
          %swap3A_915 = arith.index_cast %swap3A_914 : i32 to index
          %swap3A_916 = arith.index_cast %mul3A_695 : i32 to index
          %swap3A_917 = tpu.vector_load %arg12[%swap3A_915, %swap3A_916] {strides = array<i32>} : memref<64x768xf32, #tpu.memory_space<vmem>>, vector<16xf32>,
          tpu.vector_store %arg12[%swap3A_915, %swap3A_916], %gather3A_913 {strides = array<i32>} : memref<64x768xf32, #tpu.memory_space<vmem>>, vector<16xf32>,
          %gather3A_918 = arith.constant 576 : i32
          %gather3A_919 = tpu.memref_slice %arg10[%gather3A_918] : memref<1536xf32, #tpu.memory_space<vmem>> -> memref<32xf32, #tpu.memory_space<vmem>>
          %gather3A_920 = tpu.vector_load_idx %gather3A_919[%max3A_729] : memref<32xf32, #tpu.memory_space<vmem>>[vector<16xi32>], vector<16xf32>,
          %swap3A_921 = arith.constant 22 : i32
          %swap3A_922 = arith.index_cast %swap3A_921 : i32 to index
          %swap3A_923 = arith.index_cast %mul3A_695 : i32 to index
          %swap3A_924 = tpu.vector_load %arg12[%swap3A_922, %swap3A_923] {strides = array<i32>} : memref<64x768xf32, #tpu.memory_space<vmem>>, vector<16xf32>,
          tpu.vector_store %arg12[%swap3A_922, %swap3A_923], %gather3A_920 {strides = array<i32>} : memref<64x768xf32, #tpu.memory_space<vmem>>, vector<16xf32>,
          %gather3A_925 = arith.constant 672 : i32
          %gather3A_926 = tpu.memref_slice %arg10[%gather3A_925] : memref<1536xf32, #tpu.memory_space<vmem>> -> memref<32xf32, #tpu.memory_space<vmem>>
          %gather3A_927 = tpu.vector_load_idx %gather3A_926[%max3A_729] : memref<32xf32, #tpu.memory_space<vmem>>[vector<16xi32>], vector<16xf32>,
          %swap3A_928 = arith.constant 23 : i32
          %swap3A_929 = arith.index_cast %swap3A_928 : i32 to index
          %swap3A_930 = arith.index_cast %mul3A_695 : i32 to index
          %swap3A_931 = tpu.vector_load %arg12[%swap3A_929, %swap3A_930] {strides = array<i32>} : memref<64x768xf32, #tpu.memory_space<vmem>>, vector<16xf32>,
          tpu.vector_store %arg12[%swap3A_929, %swap3A_930], %gather3A_927 {strides = array<i32>} : memref<64x768xf32, #tpu.memory_space<vmem>>, vector<16xf32>,
          %gather3A_932 = arith.constant 768 : i32
          %gather3A_933 = tpu.memref_slice %arg10[%gather3A_932] : memref<1536xf32, #tpu.memory_space<vmem>> -> memref<32xf32, #tpu.memory_space<vmem>>
          %gather3A_934 = tpu.vector_load_idx %gather3A_933[%max3A_729] : memref<32xf32, #tpu.memory_space<vmem>>[vector<16xi32>], vector<16xf32>,
          %swap3A_935 = arith.constant 24 : i32
          %swap3A_936 = arith.index_cast %swap3A_935 : i32 to index
          %swap3A_937 = arith.index_cast %mul3A_695 : i32 to index
          %swap3A_938 = tpu.vector_load %arg12[%swap3A_936, %swap3A_937] {strides = array<i32>} : memref<64x768xf32, #tpu.memory_space<vmem>>, vector<16xf32>,
          tpu.vector_store %arg12[%swap3A_936, %swap3A_937], %gather3A_934 {strides = array<i32>} : memref<64x768xf32, #tpu.memory_space<vmem>>, vector<16xf32>,
          %gather3A_939 = arith.constant 864 : i32
          %gather3A_940 = tpu.memref_slice %arg10[%gather3A_939] : memref<1536xf32, #tpu.memory_space<vmem>> -> memref<32xf32, #tpu.memory_space<vmem>>
          %gather3A_941 = tpu.vector_load_idx %gather3A_940[%max3A_729] : memref<32xf32, #tpu.memory_space<vmem>>[vector<16xi32>], vector<16xf32>,
          %swap3A_942 = arith.constant 25 : i32
          %swap3A_943 = arith.index_cast %swap3A_942 : i32 to index
          %swap3A_944 = arith.index_cast %mul3A_695 : i32 to index
          %swap3A_945 = tpu.vector_load %arg12[%swap3A_943, %swap3A_944] {strides = array<i32>} : memref<64x768xf32, #tpu.memory_space<vmem>>, vector<16xf32>,
          tpu.vector_store %arg12[%swap3A_943, %swap3A_944], %gather3A_941 {strides = array<i32>} : memref<64x768xf32, #tpu.memory_space<vmem>>, vector<16xf32>,
          %gather3A_946 = arith.constant 960 : i32
          %gather3A_947 = tpu.memref_slice %arg10[%gather3A_946] : memref<1536xf32, #tpu.memory_space<vmem>> -> memref<32xf32, #tpu.memory_space<vmem>>
          %gather3A_948 = tpu.vector_load_idx %gather3A_947[%max3A_729] : memref<32xf32, #tpu.memory_space<vmem>>[vector<16xi32>], vector<16xf32>,
          %swap3A_949 = arith.constant 26 : i32
          %swap3A_950 = arith.index_cast %swap3A_949 : i32 to index
          %swap3A_951 = arith.index_cast %mul3A_695 : i32 to index
          %swap3A_952 = tpu.vector_load %arg12[%swap3A_950, %swap3A_951] {strides = array<i32>} : memref<64x768xf32, #tpu.memory_space<vmem>>, vector<16xf32>,
          tpu.vector_store %arg12[%swap3A_950, %swap3A_951], %gather3A_948 {strides = array<i32>} : memref<64x768xf32, #tpu.memory_space<vmem>>, vector<16xf32>,
          %gather3A_953 = arith.constant 1056 : i32
          %gather3A_954 = tpu.memref_slice %arg10[%gather3A_953] : memref<1536xf32, #tpu.memory_space<vmem>> -> memref<32xf32, #tpu.memory_space<vmem>>
          %gather3A_955 = tpu.vector_load_idx %gather3A_954[%max3A_729] : memref<32xf32, #tpu.memory_space<vmem>>[vector<16xi32>], vector<16xf32>,
          %swap3A_956 = arith.constant 27 : i32
          %swap3A_957 = arith.index_cast %swap3A_956 : i32 to index
          %swap3A_958 = arith.index_cast %mul3A_695 : i32 to index
          %swap3A_959 = tpu.vector_load %arg12[%swap3A_957, %swap3A_958] {strides = array<i32>} : memref<64x768xf32, #tpu.memory_space<vmem>>, vector<16xf32>,
          tpu.vector_store %arg12[%swap3A_957, %swap3A_958], %gather3A_955 {strides = array<i32>} : memref<64x768xf32, #tpu.memory_space<vmem>>, vector<16xf32>,
          %gather3A_960 = arith.constant 1152 : i32
          %gather3A_961 = tpu.memref_slice %arg10[%gather3A_960] : memref<1536xf32, #tpu.memory_space<vmem>> -> memref<32xf32, #tpu.memory_space<vmem>>
          %gather3A_962 = tpu.vector_load_idx %gather3A_961[%max3A_729] : memref<32xf32, #tpu.memory_space<vmem>>[vector<16xi32>], vector<16xf32>,
          %swap3A_963 = arith.constant 28 : i32
          %swap3A_964 = arith.index_cast %swap3A_963 : i32 to index
          %swap3A_965 = arith.index_cast %mul3A_695 : i32 to index
          %swap3A_966 = tpu.vector_load %arg12[%swap3A_964, %swap3A_965] {strides = array<i32>} : memref<64x768xf32, #tpu.memory_space<vmem>>, vector<16xf32>,
          tpu.vector_store %arg12[%swap3A_964, %swap3A_965], %gather3A_962 {strides = array<i32>} : memref<64x768xf32, #tpu.memory_space<vmem>>, vector<16xf32>,
          %gather3A_967 = arith.constant 1248 : i32
          %gather3A_968 = tpu.memref_slice %arg10[%gather3A_967] : memref<1536xf32, #tpu.memory_space<vmem>> -> memref<32xf32, #tpu.memory_space<vmem>>
          %gather3A_969 = tpu.vector_load_idx %gather3A_968[%max3A_729] : memref<32xf32, #tpu.memory_space<vmem>>[vector<16xi32>], vector<16xf32>,
          %swap3A_970 = arith.constant 29 : i32
          %swap3A_971 = arith.index_cast %swap3A_970 : i32 to index
          %swap3A_972 = arith.index_cast %mul3A_695 : i32 to index
          %swap3A_973 = tpu.vector_load %arg12[%swap3A_971, %swap3A_972] {strides = array<i32>} : memref<64x768xf32, #tpu.memory_space<vmem>>, vector<16xf32>,
          tpu.vector_store %arg12[%swap3A_971, %swap3A_972], %gather3A_969 {strides = array<i32>} : memref<64x768xf32, #tpu.memory_space<vmem>>, vector<16xf32>,
          %gather3A_974 = arith.constant 1344 : i32
          %gather3A_975 = tpu.memref_slice %arg10[%gather3A_974] : memref<1536xf32, #tpu.memory_space<vmem>> -> memref<32xf32, #tpu.memory_space<vmem>>
          %gather3A_976 = tpu.vector_load_idx %gather3A_975[%max3A_729] : memref<32xf32, #tpu.memory_space<vmem>>[vector<16xi32>], vector<16xf32>,
          %swap3A_977 = arith.constant 30 : i32
          %swap3A_978 = arith.index_cast %swap3A_977 : i32 to index
          %swap3A_979 = arith.index_cast %mul3A_695 : i32 to index
          %swap3A_980 = tpu.vector_load %arg12[%swap3A_978, %swap3A_979] {strides = array<i32>} : memref<64x768xf32, #tpu.memory_space<vmem>>, vector<16xf32>,
          tpu.vector_store %arg12[%swap3A_978, %swap3A_979], %gather3A_976 {strides = array<i32>} : memref<64x768xf32, #tpu.memory_space<vmem>>, vector<16xf32>,
          %gather3A_981 = arith.constant 1440 : i32
          %gather3A_982 = tpu.memref_slice %arg10[%gather3A_981] : memref<1536xf32, #tpu.memory_space<vmem>> -> memref<32xf32, #tpu.memory_space<vmem>>
          %gather3A_983 = tpu.vector_load_idx %gather3A_982[%max3A_729] : memref<32xf32, #tpu.memory_space<vmem>>[vector<16xi32>], vector<16xf32>,
          %swap3A_984 = arith.constant 31 : i32
          %swap3A_985 = arith.index_cast %swap3A_984 : i32 to index
          %swap3A_986 = arith.index_cast %mul3A_695 : i32 to index
          %swap3A_987 = tpu.vector_load %arg12[%swap3A_985, %swap3A_986] {strides = array<i32>} : memref<64x768xf32, #tpu.memory_space<vmem>>, vector<16xf32>,
          tpu.vector_store %arg12[%swap3A_985, %swap3A_986], %gather3A_983 {strides = array<i32>} : memref<64x768xf32, #tpu.memory_space<vmem>>, vector<16xf32>,
          %gather3A_988 = arith.constant 0 : i32
          %gather3A_989 = tpu.memref_slice %arg10[%gather3A_988] : memref<1536xf32, #tpu.memory_space<vmem>> -> memref<32xf32, #tpu.memory_space<vmem>>
          %gather3A_990 = tpu.vector_load_idx %gather3A_989[%max3A_746] : memref<32xf32, #tpu.memory_space<vmem>>[vector<16xi32>], vector<16xf32>,
          %swap3A_991 = arith.constant 32 : i32
          %swap3A_992 = arith.index_cast %swap3A_991 : i32 to index
          %swap3A_993 = arith.index_cast %mul3A_695 : i32 to index
          %swap3A_994 = tpu.vector_load %arg12[%swap3A_992, %swap3A_993] {strides = array<i32>} : memref<64x768xf32, #tpu.memory_space<vmem>>, vector<16xf32>,
          tpu.vector_store %arg12[%swap3A_992, %swap3A_993], %gather3A_990 {strides = array<i32>} : memref<64x768xf32, #tpu.memory_space<vmem>>, vector<16xf32>,
          %gather3A_995 = arith.constant 96 : i32
          %gather3A_996 = tpu.memref_slice %arg10[%gather3A_995] : memref<1536xf32, #tpu.memory_space<vmem>> -> memref<32xf32, #tpu.memory_space<vmem>>
          %gather3A_997 = tpu.vector_load_idx %gather3A_996[%max3A_746] : memref<32xf32, #tpu.memory_space<vmem>>[vector<16xi32>], vector<16xf32>,
          %swap3A_998 = arith.constant 33 : i32
          %swap3A_999 = arith.index_cast %swap3A_998 : i32 to index
          %swap3A_1000 = arith.index_cast %mul3A_695 : i32 to index
          %swap3A_1001 = tpu.vector_load %arg12[%swap3A_999, %swap3A_1000] {strides = array<i32>} : memref<64x768xf32, #tpu.memory_space<vmem>>, vector<16xf32>,
          tpu.vector_store %arg12[%swap3A_999, %swap3A_1000], %gather3A_997 {strides = array<i32>} : memref<64x768xf32, #tpu.memory_space<vmem>>, vector<16xf32>,
          %gather3A_1002 = arith.constant 192 : i32
          %gather3A_1003 = tpu.memref_slice %arg10[%gather3A_1002] : memref<1536xf32, #tpu.memory_space<vmem>> -> memref<32xf32, #tpu.memory_space<vmem>>
          %gather3A_1004 = tpu.vector_load_idx %gather3A_1003[%max3A_746] : memref<32xf32, #tpu.memory_space<vmem>>[vector<16xi32>], vector<16xf32>,
          %swap3A_1005 = arith.constant 34 : i32
          %swap3A_1006 = arith.index_cast %swap3A_1005 : i32 to index
          %swap3A_1007 = arith.index_cast %mul3A_695 : i32 to index
          %swap3A_1008 = tpu.vector_load %arg12[%swap3A_1006, %swap3A_1007] {strides = array<i32>} : memref<64x768xf32, #tpu.memory_space<vmem>>, vector<16xf32>,
          tpu.vector_store %arg12[%swap3A_1006, %swap3A_1007], %gather3A_1004 {strides = array<i32>} : memref<64x768xf32, #tpu.memory_space<vmem>>, vector<16xf32>,
          %gather3A_1009 = arith.constant 288 : i32
          %gather3A_1010 = tpu.memref_slice %arg10[%gather3A_1009] : memref<1536xf32, #tpu.memory_space<vmem>> -> memref<32xf32, #tpu.memory_space<vmem>>
          %gather3A_1011 = tpu.vector_load_idx %gather3A_1010[%max3A_746] : memref<32xf32, #tpu.memory_space<vmem>>[vector<16xi32>], vector<16xf32>,
          %swap3A_1012 = arith.constant 35 : i32
          %swap3A_1013 = arith.index_cast %swap3A_1012 : i32 to index
          %swap3A_1014 = arith.index_cast %mul3A_695 : i32 to index
          %swap3A_1015 = tpu.vector_load %arg12[%swap3A_1013, %swap3A_1014] {strides = array<i32>} : memref<64x768xf32, #tpu.memory_space<vmem>>, vector<16xf32>,
          tpu.vector_store %arg12[%swap3A_1013, %swap3A_1014], %gather3A_1011 {strides = array<i32>} : memref<64x768xf32, #tpu.memory_space<vmem>>, vector<16xf32>,
          %gather3A_1016 = arith.constant 384 : i32
          %gather3A_1017 = tpu.memref_slice %arg10[%gather3A_1016] : memref<1536xf32, #tpu.memory_space<vmem>> -> memref<32xf32, #tpu.memory_space<vmem>>
          %gather3A_1018 = tpu.vector_load_idx %gather3A_1017[%max3A_746] : memref<32xf32, #tpu.memory_space<vmem>>[vector<16xi32>], vector<16xf32>,
          %swap3A_1019 = arith.constant 36 : i32
          %swap3A_1020 = arith.index_cast %swap3A_1019 : i32 to index
          %swap3A_1021 = arith.index_cast %mul3A_695 : i32 to index
          %swap3A_1022 = tpu.vector_load %arg12[%swap3A_1020, %swap3A_1021] {strides = array<i32>} : memref<64x768xf32, #tpu.memory_space<vmem>>, vector<16xf32>,
          tpu.vector_store %arg12[%swap3A_1020, %swap3A_1021], %gather3A_1018 {strides = array<i32>} : memref<64x768xf32, #tpu.memory_space<vmem>>, vector<16xf32>,
          %gather3A_1023 = arith.constant 480 : i32
          %gather3A_1024 = tpu.memref_slice %arg10[%gather3A_1023] : memref<1536xf32, #tpu.memory_space<vmem>> -> memref<32xf32, #tpu.memory_space<vmem>>
          %gather3A_1025 = tpu.vector_load_idx %gather3A_1024[%max3A_746] : memref<32xf32, #tpu.memory_space<vmem>>[vector<16xi32>], vector<16xf32>,
          %swap3A_1026 = arith.constant 37 : i32
          %swap3A_1027 = arith.index_cast %swap3A_1026 : i32 to index
          %swap3A_1028 = arith.index_cast %mul3A_695 : i32 to index
          %swap3A_1029 = tpu.vector_load %arg12[%swap3A_1027, %swap3A_1028] {strides = array<i32>} : memref<64x768xf32, #tpu.memory_space<vmem>>, vector<16xf32>,
          tpu.vector_store %arg12[%swap3A_1027, %swap3A_1028], %gather3A_1025 {strides = array<i32>} : memref<64x768xf32, #tpu.memory_space<vmem>>, vector<16xf32>,
          %gather3A_1030 = arith.constant 576 : i32
          %gather3A_1031 = tpu.memref_slice %arg10[%gather3A_1030] : memref<1536xf32, #tpu.memory_space<vmem>> -> memref<32xf32, #tpu.memory_space<vmem>>
          %gather3A_1032 = tpu.vector_load_idx %gather3A_1031[%max3A_746] : memref<32xf32, #tpu.memory_space<vmem>>[vector<16xi32>], vector<16xf32>,
          %swap3A_1033 = arith.constant 38 : i32
          %swap3A_1034 = arith.index_cast %swap3A_1033 : i32 to index
          %swap3A_1035 = arith.index_cast %mul3A_695 : i32 to index
          %swap3A_1036 = tpu.vector_load %arg12[%swap3A_1034, %swap3A_1035] {strides = array<i32>} : memref<64x768xf32, #tpu.memory_space<vmem>>, vector<16xf32>,
          tpu.vector_store %arg12[%swap3A_1034, %swap3A_1035], %gather3A_1032 {strides = array<i32>} : memref<64x768xf32, #tpu.memory_space<vmem>>, vector<16xf32>,
          %gather3A_1037 = arith.constant 672 : i32
          %gather3A_1038 = tpu.memref_slice %arg10[%gather3A_1037] : memref<1536xf32, #tpu.memory_space<vmem>> -> memref<32xf32, #tpu.memory_space<vmem>>
          %gather3A_1039 = tpu.vector_load_idx %gather3A_1038[%max3A_746] : memref<32xf32, #tpu.memory_space<vmem>>[vector<16xi32>], vector<16xf32>,
          %swap3A_1040 = arith.constant 39 : i32
          %swap3A_1041 = arith.index_cast %swap3A_1040 : i32 to index
          %swap3A_1042 = arith.index_cast %mul3A_695 : i32 to index
          %swap3A_1043 = tpu.vector_load %arg12[%swap3A_1041, %swap3A_1042] {strides = array<i32>} : memref<64x768xf32, #tpu.memory_space<vmem>>, vector<16xf32>,
          tpu.vector_store %arg12[%swap3A_1041, %swap3A_1042], %gather3A_1039 {strides = array<i32>} : memref<64x768xf32, #tpu.memory_space<vmem>>, vector<16xf32>,
          %gather3A_1044 = arith.constant 768 : i32
          %gather3A_1045 = tpu.memref_slice %arg10[%gather3A_1044] : memref<1536xf32, #tpu.memory_space<vmem>> -> memref<32xf32, #tpu.memory_space<vmem>>
          %gather3A_1046 = tpu.vector_load_idx %gather3A_1045[%max3A_746] : memref<32xf32, #tpu.memory_space<vmem>>[vector<16xi32>], vector<16xf32>,
          %swap3A_1047 = arith.constant 40 : i32
          %swap3A_1048 = arith.index_cast %swap3A_1047 : i32 to index
          %swap3A_1049 = arith.index_cast %mul3A_695 : i32 to index
          %swap3A_1050 = tpu.vector_load %arg12[%swap3A_1048, %swap3A_1049] {strides = array<i32>} : memref<64x768xf32, #tpu.memory_space<vmem>>, vector<16xf32>,
          tpu.vector_store %arg12[%swap3A_1048, %swap3A_1049], %gather3A_1046 {strides = array<i32>} : memref<64x768xf32, #tpu.memory_space<vmem>>, vector<16xf32>,
          %gather3A_1051 = arith.constant 864 : i32
          %gather3A_1052 = tpu.memref_slice %arg10[%gather3A_1051] : memref<1536xf32, #tpu.memory_space<vmem>> -> memref<32xf32, #tpu.memory_space<vmem>>
          %gather3A_1053 = tpu.vector_load_idx %gather3A_1052[%max3A_746] : memref<32xf32, #tpu.memory_space<vmem>>[vector<16xi32>], vector<16xf32>,
          %swap3A_1054 = arith.constant 41 : i32
          %swap3A_1055 = arith.index_cast %swap3A_1054 : i32 to index
          %swap3A_1056 = arith.index_cast %mul3A_695 : i32 to index
          %swap3A_1057 = tpu.vector_load %arg12[%swap3A_1055, %swap3A_1056] {strides = array<i32>} : memref<64x768xf32, #tpu.memory_space<vmem>>, vector<16xf32>,
          tpu.vector_store %arg12[%swap3A_1055, %swap3A_1056], %gather3A_1053 {strides = array<i32>} : memref<64x768xf32, #tpu.memory_space<vmem>>, vector<16xf32>,
          %gather3A_1058 = arith.constant 960 : i32
          %gather3A_1059 = tpu.memref_slice %arg10[%gather3A_1058] : memref<1536xf32, #tpu.memory_space<vmem>> -> memref<32xf32, #tpu.memory_space<vmem>>
          %gather3A_1060 = tpu.vector_load_idx %gather3A_1059[%max3A_746] : memref<32xf32, #tpu.memory_space<vmem>>[vector<16xi32>], vector<16xf32>,
          %swap3A_1061 = arith.constant 42 : i32
          %swap3A_1062 = arith.index_cast %swap3A_1061 : i32 to index
          %swap3A_1063 = arith.index_cast %mul3A_695 : i32 to index
          %swap3A_1064 = tpu.vector_load %arg12[%swap3A_1062, %swap3A_1063] {strides = array<i32>} : memref<64x768xf32, #tpu.memory_space<vmem>>, vector<16xf32>,
          tpu.vector_store %arg12[%swap3A_1062, %swap3A_1063], %gather3A_1060 {strides = array<i32>} : memref<64x768xf32, #tpu.memory_space<vmem>>, vector<16xf32>,
          %gather3A_1065 = arith.constant 1056 : i32
          %gather3A_1066 = tpu.memref_slice %arg10[%gather3A_1065] : memref<1536xf32, #tpu.memory_space<vmem>> -> memref<32xf32, #tpu.memory_space<vmem>>
          %gather3A_1067 = tpu.vector_load_idx %gather3A_1066[%max3A_746] : memref<32xf32, #tpu.memory_space<vmem>>[vector<16xi32>], vector<16xf32>,
          %swap3A_1068 = arith.constant 43 : i32
          %swap3A_1069 = arith.index_cast %swap3A_1068 : i32 to index
          %swap3A_1070 = arith.index_cast %mul3A_695 : i32 to index
          %swap3A_1071 = tpu.vector_load %arg12[%swap3A_1069, %swap3A_1070] {strides = array<i32>} : memref<64x768xf32, #tpu.memory_space<vmem>>, vector<16xf32>,
          tpu.vector_store %arg12[%swap3A_1069, %swap3A_1070], %gather3A_1067 {strides = array<i32>} : memref<64x768xf32, #tpu.memory_space<vmem>>, vector<16xf32>,
          %gather3A_1072 = arith.constant 1152 : i32
          %gather3A_1073 = tpu.memref_slice %arg10[%gather3A_1072] : memref<1536xf32, #tpu.memory_space<vmem>> -> memref<32xf32, #tpu.memory_space<vmem>>
          %gather3A_1074 = tpu.vector_load_idx %gather3A_1073[%max3A_746] : memref<32xf32, #tpu.memory_space<vmem>>[vector<16xi32>], vector<16xf32>,
          %swap3A_1075 = arith.constant 44 : i32
          %swap3A_1076 = arith.index_cast %swap3A_1075 : i32 to index
          %swap3A_1077 = arith.index_cast %mul3A_695 : i32 to index
          %swap3A_1078 = tpu.vector_load %arg12[%swap3A_1076, %swap3A_1077] {strides = array<i32>} : memref<64x768xf32, #tpu.memory_space<vmem>>, vector<16xf32>,
          tpu.vector_store %arg12[%swap3A_1076, %swap3A_1077], %gather3A_1074 {strides = array<i32>} : memref<64x768xf32, #tpu.memory_space<vmem>>, vector<16xf32>,
          %gather3A_1079 = arith.constant 1248 : i32
          %gather3A_1080 = tpu.memref_slice %arg10[%gather3A_1079] : memref<1536xf32, #tpu.memory_space<vmem>> -> memref<32xf32, #tpu.memory_space<vmem>>
          %gather3A_1081 = tpu.vector_load_idx %gather3A_1080[%max3A_746] : memref<32xf32, #tpu.memory_space<vmem>>[vector<16xi32>], vector<16xf32>,
          %swap3A_1082 = arith.constant 45 : i32
          %swap3A_1083 = arith.index_cast %swap3A_1082 : i32 to index
          %swap3A_1084 = arith.index_cast %mul3A_695 : i32 to index
          %swap3A_1085 = tpu.vector_load %arg12[%swap3A_1083, %swap3A_1084] {strides = array<i32>} : memref<64x768xf32, #tpu.memory_space<vmem>>, vector<16xf32>,
          tpu.vector_store %arg12[%swap3A_1083, %swap3A_1084], %gather3A_1081 {strides = array<i32>} : memref<64x768xf32, #tpu.memory_space<vmem>>, vector<16xf32>,
          %gather3A_1086 = arith.constant 1344 : i32
          %gather3A_1087 = tpu.memref_slice %arg10[%gather3A_1086] : memref<1536xf32, #tpu.memory_space<vmem>> -> memref<32xf32, #tpu.memory_space<vmem>>
          %gather3A_1088 = tpu.vector_load_idx %gather3A_1087[%max3A_746] : memref<32xf32, #tpu.memory_space<vmem>>[vector<16xi32>], vector<16xf32>,
          %swap3A_1089 = arith.constant 46 : i32
          %swap3A_1090 = arith.index_cast %swap3A_1089 : i32 to index
          %swap3A_1091 = arith.index_cast %mul3A_695 : i32 to index
          %swap3A_1092 = tpu.vector_load %arg12[%swap3A_1090, %swap3A_1091] {strides = array<i32>} : memref<64x768xf32, #tpu.memory_space<vmem>>, vector<16xf32>,
          tpu.vector_store %arg12[%swap3A_1090, %swap3A_1091], %gather3A_1088 {strides = array<i32>} : memref<64x768xf32, #tpu.memory_space<vmem>>, vector<16xf32>,
          %gather3A_1093 = arith.constant 1440 : i32
          %gather3A_1094 = tpu.memref_slice %arg10[%gather3A_1093] : memref<1536xf32, #tpu.memory_space<vmem>> -> memref<32xf32, #tpu.memory_space<vmem>>
          %gather3A_1095 = tpu.vector_load_idx %gather3A_1094[%max3A_746] : memref<32xf32, #tpu.memory_space<vmem>>[vector<16xi32>], vector<16xf32>,
          %swap3A_1096 = arith.constant 47 : i32
          %swap3A_1097 = arith.index_cast %swap3A_1096 : i32 to index
          %swap3A_1098 = arith.index_cast %mul3A_695 : i32 to index
          %swap3A_1099 = tpu.vector_load %arg12[%swap3A_1097, %swap3A_1098] {strides = array<i32>} : memref<64x768xf32, #tpu.memory_space<vmem>>, vector<16xf32>,
          tpu.vector_store %arg12[%swap3A_1097, %swap3A_1098], %gather3A_1095 {strides = array<i32>} : memref<64x768xf32, #tpu.memory_space<vmem>>, vector<16xf32>,
          %gather3A_1100 = arith.constant 32 : i32
          %gather3A_1101 = tpu.memref_slice %arg10[%gather3A_1100] : memref<1536xf32, #tpu.memory_space<vmem>> -> memref<64xf32, #tpu.memory_space<vmem>>
          %gather3A_1102 = tpu.vector_load_idx %gather3A_1101[%max3A_763] : memref<64xf32, #tpu.memory_space<vmem>>[vector<16xi32>], vector<16xf32>,
          %swap3A_1103 = arith.constant 48 : i32
          %swap3A_1104 = arith.index_cast %swap3A_1103 : i32 to index
          %swap3A_1105 = arith.index_cast %mul3A_695 : i32 to index
          %swap3A_1106 = tpu.vector_load %arg12[%swap3A_1104, %swap3A_1105] {strides = array<i32>} : memref<64x768xf32, #tpu.memory_space<vmem>>, vector<16xf32>,
          tpu.vector_store %arg12[%swap3A_1104, %swap3A_1105], %gather3A_1102 {strides = array<i32>} : memref<64x768xf32, #tpu.memory_space<vmem>>, vector<16xf32>,
          %gather3A_1107 = arith.constant 128 : i32
          %gather3A_1108 = tpu.memref_slice %arg10[%gather3A_1107] : memref<1536xf32, #tpu.memory_space<vmem>> -> memref<64xf32, #tpu.memory_space<vmem>>
          %gather3A_1109 = tpu.vector_load_idx %gather3A_1108[%max3A_763] : memref<64xf32, #tpu.memory_space<vmem>>[vector<16xi32>], vector<16xf32>,
          %swap3A_1110 = arith.constant 49 : i32
          %swap3A_1111 = arith.index_cast %swap3A_1110 : i32 to index
          %swap3A_1112 = arith.index_cast %mul3A_695 : i32 to index
          %swap3A_1113 = tpu.vector_load %arg12[%swap3A_1111, %swap3A_1112] {strides = array<i32>} : memref<64x768xf32, #tpu.memory_space<vmem>>, vector<16xf32>,
          tpu.vector_store %arg12[%swap3A_1111, %swap3A_1112], %gather3A_1109 {strides = array<i32>} : memref<64x768xf32, #tpu.memory_space<vmem>>, vector<16xf32>,
          %gather3A_1114 = arith.constant 224 : i32
          %gather3A_1115 = tpu.memref_slice %arg10[%gather3A_1114] : memref<1536xf32, #tpu.memory_space<vmem>> -> memref<64xf32, #tpu.memory_space<vmem>>
          %gather3A_1116 = tpu.vector_load_idx %gather3A_1115[%max3A_763] : memref<64xf32, #tpu.memory_space<vmem>>[vector<16xi32>], vector<16xf32>,
          %swap3A_1117 = arith.constant 50 : i32
          %swap3A_1118 = arith.index_cast %swap3A_1117 : i32 to index
          %swap3A_1119 = arith.index_cast %mul3A_695 : i32 to index
          %swap3A_1120 = tpu.vector_load %arg12[%swap3A_1118, %swap3A_1119] {strides = array<i32>} : memref<64x768xf32, #tpu.memory_space<vmem>>, vector<16xf32>,
          tpu.vector_store %arg12[%swap3A_1118, %swap3A_1119], %gather3A_1116 {strides = array<i32>} : memref<64x768xf32, #tpu.memory_space<vmem>>, vector<16xf32>,
          %gather3A_1121 = arith.constant 320 : i32
          %gather3A_1122 = tpu.memref_slice %arg10[%gather3A_1121] : memref<1536xf32, #tpu.memory_space<vmem>> -> memref<64xf32, #tpu.memory_space<vmem>>
          %gather3A_1123 = tpu.vector_load_idx %gather3A_1122[%max3A_763] : memref<64xf32, #tpu.memory_space<vmem>>[vector<16xi32>], vector<16xf32>,
          %swap3A_1124 = arith.constant 51 : i32
          %swap3A_1125 = arith.index_cast %swap3A_1124 : i32 to index
          %swap3A_1126 = arith.index_cast %mul3A_695 : i32 to index
          %swap3A_1127 = tpu.vector_load %arg12[%swap3A_1125, %swap3A_1126] {strides = array<i32>} : memref<64x768xf32, #tpu.memory_space<vmem>>, vector<16xf32>,
          tpu.vector_store %arg12[%swap3A_1125, %swap3A_1126], %gather3A_1123 {strides = array<i32>} : memref<64x768xf32, #tpu.memory_space<vmem>>, vector<16xf32>,
          %gather3A_1128 = arith.constant 416 : i32
          %gather3A_1129 = tpu.memref_slice %arg10[%gather3A_1128] : memref<1536xf32, #tpu.memory_space<vmem>> -> memref<64xf32, #tpu.memory_space<vmem>>
          %gather3A_1130 = tpu.vector_load_idx %gather3A_1129[%max3A_763] : memref<64xf32, #tpu.memory_space<vmem>>[vector<16xi32>], vector<16xf32>,
          %swap3A_1131 = arith.constant 52 : i32
          %swap3A_1132 = arith.index_cast %swap3A_1131 : i32 to index
          %swap3A_1133 = arith.index_cast %mul3A_695 : i32 to index
          %swap3A_1134 = tpu.vector_load %arg12[%swap3A_1132, %swap3A_1133] {strides = array<i32>} : memref<64x768xf32, #tpu.memory_space<vmem>>, vector<16xf32>,
          tpu.vector_store %arg12[%swap3A_1132, %swap3A_1133], %gather3A_1130 {strides = array<i32>} : memref<64x768xf32, #tpu.memory_space<vmem>>, vector<16xf32>,
          %gather3A_1135 = arith.constant 512 : i32
          %gather3A_1136 = tpu.memref_slice %arg10[%gather3A_1135] : memref<1536xf32, #tpu.memory_space<vmem>> -> memref<64xf32, #tpu.memory_space<vmem>>
          %gather3A_1137 = tpu.vector_load_idx %gather3A_1136[%max3A_763] : memref<64xf32, #tpu.memory_space<vmem>>[vector<16xi32>], vector<16xf32>,
          %swap3A_1138 = arith.constant 53 : i32
          %swap3A_1139 = arith.index_cast %swap3A_1138 : i32 to index
          %swap3A_1140 = arith.index_cast %mul3A_695 : i32 to index
          %swap3A_1141 = tpu.vector_load %arg12[%swap3A_1139, %swap3A_1140] {strides = array<i32>} : memref<64x768xf32, #tpu.memory_space<vmem>>, vector<16xf32>,
          tpu.vector_store %arg12[%swap3A_1139, %swap3A_1140], %gather3A_1137 {strides = array<i32>} : memref<64x768xf32, #tpu.memory_space<vmem>>, vector<16xf32>,
          %gather3A_1142 = arith.constant 608 : i32
          %gather3A_1143 = tpu.memref_slice %arg10[%gather3A_1142] : memref<1536xf32, #tpu.memory_space<vmem>> -> memref<64xf32, #tpu.memory_space<vmem>>
          %gather3A_1144 = tpu.vector_load_idx %gather3A_1143[%max3A_763] : memref<64xf32, #tpu.memory_space<vmem>>[vector<16xi32>], vector<16xf32>,
          %swap3A_1145 = arith.constant 54 : i32
          %swap3A_1146 = arith.index_cast %swap3A_1145 : i32 to index
          %swap3A_1147 = arith.index_cast %mul3A_695 : i32 to index
          %swap3A_1148 = tpu.vector_load %arg12[%swap3A_1146, %swap3A_1147] {strides = array<i32>} : memref<64x768xf32, #tpu.memory_space<vmem>>, vector<16xf32>,
          tpu.vector_store %arg12[%swap3A_1146, %swap3A_1147], %gather3A_1144 {strides = array<i32>} : memref<64x768xf32, #tpu.memory_space<vmem>>, vector<16xf32>,
          %gather3A_1149 = arith.constant 704 : i32
          %gather3A_1150 = tpu.memref_slice %arg10[%gather3A_1149] : memref<1536xf32, #tpu.memory_space<vmem>> -> memref<64xf32, #tpu.memory_space<vmem>>
          %gather3A_1151 = tpu.vector_load_idx %gather3A_1150[%max3A_763] : memref<64xf32, #tpu.memory_space<vmem>>[vector<16xi32>], vector<16xf32>,
          %swap3A_1152 = arith.constant 55 : i32
          %swap3A_1153 = arith.index_cast %swap3A_1152 : i32 to index
          %swap3A_1154 = arith.index_cast %mul3A_695 : i32 to index
          %swap3A_1155 = tpu.vector_load %arg12[%swap3A_1153, %swap3A_1154] {strides = array<i32>} : memref<64x768xf32, #tpu.memory_space<vmem>>, vector<16xf32>,
          tpu.vector_store %arg12[%swap3A_1153, %swap3A_1154], %gather3A_1151 {strides = array<i32>} : memref<64x768xf32, #tpu.memory_space<vmem>>, vector<16xf32>,
          %gather3A_1156 = arith.constant 800 : i32
          %gather3A_1157 = tpu.memref_slice %arg10[%gather3A_1156] : memref<1536xf32, #tpu.memory_space<vmem>> -> memref<64xf32, #tpu.memory_space<vmem>>
          %gather3A_1158 = tpu.vector_load_idx %gather3A_1157[%max3A_763] : memref<64xf32, #tpu.memory_space<vmem>>[vector<16xi32>], vector<16xf32>,
          %swap3A_1159 = arith.constant 56 : i32
          %swap3A_1160 = arith.index_cast %swap3A_1159 : i32 to index
          %swap3A_1161 = arith.index_cast %mul3A_695 : i32 to index
          %swap3A_1162 = tpu.vector_load %arg12[%swap3A_1160, %swap3A_1161] {strides = array<i32>} : memref<64x768xf32, #tpu.memory_space<vmem>>, vector<16xf32>,
          tpu.vector_store %arg12[%swap3A_1160, %swap3A_1161], %gather3A_1158 {strides = array<i32>} : memref<64x768xf32, #tpu.memory_space<vmem>>, vector<16xf32>,
          %gather3A_1163 = arith.constant 896 : i32
          %gather3A_1164 = tpu.memref_slice %arg10[%gather3A_1163] : memref<1536xf32, #tpu.memory_space<vmem>> -> memref<64xf32, #tpu.memory_space<vmem>>
          %gather3A_1165 = tpu.vector_load_idx %gather3A_1164[%max3A_763] : memref<64xf32, #tpu.memory_space<vmem>>[vector<16xi32>], vector<16xf32>,
          %swap3A_1166 = arith.constant 57 : i32
          %swap3A_1167 = arith.index_cast %swap3A_1166 : i32 to index
          %swap3A_1168 = arith.index_cast %mul3A_695 : i32 to index
          %swap3A_1169 = tpu.vector_load %arg12[%swap3A_1167, %swap3A_1168] {strides = array<i32>} : memref<64x768xf32, #tpu.memory_space<vmem>>, vector<16xf32>,
          tpu.vector_store %arg12[%swap3A_1167, %swap3A_1168], %gather3A_1165 {strides = array<i32>} : memref<64x768xf32, #tpu.memory_space<vmem>>, vector<16xf32>,
          %gather3A_1170 = arith.constant 992 : i32
          %gather3A_1171 = tpu.memref_slice %arg10[%gather3A_1170] : memref<1536xf32, #tpu.memory_space<vmem>> -> memref<64xf32, #tpu.memory_space<vmem>>
          %gather3A_1172 = tpu.vector_load_idx %gather3A_1171[%max3A_763] : memref<64xf32, #tpu.memory_space<vmem>>[vector<16xi32>], vector<16xf32>,
          %swap3A_1173 = arith.constant 58 : i32
          %swap3A_1174 = arith.index_cast %swap3A_1173 : i32 to index
          %swap3A_1175 = arith.index_cast %mul3A_695 : i32 to index
          %swap3A_1176 = tpu.vector_load %arg12[%swap3A_1174, %swap3A_1175] {strides = array<i32>} : memref<64x768xf32, #tpu.memory_space<vmem>>, vector<16xf32>,
          tpu.vector_store %arg12[%swap3A_1174, %swap3A_1175], %gather3A_1172 {strides = array<i32>} : memref<64x768xf32, #tpu.memory_space<vmem>>, vector<16xf32>,
          %gather3A_1177 = arith.constant 1088 : i32
          %gather3A_1178 = tpu.memref_slice %arg10[%gather3A_1177] : memref<1536xf32, #tpu.memory_space<vmem>> -> memref<64xf32, #tpu.memory_space<vmem>>
          %gather3A_1179 = tpu.vector_load_idx %gather3A_1178[%max3A_763] : memref<64xf32, #tpu.memory_space<vmem>>[vector<16xi32>], vector<16xf32>,
          %swap3A_1180 = arith.constant 59 : i32
          %swap3A_1181 = arith.index_cast %swap3A_1180 : i32 to index
          %swap3A_1182 = arith.index_cast %mul3A_695 : i32 to index
          %swap3A_1183 = tpu.vector_load %arg12[%swap3A_1181, %swap3A_1182] {strides = array<i32>} : memref<64x768xf32, #tpu.memory_space<vmem>>, vector<16xf32>,
          tpu.vector_store %arg12[%swap3A_1181, %swap3A_1182], %gather3A_1179 {strides = array<i32>} : memref<64x768xf32, #tpu.memory_space<vmem>>, vector<16xf32>,
          %gather3A_1184 = arith.constant 1184 : i32
          %gather3A_1185 = tpu.memref_slice %arg10[%gather3A_1184] : memref<1536xf32, #tpu.memory_space<vmem>> -> memref<64xf32, #tpu.memory_space<vmem>>
          %gather3A_1186 = tpu.vector_load_idx %gather3A_1185[%max3A_763] : memref<64xf32, #tpu.memory_space<vmem>>[vector<16xi32>], vector<16xf32>,
          %swap3A_1187 = arith.constant 60 : i32
          %swap3A_1188 = arith.index_cast %swap3A_1187 : i32 to index
          %swap3A_1189 = arith.index_cast %mul3A_695 : i32 to index
          %swap3A_1190 = tpu.vector_load %arg12[%swap3A_1188, %swap3A_1189] {strides = array<i32>} : memref<64x768xf32, #tpu.memory_space<vmem>>, vector<16xf32>,
          tpu.vector_store %arg12[%swap3A_1188, %swap3A_1189], %gather3A_1186 {strides = array<i32>} : memref<64x768xf32, #tpu.memory_space<vmem>>, vector<16xf32>,
          %gather3A_1191 = arith.constant 1280 : i32
          %gather3A_1192 = tpu.memref_slice %arg10[%gather3A_1191] : memref<1536xf32, #tpu.memory_space<vmem>> -> memref<64xf32, #tpu.memory_space<vmem>>
          %gather3A_1193 = tpu.vector_load_idx %gather3A_1192[%max3A_763] : memref<64xf32, #tpu.memory_space<vmem>>[vector<16xi32>], vector<16xf32>,
          %swap3A_1194 = arith.constant 61 : i32
          %swap3A_1195 = arith.index_cast %swap3A_1194 : i32 to index
          %swap3A_1196 = arith.index_cast %mul3A_695 : i32 to index
          %swap3A_1197 = tpu.vector_load %arg12[%swap3A_1195, %swap3A_1196] {strides = array<i32>} : memref<64x768xf32, #tpu.memory_space<vmem>>, vector<16xf32>,
          tpu.vector_store %arg12[%swap3A_1195, %swap3A_1196], %gather3A_1193 {strides = array<i32>} : memref<64x768xf32, #tpu.memory_space<vmem>>, vector<16xf32>,
          %gather3A_1198 = arith.constant 1376 : i32
          %gather3A_1199 = tpu.memref_slice %arg10[%gather3A_1198] : memref<1536xf32, #tpu.memory_space<vmem>> -> memref<64xf32, #tpu.memory_space<vmem>>
          %gather3A_1200 = tpu.vector_load_idx %gather3A_1199[%max3A_763] : memref<64xf32, #tpu.memory_space<vmem>>[vector<16xi32>], vector<16xf32>,
          %swap3A_1201 = arith.constant 62 : i32
          %swap3A_1202 = arith.index_cast %swap3A_1201 : i32 to index
          %swap3A_1203 = arith.index_cast %mul3A_695 : i32 to index
          %swap3A_1204 = tpu.vector_load %arg12[%swap3A_1202, %swap3A_1203] {strides = array<i32>} : memref<64x768xf32, #tpu.memory_space<vmem>>, vector<16xf32>,
          tpu.vector_store %arg12[%swap3A_1202, %swap3A_1203], %gather3A_1200 {strides = array<i32>} : memref<64x768xf32, #tpu.memory_space<vmem>>, vector<16xf32>,
          %gather3A_1205 = arith.constant 1472 : i32
          %gather3A_1206 = tpu.memref_slice %arg10[%gather3A_1205] : memref<1536xf32, #tpu.memory_space<vmem>> -> memref<64xf32, #tpu.memory_space<vmem>>
          %gather3A_1207 = tpu.vector_load_idx %gather3A_1206[%max3A_763] : memref<64xf32, #tpu.memory_space<vmem>>[vector<16xi32>], vector<16xf32>,
          %swap3A_1208 = arith.constant 63 : i32
          %swap3A_1209 = arith.index_cast %swap3A_1208 : i32 to index
          %swap3A_1210 = arith.index_cast %mul3A_695 : i32 to index
          %swap3A_1211 = tpu.vector_load %arg12[%swap3A_1209, %swap3A_1210] {strides = array<i32>} : memref<64x768xf32, #tpu.memory_space<vmem>>, vector<16xf32>,
          tpu.vector_store %arg12[%swap3A_1209, %swap3A_1210], %gather3A_1207 {strides = array<i32>} : memref<64x768xf32, #tpu.memory_space<vmem>>, vector<16xf32>,
        }
        %scan3A_170 = arith.constant 48 : i32
        %mul3A_171 = arith.constant 768 : i32
        %mul3A_172 = arith.muli %add3A_121, %mul3A_171 : i32
        %multiple_of3A_173 = tpu.assume_multiple %mul3A_172, 768 : i32
        %dma_start3A_174 = arith.constant 0 : i32
        %dma_start3A_175 = tpu.memref_slice %arg7[%dma_start3A_174, %multiple_of3A_173] : memref<64x1000000xf32, #tpu.memory_space<hbm>> -> memref<64x768xf32, #tpu.memory_space<hbm>>
        %dma_start3A_176 = arith.constant 0 : i32
        %dma_start3A_177 = tpu.memref_slice %arg7[%dma_start3A_176, %multiple_of3A_173] : memref<64x1000000xf32, #tpu.memory_space<hbm>> -> memref<64x768xf32, #tpu.memory_space<hbm>>
        tpu.enqueue_dma source(%arg12 : memref<64x768xf32, #tpu.memory_space<vmem>>) target(%dma_start3A_177 : memref<64x768xf32, #tpu.memory_space<hbm>>) target_semaphore(%arg16 : memref<!tpu.dma_semaphore, #tpu.memory_space<semaphore_mem>>)
      } else {
      }
    }
    %scan3A_30 = arith.constant 21 : i32
    %sub3A = arith.constant 1301 : i32
    %sub3A_31 = arith.subi %sub3A, %add3A : i32
    %jit3A = arith.constant 32 : i32
    %div3A = arith.divsi %sub3A_31, %jit3A : i32
    %sign3A = arith.constant 0 : i32
    %sign3A_32 = arith.cmpi sgt, %sub3A_31, %sign3A : i32
    %sign3A_33 = arith.extui %sign3A_32 : i1 to i32
    %sign3A_34 = arith.constant 0 : i32
    %sign3A_35 = arith.cmpi slt, %sub3A_31, %sign3A_34 : i32
    %sign3A_36 = arith.extui %sign3A_35 : i1 to i32
    %sign3A_37 = arith.subi %sign3A_33, %sign3A_36 : i32
    %sign3A_38 = arith.constant 0 : i32
    %sign3A_39 = arith.cmpi sgt, %jit3A, %sign3A_38 : i32
    %sign3A_40 = arith.extui %sign3A_39 : i1 to i32
    %sign3A_41 = arith.constant 0 : i32
    %sign3A_42 = arith.cmpi slt, %jit3A, %sign3A_41 : i32
    %sign3A_43 = arith.extui %sign3A_42 : i1 to i32
    %sign3A_44 = arith.subi %sign3A_40, %sign3A_43 : i32
    %ne3A = arith.cmpi ne, %sign3A_37, %sign3A_44 : i32
    %rem3A = arith.remsi %sub3A_31, %jit3A : i32
    %ne3A_45 = arith.constant 0 : i32
    %ne3A_46 = arith.cmpi ne, %rem3A, %ne3A_45 : i32
    %and3A = arith.andi %ne3A, %ne3A_46 : i1
    %sub3A_47 = arith.constant 1 : i32
    %sub3A_48 = arith.subi %div3A, %sub3A_47 : i32
    %select_n3A = arith.select %and3A, %sub3A_48, %div3A : i32
    %sub3A_49 = arith.constant 0 : i32
    %sub3A_50 = arith.subi %select_n3A, %sub3A_49 : i32
    %jit3A_51 = arith.constant 2 : i32
    %eq3A = arith.constant 0 : i32
    %eq3A_52 = arith.cmpi eq, %jit3A_51, %eq3A : i32
    %jit3A_53 = arith.constant 1 : i32
    %select_n3A_54 = arith.select %eq3A_52, %jit3A_53, %jit3A_51 : i32
    %rem3A_55 = arith.remsi %sub3A_50, %select_n3A_54 : i32
    %ne3A_56 = arith.constant 0 : i32
    %ne3A_57 = arith.cmpi ne, %rem3A_55, %ne3A_56 : i32
    %lt3A = arith.constant 0 : i32
    %lt3A_58 = arith.cmpi slt, %rem3A_55, %lt3A : i32
    %lt3A_59 = arith.constant 0 : i32
    %lt3A_60 = arith.cmpi slt, %select_n3A_54, %lt3A_59 : i32
    %ne3A_61 = arith.xori %lt3A_58, %lt3A_60 : i1
    %and3A_62 = arith.andi %ne3A_61, %ne3A_57 : i1
    %add3A_63 = arith.addi %rem3A_55, %select_n3A_54 : i32
    %select_n3A_64 = arith.select %and3A_62, %add3A_63, %rem3A_55 : i32
    %sub3A_65 = arith.subi %select_n3A, %select_n3A_64 : i32
    %mul3A_66 = arith.constant 32 : i32
    %mul3A_67 = arith.muli %sub3A_65, %mul3A_66 : i32
    %add3A_68 = arith.addi %add3A, %mul3A_67 : i32
    %mul3A_69 = arith.constant 768 : i32
    %mul3A_70 = arith.muli %add3A_68, %mul3A_69 : i32
    %multiple_of3A_71 = tpu.assume_multiple %mul3A_70, 768 : i32
    %dma_wait3A = arith.constant 0 : i32
    %dma_wait3A_72 = tpu.memref_slice %arg7[%dma_wait3A, %multiple_of3A_71] : memref<64x1000000xf32, #tpu.memory_space<hbm>> -> memref<64x768xf32, #tpu.memory_space<hbm>>
    %dma_wait3A_73 = arith.constant 0 : i32
    %dma_wait3A_74 = tpu.memref_slice %arg7[%dma_wait3A_73, %multiple_of3A_71] : memref<64x1000000xf32, #tpu.memory_space<hbm>> -> memref<64x768xf32, #tpu.memory_space<hbm>>
    tpu.wait_dma2 semaphore(%arg15 : memref<!tpu.dma_semaphore, #tpu.memory_space<semaphore_mem>>) src(%arg11 : memref<64x768xf32, #tpu.memory_space<vmem>>) dst(%dma_wait3A_74 : memref<64x768xf32, #tpu.memory_space<hbm>>)
    %sub3A_75 = arith.constant 1 : i32
    %sub3A_76 = arith.subi %select_n3A, %sub3A_75 : i32
    %jit3A_77 = arith.constant 2 : i32
    %eq3A_78 = arith.constant 0 : i32
    %eq3A_79 = arith.cmpi eq, %jit3A_77, %eq3A_78 : i32
    %jit3A_80 = arith.constant 1 : i32
    %select_n3A_81 = arith.select %eq3A_79, %jit3A_80, %jit3A_77 : i32
    %rem3A_82 = arith.remsi %sub3A_76, %select_n3A_81 : i32
    %ne3A_83 = arith.constant 0 : i32
    %ne3A_84 = arith.cmpi ne, %rem3A_82, %ne3A_83 : i32
    %lt3A_85 = arith.constant 0 : i32
    %lt3A_86 = arith.cmpi slt, %rem3A_82, %lt3A_85 : i32
    %lt3A_87 = arith.constant 0 : i32
    %lt3A_88 = arith.cmpi slt, %select_n3A_81, %lt3A_87 : i32
    %ne3A_89 = arith.xori %lt3A_86, %lt3A_88 : i1
    %and3A_90 = arith.andi %ne3A_89, %ne3A_84 : i1
    %add3A_91 = arith.addi %rem3A_82, %select_n3A_81 : i32
    %select_n3A_92 = arith.select %and3A_90, %add3A_91, %rem3A_82 : i32
    %sub3A_93 = arith.subi %select_n3A, %select_n3A_92 : i32
    %mul3A_94 = arith.constant 32 : i32
    %mul3A_95 = arith.muli %sub3A_93, %mul3A_94 : i32
    %add3A_96 = arith.addi %add3A, %mul3A_95 : i32
    %mul3A_97 = arith.constant 768 : i32
    %mul3A_98 = arith.muli %add3A_96, %mul3A_97 : i32
    %multiple_of3A_99 = tpu.assume_multiple %mul3A_98, 768 : i32
    %dma_wait3A_100 = arith.constant 0 : i32
    %dma_wait3A_101 = tpu.memref_slice %arg7[%dma_wait3A_100, %multiple_of3A_99] : memref<64x1000000xf32, #tpu.memory_space<hbm>> -> memref<64x768xf32, #tpu.memory_space<hbm>>
    %dma_wait3A_102 = arith.constant 0 : i32
    %dma_wait3A_103 = tpu.memref_slice %arg7[%dma_wait3A_102, %multiple_of3A_99] : memref<64x1000000xf32, #tpu.memory_space<hbm>> -> memref<64x768xf32, #tpu.memory_space<hbm>>
    tpu.wait_dma2 semaphore(%arg16 : memref<!tpu.dma_semaphore, #tpu.memory_space<semaphore_mem>>) src(%arg12 : memref<64x768xf32, #tpu.memory_space<vmem>>) dst(%dma_wait3A_103 : memref<64x768xf32, #tpu.memory_space<hbm>>)
    return
  }
}

</mosaic_0001>

<sc_bundles>
// kernel: _sc_call.3.cloned.1.call-start
scs
__scs_entry_jumppad:
0x0: {  	(pc) =	sbr.rel $0x88, $3  }
0x1: {  	(tag) =	ssettag $0x0;
	lr =	simm.s32 $0x1  }
0x2: {  	[smem:$0x3F9C] =	sst lr;
	_ =	strace $0xD0000000  }
0x3: {  	_ = 	snop  }
0x4: {  	_ = 	snop  }
0x5: {  	_ = 	snop  }
0x6: {  	_ = 	snop  }
0x7: {  	_ = 	snop  }
__scs_overlays_trampoline_lowered:
0x8: {  	[smem:$0x3FAB] =	sst s0  }
0x9: {  	[smem:$0x3FAC] =	sst s1  }
0xa: {  	[smem:$0x3FAD] =	sst s2  }
0xb: {  	[smem:$0x3FAE] =	sst s3  }
0xc: {  	[smem:$0x3FAF] =	sst s4  }
0xd: {  	[smem:$0x3FB0] =	sst s5  }
0xe: {  	[smem:$0x3FB1] =	sst s6  }
0xf: {  	[smem:$0x3FB2] =	sst s7  }
0x10: {  	[smem:$0x3FB3] =	sst s8  }
0x11: {  	[smem:$0x3FB4] =	sst s9;
	s0 =	simm.s32 @!p0 $0x0  }
0x12: {  	s1 =	sld [smem:$0x3F9A];
	s0 =	simm.s32 @p0 $0x1  }
0x13: {  	[smem:$0x3FB5] =	sst s0;
	s0 =	simm.s32 @!p1 $0x0  }
0x14: {  	s2 =	sld [smem:$0x3F99];
	s0 =	simm.s32 @p1 $0x1  }
0x15: {  	[smem:$0x3FB6] =	sst s0;
	s0 =	simm.s32 @!p2 $0x0  }
0x16: {  	s3 =	sld [smem:$0x3FDB];
	s0 =	simm.s32 @p2 $0x1  }
0x17: {  	s4 =	simm.s32 $0x1BF5;
	[smem:$0x3FB8] =	sst s0  }
0x18: {  	s0 =	sld [smem:$0x3F9B];
	_ =	swait.ge [sflag:s4], $0x0  }
0x19: {  	s7 =	sld [smem:$0x3F9C]  }
0x1a: {  	s8 =	sadd.s32 $0xFFFFE003, lr  }
0x1b: {  	s9 =	sadd.s32 $0xFFFFFEF7, lr;
	s5 =	simm.s32 $0xFFFFFFFF;
	p2 =	slt.u32 s8, $0xFFFFF086  }
0x1c: {  	p1 =	slt.u32 s9, $0xF7A;
	s5 =	simm.s32 @!p2 $0x0  }
0x1d: {  	s5 =	simm.s32 @p1 $0x1;
	p0 =	seq.s32 s7, s2  }
0x1e: {  	s7 =	smul.u32 @!p0 $0xF7A, s2;
	p2 =	seq.s32 @!p0 s5, $0x0  }
0x1f: {  	s9 =	smul.u32 $0xF7A, s1;
	s8 =	simm.s32 @!p0 $0x1BF5;
	p2 =	por !p2, p0  }
0x20: {  	[sflag:s8] =	ssyncset.s32 @!p0 $0xFFFFF086;
	s6 =	sadd.s32 @!p0 s3, s7;
	s7 =	simm.s32 @!p0 $0x108  }
0x21: {  	s3 =	sadd.s32 s3, s9;
	s6 =	sadd.s32 @!p0 $0x88, s6;
	s7 =	simm.s32 @p2 $0x1082  }
0x22: {  	[simem:s7], [sflag:s8] =	dma.local @!p0 [hbm:s6], $0xF7A  }
0x23: {  	s9 =	sor.u32 $0xD0000000, s2;
	s6 =	simm.s32 $0x108;
	_ =	swait.ge @!p0 [sflag:s8], $0x0  }
0x24: {  	s3 =	sadd.s32 $0x88, s3;
	s6 =	simm.s32 @!p1 $0x1082;
	[sflag:s4] =	ssyncset.s32 $0xFFFFF086  }
0x25: {  	[simem:s6], [sflag:s4] =	dma.local [hbm:s3], $0xF7A  }
0x26: {  	[smem:$0x3F9C] =	sst s1;
	(tag) =	ssettag s2;
	_ =	strace s9  }
0x27: {  	s1 =	sld [smem:$0x3FAC]  }
0x28: {  	s2 =	sld [smem:$0x3FAD]  }
0x29: {  	s4 =	sld [smem:$0x3FAF]  }
0x2a: {  	p0 =	seq.s32 s5, $0x0;
	s5 =	sld [smem:$0x3FB0]  }
0x2b: {  	s6 =	sld [smem:$0x3FB1]  }
0x2c: {  	s7 =	sld [smem:$0x3FB2]  }
0x2d: {  	s3 =	simm.s32 $0x108;
	s8 =	sld [smem:$0x3FB3]  }
0x2e: {  	s3 =	simm.s32 @!p0 $0x1082;
	s9 =	sld [smem:$0x3FB4]  }
0x2f: {  	lr =	sadd.s32 s0, s3;
	s0 =	sld [smem:$0x3FAB]  }
0x30: {  	s3 =	sld [smem:$0x3FAE]  }
0x31: {  	[smem:$0x3FB7] =	sst s10  }
0x32: {  	s10 =	sld [smem:$0x3FB5];
	_ =	sdelay $0x3  }
0x33: {  	p0 =	seq.s32 s10, $0x1;
	s10 =	sld [smem:$0x3FB7];
	_ =	sdelay $0x3  }
0x34: {  	[smem:$0x3FB7] =	sst s10  }
0x35: {  	s10 =	sld [smem:$0x3FB6];
	_ =	sdelay $0x3  }
0x36: {  	p1 =	seq.s32 s10, $0x1;
	s10 =	sld [smem:$0x3FB7];
	_ =	sdelay $0x3  }
0x37: {  	[smem:$0x3FB7] =	sst s10  }
0x38: {  	s10 =	sld [smem:$0x3FB8]  }
0x39: {  	_ = 	snop;
	(pc) =	sbr.ind lr, $3  }
0x3a: {  	_ = 	snop  }
0x3b: {  	_ = 	snop  }
0x3c: {  	p2 =	seq.s32 s10, $0x1;
	s10 =	sld [smem:$0x3FB7]  }
0x3d: {  	_ =	shalt  }
0x3e: {  	_ =	shalt  }
0x3f: {  	_ =	shalt  }
0x40: {  	_ =	shalt  }
0x41: {  	_ =	shalt  }
0x42: {  	_ =	shalt  }
0x43: {  	_ =	shalt  }
0x44: {  	_ =	shalt  }
0x45: {  	_ =	shalt  }
0x46: {  	_ =	shalt  }
0x47: {  	_ =	shalt  }
0x48: {  	_ =	shalt  }
0x49: {  	_ =	shalt  }
0x4a: {  	_ =	shalt  }
0x4b: {  	_ =	shalt  }
0x4c: {  	_ =	shalt  }
0x4d: {  	_ =	shalt  }
0x4e: {  	_ =	shalt  }
0x4f: {  	_ =	shalt  }
0x50: {  	_ =	shalt  }
0x51: {  	_ =	shalt  }
0x52: {  	_ =	shalt  }
0x53: {  	_ =	shalt  }
0x54: {  	_ =	shalt  }
0x55: {  	_ =	shalt  }
0x56: {  	_ =	shalt  }
0x57: {  	_ =	shalt  }
0x58: {  	_ =	shalt  }
0x59: {  	_ =	shalt  }
0x5a: {  	_ =	shalt  }
0x5b: {  	_ =	shalt  }
0x5c: {  	_ =	shalt  }
0x5d: {  	_ =	shalt  }
0x5e: {  	_ =	shalt  }
0x5f: {  	_ =	shalt  }
0x60: {  	_ =	shalt  }
0x61: {  	_ =	shalt  }
0x62: {  	_ =	shalt  }
0x63: {  	_ =	shalt  }
0x64: {  	_ =	shalt  }
0x65: {  	_ =	shalt  }
0x66: {  	_ =	shalt  }
0x67: {  	_ =	shalt  }
0x68: {  	_ =	shalt  }
0x69: {  	_ =	shalt  }
0x6a: {  	_ =	shalt  }
0x6b: {  	_ =	shalt  }
0x6c: {  	_ =	shalt  }
0x6d: {  	_ =	shalt  }
0x6e: {  	_ =	shalt  }
0x6f: {  	_ =	shalt  }
0x70: {  	_ =	shalt  }
0x71: {  	_ =	shalt  }
0x72: {  	_ =	shalt  }
0x73: {  	_ =	shalt  }
0x74: {  	_ =	shalt  }
0x75: {  	_ =	shalt  }
0x76: {  	_ =	shalt  }
0x77: {  	_ =	shalt  }
0x78: {  	_ =	shalt  }
0x79: {  	_ =	shalt  }
0x7a: {  	_ =	shalt  }
0x7b: {  	_ =	shalt  }
0x7c: {  	_ =	shalt  }
0x7d: {  	_ =	shalt  }
0x7e: {  	_ =	shalt  }
0x7f: {  	_ =	shalt  }
0x80: {  	_ =	shalt  }
0x81: {  	_ =	shalt  }
0x82: {  	_ =	shalt  }
0x83: {  	_ =	shalt  }
0x84: {  	_ =	shalt  }
0x85: {  	_ =	shalt  }
0x86: {  	_ =	shalt  }
0x87: {  	_ =	shalt  }
.Lfunc_end0:
.L_simem_size_0:
called_computation_lowered:
.L_overlay_start_0:
0x88: {  	s2 =	sld [smem:$0x3FD9]  }
0x89: {  	s3 =	sld [smem:$0x3FFE];
	_ =	sdelay $0x1  }
0x8a: {  	s1 =	srdreg.scid  }
0x8b: {  	s0 =	sand.u32 $0x1, s1  }
0x8c: {  	s18 =	sshll.u32 s0, $0xA;
	s2 =	sadd.s32 s3, s2  }
0x8d: {  	s2 =	sadd.s32 s2, s18  }
0x8e: {  	[smem:$0x3FC3] =	sst s2  }
0x8f: {  	_ = 	snop  }
0x90: {  	s2 =	sld [smem:$0x3FC9]  }
0x91: {  	s19 =	sld [smem:$0x3FC8]  }
0x92: {  	s4 =	sld [smem:$0x3FC7]  }
0x93: {  	s5 =	sld [smem:$0x3FC6]  }
0x94: {  	s6 =	sld [smem:$0x3FC5]  }
0x95: {  	s7 =	sld [smem:$0x3FD0];
	(tm) =	ssettm $0x1  }
0x96: {  	s8 =	sld [smem:$0x3FFB];
	_ =	sdelay $0x3  }
0x97: {  	_ =	strace s8  }
0x98: {  	s8 =	sld [smem:$0x3FFC];
	_ =	sdelay $0x3  }
0x99: {  	_ =	strace s8  }
0x9a: {  	s8 =	sld [smem:$0x3FFD];
	_ =	sdelay $0x3  }
0x9b: {  	_ =	strace s8  }
0x9c: {  	_ =	strace $0x8FFFFFFF  }
0x9d: {  	s20 =	sld [smem:$0x3FDB];
	_ =	sdelay $0x1  }
0x9e: {  	s9 =	simm.s32 $_scs_section_size  }
0x9f: {  	s10 =	simm.s32 $_size__tile_overlayer_lowered;
	s11 =	simm.s32 $_tile_overlayer_lowered  }
0xa0: {  	s23 =	simm.s32 $0x1BFF;
	s22 =	sshll.u32 s11, $0x1;
	s8 =	sadd.s32 s9, s20  }
0xa1: {  	s12 =	simm.s32 $0x0;
	s21 =	sshll.u32 s10, $0x1;
	s10 =	sadd.s32 s22, s8  }
0xa2: {  	[timem:s12], [sflag:s23] =	dma.local [hbm:s10], s21  }
0xa3: {  	_ =	swait.ge [sflag:s23], s21  }
0xa4: {  	s9 =	ssub.s32 $0x0, s21;
	[sflag:s23] =	ssyncset.done $0x0  }
0xa5: {  	[sflag:s23] =	ssyncadd.s32 s9;
	_ =	sdelay $0x1  }
0xa6: {  	s24 =	simm.s32 $0x1B8B  }
0xa7: {  	_ =	swait.ge [sflag:s24], $0x1  }
0xa8: {  	[sflag:s24] =	ssyncset.done $0x0  }
0xa9: {  	s25 =	simm.s32 $0x1B8E;
	[sflag:s24] =	ssyncadd.s32 $0xFFFFFFFF  }
0xaa: {  	s26 =	simm.s32 $execute0_lowered;
	[smem:$0x3FD2] =	sst s25  }
0xab: {  	s9 =	sshll.u32 s26, $0x1;
	_ =	strace $0x80000046;
	[dreg:$0x1] =	wrdreg $0xFFFFFFFF  }
0xac: {  	s28 =	simm.s32 $_size_execute0_lowered;
	s8 =	sadd.s32 s8, s9;
	[dreg:$0x0] =	wrdreg $0x0  }
0xad: {  	s9 =	sshll.u32 s28, $0x1;
	[dreg:$0x2] =	wrdreg s8  }
0xae: {  	[dreg:$0x3] =	wrdreg s9  }
0xaf: {  	[dreg:$0x4] =	wrdreg $0xC0  }
0xb0: {  	_ =	task [dreg:s12], $0x5FFFF  }
0xb1: {  	[dreg:$0x1] =	wrdreg $0xFFFFFFFF  }
0xb2: {  	[dreg:$0x0] =	wrdreg $0x60  }
0xb3: {  	[dreg:$0x2] =	wrdreg s2  }
0xb4: {  	[dreg:$0x3] =	wrdreg s19  }
0xb5: {  	[dreg:$0x4] =	wrdreg s4  }
0xb6: {  	[dreg:$0x5] =	wrdreg s5  }
0xb7: {  	[dreg:$0x6] =	wrdreg s6  }
0xb8: {  	[dreg:$0x7] =	wrdreg s7  }
0xb9: {  	[dreg:$0x8] =	wrdreg $0x9  }
0xba: {  	_ =	task.clear_ibuf [dreg:s12], $0x9FFFF;
	_ =	strace $0x90000046  }
0xbb: {  	s29 =	simm.s32 $0x9;
	_ =	strace $0x80000048  }
0xbc: {  	_ =	swait.ge [sflag:s29], $0x1  }
0xbd: {  	[sflag:s29] =	ssyncadd.s32 $0xFFFFFFFF  }
0xbe: {  	_ =	strace $0x90000048  }
0xbf: {  	_ =	sfence  }
0xc0: {  	s30 =	sld [smem:$0x0];
	_ =	sdelay $0x2  }
0xc1: {  	s31 =	sshll.u32 s1, $0xD;
	s1 =	sshrl.u32 s1, $0x2  }
0xc2: {  	s3 =	sand.u32 $0x4000, s31;
	s1 =	sadd.s32 s1, s30  }
0xc3: {  	s0 =	sor.u32 s3, s0;
	s1 =	sshll.u32 s1, $0x11  }
0xc4: {  	s0 =	sor.u32 s1, s0  }
0xc5: {  	s0 =	sadd.s32 $0x8F2B, s0  }
0xc6: {  	[sflag:s0] =	ssyncadd.remote.s32 $0x1  }
0xc7: {  	_ =	sfence.sel $0xFFFF  }
0xc8: {  	[dreg:$0x0] =	wrdreg $0xFFFFFFFF;
	(pc) =	sbr.abs _section_cstart, $3  }
0xc9: {  	[dreg:$0x1] =	wrdreg $0xFFFFFFFF  }
0xca: {  	_ =	task.clear_ibuf [dreg:s12], $0x2FFFF;
	_ =	strace $0x9FFFFFFF  }
0xcb: {  	(tm) =	ssettm $0x7FFFFFFF  }
tec
execute0_lowered:
.L_overlay_start_1:
0x0: {  	(tag) =	ssettag $0x1  }
0x1: {  	s3 =	rddreg [dreg:$0x0]  }
0x2: {  	s4 =	rddreg [dreg:$0x1]  }
0x3: {  	s5 =	rddreg [dreg:$0x2]  }
0x4: {  	s6 =	rddreg [dreg:$0x3]  }
0x5: {  	s0 =	srdreg.scid;
	s1 =	stileid.u32  }
0x6: {  	s2 =	simm.s32 $0x0;
	s0 =	sand.u32 $0x1, s0;
	s1 =	sshll.u32 s1, $0x1  }
0x7: {  	s31 =	simm.s32 $0x1800;
	s30 =	simm.s32 $0x1C20;
	s1 =	sor.u32 s0, s1  }
0x8: {  	s23 =	simm.s32 $0x1DA0;
	[dreg:$0x7] =	wrdreg s1;
	s1 =	smul.u32 $0x60, s1  }
0x9: {  	s29 =	simm.s32 $0x0;
	[smem:$0x7FF] =	sst s2;
	s0 =	ssub.s32 $0x2, s0  }
0xa: {  	_ =	strace $0x80000047;
	[dreg:$0xd] =	wrdreg s29;
	s25 =	sadd.s32 s4, s1  }
.Ltmp0:
0xb: {  	s26 =	sadd.s32 s5, s1;
	[dreg:$0x8] =	wrdreg s25;
	(pc) =	sbr.rel .LBB2_1-.Ltmp0, $4  }
0xc: {  	s24 =	sshrl.u32 s0, $0x1;
	s28 =	sadd.s32 s6, s1;
	[dreg:$0x9] =	wrdreg s26  }
0xd: {  	s0 =	ssub.s32 s0, s24;
	s1 =	sadd.s32 s3, s1;
	[dreg:$0xa] =	wrdreg s28  }
0xe: {  	s24 =	simm.s32 $0x1D40;
	s0 =	smax.u32 s0, $0x1;
	[dreg:$0xb] =	wrdreg s1  }
0xf: {  	v0 =	vimm.s32 $0x0;
	[dreg:$0xc] =	wrdreg s0;
	s26 =	simm.s32 $0x1C80;
	s25 =	simm.s32 $0x1CE0  }
.LBB2_10:
0x10: {  	s0 =	simm.s32 $0x3  }
0x11: {  	_ =	swait.ge [sflag:s0], $0xC000  }
0x12: {  	[sflag:s0] =	ssyncset.done $0x0  }
0x13: {  	s1 =	simm.s32 $0x4;
	[sflag:s0] =	ssyncadd.s32 $0xFFFF4000  }
0x14: {  	_ =	swait.ge [sflag:s1], $0xC000  }
0x15: {  	s2 =	rddreg [dreg:$0xd]  }
0x16: {  	s29 =	rddreg [dreg:$0xc];
	s2 =	sadd.s32 $0x1, s2  }
0x17: {  	p0 =	sne.s32 s2, s29  }
.Ltmp1:
0x18: {  	_ = 	snop;
	(pc) =	sbr.rel @!p0 .LBB2_11-.Ltmp1, $3  }
0x19: {  	_ =	sdelay $0x1  }
0x1a: {  	[sflag:s1] =	ssyncset.done $0x0  }
0x1b: {  	[sflag:s1] =	ssyncadd.s32 $0xFFFF4000;
	[dreg:$0xd] =	wrdreg s2  }
.LBB2_1:
0x1c: {  	s0 =	rddreg [dreg:$0x4];
	s1 =	simm.s32 $0x0;
	s18 =	simm.s32 $0x5  }
0x1d: {  	[tilespmem:s31], [sflag:$0x5] =	stream.linear.gather [hbm4b:s0+s1], $0x600, $0x38;
	[tilespmem:$0x19E00] =	vst v63  }
0x1e: {  	_ =	swait.ge [sflag:s18], $0x600  }
0x1f: {  	[sflag:s18] =	ssyncset.done $0x0  }
0x20: {  	s19 =	rddreg [dreg:$0x8];
	[sflag:s18] =	ssyncadd.s32 $0xFFFFFA00  }
0x21: {  	[tilespmem:s1], [sflag:$0x1] =	stream.linear.gather [hbm4b:s19+s1], $0x300, $0x38;
	[tilespmem:$0x19E00] =	vst v63  }
0x22: {  	s2 =	simm.s32 $0x300;
	s20 =	rddreg [dreg:$0x9]  }
0x23: {  	[tilespmem:s2], [sflag:$0x1] =	stream.linear.gather [hbm4b:s20+s1], $0x300, $0x38;
	[tilespmem:$0x19E00] =	vst v63  }
.Ltmp2:
0x24: {  	_ = 	snop;
	(pc) =	sbr.rel .LBB2_2-.Ltmp2, $4  }
0x25: {  	s22 =	simm.s32 $0x600;
	s21 =	rddreg [dreg:$0xa]  }
0x26: {  	[tilespmem:s22], [sflag:$0x1] =	stream.linear.gather [hbm4b:s21+s1], $0x300, $0x38;
	[tilespmem:$0x19E00] =	vst v63  }
0x27: {  	s29 =	simm.s32 $0x900;
	s4 =	simm.s32 $0x0;
	s28 =	rddreg [dreg:$0xb]  }
0x28: {  	[tilespmem:s29], [sflag:$0x1] =	stream.linear.gather [hbm4b:s28+s1], $0x300, $0x38;
	[tilespmem:$0x19E00] =	vst v63  }
.LBB2_9:
0x29: {  	s4 =	sadd.s32 $0x1, s4  }
0x2a: {  	p0 =	sne.s32 s4, $0x15  }
.Ltmp3:
0x2b: {  	_ = 	snop;
	(pc) =	sbr.rel @!p0 .LBB2_10-.Ltmp3, $1  }
0x2c: {  	_ =	sdelay $0x3  }
.LBB2_2:
0x2d: {  	s0 =	sshll.u32 s4, $0x6;
	s1 =	rddreg [dreg:$0x7]  }
0x2e: {  	s0 =	sor.u32 s1, s0  }
0x2f: {  	p0 =	sgt.u32 s0, $0x515  }
.Ltmp4:
0x30: {  	_ = 	snop;
	(pc) =	sbr.rel @p0 .LBB2_9-.Ltmp4, $1  }
0x31: {  	_ =	sdelay $0x3  }
0x32: {  	[dreg:$0x10] =	wrdreg s0;
	s0 =	sor.u32 $0x20, s0  }
0x33: {  	p1 =	sgt.u32 s0, $0x515  }
0x34: {  	[dreg:$0xf] =	wrdreg s0;
	s0 =	smul.u32 @!p1 $0x60, s0  }
0x35: {  	s1 =	rddreg [dreg:$0x1]  }
0x36: {  	s2 =	simm.s32 @!p1 $0x0;
	s3 =	simm.s32 @!p1 $0xC00;
	s1 =	sadd.s32 @!p1 s1, s0  }
0x37: {  	[tilespmem:s3], [sflag:$0x2] =	stream.linear.gather @!p1 [hbm4b:s1+s2], $0x300, $0x38;
	[tilespmem:$0x19E00] =	vst v63  }
0x38: {  	s1 =	rddreg [dreg:$0x2]  }
0x39: {  	s3 =	simm.s32 @!p1 $0xF00;
	s1 =	sadd.s32 @!p1 s1, s0  }
0x3a: {  	[tilespmem:s3], [sflag:$0x2] =	stream.linear.gather @!p1 [hbm4b:s1+s2], $0x300, $0x38;
	[tilespmem:$0x19E00] =	vst v63  }
0x3b: {  	s1 =	rddreg [dreg:$0x3]  }
0x3c: {  	s3 =	simm.s32 @!p1 $0x1200;
	s1 =	sadd.s32 @!p1 s1, s0  }
0x3d: {  	[tilespmem:s3], [sflag:$0x2] =	stream.linear.gather @!p1 [hbm4b:s1+s2], $0x300, $0x38;
	[tilespmem:$0x19E00] =	vst v63  }
0x3e: {  	s1 =	rddreg [dreg:$0x0]  }
0x3f: {  	s29 =	simm.s32 $0x1;
	s0 =	sadd.s32 @!p1 s1, s0;
	s1 =	simm.s32 @!p1 $0x1500  }
0x40: {  	[tilespmem:s1], [sflag:$0x2] =	stream.linear.gather @!p1 [hbm4b:s0+s2], $0x300, $0x38;
	[tilespmem:$0x19E00] =	vst v63  }
0x41: {  	_ =	swait.ge [sflag:s29], $0x300  }
0x42: {  	[sflag:s29] =	ssyncset.done $0x0  }
0x43: {  	[sflag:s29] =	ssyncadd.s32 $0xFFFFFD00  }
0x44: {  	_ =	swait.ge [sflag:s29], $0x300  }
0x45: {  	[sflag:s29] =	ssyncset.done $0x0  }
0x46: {  	[sflag:s29] =	ssyncadd.s32 $0xFFFFFD00  }
0x47: {  	_ =	swait.ge [sflag:s29], $0x300  }
0x48: {  	[sflag:s29] =	ssyncset.done $0x0  }
0x49: {  	[sflag:s29] =	ssyncadd.s32 $0xFFFFFD00  }
0x4a: {  	_ =	swait.ge [sflag:s29], $0x300  }
0x4b: {  	p0 =	seq.s32 s4, $0x0;
	[sflag:s29] =	ssyncset.done $0x0  }
0x4c: {  	s0 =	simm.s32 @!p0 $0x3;
	[dreg:$0xe] =	wrdreg s4;
	[sflag:s29] =	ssyncadd.s32 $0xFFFFFD00  }
0x4d: {  	s8 =	simm.s32 $0xFFFFFFFE;
	s11 =	simm.s32 $0x0;
	_ =	swait.ge @!p0 [sflag:s0], $0xC000  }
0x4e: {  	s12 =	simm.s32 $0x0;
	s13 =	simm.s32 $0x0;
	[sflag:s0] =	ssyncset.done @!p0 $0x0  }
0x4f: {  	s14 =	simm.s32 $0x0;
	s16 =	simm.s32 $0x0;
	[sflag:s0] =	ssyncadd.s32 @!p0 $0xFFFF4000  }
.LBB2_4:
0x50: {  	v1 =	vld [tilespmem:s11+$0x0];
	_ =	sdelay $0x4  }
0x51: {  	v1 =	vmul.f32 $3.200000000e+01, v1;
	_ =	sdelay $0x1  }
0x52: {  	v2 =	vtrunc.f32 v1  }
0x53: {  	vm0 =	vgt.f32 v1, v2  }
0x54: {  	v1 =	vcvt.f32.s32 v2;
	vm0 =	vmneg vm0  }
0x55: {  	v2 =	vsel vm0, $0xFFFFFFFF, v0  }
0x56: {  	v1 =	vadd.s32 v1, v2  }
0x57: {  	vm13 =	vgt.s32 v1, $0x0  }
0x58: {  	v2 =	vnsel vm13, $0x0, v1;
	_ =	sdelay $0x4  }
0x59: {  	v3 =	vld.idx.msk [tilespmem:v2+s31+$0x0], $0xffff;
	_ =	sdelay $0x1  }
0x5a: {  	s0 =	sand.u32 $0x3E0, s12;
	s29 =	sand.u32 $0x1C00, s16  }
0x5b: {  	s28 =	sand.u32 $0x60, s12;
	v4 =	vld [tilespmem:s0+$0x300];
	s17 =	sadd.s32 $0x1E00, s29  }
0x5c: {  	v5 =	vld [tilespmem:s0+$0x600];
	s5 =	sor.u32 s28, s17  }
0x5d: {  	s1 =	simm.s32 $0x1860;
	v1 =	vld [tilespmem:s0+$0x900];
	[tilespmem:s5+$0x0] =	vst v3  }
0x5e: {  	v3 =	vld.idx.msk [tilespmem:v2+s1+$0x0], $0xffff;
	_ =	sdelay $0x4  }
0x5f: {  	s7 =	simm.s32 $0x18C0;
	[tilespmem:s5+$0x80] =	vst v3  }
0x60: {  	v3 =	vld.idx.msk [tilespmem:v2+s7+$0x0], $0xffff;
	_ =	sdelay $0x4  }
0x61: {  	s10 =	simm.s32 $0x1920;
	[tilespmem:s5+$0x100] =	vst v3  }
0x62: {  	v3 =	vld.idx.msk [tilespmem:v2+s10+$0x0], $0xffff;
	_ =	sdelay $0x4  }
0x63: {  	s15 =	simm.s32 $0x1980;
	[tilespmem:s5+$0x180] =	vst v3  }
0x64: {  	v3 =	vld.idx.msk [tilespmem:v2+s15+$0x0], $0xffff;
	_ =	sdelay $0x4  }
0x65: {  	s18 =	simm.s32 $0x19E0;
	[tilespmem:s5+$0x200] =	vst v3  }
0x66: {  	v3 =	vld.idx.msk [tilespmem:v2+s18+$0x0], $0xffff;
	_ =	sdelay $0x4  }
0x67: {  	s19 =	simm.s32 $0x1A40;
	[tilespmem:s5+$0x280] =	vst v3  }
0x68: {  	v3 =	vld.idx.msk [tilespmem:v2+s19+$0x0], $0xffff  }
0x69: {  	s20 =	sand.u32 $0x3, s13  }
0x6a: {  	s0 =	sshll.u32 s20, $0x5  }
0x6b: {  	s0 =	sadd.s32 s0, s16  }
0x6c: {  	s0 =	sor.u32 $0x300, s0  }
0x6d: {  	s21 =	simm.s32 $0x1AA0;
	[tilespmem:s0+$0x1E00] =	vst v3  }
0x6e: {  	v3 =	vld.idx.msk [tilespmem:v2+s21+$0x0], $0xffff;
	_ =	sdelay $0x2  }
0x6f: {  	s22 =	sor.u32 s12, s16  }
0x70: {  	s0 =	sor.u32 $0x380, s22  }
0x71: {  	s7 =	simm.s32 $0x1B00;
	[tilespmem:s0+$0x1E00] =	vst v3  }
0x72: {  	v3 =	vld.idx.msk [tilespmem:v2+s7+$0x0], $0xffff;
	_ =	sdelay $0x2  }
0x73: {  	s10 =	sadd.s32 $0x3600, s29  }
0x74: {  	s0 =	sor.u32 s28, s10  }
0x75: {  	s15 =	simm.s32 $0x1B60;
	[tilespmem:s0+$0x0] =	vst v3  }
0x76: {  	v3 =	vld.idx.msk [tilespmem:v2+s15+$0x0], $0xffff;
	_ =	sdelay $0x2  }
0x77: {  	s18 =	sadd.s32 $0x3680, s29  }
0x78: {  	s0 =	sor.u32 s28, s18  }
0x79: {  	s19 =	simm.s32 $0x1BC0;
	[tilespmem:s0+$0x0] =	vst v3  }
0x7a: {  	v3 =	vld.idx.msk [tilespmem:v2+s19+$0x0], $0xffff;
	_ =	sdelay $0x2  }
0x7b: {  	s20 =	sadd.s32 $0x3700, s29  }
0x7c: {  	s0 =	sor.u32 s28, s20  }
0x7d: {  	[tilespmem:s0+$0x0] =	vst v3  }
0x7e: {  	v3 =	vld.idx.msk [tilespmem:v2+s30+$0x0], $0xffff;
	_ =	sdelay $0x2  }
0x7f: {  	s21 =	sadd.s32 $0x3780, s29  }
0x80: {  	s0 =	sor.u32 s28, s21  }
0x81: {  	[tilespmem:s0+$0x0] =	vst v3  }
0x82: {  	v3 =	vld.idx.msk [tilespmem:v2+s26+$0x0], $0xffff;
	_ =	sdelay $0x2  }
0x83: {  	s22 =	sadd.s32 $0x3800, s29  }
0x84: {  	s0 =	sor.u32 s28, s22  }
0x85: {  	[tilespmem:s0+$0x0] =	vst v3  }
0x86: {  	v3 =	vld.idx.msk [tilespmem:v2+s25+$0x0], $0xffff;
	_ =	sdelay $0x2  }
0x87: {  	[dreg:$0x13] =	wrdreg s18;
	s18 =	sadd.s32 $0x3880, s29  }
0x88: {  	s0 =	sor.u32 s28, s18  }
0x89: {  	v4 =	vmul.f32 $3.200000000e+01, v4;
	[tilespmem:s0+$0x0] =	vst v3  }
0x8a: {  	v3 =	vld.idx.msk [tilespmem:v2+s24+$0x0], $0xffff  }
0x8b: {  	v6 =	vtrunc.f32 v4  }
0x8c: {  	vm14 =	vgt.f32 v4, v6  }
0x8d: {  	v49 =	vcvt.f32.s32 v6;
	vm0 =	vmneg vm14;
	s19 =	sadd.s32 $0x3900, s29  }
0x8e: {  	v50 =	vsel vm0, $0xFFFFFFFF, v0;
	s0 =	sor.u32 s28, s19  }
0x8f: {  	v4 =	vadd.s32 v49, v50;
	[tilespmem:s0+$0x0] =	vst v3  }
0x90: {  	vm15 =	vgt.s32 v4, $0x0;
	v2 =	vld.idx.msk [tilespmem:v2+s23+$0x0], $0xffff  }
0x91: {  	v3 =	vnsel vm15, $0x0, v4;
	_ =	sdelay $0x1  }
0x92: {  	[dreg:$0x15] =	wrdreg s20;
	s20 =	sadd.s32 $0x3980, s29  }
0x93: {  	s0 =	sor.u32 s28, s20  }
0x94: {  	[tilespmem:s0+$0x0] =	vst v2  }
0x95: {  	v2 =	vld.idx.msk [tilespmem:v3+s31+$0x0], $0xffff;
	_ =	sdelay $0x2  }
0x96: {  	[dreg:$0x17] =	wrdreg s21;
	s21 =	sadd.s32 $0x4E00, s29  }
0x97: {  	s0 =	sor.u32 s28, s21  }
0x98: {  	s9 =	simm.s32 $0x1860;
	[tilespmem:s0+$0x0] =	vst v2  }
0x99: {  	v2 =	vld.idx.msk [tilespmem:v3+s9+$0x0], $0xffff;
	_ =	sdelay $0x2  }
0x9a: {  	[dreg:$0x19] =	wrdreg s22;
	s22 =	sadd.s32 $0x4E80, s29  }
0x9b: {  	s0 =	sor.u32 s28, s22  }
0x9c: {  	s6 =	simm.s32 $0x18C0;
	[tilespmem:s0+$0x0] =	vst v2  }
0x9d: {  	v2 =	vld.idx.msk [tilespmem:v3+s6+$0x0], $0xffff;
	_ =	sdelay $0x2  }
0x9e: {  	[dreg:$0x1b] =	wrdreg s18;
	s18 =	sadd.s32 $0x4F00, s29  }
0x9f: {  	s0 =	sor.u32 s28, s18  }
0xa0: {  	s4 =	simm.s32 $0x1920;
	[tilespmem:s0+$0x0] =	vst v2  }
0xa1: {  	v2 =	vld.idx.msk [tilespmem:v3+s4+$0x0], $0xffff;
	_ =	sdelay $0x2  }
0xa2: {  	[dreg:$0x1d] =	wrdreg s19;
	s19 =	sadd.s32 $0x4F80, s29  }
0xa3: {  	s0 =	sor.u32 s28, s19  }
0xa4: {  	s3 =	simm.s32 $0x1980;
	[tilespmem:s0+$0x0] =	vst v2  }
0xa5: {  	v2 =	vld.idx.msk [tilespmem:v3+s3+$0x0], $0xffff;
	_ =	sdelay $0x2  }
0xa6: {  	[dreg:$0x1f] =	wrdreg s20;
	s20 =	sadd.s32 $0x5000, s29  }
0xa7: {  	s0 =	sor.u32 s28, s20  }
0xa8: {  	s2 =	simm.s32 $0x19E0;
	[tilespmem:s0+$0x0] =	vst v2  }
0xa9: {  	v2 =	vld.idx.msk [tilespmem:v3+s2+$0x0], $0xffff;
	_ =	sdelay $0x2  }
0xaa: {  	[smem:$0x7DA] =	sst s21;
	s21 =	sadd.s32 $0x5080, s29  }
0xab: {  	s0 =	sor.u32 s28, s21  }
0xac: {  	s1 =	simm.s32 $0x1A40;
	[tilespmem:s0+$0x0] =	vst v2  }
0xad: {  	v2 =	vld.idx.msk [tilespmem:v3+s1+$0x0], $0xffff;
	_ =	sdelay $0x2  }
0xae: {  	[smem:$0x7DB] =	sst s22;
	s22 =	sadd.s32 $0x5100, s29  }
0xaf: {  	s0 =	sor.u32 s28, s22  }
0xb0: {  	s5 =	simm.s32 $0x1AA0;
	[tilespmem:s0+$0x0] =	vst v2  }
0xb1: {  	v2 =	vld.idx.msk [tilespmem:v3+s5+$0x0], $0xffff;
	_ =	sdelay $0x2  }
0xb2: {  	[smem:$0x7DC] =	sst s18;
	s18 =	sadd.s32 $0x5180, s29  }
0xb3: {  	s0 =	sor.u32 s28, s18  }
0xb4: {  	s7 =	simm.s32 $0x1B00;
	[tilespmem:s0+$0x0] =	vst v2  }
0xb5: {  	v2 =	vld.idx.msk [tilespmem:v3+s7+$0x0], $0xffff;
	_ =	sdelay $0x2  }
0xb6: {  	[smem:$0x7DD] =	sst s19;
	s19 =	sadd.s32 $0x6600, s29  }
0xb7: {  	s0 =	sor.u32 s28, s19  }
0xb8: {  	[dreg:$0x11] =	wrdreg s10;
	s10 =	simm.s32 $0x1B60;
	[tilespmem:s0+$0x0] =	vst v2  }
0xb9: {  	v2 =	vld.idx.msk [tilespmem:v3+s10+$0x0], $0xffff;
	_ =	sdelay $0x2  }
0xba: {  	[smem:$0x7DE] =	sst s20;
	s20 =	sadd.s32 $0x6680, s29  }
0xbb: {  	s0 =	sor.u32 s28, s20  }
0xbc: {  	s15 =	simm.s32 $0x1BC0;
	[tilespmem:s0+$0x0] =	vst v2  }
0xbd: {  	v2 =	vld.idx.msk [tilespmem:v3+s15+$0x0], $0xffff;
	_ =	sdelay $0x2  }
0xbe: {  	[smem:$0x7DF] =	sst s21;
	s21 =	sadd.s32 $0x6700, s29  }
0xbf: {  	s0 =	sor.u32 s28, s21  }
0xc0: {  	[tilespmem:s0+$0x0] =	vst v2  }
0xc1: {  	v2 =	vld.idx.msk [tilespmem:v3+s30+$0x0], $0xffff;
	_ =	sdelay $0x2  }
0xc2: {  	[smem:$0x7E0] =	sst s22;
	s22 =	sadd.s32 $0x6780, s29  }
0xc3: {  	s0 =	sor.u32 s28, s22  }
0xc4: {  	[tilespmem:s0+$0x0] =	vst v2  }
0xc5: {  	v2 =	vld.idx.msk [tilespmem:v3+s26+$0x0], $0xffff;
	_ =	sdelay $0x2  }
0xc6: {  	[smem:$0x7E1] =	sst s18;
	s18 =	sadd.s32 $0x6800, s29  }
0xc7: {  	s0 =	sor.u32 s28, s18  }
0xc8: {  	[tilespmem:s0+$0x0] =	vst v2  }
0xc9: {  	v2 =	vld.idx.msk [tilespmem:v3+s25+$0x0], $0xffff;
	_ =	sdelay $0x2  }
0xca: {  	[smem:$0x7E2] =	sst s19;
	s19 =	sadd.s32 $0x6880, s29  }
0xcb: {  	s0 =	sor.u32 s28, s19  }
0xcc: {  	v51 =	vmul.f32 $3.200000000e+01, v5;
	[tilespmem:s0+$0x0] =	vst v2  }
0xcd: {  	v2 =	vld.idx.msk [tilespmem:v3+s24+$0x0], $0xffff  }
0xce: {  	v5 =	vtrunc.f32 v51  }
0xcf: {  	vm4 =	vgt.f32 v51, v5  }
0xd0: {  	v52 =	vcvt.f32.s32 v5;
	vm0 =	vmneg vm4;
	[smem:$0x7E3] =	sst s20;
	s20 =	sadd.s32 $0x6900, s29  }
0xd1: {  	v53 =	vsel vm0, $0xFFFFFFFF, v0;
	s0 =	sor.u32 s28, s20  }
0xd2: {  	[tilespmem:s0+$0x0] =	vst v2;
	v2 =	vadd.s32 v52, v53  }
0xd3: {  	vm5 =	vgt.s32 v2, $0x0;
	v3 =	vld.idx.msk [tilespmem:v3+s23+$0x0], $0xffff  }
0xd4: {  	v2 =	vnsel vm5, $0x0, v2;
	_ =	sdelay $0x1  }
0xd5: {  	[smem:$0x7E4] =	sst s21;
	s21 =	sadd.s32 $0x6980, s29  }
0xd6: {  	s0 =	sor.u32 s28, s21  }
0xd7: {  	[tilespmem:s0+$0x0] =	vst v3  }
0xd8: {  	v3 =	vld.idx.msk [tilespmem:v2+s31+$0x0], $0xffff;
	_ =	sdelay $0x2  }
0xd9: {  	[smem:$0x7E5] =	sst s22;
	s22 =	sadd.s32 $0x7E00, s29  }
0xda: {  	s0 =	sor.u32 s28, s22  }
0xdb: {  	[tilespmem:s0+$0x0] =	vst v3  }
0xdc: {  	v3 =	vld.idx.msk [tilespmem:v2+s9+$0x0], $0xffff;
	_ =	sdelay $0x2  }
0xdd: {  	s23 =	sadd.s32 $0x7E80, s29  }
0xde: {  	s0 =	sor.u32 s28, s23  }
0xdf: {  	[tilespmem:s0+$0x0] =	vst v3  }
0xe0: {  	v3 =	vld.idx.msk [tilespmem:v2+s6+$0x0], $0xffff;
	_ =	sdelay $0x2  }
0xe1: {  	s24 =	sadd.s32 $0x7F00, s29  }
0xe2: {  	s0 =	sor.u32 s28, s24  }
0xe3: {  	[tilespmem:s0+$0x0] =	vst v3  }
0xe4: {  	v3 =	vld.idx.msk [tilespmem:v2+s4+$0x0], $0xffff;
	_ =	sdelay $0x2  }
0xe5: {  	s25 =	sadd.s32 $0x7F80, s29  }
0xe6: {  	s0 =	sor.u32 s28, s25  }
0xe7: {  	[tilespmem:s0+$0x0] =	vst v3  }
0xe8: {  	v3 =	vld.idx.msk [tilespmem:v2+s3+$0x0], $0xffff;
	_ =	sdelay $0x2  }
0xe9: {  	s26 =	sor.u32 $0x8000, s29  }
0xea: {  	s0 =	sor.u32 s28, s26  }
0xeb: {  	[tilespmem:s0+$0x0] =	vst v3  }
0xec: {  	v3 =	vld.idx.msk [tilespmem:v2+s2+$0x0], $0xffff;
	_ =	sdelay $0x2  }
0xed: {  	s3 =	sor.u32 $0x8080, s29  }
0xee: {  	s0 =	sor.u32 s28, s3  }
0xef: {  	[tilespmem:s0+$0x0] =	vst v3  }
0xf0: {  	v3 =	vld.idx.msk [tilespmem:v2+s1+$0x0], $0xffff;
	_ =	sdelay $0x2  }
0xf1: {  	s4 =	sor.u32 $0x8100, s29  }
0xf2: {  	s0 =	sor.u32 s28, s4  }
0xf3: {  	[tilespmem:s0+$0x0] =	vst v3  }
0xf4: {  	v3 =	vld.idx.msk [tilespmem:v2+s5+$0x0], $0xffff;
	_ =	sdelay $0x2  }
0xf5: {  	s6 =	sor.u32 $0x8180, s29  }
0xf6: {  	s0 =	sor.u32 s28, s6  }
0xf7: {  	[tilespmem:s0+$0x0] =	vst v3  }
0xf8: {  	v3 =	vld.idx.msk [tilespmem:v2+s7+$0x0], $0xffff;
	_ =	sdelay $0x2  }
0xf9: {  	s9 =	sadd.s32 $0x9600, s29  }
0xfa: {  	s0 =	sor.u32 s28, s9  }
0xfb: {  	[tilespmem:s0+$0x0] =	vst v3  }
0xfc: {  	v3 =	vld.idx.msk [tilespmem:v2+s10+$0x0], $0xffff;
	_ =	sdelay $0x2  }
0xfd: {  	s10 =	sadd.s32 $0x9680, s29  }
0xfe: {  	s0 =	sor.u32 s28, s10  }
0xff: {  	[tilespmem:s0+$0x0] =	vst v3  }
0x100: {  	v3 =	vld.idx.msk [tilespmem:v2+s15+$0x0], $0xffff;
	_ =	sdelay $0x2  }
0x101: {  	s30 =	sadd.s32 $0x9700, s29  }
0x102: {  	s15 =	sor.u32 s28, s30  }
0x103: {  	[smem:$0x7E6] =	sst s18;
	s18 =	simm.s32 $0x1C20;
	[tilespmem:s15+$0x0] =	vst v3  }
0x104: {  	v3 =	vld.idx.msk [tilespmem:v2+s18+$0x0], $0xffff;
	_ =	sdelay $0x2  }
0x105: {  	[smem:$0x7EE] =	sst s26;
	s26 =	sadd.s32 $0x9780, s29  }
0x106: {  	[smem:$0x7E7] =	sst s19;
	s19 =	sor.u32 s28, s26  }
0x107: {  	[smem:$0x7E8] =	sst s20;
	s20 =	simm.s32 $0x1C80;
	[tilespmem:s19+$0x0] =	vst v3  }
0x108: {  	v3 =	vld.idx.msk [tilespmem:v2+s20+$0x0], $0xffff;
	_ =	sdelay $0x2  }
0x109: {  	[smem:$0x7ED] =	sst s25;
	s25 =	sadd.s32 $0x9800, s29  }
0x10a: {  	[smem:$0x7E9] =	sst s21;
	s21 =	sor.u32 s28, s25  }
0x10b: {  	[smem:$0x7EA] =	sst s22;
	s22 =	simm.s32 $0x1CE0;
	[tilespmem:s21+$0x0] =	vst v3  }
0x10c: {  	v3 =	vld.idx.msk [tilespmem:v2+s22+$0x0], $0xffff;
	_ =	sdelay $0x2  }
0x10d: {  	[smem:$0x7EC] =	sst s24;
	s24 =	sadd.s32 $0x9880, s29  }
0x10e: {  	[smem:$0x7EB] =	sst s23;
	s23 =	sor.u32 s28, s24  }
0x10f: {  	v1 =	vmul.f32 $6.400000000e+01, v1;
	s1 =	simm.s32 $0x1D40;
	[tilespmem:s23+$0x0] =	vst v3  }
0x110: {  	v3 =	vld.idx.msk [tilespmem:v2+s1+$0x0], $0xffff  }
0x111: {  	v54 =	vtrunc.f32 v1  }
0x112: {  	vm6 =	vgt.f32 v1, v54  }
0x113: {  	v1 =	vcvt.f32.s32 v54;
	vm0 =	vmneg vm6;
	s23 =	sadd.s32 $0x9900, s29  }
0x114: {  	v55 =	vsel vm0, $0xFFFFFFFF, v0;
	s2 =	sor.u32 s28, s23  }
0x115: {  	v1 =	vadd.s32 v1, v55;
	[smem:$0x7EF] =	sst s3;
	s3 =	simm.s32 $0x1DA0;
	[tilespmem:s2+$0x0] =	vst v3  }
0x116: {  	vm7 =	vgt.s32 v1, $0x0;
	v2 =	vld.idx.msk [tilespmem:v2+s3+$0x0], $0xffff  }
0x117: {  	v1 =	vnsel vm7, $0x0, v1;
	_ =	sdelay $0x1  }
0x118: {  	[smem:$0x7F0] =	sst s4;
	s4 =	sadd.s32 $0x9980, s29  }
0x119: {  	s0 =	sor.u32 s28, s4  }
0x11a: {  	s5 =	simm.s32 $0x1820;
	[tilespmem:s0+$0x0] =	vst v2  }
0x11b: {  	v2 =	vld.idx.msk [tilespmem:v1+s5+$0x0], $0xffff;
	_ =	sdelay $0x2  }
0x11c: {  	[smem:$0x7F1] =	sst s6;
	s6 =	sadd.s32 $0xAE00, s29  }
0x11d: {  	s0 =	sor.u32 s28, s6  }
0x11e: {  	s7 =	simm.s32 $0x1880;
	[tilespmem:s0+$0x0] =	vst v2  }
0x11f: {  	v2 =	vld.idx.msk [tilespmem:v1+s7+$0x0], $0xffff;
	_ =	sdelay $0x2  }
0x120: {  	[smem:$0x7F2] =	sst s9;
	s9 =	sadd.s32 $0xAE80, s29  }
0x121: {  	s0 =	sor.u32 s28, s9  }
0x122: {  	[smem:$0x7F3] =	sst s10;
	s10 =	simm.s32 $0x18E0;
	[tilespmem:s0+$0x0] =	vst v2  }
0x123: {  	v2 =	vld.idx.msk [tilespmem:v1+s10+$0x0], $0xffff;
	_ =	sdelay $0x2  }
0x124: {  	s15 =	sadd.s32 $0xAF00, s29  }
0x125: {  	s0 =	sor.u32 s28, s15  }
0x126: {  	s18 =	simm.s32 $0x1940;
	[tilespmem:s0+$0x0] =	vst v2  }
0x127: {  	v2 =	vld.idx.msk [tilespmem:v1+s18+$0x0], $0xffff;
	_ =	sdelay $0x2  }
0x128: {  	s19 =	sadd.s32 $0xAF80, s29  }
0x129: {  	s0 =	sor.u32 s28, s19  }
0x12a: {  	s20 =	simm.s32 $0x19A0;
	[tilespmem:s0+$0x0] =	vst v2  }
0x12b: {  	v2 =	vld.idx.msk [tilespmem:v1+s20+$0x0], $0xffff;
	_ =	sdelay $0x2  }
0x12c: {  	s21 =	sadd.s32 $0xB000, s29  }
0x12d: {  	s0 =	sor.u32 s28, s21  }
0x12e: {  	s22 =	simm.s32 $0x1A00;
	[tilespmem:s0+$0x0] =	vst v2  }
0x12f: {  	v2 =	vld.idx.msk [tilespmem:v1+s22+$0x0], $0xffff;
	_ =	sdelay $0x2  }
0x130: {  	s1 =	sadd.s32 $0xB080, s29  }
0x131: {  	s0 =	sor.u32 s28, s1  }
0x132: {  	s2 =	simm.s32 $0x1A60;
	[tilespmem:s0+$0x0] =	vst v2  }
0x133: {  	v2 =	vld.idx.msk [tilespmem:v1+s2+$0x0], $0xffff;
	_ =	sdelay $0x2  }
0x134: {  	s3 =	sadd.s32 $0xB100, s29  }
0x135: {  	s0 =	sor.u32 s28, s3  }
0x136: {  	[smem:$0x7F4] =	sst s4;
	s4 =	simm.s32 $0x1AC0;
	[tilespmem:s0+$0x0] =	vst v2  }
0x137: {  	v2 =	vld.idx.msk [tilespmem:v1+s4+$0x0], $0xffff;
	_ =	sdelay $0x2  }
0x138: {  	s5 =	sadd.s32 $0xB180, s29  }
0x139: {  	s0 =	sor.u32 s28, s5  }
0x13a: {  	[smem:$0x7F5] =	sst s6;
	s6 =	simm.s32 $0x1B20;
	[tilespmem:s0+$0x0] =	vst v2  }
0x13b: {  	v2 =	vld.idx.msk [tilespmem:v1+s6+$0x0], $0xffff;
	_ =	sdelay $0x2  }
0x13c: {  	s7 =	sadd.s32 $0xC600, s29  }
0x13d: {  	s0 =	sor.u32 s28, s7  }
0x13e: {  	[smem:$0x7F6] =	sst s9;
	s9 =	simm.s32 $0x1B80;
	[tilespmem:s0+$0x0] =	vst v2  }
0x13f: {  	v2 =	vld.idx.msk [tilespmem:v1+s9+$0x0], $0xffff;
	_ =	sdelay $0x2  }
0x140: {  	[smem:$0x7FD] =	sst s7;
	s7 =	sadd.s32 $0xC680, s29  }
0x141: {  	s10 =	sor.u32 s28, s7  }
0x142: {  	[smem:$0x7F7] =	sst s15;
	s15 =	simm.s32 $0x1BE0;
	[tilespmem:s10+$0x0] =	vst v2  }
0x143: {  	v2 =	vld.idx.msk [tilespmem:v1+s15+$0x0], $0xffff;
	_ =	sdelay $0x2  }
0x144: {  	s6 =	sadd.s32 $0xC700, s29  }
0x145: {  	s18 =	sor.u32 s28, s6  }
0x146: {  	[smem:$0x7F8] =	sst s19;
	s19 =	simm.s32 $0x1C40;
	[tilespmem:s18+$0x0] =	vst v2  }
0x147: {  	v2 =	vld.idx.msk [tilespmem:v1+s19+$0x0], $0xffff;
	_ =	sdelay $0x2  }
0x148: {  	[smem:$0x7FC] =	sst s5;
	s5 =	sadd.s32 $0xC780, s29  }
0x149: {  	s20 =	sor.u32 s28, s5  }
0x14a: {  	[smem:$0x7F9] =	sst s21;
	s21 =	simm.s32 $0x1CA0;
	[tilespmem:s20+$0x0] =	vst v2  }
0x14b: {  	v2 =	vld.idx.msk [tilespmem:v1+s21+$0x0], $0xffff;
	_ =	sdelay $0x2  }
0x14c: {  	s4 =	sadd.s32 $0xC800, s29  }
0x14d: {  	s22 =	sor.u32 s28, s4  }
0x14e: {  	[smem:$0x7FA] =	sst s1;
	s1 =	simm.s32 $0x1D00;
	[tilespmem:s22+$0x0] =	vst v2  }
0x14f: {  	v2 =	vld.idx.msk [tilespmem:v1+s1+$0x0], $0xffff;
	_ =	sdelay $0x2  }
0x150: {  	[smem:$0x7FB] =	sst s3;
	s3 =	sadd.s32 $0xC880, s29  }
0x151: {  	s2 =	sor.u32 s28, s3  }
0x152: {  	s9 =	simm.s32 $0x1D60;
	[tilespmem:s2+$0x0] =	vst v2  }
0x153: {  	v2 =	vld.idx.msk [tilespmem:v1+s9+$0x0], $0xffff;
	_ =	sdelay $0x2  }
0x154: {  	s2 =	sadd.s32 $0xC900, s29  }
0x155: {  	s31 =	sor.u32 s28, s2  }
0x156: {  	s15 =	simm.s32 $0x1DC0;
	[tilespmem:s31+$0x0] =	vst v2  }
0x157: {  	v1 =	vld.idx.msk [tilespmem:v1+s15+$0x0], $0xffff;
	_ =	sdelay $0x2  }
0x158: {  	s29 =	sadd.s32 $0xC980, s29  }
0x159: {  	s28 =	sor.u32 s28, s29  }
0x15a: {  	[tilespmem:s28+$0x0] =	vst v1  }
0x15b: {  	v1 =	vld [tilespmem:s11+$0x10];
	_ =	sdelay $0x4  }
0x15c: {  	v1 =	vmul.f32 $3.200000000e+01, v1;
	_ =	sdelay $0x1  }
0x15d: {  	v2 =	vtrunc.f32 v1  }
0x15e: {  	vm8 =	vgt.f32 v1, v2  }
0x15f: {  	v1 =	vcvt.f32.s32 v2;
	vm0 =	vmneg vm8  }
0x160: {  	v2 =	vsel vm0, $0xFFFFFFFF, v0  }
0x161: {  	v1 =	vadd.s32 v1, v2  }
0x162: {  	vm9 =	vgt.s32 v1, $0x0  }
0x163: {  	v2 =	vnsel vm9, $0x0, v1;
	_ =	sdelay $0x3  }
0x164: {  	s10 =	simm.s32 $0x1800  }
0x165: {  	v3 =	vld.idx.msk [tilespmem:v2+s10+$0x0], $0xffff;
	_ =	sdelay $0x1  }
0x166: {  	s31 =	sadd.s32 $0x10, s12  }
0x167: {  	s28 =	sand.u32 $0x70, s31;
	v56 =	vld [tilespmem:s11+$0x310]  }
0x168: {  	v57 =	vld [tilespmem:s11+$0x610];
	s18 =	sor.u32 s28, s17  }
0x169: {  	s17 =	simm.s32 $0x1860;
	v1 =	vld [tilespmem:s11+$0x910];
	[tilespmem:s18+$0x0] =	vst v3  }
0x16a: {  	v3 =	vld.idx.msk [tilespmem:v2+s17+$0x0], $0xffff;
	_ =	sdelay $0x4  }
0x16b: {  	s19 =	simm.s32 $0x18C0;
	[tilespmem:s18+$0x80] =	vst v3  }
0x16c: {  	v3 =	vld.idx.msk [tilespmem:v2+s19+$0x0], $0xffff;
	_ =	sdelay $0x4  }
0x16d: {  	s21 =	simm.s32 $0x1920;
	[tilespmem:s18+$0x100] =	vst v3  }
0x16e: {  	v3 =	vld.idx.msk [tilespmem:v2+s21+$0x0], $0xffff;
	_ =	sdelay $0x4  }
0x16f: {  	s22 =	simm.s32 $0x1980;
	[tilespmem:s18+$0x180] =	vst v3  }
0x170: {  	v3 =	vld.idx.msk [tilespmem:v2+s22+$0x0], $0xffff;
	_ =	sdelay $0x4  }
0x171: {  	s10 =	simm.s32 $0x19E0;
	[tilespmem:s18+$0x200] =	vst v3  }
0x172: {  	v3 =	vld.idx.msk [tilespmem:v2+s10+$0x0], $0xffff;
	_ =	sdelay $0x4  }
0x173: {  	s1 =	simm.s32 $0x1A40;
	[tilespmem:s18+$0x280] =	vst v3  }
0x174: {  	s20 =	sand.u32 $0x7, s14;
	v3 =	vld.idx.msk [tilespmem:v2+s1+$0x0], $0xffff  }
0x175: {  	s0 =	sshll.u32 s20, $0x4  }
0x176: {  	s0 =	sadd.s32 s16, s0  }
0x177: {  	s0 =	sadd.s32 $0x10, s0  }
0x178: {  	s0 =	sor.u32 $0x300, s0  }
0x179: {  	s20 =	simm.s32 $0x1AA0;
	[tilespmem:s0+$0x1E00] =	vst v3  }
0x17a: {  	v3 =	vld.idx.msk [tilespmem:v2+s20+$0x0], $0xffff;
	_ =	sdelay $0x2  }
0x17b: {  	s9 =	sor.u32 s31, s16  }
0x17c: {  	s0 =	sor.u32 $0x380, s9  }
0x17d: {  	s18 =	simm.s32 $0x1B00;
	[tilespmem:s0+$0x1E00] =	vst v3  }
0x17e: {  	v3 =	vld.idx.msk [tilespmem:v2+s18+$0x0], $0xffff;
	_ =	sdelay $0x2  }
0x17f: {  	s15 =	rddreg [dreg:$0x11]  }
0x180: {  	s0 =	sor.u32 s28, s15  }
0x181: {  	s15 =	simm.s32 $0x1B60;
	[tilespmem:s0+$0x0] =	vst v3  }
0x182: {  	v3 =	vld.idx.msk [tilespmem:v2+s15+$0x0], $0xffff;
	_ =	sdelay $0x2  }
0x183: {  	s9 =	rddreg [dreg:$0x13]  }
0x184: {  	s0 =	sor.u32 s28, s9  }
0x185: {  	s9 =	simm.s32 $0x1BC0;
	[tilespmem:s0+$0x0] =	vst v3  }
0x186: {  	v3 =	vld.idx.msk [tilespmem:v2+s9+$0x0], $0xffff;
	_ =	sdelay $0x2  }
0x187: {  	s0 =	rddreg [dreg:$0x15]  }
0x188: {  	s0 =	sor.u32 s28, s0  }
0x189: {  	[tilespmem:s0+$0x0] =	vst v3;
	s0 =	simm.s32 $0x1C20  }
0x18a: {  	v3 =	vld.idx.msk [tilespmem:v2+s0+$0x0], $0xffff;
	_ =	sdelay $0x2  }
0x18b: {  	s0 =	rddreg [dreg:$0x17]  }
0x18c: {  	s0 =	sor.u32 s28, s0  }
0x18d: {  	[tilespmem:s0+$0x0] =	vst v3;
	s0 =	simm.s32 $0x1C80  }
0x18e: {  	v3 =	vld.idx.msk [tilespmem:v2+s0+$0x0], $0xffff;
	_ =	sdelay $0x2  }
0x18f: {  	s0 =	rddreg [dreg:$0x19]  }
0x190: {  	s0 =	sor.u32 s28, s0  }
0x191: {  	[tilespmem:s0+$0x0] =	vst v3;
	s0 =	simm.s32 $0x1CE0  }
0x192: {  	v3 =	vld.idx.msk [tilespmem:v2+s0+$0x0], $0xffff;
	_ =	sdelay $0x2  }
0x193: {  	s0 =	rddreg [dreg:$0x1b]  }
0x194: {  	s0 =	sor.u32 s28, s0  }
0x195: {  	[tilespmem:s0+$0x0] =	vst v3;
	v3 =	vmul.f32 $3.200000000e+01, v56;
	s0 =	simm.s32 $0x1D40  }
0x196: {  	v58 =	vld.idx.msk [tilespmem:v2+s0+$0x0], $0xffff  }
0x197: {  	v59 =	vtrunc.f32 v3  }
0x198: {  	vm10 =	vgt.f32 v3, v59  }
0x199: {  	s0 =	rddreg [dreg:$0x1d];
	v3 =	vcvt.f32.s32 v59;
	vm0 =	vmneg vm10  }
0x19a: {  	s0 =	sor.u32 s28, s0;
	v60 =	vsel vm0, $0xFFFFFFFF, v0  }
0x19b: {  	[tilespmem:s0+$0x0] =	vst v58;
	v3 =	vadd.s32 v3, v60;
	s0 =	simm.s32 $0x1DA0  }
0x19c: {  	vm11 =	vgt.s32 v3, $0x0;
	v2 =	vld.idx.msk [tilespmem:v2+s0+$0x0], $0xffff  }
0x19d: {  	v3 =	vnsel vm11, $0x0, v3;
	_ =	sdelay $0x1  }
0x19e: {  	s0 =	rddreg [dreg:$0x1f]  }
0x19f: {  	s0 =	sor.u32 s28, s0  }
0x1a0: {  	s31 =	simm.s32 $0x1800;
	[tilespmem:s0+$0x0] =	vst v2  }
0x1a1: {  	v2 =	vld.idx.msk [tilespmem:v3+s31+$0x0], $0xffff  }
0x1a2: {  	s0 =	sld [smem:$0x7DA];
	_ =	sdelay $0x2  }
0x1a3: {  	s0 =	sor.u32 s28, s0  }
0x1a4: {  	[tilespmem:s0+$0x0] =	vst v2  }
0x1a5: {  	v2 =	vld.idx.msk [tilespmem:v3+s17+$0x0], $0xffff  }
0x1a6: {  	s0 =	sld [smem:$0x7DB];
	_ =	sdelay $0x2  }
0x1a7: {  	s0 =	sor.u32 s28, s0  }
0x1a8: {  	[tilespmem:s0+$0x0] =	vst v2  }
0x1a9: {  	v2 =	vld.idx.msk [tilespmem:v3+s19+$0x0], $0xffff  }
0x1aa: {  	s0 =	sld [smem:$0x7DC];
	_ =	sdelay $0x2  }
0x1ab: {  	s0 =	sor.u32 s28, s0  }
0x1ac: {  	[tilespmem:s0+$0x0] =	vst v2  }
0x1ad: {  	v2 =	vld.idx.msk [tilespmem:v3+s21+$0x0], $0xffff  }
0x1ae: {  	s0 =	sld [smem:$0x7DD];
	_ =	sdelay $0x2  }
0x1af: {  	s0 =	sor.u32 s28, s0  }
0x1b0: {  	[tilespmem:s0+$0x0] =	vst v2  }
0x1b1: {  	v2 =	vld.idx.msk [tilespmem:v3+s22+$0x0], $0xffff  }
0x1b2: {  	s0 =	sld [smem:$0x7DE];
	_ =	sdelay $0x2  }
0x1b3: {  	s0 =	sor.u32 s28, s0  }
0x1b4: {  	[tilespmem:s0+$0x0] =	vst v2  }
0x1b5: {  	v2 =	vld.idx.msk [tilespmem:v3+s10+$0x0], $0xffff  }
0x1b6: {  	s0 =	sld [smem:$0x7DF];
	_ =	sdelay $0x2  }
0x1b7: {  	s0 =	sor.u32 s28, s0  }
0x1b8: {  	[tilespmem:s0+$0x0] =	vst v2  }
0x1b9: {  	v2 =	vld.idx.msk [tilespmem:v3+s1+$0x0], $0xffff  }
0x1ba: {  	s0 =	sld [smem:$0x7E0];
	_ =	sdelay $0x2  }
0x1bb: {  	s0 =	sor.u32 s28, s0  }
0x1bc: {  	[tilespmem:s0+$0x0] =	vst v2  }
0x1bd: {  	v2 =	vld.idx.msk [tilespmem:v3+s20+$0x0], $0xffff  }
0x1be: {  	s0 =	sld [smem:$0x7E1];
	_ =	sdelay $0x2  }
0x1bf: {  	s0 =	sor.u32 s28, s0  }
0x1c0: {  	[tilespmem:s0+$0x0] =	vst v2  }
0x1c1: {  	v2 =	vld.idx.msk [tilespmem:v3+s18+$0x0], $0xffff  }
0x1c2: {  	s0 =	sld [smem:$0x7E2];
	_ =	sdelay $0x2  }
0x1c3: {  	s0 =	sor.u32 s28, s0  }
0x1c4: {  	[tilespmem:s0+$0x0] =	vst v2  }
0x1c5: {  	v2 =	vld.idx.msk [tilespmem:v3+s15+$0x0], $0xffff  }
0x1c6: {  	s0 =	sld [smem:$0x7E3];
	_ =	sdelay $0x2  }
0x1c7: {  	s0 =	sor.u32 s28, s0  }
0x1c8: {  	[tilespmem:s0+$0x0] =	vst v2  }
0x1c9: {  	v2 =	vld.idx.msk [tilespmem:v3+s9+$0x0], $0xffff  }
0x1ca: {  	s0 =	sld [smem:$0x7E4];
	_ =	sdelay $0x2  }
0x1cb: {  	s0 =	sor.u32 s28, s0  }
0x1cc: {  	[tilespmem:s0+$0x0] =	vst v2;
	s0 =	simm.s32 $0x1C20  }
0x1cd: {  	v2 =	vld.idx.msk [tilespmem:v3+s0+$0x0], $0xffff  }
0x1ce: {  	s0 =	sld [smem:$0x7E5];
	_ =	sdelay $0x2  }
0x1cf: {  	s0 =	sor.u32 s28, s0  }
0x1d0: {  	[tilespmem:s0+$0x0] =	vst v2;
	s0 =	simm.s32 $0x1C80  }
0x1d1: {  	v2 =	vld.idx.msk [tilespmem:v3+s0+$0x0], $0xffff  }
0x1d2: {  	s0 =	sld [smem:$0x7E6];
	_ =	sdelay $0x2  }
0x1d3: {  	s0 =	sor.u32 s28, s0  }
0x1d4: {  	[tilespmem:s0+$0x0] =	vst v2;
	s0 =	simm.s32 $0x1CE0  }
0x1d5: {  	v2 =	vld.idx.msk [tilespmem:v3+s0+$0x0], $0xffff  }
0x1d6: {  	s0 =	sld [smem:$0x7E7];
	_ =	sdelay $0x2  }
0x1d7: {  	s0 =	sor.u32 s28, s0  }
0x1d8: {  	[tilespmem:s0+$0x0] =	vst v2;
	v2 =	vmul.f32 $3.200000000e+01, v57;
	s0 =	simm.s32 $0x1D40  }
0x1d9: {  	v4 =	vld.idx.msk [tilespmem:v3+s0+$0x0], $0xffff  }
0x1da: {  	s0 =	sld [smem:$0x7E8];
	v5 =	vtrunc.f32 v2  }
0x1db: {  	vm12 =	vgt.f32 v2, v5  }
0x1dc: {  	v2 =	vcvt.f32.s32 v5;
	vm0 =	vmneg vm12  }
0x1dd: {  	s0 =	sor.u32 s28, s0;
	v61 =	vsel vm0, $0xFFFFFFFF, v0  }
0x1de: {  	[tilespmem:s0+$0x0] =	vst v4;
	v2 =	vadd.s32 v2, v61;
	s0 =	simm.s32 $0x1DA0  }
0x1df: {  	vm13 =	vgt.s32 v2, $0x0;
	v3 =	vld.idx.msk [tilespmem:v3+s0+$0x0], $0xffff  }
0x1e0: {  	s0 =	sld [smem:$0x7E9];
	v2 =	vnsel vm13, $0x0, v2;
	_ =	sdelay $0x2  }
0x1e1: {  	s0 =	sor.u32 s28, s0  }
0x1e2: {  	[tilespmem:s0+$0x0] =	vst v3  }
0x1e3: {  	v3 =	vld.idx.msk [tilespmem:v2+s31+$0x0], $0xffff  }
0x1e4: {  	s0 =	sld [smem:$0x7EA];
	_ =	sdelay $0x2  }
0x1e5: {  	s0 =	sor.u32 s28, s0  }
0x1e6: {  	s17 =	simm.s32 $0x1860;
	[tilespmem:s0+$0x0] =	vst v3  }
0x1e7: {  	v3 =	vld.idx.msk [tilespmem:v2+s17+$0x0], $0xffff  }
0x1e8: {  	s17 =	sld [smem:$0x7EB];
	_ =	sdelay $0x2  }
0x1e9: {  	s0 =	sor.u32 s28, s17  }
0x1ea: {  	s19 =	simm.s32 $0x18C0;
	[tilespmem:s0+$0x0] =	vst v3  }
0x1eb: {  	v3 =	vld.idx.msk [tilespmem:v2+s19+$0x0], $0xffff  }
0x1ec: {  	s19 =	sld [smem:$0x7EC];
	_ =	sdelay $0x2  }
0x1ed: {  	s0 =	sor.u32 s28, s19  }
0x1ee: {  	s21 =	simm.s32 $0x1920;
	[tilespmem:s0+$0x0] =	vst v3  }
0x1ef: {  	v3 =	vld.idx.msk [tilespmem:v2+s21+$0x0], $0xffff  }
0x1f0: {  	s17 =	sld [smem:$0x7ED];
	_ =	sdelay $0x2  }
0x1f1: {  	s0 =	sor.u32 s28, s17  }
0x1f2: {  	s22 =	simm.s32 $0x1980;
	[tilespmem:s0+$0x0] =	vst v3  }
0x1f3: {  	v3 =	vld.idx.msk [tilespmem:v2+s22+$0x0], $0xffff  }
0x1f4: {  	s19 =	sld [smem:$0x7EE];
	_ =	sdelay $0x2  }
0x1f5: {  	s0 =	sor.u32 s28, s19  }
0x1f6: {  	s10 =	simm.s32 $0x19E0;
	[tilespmem:s0+$0x0] =	vst v3  }
0x1f7: {  	v3 =	vld.idx.msk [tilespmem:v2+s10+$0x0], $0xffff  }
0x1f8: {  	s21 =	sld [smem:$0x7EF];
	_ =	sdelay $0x2  }
0x1f9: {  	s0 =	sor.u32 s28, s21  }
0x1fa: {  	s1 =	simm.s32 $0x1A40;
	[tilespmem:s0+$0x0] =	vst v3  }
0x1fb: {  	v3 =	vld.idx.msk [tilespmem:v2+s1+$0x0], $0xffff  }
0x1fc: {  	s22 =	sld [smem:$0x7F0];
	_ =	sdelay $0x2  }
0x1fd: {  	s0 =	sor.u32 s28, s22  }
0x1fe: {  	s20 =	simm.s32 $0x1AA0;
	[tilespmem:s0+$0x0] =	vst v3  }
0x1ff: {  	v3 =	vld.idx.msk [tilespmem:v2+s20+$0x0], $0xffff  }
0x200: {  	s1 =	sld [smem:$0x7F1];
	_ =	sdelay $0x2  }
0x201: {  	s0 =	sor.u32 s28, s1  }
0x202: {  	s18 =	simm.s32 $0x1B00;
	[tilespmem:s0+$0x0] =	vst v3  }
0x203: {  	v3 =	vld.idx.msk [tilespmem:v2+s18+$0x0], $0xffff  }
0x204: {  	s10 =	sld [smem:$0x7F2];
	_ =	sdelay $0x2  }
0x205: {  	s0 =	sor.u32 s28, s10  }
0x206: {  	s15 =	simm.s32 $0x1B60;
	[tilespmem:s0+$0x0] =	vst v3  }
0x207: {  	v3 =	vld.idx.msk [tilespmem:v2+s15+$0x0], $0xffff  }
0x208: {  	s15 =	sld [smem:$0x7F3];
	_ =	sdelay $0x2  }
0x209: {  	s0 =	sor.u32 s28, s15  }
0x20a: {  	s9 =	simm.s32 $0x1BC0;
	[tilespmem:s0+$0x0] =	vst v3  }
0x20b: {  	v3 =	vld.idx.msk [tilespmem:v2+s9+$0x0], $0xffff;
	_ =	sdelay $0x3  }
0x20c: {  	s17 =	sor.u32 s28, s30  }
0x20d: {  	s30 =	simm.s32 $0x1C20;
	[tilespmem:s17+$0x0] =	vst v3  }
0x20e: {  	v3 =	vld.idx.msk [tilespmem:v2+s30+$0x0], $0xffff;
	_ =	sdelay $0x3  }
0x20f: {  	s18 =	sor.u32 s28, s26  }
0x210: {  	s26 =	simm.s32 $0x1C80;
	[tilespmem:s18+$0x0] =	vst v3  }
0x211: {  	v3 =	vld.idx.msk [tilespmem:v2+s26+$0x0], $0xffff;
	_ =	sdelay $0x3  }
0x212: {  	s19 =	sor.u32 s28, s25  }
0x213: {  	s25 =	simm.s32 $0x1CE0;
	[tilespmem:s19+$0x0] =	vst v3  }
0x214: {  	v3 =	vld.idx.msk [tilespmem:v2+s25+$0x0], $0xffff;
	_ =	sdelay $0x3  }
0x215: {  	s20 =	sor.u32 s28, s24  }
0x216: {  	v1 =	vmul.f32 $6.400000000e+01, v1;
	s24 =	simm.s32 $0x1D40;
	[tilespmem:s20+$0x0] =	vst v3  }
0x217: {  	v3 =	vld.idx.msk [tilespmem:v2+s24+$0x0], $0xffff  }
0x218: {  	v62 =	vtrunc.f32 v1  }
0x219: {  	vm14 =	vgt.f32 v1, v62  }
0x21a: {  	v1 =	vcvt.f32.s32 v62;
	vm0 =	vmneg vm14  }
0x21b: {  	v63 =	vsel vm0, $0xFFFFFFFF, v0;
	s21 =	sor.u32 s28, s23  }
0x21c: {  	v1 =	vadd.s32 v1, v63;
	s23 =	simm.s32 $0x1DA0;
	[tilespmem:s21+$0x0] =	vst v3  }
0x21d: {  	vm15 =	vgt.s32 v1, $0x0;
	v2 =	vld.idx.msk [tilespmem:v2+s23+$0x0], $0xffff  }
0x21e: {  	v1 =	vnsel vm15, $0x0, v1;
	s22 =	sld [smem:$0x7F4];
	_ =	sdelay $0x2  }
0x21f: {  	s0 =	sor.u32 s28, s22  }
0x220: {  	s1 =	simm.s32 $0x1820;
	[tilespmem:s0+$0x0] =	vst v2  }
0x221: {  	v2 =	vld.idx.msk [tilespmem:v1+s1+$0x0], $0xffff  }
0x222: {  	s9 =	sld [smem:$0x7F5];
	_ =	sdelay $0x2  }
0x223: {  	s0 =	sor.u32 s28, s9  }
0x224: {  	s10 =	simm.s32 $0x1880;
	[tilespmem:s0+$0x0] =	vst v2  }
0x225: {  	v2 =	vld.idx.msk [tilespmem:v1+s10+$0x0], $0xffff  }
0x226: {  	s15 =	sld [smem:$0x7F6];
	_ =	sdelay $0x2  }
0x227: {  	s0 =	sor.u32 s28, s15  }
0x228: {  	s17 =	simm.s32 $0x18E0;
	[tilespmem:s0+$0x0] =	vst v2  }
0x229: {  	v2 =	vld.idx.msk [tilespmem:v1+s17+$0x0], $0xffff  }
0x22a: {  	s18 =	sld [smem:$0x7F7];
	_ =	sdelay $0x2  }
0x22b: {  	s0 =	sor.u32 s28, s18  }
0x22c: {  	s19 =	simm.s32 $0x1940;
	[tilespmem:s0+$0x0] =	vst v2  }
0x22d: {  	v2 =	vld.idx.msk [tilespmem:v1+s19+$0x0], $0xffff  }
0x22e: {  	s20 =	sld [smem:$0x7F8];
	_ =	sdelay $0x2  }
0x22f: {  	s0 =	sor.u32 s28, s20  }
0x230: {  	s21 =	simm.s32 $0x19A0;
	[tilespmem:s0+$0x0] =	vst v2  }
0x231: {  	v2 =	vld.idx.msk [tilespmem:v1+s21+$0x0], $0xffff  }
0x232: {  	s22 =	sld [smem:$0x7F9];
	_ =	sdelay $0x2  }
0x233: {  	s0 =	sor.u32 s28, s22  }
0x234: {  	s1 =	simm.s32 $0x1A00;
	[tilespmem:s0+$0x0] =	vst v2  }
0x235: {  	v2 =	vld.idx.msk [tilespmem:v1+s1+$0x0], $0xffff  }
0x236: {  	s9 =	sld [smem:$0x7FA];
	_ =	sdelay $0x2  }
0x237: {  	s0 =	sor.u32 s28, s9  }
0x238: {  	s10 =	simm.s32 $0x1A60;
	[tilespmem:s0+$0x0] =	vst v2  }
0x239: {  	v2 =	vld.idx.msk [tilespmem:v1+s10+$0x0], $0xffff  }
0x23a: {  	s15 =	sld [smem:$0x7FB];
	_ =	sdelay $0x2  }
0x23b: {  	s0 =	sor.u32 s28, s15  }
0x23c: {  	s17 =	simm.s32 $0x1AC0;
	[tilespmem:s0+$0x0] =	vst v2  }
0x23d: {  	v2 =	vld.idx.msk [tilespmem:v1+s17+$0x0], $0xffff  }
0x23e: {  	s18 =	sld [smem:$0x7FC];
	_ =	sdelay $0x2  }
0x23f: {  	s0 =	sor.u32 s28, s18  }
0x240: {  	s19 =	simm.s32 $0x1B20;
	[tilespmem:s0+$0x0] =	vst v2  }
0x241: {  	v2 =	vld.idx.msk [tilespmem:v1+s19+$0x0], $0xffff  }
0x242: {  	s20 =	sld [smem:$0x7FD];
	_ =	sdelay $0x2  }
0x243: {  	s0 =	sor.u32 s28, s20  }
0x244: {  	s21 =	simm.s32 $0x1B80;
	[tilespmem:s0+$0x0] =	vst v2  }
0x245: {  	v2 =	vld.idx.msk [tilespmem:v1+s21+$0x0], $0xffff;
	_ =	sdelay $0x3  }
0x246: {  	s22 =	sor.u32 s28, s7  }
0x247: {  	s1 =	simm.s32 $0x1BE0;
	[tilespmem:s22+$0x0] =	vst v2  }
0x248: {  	v2 =	vld.idx.msk [tilespmem:v1+s1+$0x0], $0xffff;
	_ =	sdelay $0x3  }
0x249: {  	s7 =	sor.u32 s28, s6  }
0x24a: {  	s9 =	simm.s32 $0x1C40;
	[tilespmem:s7+$0x0] =	vst v2  }
0x24b: {  	v2 =	vld.idx.msk [tilespmem:v1+s9+$0x0], $0xffff;
	_ =	sdelay $0x3  }
0x24c: {  	s10 =	sor.u32 s28, s5  }
0x24d: {  	s15 =	simm.s32 $0x1CA0;
	[tilespmem:s10+$0x0] =	vst v2  }
0x24e: {  	v2 =	vld.idx.msk [tilespmem:v1+s15+$0x0], $0xffff;
	_ =	sdelay $0x3  }
0x24f: {  	s17 =	sor.u32 s28, s4  }
0x250: {  	s18 =	simm.s32 $0x1D00;
	[tilespmem:s17+$0x0] =	vst v2  }
0x251: {  	v2 =	vld.idx.msk [tilespmem:v1+s18+$0x0], $0xffff;
	_ =	sdelay $0x3  }
0x252: {  	s19 =	sor.u32 s28, s3  }
0x253: {  	s20 =	simm.s32 $0x1D60;
	[tilespmem:s19+$0x0] =	vst v2  }
0x254: {  	v2 =	vld.idx.msk [tilespmem:v1+s20+$0x0], $0xffff;
	_ =	sdelay $0x3  }
0x255: {  	s21 =	sor.u32 s28, s2  }
0x256: {  	s8 =	sadd.s32 $0x2, s8;
	s22 =	simm.s32 $0x1DC0;
	[tilespmem:s21+$0x0] =	vst v2  }
0x257: {  	p2 =	slt.u32 s8, $0x2E;
	v1 =	vld.idx.msk [tilespmem:v1+s22+$0x0], $0xffff  }
.Ltmp5:
0x258: {  	_ = 	snop;
	(pc) =	sbr.rel @p2 .LBB2_4-.Ltmp5, $3  }
0x259: {  	_ =	sdelay $0x1  }
0x25a: {  	s13 =	sadd.s32 $0x1, s13;
	s14 =	sadd.s32 $0x2, s14;
	s29 =	sor.u32 s28, s29  }
0x25b: {  	s12 =	sadd.s32 $0x20, s12;
	s16 =	sadd.s32 $0x100, s16;
	s11 =	sadd.s32 $0x20, s11;
	[tilespmem:s29+$0x0] =	vst v1  }
.Ltmp6:
0x25c: {  	s0 =	rddreg [dreg:$0x10];
	(pc) =	sbr.rel @p1 .LBB2_9-.Ltmp6, $4  }
0x25d: {  	s0 =	smul.u32 $0x300, s0  }
0x25e: {  	s1 =	rddreg [dreg:$0x5];
	s29 =	simm.s32 $0x7A1400  }
0x25f: {  	s2 =	simm.s32 $0x1E00;
	s4 =	rddreg [dreg:$0xe];
	s0 =	sadd.s32 s1, s0  }
0x260: {  	[hbm4b:s0+s31] =	stream.strided.scatter [tilespmem:s2], [sflag:$0x3], $0xC000, s29, s31, $0x38;
	[tilespmem:$0x19E00] =	vst v63  }
0x261: {  	s0 =	rddreg [dreg:$0xf]  }
0x262: {  	p1 =	sgt.u32 s0, $0x4F5  }
0x263: {  	s0 =	smul.u32 @!p1 $0x300, s0;
	_ =	sdelay $0x1  }
0x264: {  	s0 =	sshrl.u32 @!p1 s0, $0x3  }
0x265: {  	s1 =	rddreg [dreg:$0x1];
	s0 =	sadd.s32 @!p1 $0xC00, s0  }
0x266: {  	s2 =	simm.s32 @!p1 $0x0;
	s1 =	sadd.s32 @!p1 s1, s0  }
0x267: {  	[tilespmem:s2], [sflag:$0x1] =	stream.linear.gather @!p1 [hbm4b:s1+s2], $0x300, $0x38;
	[tilespmem:$0x19E00] =	vst v63  }
0x268: {  	s1 =	rddreg [dreg:$0x2]  }
0x269: {  	s3 =	simm.s32 @!p1 $0x300;
	s1 =	sadd.s32 @!p1 s1, s0  }
0x26a: {  	[tilespmem:s3], [sflag:$0x1] =	stream.linear.gather @!p1 [hbm4b:s1+s2], $0x300, $0x38;
	[tilespmem:$0x19E00] =	vst v63  }
0x26b: {  	s1 =	rddreg [dreg:$0x3]  }
0x26c: {  	s3 =	simm.s32 @!p1 $0x600;
	s1 =	sadd.s32 @!p1 s1, s0  }
0x26d: {  	[tilespmem:s3], [sflag:$0x1] =	stream.linear.gather @!p1 [hbm4b:s1+s2], $0x300, $0x38;
	[tilespmem:$0x19E00] =	vst v63  }
0x26e: {  	s1 =	rddreg [dreg:$0x0]  }
0x26f: {  	s29 =	simm.s32 $0x2;
	s0 =	sadd.s32 @!p1 s1, s0;
	s1 =	simm.s32 @!p1 $0x900  }
0x270: {  	[tilespmem:s1], [sflag:$0x1] =	stream.linear.gather @!p1 [hbm4b:s0+s2], $0x300, $0x38;
	[tilespmem:$0x19E00] =	vst v63  }
0x271: {  	_ =	swait.ge [sflag:s29], $0x300  }
0x272: {  	[sflag:s29] =	ssyncset.done $0x0  }
0x273: {  	[sflag:s29] =	ssyncadd.s32 $0xFFFFFD00  }
0x274: {  	_ =	swait.ge [sflag:s29], $0x300  }
0x275: {  	[sflag:s29] =	ssyncset.done $0x0  }
0x276: {  	[sflag:s29] =	ssyncadd.s32 $0xFFFFFD00  }
0x277: {  	_ =	swait.ge [sflag:s29], $0x300  }
0x278: {  	[sflag:s29] =	ssyncset.done $0x0  }
0x279: {  	[sflag:s29] =	ssyncadd.s32 $0xFFFFFD00  }
0x27a: {  	_ =	swait.ge [sflag:s29], $0x300  }
0x27b: {  	[sflag:s29] =	ssyncset.done $0x0  }
0x27c: {  	s0 =	simm.s32 @!p0 $0x4;
	[sflag:s29] =	ssyncadd.s32 $0xFFFFFD00  }
0x27d: {  	s8 =	simm.s32 $0xFFFFFFFE;
	s11 =	simm.s32 $0x0;
	_ =	swait.ge @!p0 [sflag:s0], $0xC000  }
0x27e: {  	s12 =	simm.s32 $0xC00;
	s13 =	simm.s32 $0x0;
	[sflag:s0] =	ssyncset.done @!p0 $0x0  }
0x27f: {  	s14 =	simm.s32 $0x0;
	s16 =	simm.s32 $0x0;
	[sflag:s0] =	ssyncadd.s32 @!p0 $0xFFFF4000  }
.LBB2_7:
0x280: {  	v1 =	vld [tilespmem:s12+$0x0];
	_ =	sdelay $0x4  }
0x281: {  	v1 =	vmul.f32 $3.200000000e+01, v1;
	_ =	sdelay $0x1  }
0x282: {  	v2 =	vtrunc.f32 v1  }
0x283: {  	vm0 =	vgt.f32 v1, v2  }
0x284: {  	v1 =	vcvt.f32.s32 v2;
	vm0 =	vmneg vm0  }
0x285: {  	v2 =	vsel vm0, $0xFFFFFFFF, v0  }
0x286: {  	v1 =	vadd.s32 v1, v2  }
0x287: {  	vm13 =	vgt.s32 v1, $0x0  }
0x288: {  	v2 =	vnsel vm13, $0x0, v1;
	_ =	sdelay $0x4  }
0x289: {  	v3 =	vld.idx.msk [tilespmem:v2+s31+$0x0], $0xffff;
	_ =	sdelay $0x1  }
0x28a: {  	s0 =	sand.u32 $0x3E0, s11;
	s29 =	sand.u32 $0x1C00, s16  }
0x28b: {  	s28 =	sand.u32 $0x60, s11;
	v4 =	vld [tilespmem:s0+$0xF00];
	s17 =	sadd.s32 $0xDE00, s29  }
0x28c: {  	v5 =	vld [tilespmem:s0+$0x1200];
	s5 =	sor.u32 s28, s17  }
0x28d: {  	s1 =	simm.s32 $0x1860;
	v1 =	vld [tilespmem:s0+$0x1500];
	[tilespmem:s5+$0x0] =	vst v3  }
0x28e: {  	v3 =	vld.idx.msk [tilespmem:v2+s1+$0x0], $0xffff;
	_ =	sdelay $0x4  }
0x28f: {  	s7 =	simm.s32 $0x18C0;
	[tilespmem:s5+$0x80] =	vst v3  }
0x290: {  	v3 =	vld.idx.msk [tilespmem:v2+s7+$0x0], $0xffff;
	_ =	sdelay $0x4  }
0x291: {  	s10 =	simm.s32 $0x1920;
	[tilespmem:s5+$0x100] =	vst v3  }
0x292: {  	v3 =	vld.idx.msk [tilespmem:v2+s10+$0x0], $0xffff;
	_ =	sdelay $0x4  }
0x293: {  	s15 =	simm.s32 $0x1980;
	[tilespmem:s5+$0x180] =	vst v3  }
0x294: {  	v3 =	vld.idx.msk [tilespmem:v2+s15+$0x0], $0xffff;
	_ =	sdelay $0x4  }
0x295: {  	s18 =	simm.s32 $0x19E0;
	[tilespmem:s5+$0x200] =	vst v3  }
0x296: {  	v3 =	vld.idx.msk [tilespmem:v2+s18+$0x0], $0xffff;
	_ =	sdelay $0x4  }
0x297: {  	s19 =	simm.s32 $0x1A40;
	[tilespmem:s5+$0x280] =	vst v3  }
0x298: {  	v3 =	vld.idx.msk [tilespmem:v2+s19+$0x0], $0xffff  }
0x299: {  	s20 =	sand.u32 $0x3, s13  }
0x29a: {  	s0 =	sshll.u32 s20, $0x5  }
0x29b: {  	s0 =	sadd.s32 s0, s16  }
0x29c: {  	s0 =	sor.u32 $0x300, s0  }
0x29d: {  	s21 =	simm.s32 $0x1AA0;
	[tilespmem:s0+$0xDE00] =	vst v3  }
0x29e: {  	v3 =	vld.idx.msk [tilespmem:v2+s21+$0x0], $0xffff;
	_ =	sdelay $0x2  }
0x29f: {  	s22 =	sor.u32 s11, s16  }
0x2a0: {  	s0 =	sor.u32 $0x380, s22  }
0x2a1: {  	s7 =	simm.s32 $0x1B00;
	[tilespmem:s0+$0xDE00] =	vst v3  }
0x2a2: {  	v3 =	vld.idx.msk [tilespmem:v2+s7+$0x0], $0xffff;
	_ =	sdelay $0x2  }
0x2a3: {  	s10 =	sadd.s32 $0xF600, s29  }
0x2a4: {  	s0 =	sor.u32 s28, s10  }
0x2a5: {  	s15 =	simm.s32 $0x1B60;
	[tilespmem:s0+$0x0] =	vst v3  }
0x2a6: {  	v3 =	vld.idx.msk [tilespmem:v2+s15+$0x0], $0xffff;
	_ =	sdelay $0x2  }
0x2a7: {  	s18 =	sadd.s32 $0xF680, s29  }
0x2a8: {  	s0 =	sor.u32 s28, s18  }
0x2a9: {  	s19 =	simm.s32 $0x1BC0;
	[tilespmem:s0+$0x0] =	vst v3  }
0x2aa: {  	v3 =	vld.idx.msk [tilespmem:v2+s19+$0x0], $0xffff;
	_ =	sdelay $0x2  }
0x2ab: {  	s20 =	sadd.s32 $0xF700, s29  }
0x2ac: {  	s0 =	sor.u32 s28, s20  }
0x2ad: {  	[tilespmem:s0+$0x0] =	vst v3  }
0x2ae: {  	v3 =	vld.idx.msk [tilespmem:v2+s30+$0x0], $0xffff;
	_ =	sdelay $0x2  }
0x2af: {  	s21 =	sadd.s32 $0xF780, s29  }
0x2b0: {  	s0 =	sor.u32 s28, s21  }
0x2b1: {  	[tilespmem:s0+$0x0] =	vst v3  }
0x2b2: {  	v3 =	vld.idx.msk [tilespmem:v2+s26+$0x0], $0xffff;
	_ =	sdelay $0x2  }
0x2b3: {  	s22 =	sadd.s32 $0xF800, s29  }
0x2b4: {  	s0 =	sor.u32 s28, s22  }
0x2b5: {  	[tilespmem:s0+$0x0] =	vst v3  }
0x2b6: {  	v3 =	vld.idx.msk [tilespmem:v2+s25+$0x0], $0xffff;
	_ =	sdelay $0x2  }
0x2b7: {  	[dreg:$0x14] =	wrdreg s18;
	s18 =	sadd.s32 $0xF880, s29  }
0x2b8: {  	s0 =	sor.u32 s28, s18  }
0x2b9: {  	v4 =	vmul.f32 $3.200000000e+01, v4;
	[tilespmem:s0+$0x0] =	vst v3  }
0x2ba: {  	v3 =	vld.idx.msk [tilespmem:v2+s24+$0x0], $0xffff  }
0x2bb: {  	v6 =	vtrunc.f32 v4  }
0x2bc: {  	vm14 =	vgt.f32 v4, v6  }
0x2bd: {  	v49 =	vcvt.f32.s32 v6;
	vm0 =	vmneg vm14;
	s19 =	sadd.s32 $0xF900, s29  }
0x2be: {  	v50 =	vsel vm0, $0xFFFFFFFF, v0;
	s0 =	sor.u32 s28, s19  }
0x2bf: {  	v4 =	vadd.s32 v49, v50;
	[tilespmem:s0+$0x0] =	vst v3  }
0x2c0: {  	vm15 =	vgt.s32 v4, $0x0;
	v2 =	vld.idx.msk [tilespmem:v2+s23+$0x0], $0xffff  }
0x2c1: {  	v3 =	vnsel vm15, $0x0, v4;
	_ =	sdelay $0x1  }
0x2c2: {  	[dreg:$0x16] =	wrdreg s20;
	s20 =	sadd.s32 $0xF980, s29  }
0x2c3: {  	s0 =	sor.u32 s28, s20  }
0x2c4: {  	[tilespmem:s0+$0x0] =	vst v2  }
0x2c5: {  	v2 =	vld.idx.msk [tilespmem:v3+s31+$0x0], $0xffff;
	_ =	sdelay $0x2  }
0x2c6: {  	[dreg:$0x18] =	wrdreg s21;
	s21 =	sadd.s32 $0x10E00, s29  }
0x2c7: {  	s0 =	sor.u32 s28, s21  }
0x2c8: {  	s9 =	simm.s32 $0x1860;
	[tilespmem:s0+$0x0] =	vst v2  }
0x2c9: {  	v2 =	vld.idx.msk [tilespmem:v3+s9+$0x0], $0xffff;
	_ =	sdelay $0x2  }
0x2ca: {  	[dreg:$0x1a] =	wrdreg s22;
	s22 =	sadd.s32 $0x10E80, s29  }
0x2cb: {  	s0 =	sor.u32 s28, s22  }
0x2cc: {  	s6 =	simm.s32 $0x18C0;
	[tilespmem:s0+$0x0] =	vst v2  }
0x2cd: {  	v2 =	vld.idx.msk [tilespmem:v3+s6+$0x0], $0xffff;
	_ =	sdelay $0x2  }
0x2ce: {  	[dreg:$0x1c] =	wrdreg s18;
	s18 =	sadd.s32 $0x10F00, s29  }
0x2cf: {  	s0 =	sor.u32 s28, s18  }
0x2d0: {  	s4 =	simm.s32 $0x1920;
	[tilespmem:s0+$0x0] =	vst v2  }
0x2d1: {  	v2 =	vld.idx.msk [tilespmem:v3+s4+$0x0], $0xffff;
	_ =	sdelay $0x2  }
0x2d2: {  	[dreg:$0x1e] =	wrdreg s19;
	s19 =	sadd.s32 $0x10F80, s29  }
0x2d3: {  	s0 =	sor.u32 s28, s19  }
0x2d4: {  	s3 =	simm.s32 $0x1980;
	[tilespmem:s0+$0x0] =	vst v2  }
0x2d5: {  	v2 =	vld.idx.msk [tilespmem:v3+s3+$0x0], $0xffff;
	_ =	sdelay $0x2  }
0x2d6: {  	[smem:$0x7B5] =	sst s20;
	s20 =	sadd.s32 $0x11000, s29  }
0x2d7: {  	s0 =	sor.u32 s28, s20  }
0x2d8: {  	s2 =	simm.s32 $0x19E0;
	[tilespmem:s0+$0x0] =	vst v2  }
0x2d9: {  	v2 =	vld.idx.msk [tilespmem:v3+s2+$0x0], $0xffff;
	_ =	sdelay $0x2  }
0x2da: {  	[smem:$0x7B6] =	sst s21;
	s21 =	sadd.s32 $0x11080, s29  }
0x2db: {  	s0 =	sor.u32 s28, s21  }
0x2dc: {  	s1 =	simm.s32 $0x1A40;
	[tilespmem:s0+$0x0] =	vst v2  }
0x2dd: {  	v2 =	vld.idx.msk [tilespmem:v3+s1+$0x0], $0xffff;
	_ =	sdelay $0x2  }
0x2de: {  	[smem:$0x7B7] =	sst s22;
	s22 =	sadd.s32 $0x11100, s29  }
0x2df: {  	s0 =	sor.u32 s28, s22  }
0x2e0: {  	s5 =	simm.s32 $0x1AA0;
	[tilespmem:s0+$0x0] =	vst v2  }
0x2e1: {  	v2 =	vld.idx.msk [tilespmem:v3+s5+$0x0], $0xffff;
	_ =	sdelay $0x2  }
0x2e2: {  	[smem:$0x7B8] =	sst s18;
	s18 =	sadd.s32 $0x11180, s29  }
0x2e3: {  	s0 =	sor.u32 s28, s18  }
0x2e4: {  	s7 =	simm.s32 $0x1B00;
	[tilespmem:s0+$0x0] =	vst v2  }
0x2e5: {  	v2 =	vld.idx.msk [tilespmem:v3+s7+$0x0], $0xffff;
	_ =	sdelay $0x2  }
0x2e6: {  	[smem:$0x7B9] =	sst s19;
	s19 =	sadd.s32 $0x12600, s29  }
0x2e7: {  	s0 =	sor.u32 s28, s19  }
0x2e8: {  	[dreg:$0x12] =	wrdreg s10;
	s10 =	simm.s32 $0x1B60;
	[tilespmem:s0+$0x0] =	vst v2  }
0x2e9: {  	v2 =	vld.idx.msk [tilespmem:v3+s10+$0x0], $0xffff;
	_ =	sdelay $0x2  }
0x2ea: {  	[smem:$0x7BA] =	sst s20;
	s20 =	sadd.s32 $0x12680, s29  }
0x2eb: {  	s0 =	sor.u32 s28, s20  }
0x2ec: {  	s15 =	simm.s32 $0x1BC0;
	[tilespmem:s0+$0x0] =	vst v2  }
0x2ed: {  	v2 =	vld.idx.msk [tilespmem:v3+s15+$0x0], $0xffff;
	_ =	sdelay $0x2  }
0x2ee: {  	[smem:$0x7BB] =	sst s21;
	s21 =	sadd.s32 $0x12700, s29  }
0x2ef: {  	s0 =	sor.u32 s28, s21  }
0x2f0: {  	[tilespmem:s0+$0x0] =	vst v2  }
0x2f1: {  	v2 =	vld.idx.msk [tilespmem:v3+s30+$0x0], $0xffff;
	_ =	sdelay $0x2  }
0x2f2: {  	[smem:$0x7BC] =	sst s22;
	s22 =	sadd.s32 $0x12780, s29  }
0x2f3: {  	s0 =	sor.u32 s28, s22  }
0x2f4: {  	[tilespmem:s0+$0x0] =	vst v2  }
0x2f5: {  	v2 =	vld.idx.msk [tilespmem:v3+s26+$0x0], $0xffff;
	_ =	sdelay $0x2  }
0x2f6: {  	[smem:$0x7BD] =	sst s18;
	s18 =	sadd.s32 $0x12800, s29  }
0x2f7: {  	s0 =	sor.u32 s28, s18  }
0x2f8: {  	[tilespmem:s0+$0x0] =	vst v2  }
0x2f9: {  	v2 =	vld.idx.msk [tilespmem:v3+s25+$0x0], $0xffff;
	_ =	sdelay $0x2  }
0x2fa: {  	[smem:$0x7BE] =	sst s19;
	s19 =	sadd.s32 $0x12880, s29  }
0x2fb: {  	s0 =	sor.u32 s28, s19  }
0x2fc: {  	v51 =	vmul.f32 $3.200000000e+01, v5;
	[tilespmem:s0+$0x0] =	vst v2  }
0x2fd: {  	v2 =	vld.idx.msk [tilespmem:v3+s24+$0x0], $0xffff  }
0x2fe: {  	v5 =	vtrunc.f32 v51  }
0x2ff: {  	vm4 =	vgt.f32 v51, v5  }
0x300: {  	v52 =	vcvt.f32.s32 v5;
	vm0 =	vmneg vm4;
	[smem:$0x7BF] =	sst s20;
	s20 =	sadd.s32 $0x12900, s29  }
0x301: {  	v53 =	vsel vm0, $0xFFFFFFFF, v0;
	s0 =	sor.u32 s28, s20  }
0x302: {  	[tilespmem:s0+$0x0] =	vst v2;
	v2 =	vadd.s32 v52, v53  }
0x303: {  	vm5 =	vgt.s32 v2, $0x0;
	v3 =	vld.idx.msk [tilespmem:v3+s23+$0x0], $0xffff  }
0x304: {  	v2 =	vnsel vm5, $0x0, v2;
	_ =	sdelay $0x1  }
0x305: {  	[smem:$0x7C0] =	sst s21;
	s21 =	sadd.s32 $0x12980, s29  }
0x306: {  	s0 =	sor.u32 s28, s21  }
0x307: {  	[tilespmem:s0+$0x0] =	vst v3  }
0x308: {  	v3 =	vld.idx.msk [tilespmem:v2+s31+$0x0], $0xffff;
	_ =	sdelay $0x2  }
0x309: {  	[smem:$0x7C1] =	sst s22;
	s22 =	sadd.s32 $0x13E00, s29  }
0x30a: {  	s0 =	sor.u32 s28, s22  }
0x30b: {  	[tilespmem:s0+$0x0] =	vst v3  }
0x30c: {  	v3 =	vld.idx.msk [tilespmem:v2+s9+$0x0], $0xffff;
	_ =	sdelay $0x2  }
0x30d: {  	s23 =	sadd.s32 $0x13E80, s29  }
0x30e: {  	s0 =	sor.u32 s28, s23  }
0x30f: {  	[tilespmem:s0+$0x0] =	vst v3  }
0x310: {  	v3 =	vld.idx.msk [tilespmem:v2+s6+$0x0], $0xffff;
	_ =	sdelay $0x2  }
0x311: {  	s24 =	sadd.s32 $0x13F00, s29  }
0x312: {  	s0 =	sor.u32 s28, s24  }
0x313: {  	[tilespmem:s0+$0x0] =	vst v3  }
0x314: {  	v3 =	vld.idx.msk [tilespmem:v2+s4+$0x0], $0xffff;
	_ =	sdelay $0x2  }
0x315: {  	s25 =	sadd.s32 $0x13F80, s29  }
0x316: {  	s0 =	sor.u32 s28, s25  }
0x317: {  	[tilespmem:s0+$0x0] =	vst v3  }
0x318: {  	v3 =	vld.idx.msk [tilespmem:v2+s3+$0x0], $0xffff;
	_ =	sdelay $0x2  }
0x319: {  	s26 =	sor.u32 $0x14000, s29  }
0x31a: {  	s0 =	sor.u32 s28, s26  }
0x31b: {  	[tilespmem:s0+$0x0] =	vst v3  }
0x31c: {  	v3 =	vld.idx.msk [tilespmem:v2+s2+$0x0], $0xffff;
	_ =	sdelay $0x2  }
0x31d: {  	s3 =	sor.u32 $0x14080, s29  }
0x31e: {  	s0 =	sor.u32 s28, s3  }
0x31f: {  	[tilespmem:s0+$0x0] =	vst v3  }
0x320: {  	v3 =	vld.idx.msk [tilespmem:v2+s1+$0x0], $0xffff;
	_ =	sdelay $0x2  }
0x321: {  	s4 =	sor.u32 $0x14100, s29  }
0x322: {  	s0 =	sor.u32 s28, s4  }
0x323: {  	[tilespmem:s0+$0x0] =	vst v3  }
0x324: {  	v3 =	vld.idx.msk [tilespmem:v2+s5+$0x0], $0xffff;
	_ =	sdelay $0x2  }
0x325: {  	s6 =	sor.u32 $0x14180, s29  }
0x326: {  	s0 =	sor.u32 s28, s6  }
0x327: {  	[tilespmem:s0+$0x0] =	vst v3  }
0x328: {  	v3 =	vld.idx.msk [tilespmem:v2+s7+$0x0], $0xffff;
	_ =	sdelay $0x2  }
0x329: {  	s9 =	sadd.s32 $0x15600, s29  }
0x32a: {  	s0 =	sor.u32 s28, s9  }
0x32b: {  	[tilespmem:s0+$0x0] =	vst v3  }
0x32c: {  	v3 =	vld.idx.msk [tilespmem:v2+s10+$0x0], $0xffff;
	_ =	sdelay $0x2  }
0x32d: {  	s10 =	sadd.s32 $0x15680, s29  }
0x32e: {  	s0 =	sor.u32 s28, s10  }
0x32f: {  	[tilespmem:s0+$0x0] =	vst v3  }
0x330: {  	v3 =	vld.idx.msk [tilespmem:v2+s15+$0x0], $0xffff;
	_ =	sdelay $0x2  }
0x331: {  	s30 =	sadd.s32 $0x15700, s29  }
0x332: {  	s15 =	sor.u32 s28, s30  }
0x333: {  	[smem:$0x7C2] =	sst s18;
	s18 =	simm.s32 $0x1C20;
	[tilespmem:s15+$0x0] =	vst v3  }
0x334: {  	v3 =	vld.idx.msk [tilespmem:v2+s18+$0x0], $0xffff;
	_ =	sdelay $0x2  }
0x335: {  	[smem:$0x7CA] =	sst s26;
	s26 =	sadd.s32 $0x15780, s29  }
0x336: {  	[smem:$0x7C3] =	sst s19;
	s19 =	sor.u32 s28, s26  }
0x337: {  	[smem:$0x7C4] =	sst s20;
	s20 =	simm.s32 $0x1C80;
	[tilespmem:s19+$0x0] =	vst v3  }
0x338: {  	v3 =	vld.idx.msk [tilespmem:v2+s20+$0x0], $0xffff;
	_ =	sdelay $0x2  }
0x339: {  	[smem:$0x7C9] =	sst s25;
	s25 =	sadd.s32 $0x15800, s29  }
0x33a: {  	[smem:$0x7C5] =	sst s21;
	s21 =	sor.u32 s28, s25  }
0x33b: {  	[smem:$0x7C6] =	sst s22;
	s22 =	simm.s32 $0x1CE0;
	[tilespmem:s21+$0x0] =	vst v3  }
0x33c: {  	v3 =	vld.idx.msk [tilespmem:v2+s22+$0x0], $0xffff;
	_ =	sdelay $0x2  }
0x33d: {  	[smem:$0x7C8] =	sst s24;
	s24 =	sadd.s32 $0x15880, s29  }
0x33e: {  	[smem:$0x7C7] =	sst s23;
	s23 =	sor.u32 s28, s24  }
0x33f: {  	v1 =	vmul.f32 $6.400000000e+01, v1;
	s1 =	simm.s32 $0x1D40;
	[tilespmem:s23+$0x0] =	vst v3  }
0x340: {  	v3 =	vld.idx.msk [tilespmem:v2+s1+$0x0], $0xffff  }
0x341: {  	v54 =	vtrunc.f32 v1  }
0x342: {  	vm6 =	vgt.f32 v1, v54  }
0x343: {  	v1 =	vcvt.f32.s32 v54;
	vm0 =	vmneg vm6;
	s23 =	sadd.s32 $0x15900, s29  }
0x344: {  	v55 =	vsel vm0, $0xFFFFFFFF, v0;
	s2 =	sor.u32 s28, s23  }
0x345: {  	v1 =	vadd.s32 v1, v55;
	[smem:$0x7CB] =	sst s3;
	s3 =	simm.s32 $0x1DA0;
	[tilespmem:s2+$0x0] =	vst v3  }
0x346: {  	vm7 =	vgt.s32 v1, $0x0;
	v2 =	vld.idx.msk [tilespmem:v2+s3+$0x0], $0xffff  }
0x347: {  	v1 =	vnsel vm7, $0x0, v1;
	_ =	sdelay $0x1  }
0x348: {  	[smem:$0x7CC] =	sst s4;
	s4 =	sadd.s32 $0x15980, s29  }
0x349: {  	s0 =	sor.u32 s28, s4  }
0x34a: {  	s5 =	simm.s32 $0x1820;
	[tilespmem:s0+$0x0] =	vst v2  }
0x34b: {  	v2 =	vld.idx.msk [tilespmem:v1+s5+$0x0], $0xffff;
	_ =	sdelay $0x2  }
0x34c: {  	[smem:$0x7CD] =	sst s6;
	s6 =	sadd.s32 $0x16E00, s29  }
0x34d: {  	s0 =	sor.u32 s28, s6  }
0x34e: {  	s7 =	simm.s32 $0x1880;
	[tilespmem:s0+$0x0] =	vst v2  }
0x34f: {  	v2 =	vld.idx.msk [tilespmem:v1+s7+$0x0], $0xffff;
	_ =	sdelay $0x2  }
0x350: {  	[smem:$0x7CE] =	sst s9;
	s9 =	sadd.s32 $0x16E80, s29  }
0x351: {  	s0 =	sor.u32 s28, s9  }
0x352: {  	[smem:$0x7CF] =	sst s10;
	s10 =	simm.s32 $0x18E0;
	[tilespmem:s0+$0x0] =	vst v2  }
0x353: {  	v2 =	vld.idx.msk [tilespmem:v1+s10+$0x0], $0xffff;
	_ =	sdelay $0x2  }
0x354: {  	s15 =	sadd.s32 $0x16F00, s29  }
0x355: {  	s0 =	sor.u32 s28, s15  }
0x356: {  	s18 =	simm.s32 $0x1940;
	[tilespmem:s0+$0x0] =	vst v2  }
0x357: {  	v2 =	vld.idx.msk [tilespmem:v1+s18+$0x0], $0xffff;
	_ =	sdelay $0x2  }
0x358: {  	s19 =	sadd.s32 $0x16F80, s29  }
0x359: {  	s0 =	sor.u32 s28, s19  }
0x35a: {  	s20 =	simm.s32 $0x19A0;
	[tilespmem:s0+$0x0] =	vst v2  }
0x35b: {  	v2 =	vld.idx.msk [tilespmem:v1+s20+$0x0], $0xffff;
	_ =	sdelay $0x2  }
0x35c: {  	s21 =	sadd.s32 $0x17000, s29  }
0x35d: {  	s0 =	sor.u32 s28, s21  }
0x35e: {  	s22 =	simm.s32 $0x1A00;
	[tilespmem:s0+$0x0] =	vst v2  }
0x35f: {  	v2 =	vld.idx.msk [tilespmem:v1+s22+$0x0], $0xffff;
	_ =	sdelay $0x2  }
0x360: {  	s1 =	sadd.s32 $0x17080, s29  }
0x361: {  	s0 =	sor.u32 s28, s1  }
0x362: {  	s2 =	simm.s32 $0x1A60;
	[tilespmem:s0+$0x0] =	vst v2  }
0x363: {  	v2 =	vld.idx.msk [tilespmem:v1+s2+$0x0], $0xffff;
	_ =	sdelay $0x2  }
0x364: {  	s3 =	sadd.s32 $0x17100, s29  }
0x365: {  	s0 =	sor.u32 s28, s3  }
0x366: {  	[smem:$0x7D0] =	sst s4;
	s4 =	simm.s32 $0x1AC0;
	[tilespmem:s0+$0x0] =	vst v2  }
0x367: {  	v2 =	vld.idx.msk [tilespmem:v1+s4+$0x0], $0xffff;
	_ =	sdelay $0x2  }
0x368: {  	s5 =	sadd.s32 $0x17180, s29  }
0x369: {  	s0 =	sor.u32 s28, s5  }
0x36a: {  	[smem:$0x7D1] =	sst s6;
	s6 =	simm.s32 $0x1B20;
	[tilespmem:s0+$0x0] =	vst v2  }
0x36b: {  	v2 =	vld.idx.msk [tilespmem:v1+s6+$0x0], $0xffff;
	_ =	sdelay $0x2  }
0x36c: {  	s7 =	sadd.s32 $0x18600, s29  }
0x36d: {  	s0 =	sor.u32 s28, s7  }
0x36e: {  	[smem:$0x7D2] =	sst s9;
	s9 =	simm.s32 $0x1B80;
	[tilespmem:s0+$0x0] =	vst v2  }
0x36f: {  	v2 =	vld.idx.msk [tilespmem:v1+s9+$0x0], $0xffff;
	_ =	sdelay $0x2  }
0x370: {  	[smem:$0x7D9] =	sst s7;
	s7 =	sadd.s32 $0x18680, s29  }
0x371: {  	s10 =	sor.u32 s28, s7  }
0x372: {  	[smem:$0x7D3] =	sst s15;
	s15 =	simm.s32 $0x1BE0;
	[tilespmem:s10+$0x0] =	vst v2  }
0x373: {  	v2 =	vld.idx.msk [tilespmem:v1+s15+$0x0], $0xffff;
	_ =	sdelay $0x2  }
0x374: {  	s6 =	sadd.s32 $0x18700, s29  }
0x375: {  	s18 =	sor.u32 s28, s6  }
0x376: {  	[smem:$0x7D4] =	sst s19;
	s19 =	simm.s32 $0x1C40;
	[tilespmem:s18+$0x0] =	vst v2  }
0x377: {  	v2 =	vld.idx.msk [tilespmem:v1+s19+$0x0], $0xffff;
	_ =	sdelay $0x2  }
0x378: {  	[smem:$0x7D8] =	sst s5;
	s5 =	sadd.s32 $0x18780, s29  }
0x379: {  	s20 =	sor.u32 s28, s5  }
0x37a: {  	[smem:$0x7D5] =	sst s21;
	s21 =	simm.s32 $0x1CA0;
	[tilespmem:s20+$0x0] =	vst v2  }
0x37b: {  	v2 =	vld.idx.msk [tilespmem:v1+s21+$0x0], $0xffff;
	_ =	sdelay $0x2  }
0x37c: {  	s4 =	sadd.s32 $0x18800, s29  }
0x37d: {  	s22 =	sor.u32 s28, s4  }
0x37e: {  	[smem:$0x7D6] =	sst s1;
	s1 =	simm.s32 $0x1D00;
	[tilespmem:s22+$0x0] =	vst v2  }
0x37f: {  	v2 =	vld.idx.msk [tilespmem:v1+s1+$0x0], $0xffff;
	_ =	sdelay $0x2  }
0x380: {  	[smem:$0x7D7] =	sst s3;
	s3 =	sadd.s32 $0x18880, s29  }
0x381: {  	s2 =	sor.u32 s28, s3  }
0x382: {  	s9 =	simm.s32 $0x1D60;
	[tilespmem:s2+$0x0] =	vst v2  }
0x383: {  	v2 =	vld.idx.msk [tilespmem:v1+s9+$0x0], $0xffff;
	_ =	sdelay $0x2  }
0x384: {  	s2 =	sadd.s32 $0x18900, s29  }
0x385: {  	s31 =	sor.u32 s28, s2  }
0x386: {  	s15 =	simm.s32 $0x1DC0;
	[tilespmem:s31+$0x0] =	vst v2  }
0x387: {  	v1 =	vld.idx.msk [tilespmem:v1+s15+$0x0], $0xffff;
	_ =	sdelay $0x2  }
0x388: {  	s29 =	sadd.s32 $0x18980, s29  }
0x389: {  	s28 =	sor.u32 s28, s29  }
0x38a: {  	[tilespmem:s28+$0x0] =	vst v1  }
0x38b: {  	v1 =	vld [tilespmem:s12+$0x10];
	_ =	sdelay $0x4  }
0x38c: {  	v1 =	vmul.f32 $3.200000000e+01, v1;
	_ =	sdelay $0x1  }
0x38d: {  	v2 =	vtrunc.f32 v1  }
0x38e: {  	vm8 =	vgt.f32 v1, v2  }
0x38f: {  	v1 =	vcvt.f32.s32 v2;
	vm0 =	vmneg vm8  }
0x390: {  	v2 =	vsel vm0, $0xFFFFFFFF, v0  }
0x391: {  	v1 =	vadd.s32 v1, v2  }
0x392: {  	vm9 =	vgt.s32 v1, $0x0  }
0x393: {  	v2 =	vnsel vm9, $0x0, v1;
	_ =	sdelay $0x3  }
0x394: {  	s10 =	simm.s32 $0x1800  }
0x395: {  	v3 =	vld.idx.msk [tilespmem:v2+s10+$0x0], $0xffff;
	_ =	sdelay $0x1  }
0x396: {  	s31 =	sadd.s32 $0x10, s11  }
0x397: {  	s28 =	sand.u32 $0x70, s31;
	v56 =	vld [tilespmem:s12+$0x310]  }
0x398: {  	v57 =	vld [tilespmem:s12+$0x610];
	s18 =	sor.u32 s28, s17  }
0x399: {  	s17 =	simm.s32 $0x1860;
	v1 =	vld [tilespmem:s12+$0x910];
	[tilespmem:s18+$0x0] =	vst v3  }
0x39a: {  	v3 =	vld.idx.msk [tilespmem:v2+s17+$0x0], $0xffff;
	_ =	sdelay $0x4  }
0x39b: {  	s19 =	simm.s32 $0x18C0;
	[tilespmem:s18+$0x80] =	vst v3  }
0x39c: {  	v3 =	vld.idx.msk [tilespmem:v2+s19+$0x0], $0xffff;
	_ =	sdelay $0x4  }
0x39d: {  	s21 =	simm.s32 $0x1920;
	[tilespmem:s18+$0x100] =	vst v3  }
0x39e: {  	v3 =	vld.idx.msk [tilespmem:v2+s21+$0x0], $0xffff;
	_ =	sdelay $0x4  }
0x39f: {  	s22 =	simm.s32 $0x1980;
	[tilespmem:s18+$0x180] =	vst v3  }
0x3a0: {  	v3 =	vld.idx.msk [tilespmem:v2+s22+$0x0], $0xffff;
	_ =	sdelay $0x4  }
0x3a1: {  	s10 =	simm.s32 $0x19E0;
	[tilespmem:s18+$0x200] =	vst v3  }
0x3a2: {  	v3 =	vld.idx.msk [tilespmem:v2+s10+$0x0], $0xffff;
	_ =	sdelay $0x4  }
0x3a3: {  	s1 =	simm.s32 $0x1A40;
	[tilespmem:s18+$0x280] =	vst v3  }
0x3a4: {  	s20 =	sand.u32 $0x7, s14;
	v3 =	vld.idx.msk [tilespmem:v2+s1+$0x0], $0xffff  }
0x3a5: {  	s0 =	sshll.u32 s20, $0x4  }
0x3a6: {  	s0 =	sadd.s32 s16, s0  }
0x3a7: {  	s0 =	sadd.s32 $0x10, s0  }
0x3a8: {  	s0 =	sor.u32 $0x300, s0  }
0x3a9: {  	s20 =	simm.s32 $0x1AA0;
	[tilespmem:s0+$0xDE00] =	vst v3  }
0x3aa: {  	v3 =	vld.idx.msk [tilespmem:v2+s20+$0x0], $0xffff;
	_ =	sdelay $0x2  }
0x3ab: {  	s9 =	sor.u32 s31, s16  }
0x3ac: {  	s0 =	sor.u32 $0x380, s9  }
0x3ad: {  	s18 =	simm.s32 $0x1B00;
	[tilespmem:s0+$0xDE00] =	vst v3  }
0x3ae: {  	v3 =	vld.idx.msk [tilespmem:v2+s18+$0x0], $0xffff;
	_ =	sdelay $0x2  }
0x3af: {  	s15 =	rddreg [dreg:$0x12]  }
0x3b0: {  	s0 =	sor.u32 s28, s15  }
0x3b1: {  	s15 =	simm.s32 $0x1B60;
	[tilespmem:s0+$0x0] =	vst v3  }
0x3b2: {  	v3 =	vld.idx.msk [tilespmem:v2+s15+$0x0], $0xffff;
	_ =	sdelay $0x2  }
0x3b3: {  	s9 =	rddreg [dreg:$0x14]  }
0x3b4: {  	s0 =	sor.u32 s28, s9  }
0x3b5: {  	s9 =	simm.s32 $0x1BC0;
	[tilespmem:s0+$0x0] =	vst v3  }
0x3b6: {  	v3 =	vld.idx.msk [tilespmem:v2+s9+$0x0], $0xffff;
	_ =	sdelay $0x2  }
0x3b7: {  	s0 =	rddreg [dreg:$0x16]  }
0x3b8: {  	s0 =	sor.u32 s28, s0  }
0x3b9: {  	[tilespmem:s0+$0x0] =	vst v3;
	s0 =	simm.s32 $0x1C20  }
0x3ba: {  	v3 =	vld.idx.msk [tilespmem:v2+s0+$0x0], $0xffff;
	_ =	sdelay $0x2  }
0x3bb: {  	s0 =	rddreg [dreg:$0x18]  }
0x3bc: {  	s0 =	sor.u32 s28, s0  }
0x3bd: {  	[tilespmem:s0+$0x0] =	vst v3;
	s0 =	simm.s32 $0x1C80  }
0x3be: {  	v3 =	vld.idx.msk [tilespmem:v2+s0+$0x0], $0xffff;
	_ =	sdelay $0x2  }
0x3bf: {  	s0 =	rddreg [dreg:$0x1a]  }
0x3c0: {  	s0 =	sor.u32 s28, s0  }
0x3c1: {  	[tilespmem:s0+$0x0] =	vst v3;
	s0 =	simm.s32 $0x1CE0  }
0x3c2: {  	v3 =	vld.idx.msk [tilespmem:v2+s0+$0x0], $0xffff;
	_ =	sdelay $0x2  }
0x3c3: {  	s0 =	rddreg [dreg:$0x1c]  }
0x3c4: {  	s0 =	sor.u32 s28, s0  }
0x3c5: {  	[tilespmem:s0+$0x0] =	vst v3;
	v3 =	vmul.f32 $3.200000000e+01, v56;
	s0 =	simm.s32 $0x1D40  }
0x3c6: {  	v58 =	vld.idx.msk [tilespmem:v2+s0+$0x0], $0xffff  }
0x3c7: {  	v59 =	vtrunc.f32 v3  }
0x3c8: {  	vm10 =	vgt.f32 v3, v59  }
0x3c9: {  	s0 =	rddreg [dreg:$0x1e];
	v3 =	vcvt.f32.s32 v59;
	vm0 =	vmneg vm10  }
0x3ca: {  	s0 =	sor.u32 s28, s0;
	v60 =	vsel vm0, $0xFFFFFFFF, v0  }
0x3cb: {  	[tilespmem:s0+$0x0] =	vst v58;
	v3 =	vadd.s32 v3, v60;
	s0 =	simm.s32 $0x1DA0  }
0x3cc: {  	vm11 =	vgt.s32 v3, $0x0;
	v2 =	vld.idx.msk [tilespmem:v2+s0+$0x0], $0xffff  }
0x3cd: {  	s0 =	sld [smem:$0x7B5];
	v3 =	vnsel vm11, $0x0, v3;
	_ =	sdelay $0x2  }
0x3ce: {  	s0 =	sor.u32 s28, s0  }
0x3cf: {  	s31 =	simm.s32 $0x1800;
	[tilespmem:s0+$0x0] =	vst v2  }
0x3d0: {  	v2 =	vld.idx.msk [tilespmem:v3+s31+$0x0], $0xffff  }
0x3d1: {  	s0 =	sld [smem:$0x7B6];
	_ =	sdelay $0x2  }
0x3d2: {  	s0 =	sor.u32 s28, s0  }
0x3d3: {  	[tilespmem:s0+$0x0] =	vst v2  }
0x3d4: {  	v2 =	vld.idx.msk [tilespmem:v3+s17+$0x0], $0xffff  }
0x3d5: {  	s0 =	sld [smem:$0x7B7];
	_ =	sdelay $0x2  }
0x3d6: {  	s0 =	sor.u32 s28, s0  }
0x3d7: {  	[tilespmem:s0+$0x0] =	vst v2  }
0x3d8: {  	v2 =	vld.idx.msk [tilespmem:v3+s19+$0x0], $0xffff  }
0x3d9: {  	s0 =	sld [smem:$0x7B8];
	_ =	sdelay $0x2  }
0x3da: {  	s0 =	sor.u32 s28, s0  }
0x3db: {  	[tilespmem:s0+$0x0] =	vst v2  }
0x3dc: {  	v2 =	vld.idx.msk [tilespmem:v3+s21+$0x0], $0xffff  }
0x3dd: {  	s0 =	sld [smem:$0x7B9];
	_ =	sdelay $0x2  }
0x3de: {  	s0 =	sor.u32 s28, s0  }
0x3df: {  	[tilespmem:s0+$0x0] =	vst v2  }
0x3e0: {  	v2 =	vld.idx.msk [tilespmem:v3+s22+$0x0], $0xffff  }
0x3e1: {  	s0 =	sld [smem:$0x7BA];
	_ =	sdelay $0x2  }
0x3e2: {  	s0 =	sor.u32 s28, s0  }
0x3e3: {  	[tilespmem:s0+$0x0] =	vst v2  }
0x3e4: {  	v2 =	vld.idx.msk [tilespmem:v3+s10+$0x0], $0xffff  }
0x3e5: {  	s0 =	sld [smem:$0x7BB];
	_ =	sdelay $0x2  }
0x3e6: {  	s0 =	sor.u32 s28, s0  }
0x3e7: {  	[tilespmem:s0+$0x0] =	vst v2  }
0x3e8: {  	v2 =	vld.idx.msk [tilespmem:v3+s1+$0x0], $0xffff  }
0x3e9: {  	s0 =	sld [smem:$0x7BC];
	_ =	sdelay $0x2  }
0x3ea: {  	s0 =	sor.u32 s28, s0  }
0x3eb: {  	[tilespmem:s0+$0x0] =	vst v2  }
0x3ec: {  	v2 =	vld.idx.msk [tilespmem:v3+s20+$0x0], $0xffff  }
0x3ed: {  	s0 =	sld [smem:$0x7BD];
	_ =	sdelay $0x2  }
0x3ee: {  	s0 =	sor.u32 s28, s0  }
0x3ef: {  	[tilespmem:s0+$0x0] =	vst v2  }
0x3f0: {  	v2 =	vld.idx.msk [tilespmem:v3+s18+$0x0], $0xffff  }
0x3f1: {  	s0 =	sld [smem:$0x7BE];
	_ =	sdelay $0x2  }
0x3f2: {  	s0 =	sor.u32 s28, s0  }
0x3f3: {  	[tilespmem:s0+$0x0] =	vst v2  }
0x3f4: {  	v2 =	vld.idx.msk [tilespmem:v3+s15+$0x0], $0xffff  }
0x3f5: {  	s0 =	sld [smem:$0x7BF];
	_ =	sdelay $0x2  }
0x3f6: {  	s0 =	sor.u32 s28, s0  }
0x3f7: {  	[tilespmem:s0+$0x0] =	vst v2  }
0x3f8: {  	v2 =	vld.idx.msk [tilespmem:v3+s9+$0x0], $0xffff  }
0x3f9: {  	s0 =	sld [smem:$0x7C0];
	_ =	sdelay $0x2  }
0x3fa: {  	s0 =	sor.u32 s28, s0  }
0x3fb: {  	[tilespmem:s0+$0x0] =	vst v2;
	s0 =	simm.s32 $0x1C20  }
0x3fc: {  	v2 =	vld.idx.msk [tilespmem:v3+s0+$0x0], $0xffff  }
0x3fd: {  	s0 =	sld [smem:$0x7C1];
	_ =	sdelay $0x2  }
0x3fe: {  	s0 =	sor.u32 s28, s0  }
0x3ff: {  	[tilespmem:s0+$0x0] =	vst v2;
	s0 =	simm.s32 $0x1C80  }
0x400: {  	v2 =	vld.idx.msk [tilespmem:v3+s0+$0x0], $0xffff  }
0x401: {  	s0 =	sld [smem:$0x7C2];
	_ =	sdelay $0x2  }
0x402: {  	s0 =	sor.u32 s28, s0  }
0x403: {  	[tilespmem:s0+$0x0] =	vst v2;
	s0 =	simm.s32 $0x1CE0  }
0x404: {  	v2 =	vld.idx.msk [tilespmem:v3+s0+$0x0], $0xffff  }
0x405: {  	s0 =	sld [smem:$0x7C3];
	_ =	sdelay $0x2  }
0x406: {  	s0 =	sor.u32 s28, s0  }
0x407: {  	[tilespmem:s0+$0x0] =	vst v2;
	v2 =	vmul.f32 $3.200000000e+01, v57;
	s0 =	simm.s32 $0x1D40  }
0x408: {  	v4 =	vld.idx.msk [tilespmem:v3+s0+$0x0], $0xffff  }
0x409: {  	s0 =	sld [smem:$0x7C4];
	v5 =	vtrunc.f32 v2  }
0x40a: {  	vm12 =	vgt.f32 v2, v5  }
0x40b: {  	v2 =	vcvt.f32.s32 v5;
	vm0 =	vmneg vm12  }
0x40c: {  	s0 =	sor.u32 s28, s0;
	v61 =	vsel vm0, $0xFFFFFFFF, v0  }
0x40d: {  	[tilespmem:s0+$0x0] =	vst v4;
	v2 =	vadd.s32 v2, v61;
	s0 =	simm.s32 $0x1DA0  }
0x40e: {  	vm13 =	vgt.s32 v2, $0x0;
	v3 =	vld.idx.msk [tilespmem:v3+s0+$0x0], $0xffff  }
0x40f: {  	s0 =	sld [smem:$0x7C5];
	v2 =	vnsel vm13, $0x0, v2;
	_ =	sdelay $0x2  }
0x410: {  	s0 =	sor.u32 s28, s0  }
0x411: {  	[tilespmem:s0+$0x0] =	vst v3  }
0x412: {  	v3 =	vld.idx.msk [tilespmem:v2+s31+$0x0], $0xffff  }
0x413: {  	s0 =	sld [smem:$0x7C6];
	_ =	sdelay $0x2  }
0x414: {  	s0 =	sor.u32 s28, s0  }
0x415: {  	s17 =	simm.s32 $0x1860;
	[tilespmem:s0+$0x0] =	vst v3  }
0x416: {  	v3 =	vld.idx.msk [tilespmem:v2+s17+$0x0], $0xffff  }
0x417: {  	s17 =	sld [smem:$0x7C7];
	_ =	sdelay $0x2  }
0x418: {  	s0 =	sor.u32 s28, s17  }
0x419: {  	s19 =	simm.s32 $0x18C0;
	[tilespmem:s0+$0x0] =	vst v3  }
0x41a: {  	v3 =	vld.idx.msk [tilespmem:v2+s19+$0x0], $0xffff  }
0x41b: {  	s19 =	sld [smem:$0x7C8];
	_ =	sdelay $0x2  }
0x41c: {  	s0 =	sor.u32 s28, s19  }
0x41d: {  	s21 =	simm.s32 $0x1920;
	[tilespmem:s0+$0x0] =	vst v3  }
0x41e: {  	v3 =	vld.idx.msk [tilespmem:v2+s21+$0x0], $0xffff  }
0x41f: {  	s17 =	sld [smem:$0x7C9];
	_ =	sdelay $0x2  }
0x420: {  	s0 =	sor.u32 s28, s17  }
0x421: {  	s22 =	simm.s32 $0x1980;
	[tilespmem:s0+$0x0] =	vst v3  }
0x422: {  	v3 =	vld.idx.msk [tilespmem:v2+s22+$0x0], $0xffff  }
0x423: {  	s19 =	sld [smem:$0x7CA];
	_ =	sdelay $0x2  }
0x424: {  	s0 =	sor.u32 s28, s19  }
0x425: {  	s10 =	simm.s32 $0x19E0;
	[tilespmem:s0+$0x0] =	vst v3  }
0x426: {  	v3 =	vld.idx.msk [tilespmem:v2+s10+$0x0], $0xffff  }
0x427: {  	s21 =	sld [smem:$0x7CB];
	_ =	sdelay $0x2  }
0x428: {  	s0 =	sor.u32 s28, s21  }
0x429: {  	s1 =	simm.s32 $0x1A40;
	[tilespmem:s0+$0x0] =	vst v3  }
0x42a: {  	v3 =	vld.idx.msk [tilespmem:v2+s1+$0x0], $0xffff  }
0x42b: {  	s22 =	sld [smem:$0x7CC];
	_ =	sdelay $0x2  }
0x42c: {  	s0 =	sor.u32 s28, s22  }
0x42d: {  	s20 =	simm.s32 $0x1AA0;
	[tilespmem:s0+$0x0] =	vst v3  }
0x42e: {  	v3 =	vld.idx.msk [tilespmem:v2+s20+$0x0], $0xffff  }
0x42f: {  	s1 =	sld [smem:$0x7CD];
	_ =	sdelay $0x2  }
0x430: {  	s0 =	sor.u32 s28, s1  }
0x431: {  	s18 =	simm.s32 $0x1B00;
	[tilespmem:s0+$0x0] =	vst v3  }
0x432: {  	v3 =	vld.idx.msk [tilespmem:v2+s18+$0x0], $0xffff  }
0x433: {  	s10 =	sld [smem:$0x7CE];
	_ =	sdelay $0x2  }
0x434: {  	s0 =	sor.u32 s28, s10  }
0x435: {  	s15 =	simm.s32 $0x1B60;
	[tilespmem:s0+$0x0] =	vst v3  }
0x436: {  	v3 =	vld.idx.msk [tilespmem:v2+s15+$0x0], $0xffff  }
0x437: {  	s15 =	sld [smem:$0x7CF];
	_ =	sdelay $0x2  }
0x438: {  	s0 =	sor.u32 s28, s15  }
0x439: {  	s9 =	simm.s32 $0x1BC0;
	[tilespmem:s0+$0x0] =	vst v3  }
0x43a: {  	v3 =	vld.idx.msk [tilespmem:v2+s9+$0x0], $0xffff;
	_ =	sdelay $0x3  }
0x43b: {  	s17 =	sor.u32 s28, s30  }
0x43c: {  	s30 =	simm.s32 $0x1C20;
	[tilespmem:s17+$0x0] =	vst v3  }
0x43d: {  	v3 =	vld.idx.msk [tilespmem:v2+s30+$0x0], $0xffff;
	_ =	sdelay $0x3  }
0x43e: {  	s18 =	sor.u32 s28, s26  }
0x43f: {  	s26 =	simm.s32 $0x1C80;
	[tilespmem:s18+$0x0] =	vst v3  }
0x440: {  	v3 =	vld.idx.msk [tilespmem:v2+s26+$0x0], $0xffff;
	_ =	sdelay $0x3  }
0x441: {  	s19 =	sor.u32 s28, s25  }
0x442: {  	s25 =	simm.s32 $0x1CE0;
	[tilespmem:s19+$0x0] =	vst v3  }
0x443: {  	v3 =	vld.idx.msk [tilespmem:v2+s25+$0x0], $0xffff;
	_ =	sdelay $0x3  }
0x444: {  	s20 =	sor.u32 s28, s24  }
0x445: {  	v1 =	vmul.f32 $6.400000000e+01, v1;
	s24 =	simm.s32 $0x1D40;
	[tilespmem:s20+$0x0] =	vst v3  }
0x446: {  	v3 =	vld.idx.msk [tilespmem:v2+s24+$0x0], $0xffff  }
0x447: {  	v62 =	vtrunc.f32 v1  }
0x448: {  	vm14 =	vgt.f32 v1, v62  }
0x449: {  	v1 =	vcvt.f32.s32 v62;
	vm0 =	vmneg vm14  }
0x44a: {  	v63 =	vsel vm0, $0xFFFFFFFF, v0;
	s21 =	sor.u32 s28, s23  }
0x44b: {  	v1 =	vadd.s32 v1, v63;
	s23 =	simm.s32 $0x1DA0;
	[tilespmem:s21+$0x0] =	vst v3  }
0x44c: {  	vm15 =	vgt.s32 v1, $0x0;
	v2 =	vld.idx.msk [tilespmem:v2+s23+$0x0], $0xffff  }
0x44d: {  	v1 =	vnsel vm15, $0x0, v1;
	s22 =	sld [smem:$0x7D0];
	_ =	sdelay $0x2  }
0x44e: {  	s0 =	sor.u32 s28, s22  }
0x44f: {  	s1 =	simm.s32 $0x1820;
	[tilespmem:s0+$0x0] =	vst v2  }
0x450: {  	v2 =	vld.idx.msk [tilespmem:v1+s1+$0x0], $0xffff  }
0x451: {  	s9 =	sld [smem:$0x7D1];
	_ =	sdelay $0x2  }
0x452: {  	s0 =	sor.u32 s28, s9  }
0x453: {  	s10 =	simm.s32 $0x1880;
	[tilespmem:s0+$0x0] =	vst v2  }
0x454: {  	v2 =	vld.idx.msk [tilespmem:v1+s10+$0x0], $0xffff  }
0x455: {  	s15 =	sld [smem:$0x7D2];
	_ =	sdelay $0x2  }
0x456: {  	s0 =	sor.u32 s28, s15  }
0x457: {  	s17 =	simm.s32 $0x18E0;
	[tilespmem:s0+$0x0] =	vst v2  }
0x458: {  	v2 =	vld.idx.msk [tilespmem:v1+s17+$0x0], $0xffff  }
0x459: {  	s18 =	sld [smem:$0x7D3];
	_ =	sdelay $0x2  }
0x45a: {  	s0 =	sor.u32 s28, s18  }
0x45b: {  	s19 =	simm.s32 $0x1940;
	[tilespmem:s0+$0x0] =	vst v2  }
0x45c: {  	v2 =	vld.idx.msk [tilespmem:v1+s19+$0x0], $0xffff  }
0x45d: {  	s20 =	sld [smem:$0x7D4];
	_ =	sdelay $0x2  }
0x45e: {  	s0 =	sor.u32 s28, s20  }
0x45f: {  	s21 =	simm.s32 $0x19A0;
	[tilespmem:s0+$0x0] =	vst v2  }
0x460: {  	v2 =	vld.idx.msk [tilespmem:v1+s21+$0x0], $0xffff  }
0x461: {  	s22 =	sld [smem:$0x7D5];
	_ =	sdelay $0x2  }
0x462: {  	s0 =	sor.u32 s28, s22  }
0x463: {  	s1 =	simm.s32 $0x1A00;
	[tilespmem:s0+$0x0] =	vst v2  }
0x464: {  	v2 =	vld.idx.msk [tilespmem:v1+s1+$0x0], $0xffff  }
0x465: {  	s9 =	sld [smem:$0x7D6];
	_ =	sdelay $0x2  }
0x466: {  	s0 =	sor.u32 s28, s9  }
0x467: {  	s10 =	simm.s32 $0x1A60;
	[tilespmem:s0+$0x0] =	vst v2  }
0x468: {  	v2 =	vld.idx.msk [tilespmem:v1+s10+$0x0], $0xffff  }
0x469: {  	s15 =	sld [smem:$0x7D7];
	_ =	sdelay $0x2  }
0x46a: {  	s0 =	sor.u32 s28, s15  }
0x46b: {  	s17 =	simm.s32 $0x1AC0;
	[tilespmem:s0+$0x0] =	vst v2  }
0x46c: {  	v2 =	vld.idx.msk [tilespmem:v1+s17+$0x0], $0xffff  }
0x46d: {  	s18 =	sld [smem:$0x7D8];
	_ =	sdelay $0x2  }
0x46e: {  	s0 =	sor.u32 s28, s18  }
0x46f: {  	s19 =	simm.s32 $0x1B20;
	[tilespmem:s0+$0x0] =	vst v2  }
0x470: {  	v2 =	vld.idx.msk [tilespmem:v1+s19+$0x0], $0xffff  }
0x471: {  	s20 =	sld [smem:$0x7D9];
	_ =	sdelay $0x2  }
0x472: {  	s0 =	sor.u32 s28, s20  }
0x473: {  	s21 =	simm.s32 $0x1B80;
	[tilespmem:s0+$0x0] =	vst v2  }
0x474: {  	v2 =	vld.idx.msk [tilespmem:v1+s21+$0x0], $0xffff;
	_ =	sdelay $0x3  }
0x475: {  	s22 =	sor.u32 s28, s7  }
0x476: {  	s1 =	simm.s32 $0x1BE0;
	[tilespmem:s22+$0x0] =	vst v2  }
0x477: {  	v2 =	vld.idx.msk [tilespmem:v1+s1+$0x0], $0xffff;
	_ =	sdelay $0x3  }
0x478: {  	s7 =	sor.u32 s28, s6  }
0x479: {  	s9 =	simm.s32 $0x1C40;
	[tilespmem:s7+$0x0] =	vst v2  }
0x47a: {  	v2 =	vld.idx.msk [tilespmem:v1+s9+$0x0], $0xffff;
	_ =	sdelay $0x3  }
0x47b: {  	s10 =	sor.u32 s28, s5  }
0x47c: {  	s15 =	simm.s32 $0x1CA0;
	[tilespmem:s10+$0x0] =	vst v2  }
0x47d: {  	v2 =	vld.idx.msk [tilespmem:v1+s15+$0x0], $0xffff;
	_ =	sdelay $0x3  }
0x47e: {  	s17 =	sor.u32 s28, s4  }
0x47f: {  	s18 =	simm.s32 $0x1D00;
	[tilespmem:s17+$0x0] =	vst v2  }
0x480: {  	v2 =	vld.idx.msk [tilespmem:v1+s18+$0x0], $0xffff;
	_ =	sdelay $0x3  }
0x481: {  	s19 =	sor.u32 s28, s3  }
0x482: {  	s20 =	simm.s32 $0x1D60;
	[tilespmem:s19+$0x0] =	vst v2  }
0x483: {  	v2 =	vld.idx.msk [tilespmem:v1+s20+$0x0], $0xffff;
	_ =	sdelay $0x3  }
0x484: {  	s21 =	sor.u32 s28, s2  }
0x485: {  	s8 =	sadd.s32 $0x2, s8;
	s22 =	simm.s32 $0x1DC0;
	[tilespmem:s21+$0x0] =	vst v2  }
0x486: {  	p0 =	slt.u32 s8, $0x2E;
	v1 =	vld.idx.msk [tilespmem:v1+s22+$0x0], $0xffff  }
.Ltmp7:
0x487: {  	_ = 	snop;
	(pc) =	sbr.rel @p0 .LBB2_7-.Ltmp7, $3  }
0x488: {  	_ =	sdelay $0x1  }
0x489: {  	s13 =	sadd.s32 $0x1, s13;
	s14 =	sadd.s32 $0x2, s14;
	s29 =	sor.u32 s28, s29  }
0x48a: {  	s11 =	sadd.s32 $0x20, s11;
	s16 =	sadd.s32 $0x100, s16;
	s12 =	sadd.s32 $0x20, s12;
	[tilespmem:s29+$0x0] =	vst v1  }
.Ltmp8:
0x48b: {  	s0 =	rddreg [dreg:$0xf];
	(pc) =	sbr.rel .LBB2_9-.Ltmp8, $4  }
0x48c: {  	s0 =	smul.u32 $0x300, s0  }
0x48d: {  	s1 =	rddreg [dreg:$0x5];
	s29 =	simm.s32 $0x7A1400  }
0x48e: {  	s2 =	simm.s32 $0xDE00;
	s4 =	rddreg [dreg:$0xe];
	s0 =	sadd.s32 s1, s0  }
0x48f: {  	[hbm4b:s0+s31] =	stream.strided.scatter [tilespmem:s2], [sflag:$0x4], $0xC000, s29, s31, $0x38;
	[tilespmem:$0x19E00] =	vst v63  }
.LBB2_11:
0x490: {  	_ =	sfence.sel $0x180000  }
0x491: {  	[bflag:$0x0] =	sbarrier.arrive $0xFFFF  }
0x492: {  	_ =	strace $0x90000047  }
0x493: {  	s0 =	stileid.u32;
	[bflag:$0x2] =	sbarrier.arrive $0xFFFF  }
0x494: {  	p0 =	sne.s32 s0, $0x0;
	s0 =	rddreg [dreg:$0x6]  }
0x495: {  	s0 =	sadd.s32 @!p0 $0x100000, s0  }
0x496: {  	[sflag:s0] =	ssyncadd.tile.s32 @!p0 $0x1;
	_ =	shalt  }
.Lfunc_end2:
_tile_overlayer_lowered:
.L_overlay_start_2:
0x497: {  	(tag) =	ssettag $0x2  }
0x498: {  	s0 =	rddreg [dreg:$0x0];
	s2 =	stileid.u32  }
0x499: {  	s1 =	rddreg [dreg:$0x1];
	p0 =	sne.s32 s2, $0x0  }
0x49a: {  	s3 =	rddreg [dreg:$0x2];
	[bflag:$0x3] =	sbarrier.arrive $0xFFFF;
	s2 =	simm.s32 @!p0 $0x1C05  }
0x49b: {  	[timem:s3], [sflag:s2] =	dma.local @!p0 [hbm:s0], s1  }
0x49c: {  	s0 =	simm.s32 @!p0 $0x5  }
0x49d: {  	_ =	swait.ge @!p0 [sflag:s0], s1  }
0x49e: {  	s1 =	ssub.s32 @!p0 $0x0, s1;
	[sflag:s0] =	ssyncset.done @!p0 $0x0  }
0x49f: {  	[sflag:s0] =	ssyncadd.s32 @!p0 s1  }
0x4a0: {  	[bflag:$0x3] =	sbarrier.arrive $0xFFFF  }
0x4a1: {  	_ =	shalt  }

</sc_bundles>
